<compile_context>
chip_gen: v7x
topology: tpu7x:2x2x1
jax: 0.10.2.dev20260603
libtpu: 0.0.44.dev20260713+nightly
codegen_flags: <defaults>
</compile_context>

<pallas_src>
import functools
import jax
import jax.numpy as jnp
from jax import lax
from jax.experimental import pallas as pl
from jax.experimental.pallas import tpu as pltpu
from jax.experimental.pallas import tpu_sc as plsc

N = 10000
E2 = 160000
E = 2 * E2
ML = 64
DIA = 2
ZETA = 1e-6

EBLK = 8000
NBLK = 10000

NC, NS = 2, 16
NW = NC * NS
GCHUNK = 400
HNP = 10240
ECH = 2000
NEG_INF = float("-inf")


def _sc_gather_body(table_hbm, idx_hbm, out_hbm, idx_v, rows_v, sem):
    wid = lax.axis_index("s") * NC + lax.axis_index("c")
    per_w = E // NW
    base = wid * per_w
    nch = per_w // GCHUNK
    pltpu.sync_copy(idx_hbm.at[pl.ds(base, GCHUNK)], idx_v.at[0])
    descs = [pltpu.async_copy(table_hbm.at[idx_v.at[0]], rows_v.at[0], sem)]
    for c in range(nch):
        b = c & 1
        if c + 1 < nch:
            nb = 1 - b
            off = base + (c + 1) * GCHUNK
            pltpu.sync_copy(idx_hbm.at[pl.ds(off, GCHUNK)], idx_v.at[nb])
            descs.append(pltpu.async_copy(table_hbm.at[idx_v.at[nb]],
                                          rows_v.at[nb], sem))
        descs[c].wait()
        pltpu.sync_copy(rows_v.at[b], out_hbm.at[pl.ds(base + c * GCHUNK,
                                                       GCHUNK)])


@jax.jit
def _sc_gather(table, idx):
    mesh = plsc.VectorSubcoreMesh(core_axis_name="c", subcore_axis_name="s")
    return pl.kernel(
        _sc_gather_body,
        out_type=jax.ShapeDtypeStruct((E, ML), jnp.float32),
        mesh=mesh,
        scratch_types=[
            pltpu.VMEM((2, GCHUNK), jnp.int32),
            pltpu.VMEM((2, GCHUNK, ML), jnp.float32),
            pltpu.SemaphoreType.DMA,
        ],
        compiler_params=pltpu.CompilerParams(use_tc_tiling_on_sc=False, needs_layout_passes=False),
    )(table, idx)


_TAKE_DN = lax.GatherDimensionNumbers(
    offset_dims=(), collapsed_slice_dims=(0,), start_index_map=(0,))


def _vtake(x, i):
    return lax.gather(x, i[:, None], _TAKE_DN, (1,),
                      mode=lax.GatherScatterMode.PROMISE_IN_BOUNDS)


def _seg_scan_last(key, val, neutral, op):
    iot = lax.iota(jnp.int32, 16)
    for s in (1, 2, 4, 8):
        pidx = jnp.maximum(iot - s, 0)
        pk = _vtake(key, pidx)
        pv = _vtake(val, pidx)
        ok = (pk == key) & (iot >= s)
        val = op(val, jnp.where(ok, pv, neutral))
    nk = _vtake(key, jnp.minimum(iot + 1, 15))
    last = (key != nk) | (iot == 15)
    return val, last


def _combine_partials(acc_v, shared, red_v, cmb_v, part_hbm, cid, sid, op):
    pltpu.sync_copy(acc_v, shared.at[sid])
    plsc.subcore_barrier()
    base = sid * 640
    pltpu.sync_copy(shared.at[0, pl.ds(base, 640)], red_v)
    for t in range(1, 16):
        pltpu.sync_copy(shared.at[t, pl.ds(base, 640)], cmb_v)

        def red_body(i, _):
            sl = pl.ds(i * 16, 16)
            red_v[sl] = op(red_v[sl], cmb_v[sl])
            return _

        lax.fori_loop(0, 40, red_body, 0)
    pltpu.sync_copy(red_v, part_hbm.at[cid, pl.ds(base, 640)])


def _heads_step_body(h_hbm, kn_hbm, lh_hbm, src_hbm, dst_hbm, part_hbm,
                     h_v, kn_v, acc_v, src_v, dst_v, l_v, red_v, cmb_v,
                     shared):
    cid = lax.axis_index("c")
    sid = lax.axis_index("s")
    w = sid * NC + cid
    pltpu.sync_copy(h_hbm, h_v)
    pltpu.sync_copy(kn_hbm, kn_v)

    def init_body(i, _):
        acc_v[pl.ds(i * 16, 16)] = jnp.full((16,), NEG_INF, jnp.float32)
        return _

    lax.fori_loop(0, HNP // 16, init_body, 0)

    base = w * (E // NW)
    is_h1 = base < E2
    sign = jnp.where(is_h1, 1.0, -1.0).astype(jnp.float32)
    loff = base - jnp.where(is_h1, 0, E2)
    for c in range(E // NW // ECH):
        pltpu.sync_copy(src_hbm.at[pl.ds(base + c * ECH, ECH)], src_v)
        pltpu.sync_copy(dst_hbm.at[pl.ds(base + c * ECH, ECH)], dst_v)
        pltpu.sync_copy(lh_hbm.at[pl.ds(loff + c * ECH, ECH)], l_v)

        def grp_body(j, _):
            sl = pl.ds(j * 16, 16)
            sv = src_v[sl]
            dv = dst_v[sl]
            lv = l_v[sl] * sign
            hs = plsc.load_gather(h_v, [sv])
            ks = plsc.load_gather(kn_v, [sv])
            cand = jnp.where(ks > 0, hs - lv, NEG_INF)
            key, val = plsc.sort_key_val(dv, cand)
            val, last = _seg_scan_last(key, val, NEG_INF, jnp.maximum)
            cur = plsc.load_gather(acc_v, [key])
            plsc.store_scatter(acc_v, [key], jnp.maximum(cur, val), mask=last)
            return _

        lax.fori_loop(0, ECH // 16, grp_body, 0)
    _combine_partials(acc_v, shared, red_v, cmb_v, part_hbm, cid, sid,
                      jnp.maximum)


@jax.jit
def _sc_heads(h, kn, lh, src, dst):
    mesh = plsc.VectorSubcoreMesh(core_axis_name="c", subcore_axis_name="s")
    return pl.kernel(
        _heads_step_body,
        out_type=jax.ShapeDtypeStruct((2, HNP), jnp.float32),
        mesh=mesh,
        scratch_types=[
            pltpu.VMEM((HNP,), jnp.float32),
            pltpu.VMEM((HNP,), jnp.float32),
            pltpu.VMEM((HNP,), jnp.float32),
            pltpu.VMEM((ECH,), jnp.int32),
            pltpu.VMEM((ECH,), jnp.int32),
            pltpu.VMEM((ECH,), jnp.float32),
            pltpu.VMEM((640,), jnp.float32),
            pltpu.VMEM((640,), jnp.float32),
            pltpu.VMEM_SHARED((16, HNP), jnp.float32),
        ],
        compiler_params=pltpu.CompilerParams(use_tc_tiling_on_sc=False, needs_layout_passes=False),
    )(h, kn, lh, src, dst)


def _dhat_body(qd_hbm, dst_hbm, part_hbm,
               acc_v, dst_v, q_v, red_v, cmb_v, shared):
    cid = lax.axis_index("c")
    sid = lax.axis_index("s")
    w = sid * NC + cid

    def init_body(i, _):
        acc_v[pl.ds(i * 16, 16)] = jnp.zeros((16,), jnp.float32)
        return _

    lax.fori_loop(0, HNP // 16, init_body, 0)

    base = w * (E // NW)
    is_h1 = base < E2
    sign = jnp.where(is_h1, 1.0, -1.0).astype(jnp.float32)
    qoff = base - jnp.where(is_h1, 0, E2)
    for c in range(E // NW // ECH):
        pltpu.sync_copy(dst_hbm.at[pl.ds(base + c * ECH, ECH)], dst_v)
        pltpu.sync_copy(qd_hbm.at[pl.ds(qoff + c * ECH, ECH)], q_v)

        def grp_body(j, _):
            sl = pl.ds(j * 16, 16)
            dv = dst_v[sl]
            qv = q_v[sl] * sign
            key, val = plsc.sort_key_val(dv, qv)
            val, last = _seg_scan_last(key, val, 0.0, jnp.add)
            cur = plsc.load_gather(acc_v, [key])
            plsc.store_scatter(acc_v, [key], cur + val, mask=last)
            return _

        lax.fori_loop(0, ECH // 16, grp_body, 0)
    _combine_partials(acc_v, shared, red_v, cmb_v, part_hbm, cid, sid,
                      jnp.add)


@jax.jit
def _sc_dhat(qd, dst):
    mesh = plsc.VectorSubcoreMesh(core_axis_name="c", subcore_axis_name="s")
    return pl.kernel(
        _dhat_body,
        out_type=jax.ShapeDtypeStruct((2, HNP), jnp.float32),
        mesh=mesh,
        scratch_types=[
            pltpu.VMEM((HNP,), jnp.float32),
            pltpu.VMEM((ECH,), jnp.int32),
            pltpu.VMEM((ECH,), jnp.float32),
            pltpu.VMEM((640,), jnp.float32),
            pltpu.VMEM((640,), jnp.float32),
            pltpu.VMEM_SHARED((16, HNP), jnp.float32),
        ],
        compiler_params=pltpu.CompilerParams(use_tc_tiling_on_sc=False, needs_layout_passes=False),
    )(qd, dst)


def _netflow_body(h_hbm, src_hbm, dst_hbm, dh_hbm, h_v, src_v, dst_v, dh_v):
    cid = lax.axis_index("c")
    sid = lax.axis_index("s")
    w = sid * NC + cid

    @pl.when(w < 16)
    def _():
        pltpu.sync_copy(h_hbm, h_v)
        base = w * (E2 // 16)
        for c in range(E2 // 16 // ECH):
            pltpu.sync_copy(src_hbm.at[pl.ds(base + c * ECH, ECH)], src_v)
            pltpu.sync_copy(dst_hbm.at[pl.ds(base + c * ECH, ECH)], dst_v)

            def grp_body(j, _):
                sl = pl.ds(j * 16, 16)
                hs = plsc.load_gather(h_v, [src_v[sl]])
                hd = plsc.load_gather(h_v, [dst_v[sl]])
                dh_v[sl] = hs - hd
                return _

            lax.fori_loop(0, ECH // 16, grp_body, 0)
            pltpu.sync_copy(dh_v, dh_hbm.at[pl.ds(base + c * ECH, ECH)])


@jax.jit
def _sc_netflow(h, src, dst):
    mesh = plsc.VectorSubcoreMesh(core_axis_name="c", subcore_axis_name="s")
    return pl.kernel(
        _netflow_body,
        out_type=jax.ShapeDtypeStruct((E2,), jnp.float32),
        mesh=mesh,
        scratch_types=[
            pltpu.VMEM((HNP,), jnp.float32),
            pltpu.VMEM((ECH,), jnp.int32),
            pltpu.VMEM((ECH,), jnp.int32),
            pltpu.VMEM((ECH,), jnp.float32),
        ],
        compiler_params=pltpu.CompilerParams(use_tc_tiling_on_sc=False, needs_layout_passes=False),
    )(h, src, dst)


def _edge_mlp_body(gs_ref, gd_ref, z_ref, a_ref, b_ref, c_ref, w2_ref, m_ref):
    pre = (gs_ref[...] @ a_ref[...] + gd_ref[...] @ b_ref[...]
           + z_ref[...] @ c_ref[...])
    m_ref[...] = jnp.maximum(pre, 0.0) @ w2_ref[...]


def _edge_mlp(gs, z, ew1, ew2):
    a, b, c = ew1[:ML], ew1[ML:2 * ML], ew1[2 * ML:]
    grid = E // EBLK
    g2 = grid // 2
    return pl.pallas_call(
        _edge_mlp_body,
        grid=(grid,),
        in_specs=[
            pl.BlockSpec((EBLK, ML), lambda i: (i, 0)),
            pl.BlockSpec((EBLK, ML), lambda i: ((i + g2) % grid, 0)),
            pl.BlockSpec((EBLK, ML), lambda i: (i, 0)),
            pl.BlockSpec((ML, ML), lambda i: (0, 0)),
            pl.BlockSpec((ML, ML), lambda i: (0, 0)),
            pl.BlockSpec((ML, ML), lambda i: (0, 0)),
            pl.BlockSpec((ML, ML), lambda i: (0, 0)),
        ],
        out_specs=pl.BlockSpec((EBLK, ML), lambda i: (i, 0)),
        out_shape=jax.ShapeDtypeStruct((E, ML), jnp.float32),
    )(gs, gs, z, a, b, c, ew2)


def _edge_mlp_noz_body(gs_ref, gd_ref, a_ref, b_ref, w2_ref, m_ref):
    pre = gs_ref[...] @ a_ref[...] + gd_ref[...] @ b_ref[...]
    m_ref[...] = jnp.maximum(pre, 0.0) @ w2_ref[...]


def _edge_mlp_noz(gs, ew1, ew2):
    a, b = ew1[:ML], ew1[ML:2 * ML]
    grid = E // EBLK
    g2 = grid // 2
    return pl.pallas_call(
        _edge_mlp_noz_body,
        grid=(grid,),
        in_specs=[
            pl.BlockSpec((EBLK, ML), lambda i: (i, 0)),
            pl.BlockSpec((EBLK, ML), lambda i: ((i + g2) % grid, 0)),
            pl.BlockSpec((ML, ML), lambda i: (0, 0)),
            pl.BlockSpec((ML, ML), lambda i: (0, 0)),
            pl.BlockSpec((ML, ML), lambda i: (0, 0)),
        ],
        out_specs=pl.BlockSpec((EBLK, ML), lambda i: (i, 0)),
        out_shape=jax.ShapeDtypeStruct((E, ML), jnp.float32),
    )(gs, gs, a, b, ew2)


def _node_mlp_body(g_ref, agg_ref, n1_ref, n2_ref, w2_ref, out_ref):
    pre = g_ref[...] @ n1_ref[...] + agg_ref[...] @ n2_ref[...]
    out_ref[...] = jnp.maximum(pre, 0.0) @ w2_ref[...]


def _node_mlp(g, agg, nw1, nw2):
    n1, n2 = nw1[:ML], nw1[ML:]
    grid = N // NBLK
    return pl.pallas_call(
        _node_mlp_body,
        grid=(grid,),
        in_specs=[
            pl.BlockSpec((NBLK, ML), lambda i: (i, 0)),
            pl.BlockSpec((NBLK, ML), lambda i: (i, 0)),
            pl.BlockSpec((ML, ML), lambda i: (0, 0)),
            pl.BlockSpec((ML, ML), lambda i: (0, 0)),
            pl.BlockSpec((ML, ML), lambda i: (0, 0)),
        ],
        out_specs=pl.BlockSpec((NBLK, ML), lambda i: (i, 0)),
        out_shape=jax.ShapeDtypeStruct((N, ML), jnp.float32),
    )(g, agg, n1, n2, nw2)


def _zbar_body(gs_ref, gd_ref, z_ref, z1_ref, z2_ref, z3_ref, f1_ref, f2_ref,
               c1_ref, c2_ref):
    zbar = (gs_ref[...] @ z1_ref[...] + gd_ref[...] @ z2_ref[...]
            + z_ref[...] @ z3_ref[...])
    c1_ref[...] = zbar @ f1_ref[...]
    c2_ref[...] = zbar @ f2_ref[...]


def _zbar_flows(gs, z, z_latent_W, flows_latent_W):
    z1, z2, z3 = z_latent_W[:ML], z_latent_W[ML:2 * ML], z_latent_W[2 * ML:]
    f1, f2 = flows_latent_W[:ML], flows_latent_W[ML:]
    grid = E // EBLK
    g2 = grid // 2
    c1, c2 = pl.pallas_call(
        _zbar_body,
        grid=(grid,),
        in_specs=[
            pl.BlockSpec((EBLK, ML), lambda i: (i, 0)),
            pl.BlockSpec((EBLK, ML), lambda i: ((i + g2) % grid, 0)),
            pl.BlockSpec((EBLK, ML), lambda i: (i, 0)),
            pl.BlockSpec((ML, ML), lambda i: (0, 0)),
            pl.BlockSpec((ML, ML), lambda i: (0, 0)),
            pl.BlockSpec((ML, ML), lambda i: (0, 0)),
            pl.BlockSpec((ML, 1), lambda i: (0, 0)),
            pl.BlockSpec((ML, 1), lambda i: (0, 0)),
        ],
        out_specs=[
            pl.BlockSpec((EBLK, 1), lambda i: (i, 0)),
            pl.BlockSpec((EBLK, 1), lambda i: (i, 0)),
        ],
        out_shape=[
            jax.ShapeDtypeStruct((E, 1), jnp.float32),
            jax.ShapeDtypeStruct((E, 1), jnp.float32),
        ],
    )(gs, gs, z, z1, z2, z3, f1, f2)
    return c1, c2


def _g_encode_body(p0_ref, p1_ref, ds_ref, res_ref, w_ref, g_ref):
    dhat = p0_ref[...] + p1_ref[...]
    g_ref[...] = (dhat @ w_ref[0:1, :] + ds_ref[...] @ w_ref[1:2, :]
                  + res_ref[...] @ w_ref[2:3, :])


def _g_encode(p0, p1, d_star, res, node_in_W):
    grid = N // NBLK
    return pl.pallas_call(
        _g_encode_body,
        grid=(grid,),
        in_specs=[
            pl.BlockSpec((NBLK, 1), lambda i: (i, 0)),
            pl.BlockSpec((NBLK, 1), lambda i: (i, 0)),
            pl.BlockSpec((NBLK, 1), lambda i: (i, 0)),
            pl.BlockSpec((NBLK, 1), lambda i: (i, 0)),
            pl.BlockSpec((3, ML), lambda i: (0, 0)),
        ],
        out_specs=pl.BlockSpec((NBLK, ML), lambda i: (i, 0)),
        out_shape=jax.ShapeDtypeStruct((N, ML), jnp.float32),
    )(p0, p1, d_star, res, node_in_W)


E2R = E2 // 128


def _qd_l_body(qd_ref, c1_ref, c2_ref, r_ref, qd_out, lh_out):
    q = qd_ref[...] + c1_ref[...] + c2_ref[...]
    qd_out[...] = q
    lh_out[...] = r_ref[...] * q * jnp.power(jnp.abs(q) + ZETA, 0.852)


def _qd_l(qd, c1, c2, r_half_w):
    c1w = c1[:E2].reshape(E2R, 128)
    c2w = c2[E2:].reshape(E2R, 128)
    return pl.pallas_call(
        _qd_l_body,
        grid=(1,),
        in_specs=[pl.BlockSpec((E2R, 128), lambda i: (0, 0))] * 4,
        out_specs=[pl.BlockSpec((E2R, 128), lambda i: (0, 0))] * 2,
        out_shape=[
            jax.ShapeDtypeStruct((E2R, 128), jnp.float32),
            jax.ShapeDtypeStruct((E2R, 128), jnp.float32),
        ],
    )(qd, c1w, c2w, r_half_w)


def _edge_mlp_qz_body(gs_ref, gd_ref, dh_ref, qd_ref, r_ref, a_ref, b_ref,
                      wz_ref, w2_ref, m_ref, *, g2):
    sgn = jnp.where(pl.program_id(0) < g2, 1.0, -1.0).astype(jnp.float32)
    dh = dh_ref[...]
    qt = jnp.sign(dh) * jnp.power(jnp.abs(dh) / r_ref[...] + ZETA, 1.0 / 1.852)
    z = sgn * (qt @ wz_ref[0:1, :] + qd_ref[...] @ wz_ref[1:2, :])
    pre = gs_ref[...] @ a_ref[...] + gd_ref[...] @ b_ref[...] + z
    m_ref[...] = jnp.maximum(pre, 0.0) @ w2_ref[...]


def _edge_mlp_qz(gs, dh, qd, r_half, ew1, ew2, wz):
    a, b = ew1[:ML], ew1[ML:2 * ML]
    grid = E // EBLK
    g2 = grid // 2
    return pl.pallas_call(
        functools.partial(_edge_mlp_qz_body, g2=g2),
        grid=(grid,),
        in_specs=[
            pl.BlockSpec((EBLK, ML), lambda i: (i, 0)),
            pl.BlockSpec((EBLK, ML), lambda i: ((i + g2) % grid, 0)),
            pl.BlockSpec((EBLK, 1), lambda i: (i % g2, 0)),
            pl.BlockSpec((EBLK, 1), lambda i: (i % g2, 0)),
            pl.BlockSpec((EBLK, 1), lambda i: (i % g2, 0)),
            pl.BlockSpec((ML, ML), lambda i: (0, 0)),
            pl.BlockSpec((ML, ML), lambda i: (0, 0)),
            pl.BlockSpec((2, ML), lambda i: (0, 0)),
            pl.BlockSpec((ML, ML), lambda i: (0, 0)),
        ],
        out_specs=pl.BlockSpec((EBLK, ML), lambda i: (i, 0)),
        out_shape=jax.ShapeDtypeStruct((E, ML), jnp.float32),
    )(gs, gs, dh, qd, r_half, a, b, wz, ew2)


def _head_update_body(h_ref, kn_ref, p0_ref, p1_ref, h_out, kn_out):
    seg = jnp.maximum(p0_ref[...], p1_ref[...])
    has = seg != NEG_INF
    h_out[...] = jnp.where(kn_ref[...] > 0, h_ref[...],
                           jnp.where(has, seg, 0.0))
    kn_out[...] = jnp.maximum(kn_ref[...], has.astype(jnp.float32))


NR = HNP // 128


def _head_update(h, kn, part):
    pw = part.reshape(2, NR, 128)
    return pl.pallas_call(
        _head_update_body,
        grid=(1,),
        in_specs=[pl.BlockSpec((NR, 128), lambda i: (0, 0))] * 4,
        out_specs=[pl.BlockSpec((NR, 128), lambda i: (0, 0))] * 2,
        out_shape=[
            jax.ShapeDtypeStruct((NR, 128), jnp.float32),
            jax.ShapeDtypeStruct((NR, 128), jnp.float32),
        ],
    )(h, kn, pw[0], pw[1])


def kernel(x, edge_index, edge_attr, node_in_W, edge_W, z_latent_W,
           flows_latent_W, gnn_params):
    src = edge_index[0]
    dst = edge_index[1]
    r_half = edge_attr[:E2, 0:1]
    r_half_w = r_half.reshape(E2R, 128)
    d_star = x[:, 1:2]
    res_mask = x[:, 4:5]
    h_star_w = jnp.pad(x[:, 0], (0, HNP - N)).reshape(NR, 128)
    res_w = jnp.pad(x[:, 4], (0, HNP - N)).reshape(NR, 128)
    zeros_n1 = jnp.zeros((N, 1), jnp.float32)
    wz = edge_W @ gnn_params[0][0][2 * ML:]

    qd = jnp.zeros((E2R, 128), jnp.float32)
    part_d = None
    dh = None
    h = None
    for k in range(2):
        if k == 0:
            g = _g_encode(zeros_n1, zeros_n1, d_star, res_mask, node_in_W)
        else:
            g = _g_encode(part_d[0, :N].reshape(N, 1),
                          part_d[1, :N].reshape(N, 1),
                          d_star, res_mask, node_in_W)
        z = None
        for li, (ew1, ew2, nw1, nw2) in enumerate(gnn_params):
            gs = _sc_gather(g, src)
            if li == 0:
                if k == 0:
                    m = _edge_mlp_noz(gs, ew1, ew2)
                else:
                    m = _edge_mlp_qz(gs, dh.reshape(E2, 1),
                                     qd.reshape(E2, 1), r_half,
                                     ew1, ew2, wz)
            else:
                m = _edge_mlp(gs, z, ew1, ew2)
            agg = jax.ops.segment_max(m, dst, num_segments=N)
            agg = jnp.where(jnp.isfinite(agg), agg, 0.0)
            g = _node_mlp(g, agg, nw1, nw2)
            z = m
        c1, c2 = _zbar_flows(_sc_gather(g, src), z, z_latent_W, flows_latent_W)
        qd, lh = _qd_l(qd, c1, c2, r_half_w)
        h, kn = h_star_w, res_w
        for _ in range(DIA):
            part = _sc_heads(h.reshape(HNP), kn.reshape(HNP),
                             lh.reshape(E2), src, dst)
            h, kn = _head_update(h, kn, part)
        if k == 0:
            part_d = _sc_dhat(qd.reshape(E2), dst)
            dh = _sc_netflow(h.reshape(HNP), src, dst)
    return h.reshape(HNP, 1)[:N]

# --- scband reference (transcript-rebuilt; emitter-appended) ---
"""Pipeline reference for scband-spi-gnn-32452772888694 (READ-ONLY COPY).

The authoritative reference and input builder live on the scoring server;
editing this copy changes nothing except your own understanding.
"""

import jax, jax.numpy as jnp
import numpy as np

N = 10000
E2 = 160000
E = 2 * E2
ML = 64
I_LAYERS = 2
DIA = 2
N_ITER = 1
R_ITER = 1
ZETA = 1e-6
N_RES = 50


def _lin(key, fi, fo):
    return (jax.random.normal(key, (fi, fo), jnp.float32) / np.sqrt(fi)).astype(jnp.float32)


def setup_inputs(seed: int = 0):
    key = jax.random.key(seed)
    ks = jax.random.split(key, 16)
    src = jax.random.randint(ks[0], (E2,), 0, N)
    dst = jax.random.randint(ks[1], (E2,), 0, N)
    dst = jnp.where(dst == src, (dst + 1) % N, dst)
    edge_index = jnp.concatenate([jnp.stack([src, dst]), jnp.stack([dst, src])], axis=1).astype(jnp.int32)
    res = (jnp.arange(N) < N_RES).astype(jnp.float32)[:, None]
    h0 = res * (50.0 + 50.0 * jax.random.uniform(ks[2], (N, 1), jnp.float32))
    d_star = 0.01 * jax.random.normal(ks[3], (N, 1), jnp.float32)
    x = jnp.concatenate([h0, d_star, jnp.zeros((N, 2), jnp.float32), res], axis=1)
    r_half = 1e-3 + 1e-2 * jax.random.uniform(ks[4], (E2, 1), jnp.float32)
    r = jnp.concatenate([r_half, r_half], axis=0)
    dmask = jnp.concatenate([jnp.zeros((E2, 1), jnp.float32), jnp.ones((E2, 1), jnp.float32)], axis=0)
    edge_attr = jnp.concatenate([r, dmask, jnp.zeros((E, 6), jnp.float32)], axis=1)
    gnn_params = []
    kk = jax.random.split(ks[5], 4 * I_LAYERS)
    for i in range(I_LAYERS):
        gnn_params.append((_lin(kk[4 * i], 3 * ML, ML), _lin(kk[4 * i + 1], ML, ML), _lin(kk[4 * i + 2], 2 * ML, ML), _lin(kk[4 * i + 3], ML, ML)))
    return {
        "x": x,
        "edge_index": edge_index,
        "edge_attr": edge_attr,
        "node_in_W": _lin(ks[6], 3, ML),
        "edge_W": _lin(ks[7], 2, ML),
        "z_latent_W": _lin(ks[8], 3 * ML, ML),
        "flows_latent_W": _lin(ks[9], 2 * ML, 1),
        "gnn_params": tuple(gnn_params),
    }


def _construct_heads_pp(h_star, q, r, src, dst, res_mask):
    l = r * q * jnp.power(jnp.abs(q) + ZETA, 0.852)
    J = 1.852 * r * jnp.power(jnp.abs(q) + ZETA, 0.852)
    h = h_star
    known = res_mask
    for _ in range(DIA):
        cand = jnp.where(known[src] > 0, h[src] - l, -jnp.inf)
        seg = jax.ops.segment_max(cand, dst, num_segments=N)
        has = jnp.isfinite(seg)
        h = jnp.where(known > 0, h, jnp.where(has, seg, 0.0))
        known = jnp.maximum(known, has.astype(jnp.float32))
    return h, l, J


def _compute_net_flows_pp(h, r, src, dst):
    dh = h[src] - h[dst]
    q_t = jnp.sign(dh) * jnp.power(jnp.abs(dh) / r + ZETA, 1.0 / 1.852)
    d_t = jax.ops.segment_sum(q_t, dst, num_segments=N)
    return d_t, q_t, dh


def _forward(x, edge_attr, node_in_W, edge_W, z_latent_W, flows_latent_W, gnn_params, edge_index):
    src = edge_index[0]
    dst = edge_index[1]
    r = edge_attr[:, 0:1]
    pump_e = edge_attr[:, 3:4]
    pump_dir = pump_e[E2:]
    h_star = x[:, 0:1]
    d_star = x[:, 1:2]
    res_mask = x[:, 4:5]
    d_hat = jnp.zeros((N, 1), jnp.float32)
    q_hat = jnp.zeros((E, 1), jnp.float32)
    q_tilde = jnp.zeros((E, 1), jnp.float32)
    q_hat_dir = jnp.zeros((E2, 1), jnp.float32)
    h_tilde = h_star
    K = N_ITER + R_ITER
    for k in range(K):
        g = jnp.concatenate([d_hat, d_star, res_mask], axis=-1) @ node_in_W
        z = jnp.concatenate([q_tilde, q_hat], axis=-1) @ edge_W
        for (ew1, ew2, nw1, nw2) in gnn_params:
            m = jax.nn.relu(jnp.concatenate([g[src], g[dst], z], axis=-1) @ ew1) @ ew2
            agg = jax.ops.segment_max(m, dst, num_segments=N)
            agg = jnp.where(jnp.isfinite(agg), agg, 0.0)
            g = jax.nn.relu(jnp.concatenate([g, agg], axis=-1) @ nw1) @ nw2
            z = m
        z_bar = jnp.concatenate([g[src], g[dst], z], axis=-1) @ z_latent_W
        q_hat_dir = q_hat_dir + jnp.concatenate([z_bar[:E2], z_bar[E2:]], axis=-1) @ flows_latent_W
        q_hat_dir = jnp.where(pump_dir == 1, jnp.minimum(q_hat_dir, 0.0), q_hat_dir)
        q_hat_dir = jnp.where(pump_dir == 2, 0.0, q_hat_dir)
        q_hat = jnp.concatenate([q_hat_dir, -q_hat_dir], axis=0)
        d_hat = jax.ops.segment_sum(q_hat, dst, num_segments=N)
        if (k + 1) * I_LAYERS >= DIA:
            h_tilde, l_hat, J = _construct_heads_pp(h_star, q_hat, r, src, dst, res_mask)
            d_tilde, q_tilde, l_tilde = _compute_net_flows_pp(h_tilde, r, src, dst)
            q_hat = jnp.where(pump_e == 1, q_tilde, q_hat)
            q_hat = jnp.where(pump_e == -1, q_tilde, q_hat)
            d_hat = jax.ops.segment_sum(q_hat, dst, num_segments=N)
    return h_tilde


def reference(x, edge_index, edge_attr, node_in_W, edge_W, z_latent_W, flows_latent_W, gnn_params):
    return _forward(x, edge_attr, node_in_W, edge_W, z_latent_W, flows_latent_W, gnn_params, edge_index)

if __name__ == "__main__":
    import jax
    _d = setup_inputs()
    print(jax.jit(kernel)(*tuple(_d.values())))

</pallas_src>

<mosaic_0001>
#map = affine_map<(d0, d1) -> (0, 0)>
#map1 = affine_map<(d0, d1) -> (0)>
module attributes {stable_mosaic.version = 14 : i64} {
  func.func @_sc_gather_body(%arg0: i32, %arg1: i32, %arg2: memref<10000x64xf32, #tpu.memory_space<hbm>>, %arg3: memref<320000xi32, #tpu.memory_space<hbm>>, %arg4: memref<320000x64xf32, #tpu.memory_space<hbm>>, %arg5: memref<2x400xi32, #tpu.memory_space<vmem>>, %arg6: memref<2x400x64xf32, #tpu.memory_space<vmem>>, %arg7: memref<!tpu.dma_semaphore, #tpu.memory_space<semaphore_mem>>) attributes {dimension_semantics = [#tpu.dimension_semantics<core_parallel>, #tpu.dimension_semantics<subcore_parallel>], iteration_bounds = array<i64: 2, 16>, scalar_prefetch = 0 : i64, scratch_operands = 3 : i64, tpu.core_type = #tpu.core_type<sc_vector_subcore>, window_params = [{transform_indices = #map}, {transform_indices = #map1}, {transform_indices = #map}]} {
    %mul3A = arith.constant 2 : i32
    %mul3A_0 = arith.muli %arg1, %mul3A : i32
    %add3A = arith.addi %mul3A_0, %arg0 : i32
    %mul3A_1 = arith.constant 10000 : i32
    %mul3A_2 = arith.muli %add3A, %mul3A_1 : i32
    %run_scoped3A = arith.constant 0 : i32
    "tpu.region"() ({
      %run_scoped3A_748 = tpu.sem_alloc : memref<!tpu.dma_semaphore, #tpu.memory_space<semaphore_mem>>
      %dma_start3A_749 = arith.constant 0 : i32
      %dma_start3A_750 = tpu.memref_slice %arg5[%run_scoped3A, %dma_start3A_749] : memref<2x400xi32, #tpu.memory_space<vmem>> -> memref<1x400xi32, #tpu.memory_space<vmem>>
      %dma_start3A_751 = tpu.memref_squeeze %dma_start3A_750 : memref<1x400xi32, #tpu.memory_space<vmem>> -> memref<400xi32, #tpu.memory_space<vmem>>
      %dma_start3A_752 = tpu.memref_slice %arg3[%mul3A_2] : memref<320000xi32, #tpu.memory_space<hbm>> -> memref<400xi32, #tpu.memory_space<hbm>>
      %dma_start3A_753 = arith.constant 0 : i32
      %dma_start3A_754 = tpu.memref_slice %arg5[%run_scoped3A, %dma_start3A_753] : memref<2x400xi32, #tpu.memory_space<vmem>> -> memref<1x400xi32, #tpu.memory_space<vmem>>
      %dma_start3A_755 = tpu.memref_squeeze %dma_start3A_754 : memref<1x400xi32, #tpu.memory_space<vmem>> -> memref<400xi32, #tpu.memory_space<vmem>>
      %dma_start3A_756 = tpu.memref_slice %arg3[%mul3A_2] : memref<320000xi32, #tpu.memory_space<hbm>> -> memref<400xi32, #tpu.memory_space<hbm>>
      tpu.enqueue_dma source(%dma_start3A_756 : memref<400xi32, #tpu.memory_space<hbm>>) target(%dma_start3A_755 : memref<400xi32, #tpu.memory_space<vmem>>) target_semaphore(%run_scoped3A_748 : memref<!tpu.dma_semaphore, #tpu.memory_space<semaphore_mem>>)
      %dma_wait3A_757 = arith.constant 0 : i32
      %dma_wait3A_758 = tpu.memref_slice %arg5[%run_scoped3A, %dma_wait3A_757] : memref<2x400xi32, #tpu.memory_space<vmem>> -> memref<1x400xi32, #tpu.memory_space<vmem>>
      %dma_wait3A_759 = tpu.memref_squeeze %dma_wait3A_758 : memref<1x400xi32, #tpu.memory_space<vmem>> -> memref<400xi32, #tpu.memory_space<vmem>>
      %dma_wait3A_760 = tpu.memref_slice %arg3[%mul3A_2] : memref<320000xi32, #tpu.memory_space<hbm>> -> memref<400xi32, #tpu.memory_space<hbm>>
      %dma_wait3A_761 = arith.constant 0 : i32
      %dma_wait3A_762 = tpu.memref_slice %arg5[%run_scoped3A, %dma_wait3A_761] : memref<2x400xi32, #tpu.memory_space<vmem>> -> memref<1x400xi32, #tpu.memory_space<vmem>>
      %dma_wait3A_763 = tpu.memref_squeeze %dma_wait3A_762 : memref<1x400xi32, #tpu.memory_space<vmem>> -> memref<400xi32, #tpu.memory_space<vmem>>
      %dma_wait3A_764 = tpu.memref_slice %arg3[%mul3A_2] : memref<320000xi32, #tpu.memory_space<hbm>> -> memref<400xi32, #tpu.memory_space<hbm>>
      tpu.wait_dma2 semaphore(%run_scoped3A_748 : memref<!tpu.dma_semaphore, #tpu.memory_space<semaphore_mem>>) src(%dma_wait3A_764 : memref<400xi32, #tpu.memory_space<hbm>>) dst(%dma_wait3A_763 : memref<400xi32, #tpu.memory_space<vmem>>)
      tpu.yield
    }) : () -> ()
    %dma_start3A = arith.constant 0 : i32
    %dma_start3A_3 = arith.constant 0 : i32
    %dma_start3A_4 = arith.constant 0 : i32
    %dma_start3A_5 = arith.constant 0 : i32
    %dma_start3A_6 = tpu.memref_slice %arg6[%dma_start3A_3, %dma_start3A_4, %dma_start3A_5] : memref<2x400x64xf32, #tpu.memory_space<vmem>> -> memref<1x400x64xf32, #tpu.memory_space<vmem>>
    %dma_start3A_7 = tpu.memref_squeeze %dma_start3A_6 : memref<1x400x64xf32, #tpu.memory_space<vmem>> -> memref<400x64xf32, #tpu.memory_space<vmem>>
    %dma_start3A_8 = arith.constant 0 : i32
    %dma_start3A_9 = tpu.memref_slice %arg5[%dma_start3A, %dma_start3A_8] : memref<2x400xi32, #tpu.memory_space<vmem>> -> memref<1x400xi32, #tpu.memory_space<vmem>>
    %dma_start3A_10 = tpu.memref_squeeze %dma_start3A_9 : memref<1x400xi32, #tpu.memory_space<vmem>> -> memref<400xi32, #tpu.memory_space<vmem>>
    %dma_start3A_11 = arith.constant 0 : i32
    %dma_start3A_12 = arith.constant 0 : i32
    %dma_start3A_13 = tpu.memref_slice %arg2[%dma_start3A_11, %dma_start3A_12] : memref<10000x64xf32, #tpu.memory_space<hbm>> -> memref<10000x64xf32, #tpu.memory_space<hbm>>
    tpu.enqueue_indirect_dma source(%dma_start3A_13 : memref<10000x64xf32, #tpu.memory_space<hbm>>) target(%dma_start3A_7 : memref<400x64xf32, #tpu.memory_space<vmem>>) offsets(%dma_start3A_10 : memref<400xi32, #tpu.memory_space<vmem>>) semaphore(%arg7 : memref<!tpu.dma_semaphore, #tpu.memory_space<semaphore_mem>>)
    %add3A_14 = arith.constant 400 : i32
    %add3A_15 = arith.addi %mul3A_2, %add3A_14 : i32
    %run_scoped3A_16 = arith.constant 1 : i32
    "tpu.region"() ({
      %run_scoped3A_748 = tpu.sem_alloc : memref<!tpu.dma_semaphore, #tpu.memory_space<semaphore_mem>>
      %dma_start3A_749 = arith.constant 0 : i32
      %dma_start3A_750 = tpu.memref_slice %arg5[%run_scoped3A_16, %dma_start3A_749] : memref<2x400xi32, #tpu.memory_space<vmem>> -> memref<1x400xi32, #tpu.memory_space<vmem>>
      %dma_start3A_751 = tpu.memref_squeeze %dma_start3A_750 : memref<1x400xi32, #tpu.memory_space<vmem>> -> memref<400xi32, #tpu.memory_space<vmem>>
      %dma_start3A_752 = tpu.memref_slice %arg3[%add3A_15] : memref<320000xi32, #tpu.memory_space<hbm>> -> memref<400xi32, #tpu.memory_space<hbm>>
      %dma_start3A_753 = arith.constant 0 : i32
      %dma_start3A_754 = tpu.memref_slice %arg5[%run_scoped3A_16, %dma_start3A_753] : memref<2x400xi32, #tpu.memory_space<vmem>> -> memref<1x400xi32, #tpu.memory_space<vmem>>
      %dma_start3A_755 = tpu.memref_squeeze %dma_start3A_754 : memref<1x400xi32, #tpu.memory_space<vmem>> -> memref<400xi32, #tpu.memory_space<vmem>>
      %dma_start3A_756 = tpu.memref_slice %arg3[%add3A_15] : memref<320000xi32, #tpu.memory_space<hbm>> -> memref<400xi32, #tpu.memory_space<hbm>>
      tpu.enqueue_dma source(%dma_start3A_756 : memref<400xi32, #tpu.memory_space<hbm>>) target(%dma_start3A_755 : memref<400xi32, #tpu.memory_space<vmem>>) target_semaphore(%run_scoped3A_748 : memref<!tpu.dma_semaphore, #tpu.memory_space<semaphore_mem>>)
      %dma_wait3A_757 = arith.constant 0 : i32
      %dma_wait3A_758 = tpu.memref_slice %arg5[%run_scoped3A_16, %dma_wait3A_757] : memref<2x400xi32, #tpu.memory_space<vmem>> -> memref<1x400xi32, #tpu.memory_space<vmem>>
      %dma_wait3A_759 = tpu.memref_squeeze %dma_wait3A_758 : memref<1x400xi32, #tpu.memory_space<vmem>> -> memref<400xi32, #tpu.memory_space<vmem>>
      %dma_wait3A_760 = tpu.memref_slice %arg3[%add3A_15] : memref<320000xi32, #tpu.memory_space<hbm>> -> memref<400xi32, #tpu.memory_space<hbm>>
      %dma_wait3A_761 = arith.constant 0 : i32
      %dma_wait3A_762 = tpu.memref_slice %arg5[%run_scoped3A_16, %dma_wait3A_761] : memref<2x400xi32, #tpu.memory_space<vmem>> -> memref<1x400xi32, #tpu.memory_space<vmem>>
      %dma_wait3A_763 = tpu.memref_squeeze %dma_wait3A_762 : memref<1x400xi32, #tpu.memory_space<vmem>> -> memref<400xi32, #tpu.memory_space<vmem>>
      %dma_wait3A_764 = tpu.memref_slice %arg3[%add3A_15] : memref<320000xi32, #tpu.memory_space<hbm>> -> memref<400xi32, #tpu.memory_space<hbm>>
      tpu.wait_dma2 semaphore(%run_scoped3A_748 : memref<!tpu.dma_semaphore, #tpu.memory_space<semaphore_mem>>) src(%dma_wait3A_764 : memref<400xi32, #tpu.memory_space<hbm>>) dst(%dma_wait3A_763 : memref<400xi32, #tpu.memory_space<vmem>>)
      tpu.yield
    }) : () -> ()
    %dma_start3A_17 = arith.constant 1 : i32
    %dma_start3A_18 = arith.constant 1 : i32
    %dma_start3A_19 = arith.constant 0 : i32
    %dma_start3A_20 = arith.constant 0 : i32
    %dma_start3A_21 = tpu.memref_slice %arg6[%dma_start3A_18, %dma_start3A_19, %dma_start3A_20] : memref<2x400x64xf32, #tpu.memory_space<vmem>> -> memref<1x400x64xf32, #tpu.memory_space<vmem>>
    %dma_start3A_22 = tpu.memref_squeeze %dma_start3A_21 : memref<1x400x64xf32, #tpu.memory_space<vmem>> -> memref<400x64xf32, #tpu.memory_space<vmem>>
    %dma_start3A_23 = arith.constant 0 : i32
    %dma_start3A_24 = tpu.memref_slice %arg5[%dma_start3A_17, %dma_start3A_23] : memref<2x400xi32, #tpu.memory_space<vmem>> -> memref<1x400xi32, #tpu.memory_space<vmem>>
    %dma_start3A_25 = tpu.memref_squeeze %dma_start3A_24 : memref<1x400xi32, #tpu.memory_space<vmem>> -> memref<400xi32, #tpu.memory_space<vmem>>
    %dma_start3A_26 = arith.constant 0 : i32
    %dma_start3A_27 = arith.constant 0 : i32
    %dma_start3A_28 = tpu.memref_slice %arg2[%dma_start3A_26, %dma_start3A_27] : memref<10000x64xf32, #tpu.memory_space<hbm>> -> memref<10000x64xf32, #tpu.memory_space<hbm>>
    tpu.enqueue_indirect_dma source(%dma_start3A_28 : memref<10000x64xf32, #tpu.memory_space<hbm>>) target(%dma_start3A_22 : memref<400x64xf32, #tpu.memory_space<vmem>>) offsets(%dma_start3A_25 : memref<400xi32, #tpu.memory_space<vmem>>) semaphore(%arg7 : memref<!tpu.dma_semaphore, #tpu.memory_space<semaphore_mem>>)
    %dma_wait3A = arith.constant 0 : i32
    %dma_wait3A_29 = arith.constant 0 : i32
    %dma_wait3A_30 = arith.constant 0 : i32
    %dma_wait3A_31 = arith.constant 0 : i32
    %dma_wait3A_32 = tpu.memref_slice %arg6[%dma_wait3A_29, %dma_wait3A_30, %dma_wait3A_31] : memref<2x400x64xf32, #tpu.memory_space<vmem>> -> memref<1x400x64xf32, #tpu.memory_space<vmem>>
    %dma_wait3A_33 = tpu.memref_squeeze %dma_wait3A_32 : memref<1x400x64xf32, #tpu.memory_space<vmem>> -> memref<400x64xf32, #tpu.memory_space<vmem>>
    %dma_wait3A_34 = arith.constant 0 : i32
    %dma_wait3A_35 = tpu.memref_slice %arg5[%dma_wait3A, %dma_wait3A_34] : memref<2x400xi32, #tpu.memory_space<vmem>> -> memref<1x400xi32, #tpu.memory_space<vmem>>
    %dma_wait3A_36 = tpu.memref_squeeze %dma_wait3A_35 : memref<1x400xi32, #tpu.memory_space<vmem>> -> memref<400xi32, #tpu.memory_space<vmem>>
    %dma_wait3A_37 = arith.constant 0 : i32
    %dma_wait3A_38 = arith.constant 0 : i32
    %dma_wait3A_39 = tpu.memref_slice %arg2[%dma_wait3A_37, %dma_wait3A_38] : memref<10000x64xf32, #tpu.memory_space<hbm>> -> memref<10000x64xf32, #tpu.memory_space<hbm>>
    tpu.wait_indirect_dma semaphore(%arg7 : memref<!tpu.dma_semaphore, #tpu.memory_space<semaphore_mem>>) src(%dma_wait3A_39 : memref<10000x64xf32, #tpu.memory_space<hbm>>) dst(%dma_wait3A_33 : memref<400x64xf32, #tpu.memory_space<vmem>>)
    %add3A_40 = arith.constant 0 : i32
    %add3A_41 = arith.addi %mul3A_2, %add3A_40 : i32
    %run_scoped3A_42 = arith.constant 0 : i32
    "tpu.region"() ({
      %run_scoped3A_748 = tpu.sem_alloc : memref<!tpu.dma_semaphore, #tpu.memory_space<semaphore_mem>>
      %dma_start3A_749 = arith.constant 0 : i32
      %dma_start3A_750 = arith.constant 0 : i32
      %dma_start3A_751 = tpu.memref_slice %arg6[%run_scoped3A_42, %dma_start3A_749, %dma_start3A_750] : memref<2x400x64xf32, #tpu.memory_space<vmem>> -> memref<1x400x64xf32, #tpu.memory_space<vmem>>
      %dma_start3A_752 = tpu.memref_squeeze %dma_start3A_751 : memref<1x400x64xf32, #tpu.memory_space<vmem>> -> memref<400x64xf32, #tpu.memory_space<vmem>>
      %dma_start3A_753 = arith.constant 0 : i32
      %dma_start3A_754 = tpu.memref_slice %arg4[%add3A_41, %dma_start3A_753] : memref<320000x64xf32, #tpu.memory_space<hbm>> -> memref<400x64xf32, #tpu.memory_space<hbm>>
      %dma_start3A_755 = arith.constant 0 : i32
      %dma_start3A_756 = tpu.memref_slice %arg4[%add3A_41, %dma_start3A_755] : memref<320000x64xf32, #tpu.memory_space<hbm>> -> memref<400x64xf32, #tpu.memory_space<hbm>>
      %dma_start3A_757 = arith.constant 0 : i32
      %dma_start3A_758 = arith.constant 0 : i32
      %dma_start3A_759 = tpu.memref_slice %arg6[%run_scoped3A_42, %dma_start3A_757, %dma_start3A_758] : memref<2x400x64xf32, #tpu.memory_space<vmem>> -> memref<1x400x64xf32, #tpu.memory_space<vmem>>
      %dma_start3A_760 = tpu.memref_squeeze %dma_start3A_759 : memref<1x400x64xf32, #tpu.memory_space<vmem>> -> memref<400x64xf32, #tpu.memory_space<vmem>>
      tpu.enqueue_dma source(%dma_start3A_760 : memref<400x64xf32, #tpu.memory_space<vmem>>) target(%dma_start3A_756 : memref<400x64xf32, #tpu.memory_space<hbm>>) target_semaphore(%run_scoped3A_748 : memref<!tpu.dma_semaphore, #tpu.memory_space<semaphore_mem>>)
      %dma_wait3A_761 = arith.constant 0 : i32
      %dma_wait3A_762 = arith.constant 0 : i32
      %dma_wait3A_763 = tpu.memref_slice %arg6[%run_scoped3A_42, %dma_wait3A_761, %dma_wait3A_762] : memref<2x400x64xf32, #tpu.memory_space<vmem>> -> memref<1x400x64xf32, #tpu.memory_space<vmem>>
      %dma_wait3A_764 = tpu.memref_squeeze %dma_wait3A_763 : memref<1x400x64xf32, #tpu.memory_space<vmem>> -> memref<400x64xf32, #tpu.memory_space<vmem>>
      %dma_wait3A_765 = arith.constant 0 : i32
      %dma_wait3A_766 = tpu.memref_slice %arg4[%add3A_41, %dma_wait3A_765] : memref<320000x64xf32, #tpu.memory_space<hbm>> -> memref<400x64xf32, #tpu.memory_space<hbm>>
      %dma_wait3A_767 = arith.constant 0 : i32
      %dma_wait3A_768 = tpu.memref_slice %arg4[%add3A_41, %dma_wait3A_767] : memref<320000x64xf32, #tpu.memory_space<hbm>> -> memref<400x64xf32, #tpu.memory_space<hbm>>
      %dma_wait3A_769 = arith.constant 0 : i32
      %dma_wait3A_770 = arith.constant 0 : i32
      %dma_wait3A_771 = tpu.memref_slice %arg6[%run_scoped3A_42, %dma_wait3A_769, %dma_wait3A_770] : memref<2x400x64xf32, #tpu.memory_space<vmem>> -> memref<1x400x64xf32, #tpu.memory_space<vmem>>
      %dma_wait3A_772 = tpu.memref_squeeze %dma_wait3A_771 : memref<1x400x64xf32, #tpu.memory_space<vmem>> -> memref<400x64xf32, #tpu.memory_space<vmem>>
      tpu.wait_dma2 semaphore(%run_scoped3A_748 : memref<!tpu.dma_semaphore, #tpu.memory_space<semaphore_mem>>) src(%dma_wait3A_772 : memref<400x64xf32, #tpu.memory_space<vmem>>) dst(%dma_wait3A_768 : memref<400x64xf32, #tpu.memory_space<hbm>>)
      tpu.yield
    }) : () -> ()
    %add3A_43 = arith.constant 800 : i32
    %add3A_44 = arith.addi %mul3A_2, %add3A_43 : i32
    %run_scoped3A_45 = arith.constant 0 : i32
    "tpu.region"() ({
      %run_scoped3A_748 = tpu.sem_alloc : memref<!tpu.dma_semaphore, #tpu.memory_space<semaphore_mem>>
      %dma_start3A_749 = arith.constant 0 : i32
      %dma_start3A_750 = tpu.memref_slice %arg5[%run_scoped3A_45, %dma_start3A_749] : memref<2x400xi32, #tpu.memory_space<vmem>> -> memref<1x400xi32, #tpu.memory_space<vmem>>
      %dma_start3A_751 = tpu.memref_squeeze %dma_start3A_750 : memref<1x400xi32, #tpu.memory_space<vmem>> -> memref<400xi32, #tpu.memory_space<vmem>>
      %dma_start3A_752 = tpu.memref_slice %arg3[%add3A_44] : memref<320000xi32, #tpu.memory_space<hbm>> -> memref<400xi32, #tpu.memory_space<hbm>>
      %dma_start3A_753 = arith.constant 0 : i32
      %dma_start3A_754 = tpu.memref_slice %arg5[%run_scoped3A_45, %dma_start3A_753] : memref<2x400xi32, #tpu.memory_space<vmem>> -> memref<1x400xi32, #tpu.memory_space<vmem>>
      %dma_start3A_755 = tpu.memref_squeeze %dma_start3A_754 : memref<1x400xi32, #tpu.memory_space<vmem>> -> memref<400xi32, #tpu.memory_space<vmem>>
      %dma_start3A_756 = tpu.memref_slice %arg3[%add3A_44] : memref<320000xi32, #tpu.memory_space<hbm>> -> memref<400xi32, #tpu.memory_space<hbm>>
      tpu.enqueue_dma source(%dma_start3A_756 : memref<400xi32, #tpu.memory_space<hbm>>) target(%dma_start3A_755 : memref<400xi32, #tpu.memory_space<vmem>>) target_semaphore(%run_scoped3A_748 : memref<!tpu.dma_semaphore, #tpu.memory_space<semaphore_mem>>)
      %dma_wait3A_757 = arith.constant 0 : i32
      %dma_wait3A_758 = tpu.memref_slice %arg5[%run_scoped3A_45, %dma_wait3A_757] : memref<2x400xi32, #tpu.memory_space<vmem>> -> memref<1x400xi32, #tpu.memory_space<vmem>>
      %dma_wait3A_759 = tpu.memref_squeeze %dma_wait3A_758 : memref<1x400xi32, #tpu.memory_space<vmem>> -> memref<400xi32, #tpu.memory_space<vmem>>
      %dma_wait3A_760 = tpu.memref_slice %arg3[%add3A_44] : memref<320000xi32, #tpu.memory_space<hbm>> -> memref<400xi32, #tpu.memory_space<hbm>>
      %dma_wait3A_761 = arith.constant 0 : i32
      %dma_wait3A_762 = tpu.memref_slice %arg5[%run_scoped3A_45, %dma_wait3A_761] : memref<2x400xi32, #tpu.memory_space<vmem>> -> memref<1x400xi32, #tpu.memory_space<vmem>>
      %dma_wait3A_763 = tpu.memref_squeeze %dma_wait3A_762 : memref<1x400xi32, #tpu.memory_space<vmem>> -> memref<400xi32, #tpu.memory_space<vmem>>
      %dma_wait3A_764 = tpu.memref_slice %arg3[%add3A_44] : memref<320000xi32, #tpu.memory_space<hbm>> -> memref<400xi32, #tpu.memory_space<hbm>>
      tpu.wait_dma2 semaphore(%run_scoped3A_748 : memref<!tpu.dma_semaphore, #tpu.memory_space<semaphore_mem>>) src(%dma_wait3A_764 : memref<400xi32, #tpu.memory_space<hbm>>) dst(%dma_wait3A_763 : memref<400xi32, #tpu.memory_space<vmem>>)
      tpu.yield
    }) : () -> ()
    %dma_start3A_46 = arith.constant 0 : i32
    %dma_start3A_47 = arith.constant 0 : i32
    %dma_start3A_48 = arith.constant 0 : i32
    %dma_start3A_49 = arith.constant 0 : i32
    %dma_start3A_50 = tpu.memref_slice %arg6[%dma_start3A_47, %dma_start3A_48, %dma_start3A_49] : memref<2x400x64xf32, #tpu.memory_space<vmem>> -> memref<1x400x64xf32, #tpu.memory_space<vmem>>
    %dma_start3A_51 = tpu.memref_squeeze %dma_start3A_50 : memref<1x400x64xf32, #tpu.memory_space<vmem>> -> memref<400x64xf32, #tpu.memory_space<vmem>>
    %dma_start3A_52 = arith.constant 0 : i32
    %dma_start3A_53 = tpu.memref_slice %arg5[%dma_start3A_46, %dma_start3A_52] : memref<2x400xi32, #tpu.memory_space<vmem>> -> memref<1x400xi32, #tpu.memory_space<vmem>>
    %dma_start3A_54 = tpu.memref_squeeze %dma_start3A_53 : memref<1x400xi32, #tpu.memory_space<vmem>> -> memref<400xi32, #tpu.memory_space<vmem>>
    %dma_start3A_55 = arith.constant 0 : i32
    %dma_start3A_56 = arith.constant 0 : i32
    %dma_start3A_57 = tpu.memref_slice %arg2[%dma_start3A_55, %dma_start3A_56] : memref<10000x64xf32, #tpu.memory_space<hbm>> -> memref<10000x64xf32, #tpu.memory_space<hbm>>
    tpu.enqueue_indirect_dma source(%dma_start3A_57 : memref<10000x64xf32, #tpu.memory_space<hbm>>) target(%dma_start3A_51 : memref<400x64xf32, #tpu.memory_space<vmem>>) offsets(%dma_start3A_54 : memref<400xi32, #tpu.memory_space<vmem>>) semaphore(%arg7 : memref<!tpu.dma_semaphore, #tpu.memory_space<semaphore_mem>>)
    %dma_wait3A_58 = arith.constant 1 : i32
    %dma_wait3A_59 = arith.constant 1 : i32
    %dma_wait3A_60 = arith.constant 0 : i32
    %dma_wait3A_61 = arith.constant 0 : i32
    %dma_wait3A_62 = tpu.memref_slice %arg6[%dma_wait3A_59, %dma_wait3A_60, %dma_wait3A_61] : memref<2x400x64xf32, #tpu.memory_space<vmem>> -> memref<1x400x64xf32, #tpu.memory_space<vmem>>
    %dma_wait3A_63 = tpu.memref_squeeze %dma_wait3A_62 : memref<1x400x64xf32, #tpu.memory_space<vmem>> -> memref<400x64xf32, #tpu.memory_space<vmem>>
    %dma_wait3A_64 = arith.constant 0 : i32
    %dma_wait3A_65 = tpu.memref_slice %arg5[%dma_wait3A_58, %dma_wait3A_64] : memref<2x400xi32, #tpu.memory_space<vmem>> -> memref<1x400xi32, #tpu.memory_space<vmem>>
    %dma_wait3A_66 = tpu.memref_squeeze %dma_wait3A_65 : memref<1x400xi32, #tpu.memory_space<vmem>> -> memref<400xi32, #tpu.memory_space<vmem>>
    %dma_wait3A_67 = arith.constant 0 : i32
    %dma_wait3A_68 = arith.constant 0 : i32
    %dma_wait3A_69 = tpu.memref_slice %arg2[%dma_wait3A_67, %dma_wait3A_68] : memref<10000x64xf32, #tpu.memory_space<hbm>> -> memref<10000x64xf32, #tpu.memory_space<hbm>>
    tpu.wait_indirect_dma semaphore(%arg7 : memref<!tpu.dma_semaphore, #tpu.memory_space<semaphore_mem>>) src(%dma_wait3A_69 : memref<10000x64xf32, #tpu.memory_space<hbm>>) dst(%dma_wait3A_63 : memref<400x64xf32, #tpu.memory_space<vmem>>)
    %add3A_70 = arith.constant 400 : i32
    %add3A_71 = arith.addi %mul3A_2, %add3A_70 : i32
    %run_scoped3A_72 = arith.constant 1 : i32
    "tpu.region"() ({
      %run_scoped3A_748 = tpu.sem_alloc : memref<!tpu.dma_semaphore, #tpu.memory_space<semaphore_mem>>
      %dma_start3A_749 = arith.constant 0 : i32
      %dma_start3A_750 = arith.constant 0 : i32
      %dma_start3A_751 = tpu.memref_slice %arg6[%run_scoped3A_72, %dma_start3A_749, %dma_start3A_750] : memref<2x400x64xf32, #tpu.memory_space<vmem>> -> memref<1x400x64xf32, #tpu.memory_space<vmem>>
      %dma_start3A_752 = tpu.memref_squeeze %dma_start3A_751 : memref<1x400x64xf32, #tpu.memory_space<vmem>> -> memref<400x64xf32, #tpu.memory_space<vmem>>
      %dma_start3A_753 = arith.constant 0 : i32
      %dma_start3A_754 = tpu.memref_slice %arg4[%add3A_71, %dma_start3A_753] : memref<320000x64xf32, #tpu.memory_space<hbm>> -> memref<400x64xf32, #tpu.memory_space<hbm>>
      %dma_start3A_755 = arith.constant 0 : i32
      %dma_start3A_756 = tpu.memref_slice %arg4[%add3A_71, %dma_start3A_755] : memref<320000x64xf32, #tpu.memory_space<hbm>> -> memref<400x64xf32, #tpu.memory_space<hbm>>
      %dma_start3A_757 = arith.constant 0 : i32
      %dma_start3A_758 = arith.constant 0 : i32
      %dma_start3A_759 = tpu.memref_slice %arg6[%run_scoped3A_72, %dma_start3A_757, %dma_start3A_758] : memref<2x400x64xf32, #tpu.memory_space<vmem>> -> memref<1x400x64xf32, #tpu.memory_space<vmem>>
      %dma_start3A_760 = tpu.memref_squeeze %dma_start3A_759 : memref<1x400x64xf32, #tpu.memory_space<vmem>> -> memref<400x64xf32, #tpu.memory_space<vmem>>
      tpu.enqueue_dma source(%dma_start3A_760 : memref<400x64xf32, #tpu.memory_space<vmem>>) target(%dma_start3A_756 : memref<400x64xf32, #tpu.memory_space<hbm>>) target_semaphore(%run_scoped3A_748 : memref<!tpu.dma_semaphore, #tpu.memory_space<semaphore_mem>>)
      %dma_wait3A_761 = arith.constant 0 : i32
      %dma_wait3A_762 = arith.constant 0 : i32
      %dma_wait3A_763 = tpu.memref_slice %arg6[%run_scoped3A_72, %dma_wait3A_761, %dma_wait3A_762] : memref<2x400x64xf32, #tpu.memory_space<vmem>> -> memref<1x400x64xf32, #tpu.memory_space<vmem>>
      %dma_wait3A_764 = tpu.memref_squeeze %dma_wait3A_763 : memref<1x400x64xf32, #tpu.memory_space<vmem>> -> memref<400x64xf32, #tpu.memory_space<vmem>>
      %dma_wait3A_765 = arith.constant 0 : i32
      %dma_wait3A_766 = tpu.memref_slice %arg4[%add3A_71, %dma_wait3A_765] : memref<320000x64xf32, #tpu.memory_space<hbm>> -> memref<400x64xf32, #tpu.memory_space<hbm>>
      %dma_wait3A_767 = arith.constant 0 : i32
      %dma_wait3A_768 = tpu.memref_slice %arg4[%add3A_71, %dma_wait3A_767] : memref<320000x64xf32, #tpu.memory_space<hbm>> -> memref<400x64xf32, #tpu.memory_space<hbm>>
      %dma_wait3A_769 = arith.constant 0 : i32
      %dma_wait3A_770 = arith.constant 0 : i32
      %dma_wait3A_771 = tpu.memref_slice %arg6[%run_scoped3A_72, %dma_wait3A_769, %dma_wait3A_770] : memref<2x400x64xf32, #tpu.memory_space<vmem>> -> memref<1x400x64xf32, #tpu.memory_space<vmem>>
      %dma_wait3A_772 = tpu.memref_squeeze %dma_wait3A_771 : memref<1x400x64xf32, #tpu.memory_space<vmem>> -> memref<400x64xf32, #tpu.memory_space<vmem>>
      tpu.wait_dma2 semaphore(%run_scoped3A_748 : memref<!tpu.dma_semaphore, #tpu.memory_space<semaphore_mem>>) src(%dma_wait3A_772 : memref<400x64xf32, #tpu.memory_space<vmem>>) dst(%dma_wait3A_768 : memref<400x64xf32, #tpu.memory_space<hbm>>)
      tpu.yield
    }) : () -> ()
    %add3A_73 = arith.constant 1200 : i32
    %add3A_74 = arith.addi %mul3A_2, %add3A_73 : i32
    %run_scoped3A_75 = arith.constant 1 : i32
    "tpu.region"() ({
      %run_scoped3A_748 = tpu.sem_alloc : memref<!tpu.dma_semaphore, #tpu.memory_space<semaphore_mem>>
      %dma_start3A_749 = arith.constant 0 : i32
      %dma_start3A_750 = tpu.memref_slice %arg5[%run_scoped3A_75, %dma_start3A_749] : memref<2x400xi32, #tpu.memory_space<vmem>> -> memref<1x400xi32, #tpu.memory_space<vmem>>
      %dma_start3A_751 = tpu.memref_squeeze %dma_start3A_750 : memref<1x400xi32, #tpu.memory_space<vmem>> -> memref<400xi32, #tpu.memory_space<vmem>>
      %dma_start3A_752 = tpu.memref_slice %arg3[%add3A_74] : memref<320000xi32, #tpu.memory_space<hbm>> -> memref<400xi32, #tpu.memory_space<hbm>>
      %dma_start3A_753 = arith.constant 0 : i32
      %dma_start3A_754 = tpu.memref_slice %arg5[%run_scoped3A_75, %dma_start3A_753] : memref<2x400xi32, #tpu.memory_space<vmem>> -> memref<1x400xi32, #tpu.memory_space<vmem>>
      %dma_start3A_755 = tpu.memref_squeeze %dma_start3A_754 : memref<1x400xi32, #tpu.memory_space<vmem>> -> memref<400xi32, #tpu.memory_space<vmem>>
      %dma_start3A_756 = tpu.memref_slice %arg3[%add3A_74] : memref<320000xi32, #tpu.memory_space<hbm>> -> memref<400xi32, #tpu.memory_space<hbm>>
      tpu.enqueue_dma source(%dma_start3A_756 : memref<400xi32, #tpu.memory_space<hbm>>) target(%dma_start3A_755 : memref<400xi32, #tpu.memory_space<vmem>>) target_semaphore(%run_scoped3A_748 : memref<!tpu.dma_semaphore, #tpu.memory_space<semaphore_mem>>)
      %dma_wait3A_757 = arith.constant 0 : i32
      %dma_wait3A_758 = tpu.memref_slice %arg5[%run_scoped3A_75, %dma_wait3A_757] : memref<2x400xi32, #tpu.memory_space<vmem>> -> memref<1x400xi32, #tpu.memory_space<vmem>>
      %dma_wait3A_759 = tpu.memref_squeeze %dma_wait3A_758 : memref<1x400xi32, #tpu.memory_space<vmem>> -> memref<400xi32, #tpu.memory_space<vmem>>
      %dma_wait3A_760 = tpu.memref_slice %arg3[%add3A_74] : memref<320000xi32, #tpu.memory_space<hbm>> -> memref<400xi32, #tpu.memory_space<hbm>>
      %dma_wait3A_761 = arith.constant 0 : i32
      %dma_wait3A_762 = tpu.memref_slice %arg5[%run_scoped3A_75, %dma_wait3A_761] : memref<2x400xi32, #tpu.memory_space<vmem>> -> memref<1x400xi32, #tpu.memory_space<vmem>>
      %dma_wait3A_763 = tpu.memref_squeeze %dma_wait3A_762 : memref<1x400xi32, #tpu.memory_space<vmem>> -> memref<400xi32, #tpu.memory_space<vmem>>
      %dma_wait3A_764 = tpu.memref_slice %arg3[%add3A_74] : memref<320000xi32, #tpu.memory_space<hbm>> -> memref<400xi32, #tpu.memory_space<hbm>>
      tpu.wait_dma2 semaphore(%run_scoped3A_748 : memref<!tpu.dma_semaphore, #tpu.memory_space<semaphore_mem>>) src(%dma_wait3A_764 : memref<400xi32, #tpu.memory_space<hbm>>) dst(%dma_wait3A_763 : memref<400xi32, #tpu.memory_space<vmem>>)
      tpu.yield
    }) : () -> ()
    %dma_start3A_76 = arith.constant 1 : i32
    %dma_start3A_77 = arith.constant 1 : i32
    %dma_start3A_78 = arith.constant 0 : i32
    %dma_start3A_79 = arith.constant 0 : i32
    %dma_start3A_80 = tpu.memref_slice %arg6[%dma_start3A_77, %dma_start3A_78, %dma_start3A_79] : memref<2x400x64xf32, #tpu.memory_space<vmem>> -> memref<1x400x64xf32, #tpu.memory_space<vmem>>
    %dma_start3A_81 = tpu.memref_squeeze %dma_start3A_80 : memref<1x400x64xf32, #tpu.memory_space<vmem>> -> memref<400x64xf32, #tpu.memory_space<vmem>>
    %dma_start3A_82 = arith.constant 0 : i32
    %dma_start3A_83 = tpu.memref_slice %arg5[%dma_start3A_76, %dma_start3A_82] : memref<2x400xi32, #tpu.memory_space<vmem>> -> memref<1x400xi32, #tpu.memory_space<vmem>>
    %dma_start3A_84 = tpu.memref_squeeze %dma_start3A_83 : memref<1x400xi32, #tpu.memory_space<vmem>> -> memref<400xi32, #tpu.memory_space<vmem>>
    %dma_start3A_85 = arith.constant 0 : i32
    %dma_start3A_86 = arith.constant 0 : i32
    %dma_start3A_87 = tpu.memref_slice %arg2[%dma_start3A_85, %dma_start3A_86] : memref<10000x64xf32, #tpu.memory_space<hbm>> -> memref<10000x64xf32, #tpu.memory_space<hbm>>
    tpu.enqueue_indirect_dma source(%dma_start3A_87 : memref<10000x64xf32, #tpu.memory_space<hbm>>) target(%dma_start3A_81 : memref<400x64xf32, #tpu.memory_space<vmem>>) offsets(%dma_start3A_84 : memref<400xi32, #tpu.memory_space<vmem>>) semaphore(%arg7 : memref<!tpu.dma_semaphore, #tpu.memory_space<semaphore_mem>>)
    %dma_wait3A_88 = arith.constant 0 : i32
    %dma_wait3A_89 = arith.constant 0 : i32
    %dma_wait3A_90 = arith.constant 0 : i32
    %dma_wait3A_91 = arith.constant 0 : i32
    %dma_wait3A_92 = tpu.memref_slice %arg6[%dma_wait3A_89, %dma_wait3A_90, %dma_wait3A_91] : memref<2x400x64xf32, #tpu.memory_space<vmem>> -> memref<1x400x64xf32, #tpu.memory_space<vmem>>
    %dma_wait3A_93 = tpu.memref_squeeze %dma_wait3A_92 : memref<1x400x64xf32, #tpu.memory_space<vmem>> -> memref<400x64xf32, #tpu.memory_space<vmem>>
    %dma_wait3A_94 = arith.constant 0 : i32
    %dma_wait3A_95 = tpu.memref_slice %arg5[%dma_wait3A_88, %dma_wait3A_94] : memref<2x400xi32, #tpu.memory_space<vmem>> -> memref<1x400xi32, #tpu.memory_space<vmem>>
    %dma_wait3A_96 = tpu.memref_squeeze %dma_wait3A_95 : memref<1x400xi32, #tpu.memory_space<vmem>> -> memref<400xi32, #tpu.memory_space<vmem>>
    %dma_wait3A_97 = arith.constant 0 : i32
    %dma_wait3A_98 = arith.constant 0 : i32
    %dma_wait3A_99 = tpu.memref_slice %arg2[%dma_wait3A_97, %dma_wait3A_98] : memref<10000x64xf32, #tpu.memory_space<hbm>> -> memref<10000x64xf32, #tpu.memory_space<hbm>>
    tpu.wait_indirect_dma semaphore(%arg7 : memref<!tpu.dma_semaphore, #tpu.memory_space<semaphore_mem>>) src(%dma_wait3A_99 : memref<10000x64xf32, #tpu.memory_space<hbm>>) dst(%dma_wait3A_93 : memref<400x64xf32, #tpu.memory_space<vmem>>)
    %add3A_100 = arith.constant 800 : i32
    %add3A_101 = arith.addi %mul3A_2, %add3A_100 : i32
    %run_scoped3A_102 = arith.constant 0 : i32
    "tpu.region"() ({
      %run_scoped3A_748 = tpu.sem_alloc : memref<!tpu.dma_semaphore, #tpu.memory_space<semaphore_mem>>
      %dma_start3A_749 = arith.constant 0 : i32
      %dma_start3A_750 = arith.constant 0 : i32
      %dma_start3A_751 = tpu.memref_slice %arg6[%run_scoped3A_102, %dma_start3A_749, %dma_start3A_750] : memref<2x400x64xf32, #tpu.memory_space<vmem>> -> memref<1x400x64xf32, #tpu.memory_space<vmem>>
      %dma_start3A_752 = tpu.memref_squeeze %dma_start3A_751 : memref<1x400x64xf32, #tpu.memory_space<vmem>> -> memref<400x64xf32, #tpu.memory_space<vmem>>
      %dma_start3A_753 = arith.constant 0 : i32
      %dma_start3A_754 = tpu.memref_slice %arg4[%add3A_101, %dma_start3A_753] : memref<320000x64xf32, #tpu.memory_space<hbm>> -> memref<400x64xf32, #tpu.memory_space<hbm>>
      %dma_start3A_755 = arith.constant 0 : i32
      %dma_start3A_756 = tpu.memref_slice %arg4[%add3A_101, %dma_start3A_755] : memref<320000x64xf32, #tpu.memory_space<hbm>> -> memref<400x64xf32, #tpu.memory_space<hbm>>
      %dma_start3A_757 = arith.constant 0 : i32
      %dma_start3A_758 = arith.constant 0 : i32
      %dma_start3A_759 = tpu.memref_slice %arg6[%run_scoped3A_102, %dma_start3A_757, %dma_start3A_758] : memref<2x400x64xf32, #tpu.memory_space<vmem>> -> memref<1x400x64xf32, #tpu.memory_space<vmem>>
      %dma_start3A_760 = tpu.memref_squeeze %dma_start3A_759 : memref<1x400x64xf32, #tpu.memory_space<vmem>> -> memref<400x64xf32, #tpu.memory_space<vmem>>
      tpu.enqueue_dma source(%dma_start3A_760 : memref<400x64xf32, #tpu.memory_space<vmem>>) target(%dma_start3A_756 : memref<400x64xf32, #tpu.memory_space<hbm>>) target_semaphore(%run_scoped3A_748 : memref<!tpu.dma_semaphore, #tpu.memory_space<semaphore_mem>>)
      %dma_wait3A_761 = arith.constant 0 : i32
      %dma_wait3A_762 = arith.constant 0 : i32
      %dma_wait3A_763 = tpu.memref_slice %arg6[%run_scoped3A_102, %dma_wait3A_761, %dma_wait3A_762] : memref<2x400x64xf32, #tpu.memory_space<vmem>> -> memref<1x400x64xf32, #tpu.memory_space<vmem>>
      %dma_wait3A_764 = tpu.memref_squeeze %dma_wait3A_763 : memref<1x400x64xf32, #tpu.memory_space<vmem>> -> memref<400x64xf32, #tpu.memory_space<vmem>>
      %dma_wait3A_765 = arith.constant 0 : i32
      %dma_wait3A_766 = tpu.memref_slice %arg4[%add3A_101, %dma_wait3A_765] : memref<320000x64xf32, #tpu.memory_space<hbm>> -> memref<400x64xf32, #tpu.memory_space<hbm>>
      %dma_wait3A_767 = arith.constant 0 : i32
      %dma_wait3A_768 = tpu.memref_slice %arg4[%add3A_101, %dma_wait3A_767] : memref<320000x64xf32, #tpu.memory_space<hbm>> -> memref<400x64xf32, #tpu.memory_space<hbm>>
      %dma_wait3A_769 = arith.constant 0 : i32
      %dma_wait3A_770 = arith.constant 0 : i32
      %dma_wait3A_771 = tpu.memref_slice %arg6[%run_scoped3A_102, %dma_wait3A_769, %dma_wait3A_770] : memref<2x400x64xf32, #tpu.memory_space<vmem>> -> memref<1x400x64xf32, #tpu.memory_space<vmem>>
      %dma_wait3A_772 = tpu.memref_squeeze %dma_wait3A_771 : memref<1x400x64xf32, #tpu.memory_space<vmem>> -> memref<400x64xf32, #tpu.memory_space<vmem>>
      tpu.wait_dma2 semaphore(%run_scoped3A_748 : memref<!tpu.dma_semaphore, #tpu.memory_space<semaphore_mem>>) src(%dma_wait3A_772 : memref<400x64xf32, #tpu.memory_space<vmem>>) dst(%dma_wait3A_768 : memref<400x64xf32, #tpu.memory_space<hbm>>)
      tpu.yield
    }) : () -> ()
    %add3A_103 = arith.constant 1600 : i32
    %add3A_104 = arith.addi %mul3A_2, %add3A_103 : i32
    %run_scoped3A_105 = arith.constant 0 : i32
    "tpu.region"() ({
      %run_scoped3A_748 = tpu.sem_alloc : memref<!tpu.dma_semaphore, #tpu.memory_space<semaphore_mem>>
      %dma_start3A_749 = arith.constant 0 : i32
      %dma_start3A_750 = tpu.memref_slice %arg5[%run_scoped3A_105, %dma_start3A_749] : memref<2x400xi32, #tpu.memory_space<vmem>> -> memref<1x400xi32, #tpu.memory_space<vmem>>
      %dma_start3A_751 = tpu.memref_squeeze %dma_start3A_750 : memref<1x400xi32, #tpu.memory_space<vmem>> -> memref<400xi32, #tpu.memory_space<vmem>>
      %dma_start3A_752 = tpu.memref_slice %arg3[%add3A_104] : memref<320000xi32, #tpu.memory_space<hbm>> -> memref<400xi32, #tpu.memory_space<hbm>>
      %dma_start3A_753 = arith.constant 0 : i32
      %dma_start3A_754 = tpu.memref_slice %arg5[%run_scoped3A_105, %dma_start3A_753] : memref<2x400xi32, #tpu.memory_space<vmem>> -> memref<1x400xi32, #tpu.memory_space<vmem>>
      %dma_start3A_755 = tpu.memref_squeeze %dma_start3A_754 : memref<1x400xi32, #tpu.memory_space<vmem>> -> memref<400xi32, #tpu.memory_space<vmem>>
      %dma_start3A_756 = tpu.memref_slice %arg3[%add3A_104] : memref<320000xi32, #tpu.memory_space<hbm>> -> memref<400xi32, #tpu.memory_space<hbm>>
      tpu.enqueue_dma source(%dma_start3A_756 : memref<400xi32, #tpu.memory_space<hbm>>) target(%dma_start3A_755 : memref<400xi32, #tpu.memory_space<vmem>>) target_semaphore(%run_scoped3A_748 : memref<!tpu.dma_semaphore, #tpu.memory_space<semaphore_mem>>)
      %dma_wait3A_757 = arith.constant 0 : i32
      %dma_wait3A_758 = tpu.memref_slice %arg5[%run_scoped3A_105, %dma_wait3A_757] : memref<2x400xi32, #tpu.memory_space<vmem>> -> memref<1x400xi32, #tpu.memory_space<vmem>>
      %dma_wait3A_759 = tpu.memref_squeeze %dma_wait3A_758 : memref<1x400xi32, #tpu.memory_space<vmem>> -> memref<400xi32, #tpu.memory_space<vmem>>
      %dma_wait3A_760 = tpu.memref_slice %arg3[%add3A_104] : memref<320000xi32, #tpu.memory_space<hbm>> -> memref<400xi32, #tpu.memory_space<hbm>>
      %dma_wait3A_761 = arith.constant 0 : i32
      %dma_wait3A_762 = tpu.memref_slice %arg5[%run_scoped3A_105, %dma_wait3A_761] : memref<2x400xi32, #tpu.memory_space<vmem>> -> memref<1x400xi32, #tpu.memory_space<vmem>>
      %dma_wait3A_763 = tpu.memref_squeeze %dma_wait3A_762 : memref<1x400xi32, #tpu.memory_space<vmem>> -> memref<400xi32, #tpu.memory_space<vmem>>
      %dma_wait3A_764 = tpu.memref_slice %arg3[%add3A_104] : memref<320000xi32, #tpu.memory_space<hbm>> -> memref<400xi32, #tpu.memory_space<hbm>>
      tpu.wait_dma2 semaphore(%run_scoped3A_748 : memref<!tpu.dma_semaphore, #tpu.memory_space<semaphore_mem>>) src(%dma_wait3A_764 : memref<400xi32, #tpu.memory_space<hbm>>) dst(%dma_wait3A_763 : memref<400xi32, #tpu.memory_space<vmem>>)
      tpu.yield
    }) : () -> ()
    %dma_start3A_106 = arith.constant 0 : i32
    %dma_start3A_107 = arith.constant 0 : i32
    %dma_start3A_108 = arith.constant 0 : i32
    %dma_start3A_109 = arith.constant 0 : i32
    %dma_start3A_110 = tpu.memref_slice %arg6[%dma_start3A_107, %dma_start3A_108, %dma_start3A_109] : memref<2x400x64xf32, #tpu.memory_space<vmem>> -> memref<1x400x64xf32, #tpu.memory_space<vmem>>
    %dma_start3A_111 = tpu.memref_squeeze %dma_start3A_110 : memref<1x400x64xf32, #tpu.memory_space<vmem>> -> memref<400x64xf32, #tpu.memory_space<vmem>>
    %dma_start3A_112 = arith.constant 0 : i32
    %dma_start3A_113 = tpu.memref_slice %arg5[%dma_start3A_106, %dma_start3A_112] : memref<2x400xi32, #tpu.memory_space<vmem>> -> memref<1x400xi32, #tpu.memory_space<vmem>>
    %dma_start3A_114 = tpu.memref_squeeze %dma_start3A_113 : memref<1x400xi32, #tpu.memory_space<vmem>> -> memref<400xi32, #tpu.memory_space<vmem>>
    %dma_start3A_115 = arith.constant 0 : i32
    %dma_start3A_116 = arith.constant 0 : i32
    %dma_start3A_117 = tpu.memref_slice %arg2[%dma_start3A_115, %dma_start3A_116] : memref<10000x64xf32, #tpu.memory_space<hbm>> -> memref<10000x64xf32, #tpu.memory_space<hbm>>
    tpu.enqueue_indirect_dma source(%dma_start3A_117 : memref<10000x64xf32, #tpu.memory_space<hbm>>) target(%dma_start3A_111 : memref<400x64xf32, #tpu.memory_space<vmem>>) offsets(%dma_start3A_114 : memref<400xi32, #tpu.memory_space<vmem>>) semaphore(%arg7 : memref<!tpu.dma_semaphore, #tpu.memory_space<semaphore_mem>>)
    %dma_wait3A_118 = arith.constant 1 : i32
    %dma_wait3A_119 = arith.constant 1 : i32
    %dma_wait3A_120 = arith.constant 0 : i32
    %dma_wait3A_121 = arith.constant 0 : i32
    %dma_wait3A_122 = tpu.memref_slice %arg6[%dma_wait3A_119, %dma_wait3A_120, %dma_wait3A_121] : memref<2x400x64xf32, #tpu.memory_space<vmem>> -> memref<1x400x64xf32, #tpu.memory_space<vmem>>
    %dma_wait3A_123 = tpu.memref_squeeze %dma_wait3A_122 : memref<1x400x64xf32, #tpu.memory_space<vmem>> -> memref<400x64xf32, #tpu.memory_space<vmem>>
    %dma_wait3A_124 = arith.constant 0 : i32
    %dma_wait3A_125 = tpu.memref_slice %arg5[%dma_wait3A_118, %dma_wait3A_124] : memref<2x400xi32, #tpu.memory_space<vmem>> -> memref<1x400xi32, #tpu.memory_space<vmem>>
    %dma_wait3A_126 = tpu.memref_squeeze %dma_wait3A_125 : memref<1x400xi32, #tpu.memory_space<vmem>> -> memref<400xi32, #tpu.memory_space<vmem>>
    %dma_wait3A_127 = arith.constant 0 : i32
    %dma_wait3A_128 = arith.constant 0 : i32
    %dma_wait3A_129 = tpu.memref_slice %arg2[%dma_wait3A_127, %dma_wait3A_128] : memref<10000x64xf32, #tpu.memory_space<hbm>> -> memref<10000x64xf32, #tpu.memory_space<hbm>>
    tpu.wait_indirect_dma semaphore(%arg7 : memref<!tpu.dma_semaphore, #tpu.memory_space<semaphore_mem>>) src(%dma_wait3A_129 : memref<10000x64xf32, #tpu.memory_space<hbm>>) dst(%dma_wait3A_123 : memref<400x64xf32, #tpu.memory_space<vmem>>)
    %add3A_130 = arith.constant 1200 : i32
    %add3A_131 = arith.addi %mul3A_2, %add3A_130 : i32
    %run_scoped3A_132 = arith.constant 1 : i32
    "tpu.region"() ({
      %run_scoped3A_748 = tpu.sem_alloc : memref<!tpu.dma_semaphore, #tpu.memory_space<semaphore_mem>>
      %dma_start3A_749 = arith.constant 0 : i32
      %dma_start3A_750 = arith.constant 0 : i32
      %dma_start3A_751 = tpu.memref_slice %arg6[%run_scoped3A_132, %dma_start3A_749, %dma_start3A_750] : memref<2x400x64xf32, #tpu.memory_space<vmem>> -> memref<1x400x64xf32, #tpu.memory_space<vmem>>
      %dma_start3A_752 = tpu.memref_squeeze %dma_start3A_751 : memref<1x400x64xf32, #tpu.memory_space<vmem>> -> memref<400x64xf32, #tpu.memory_space<vmem>>
      %dma_start3A_753 = arith.constant 0 : i32
      %dma_start3A_754 = tpu.memref_slice %arg4[%add3A_131, %dma_start3A_753] : memref<320000x64xf32, #tpu.memory_space<hbm>> -> memref<400x64xf32, #tpu.memory_space<hbm>>
      %dma_start3A_755 = arith.constant 0 : i32
      %dma_start3A_756 = tpu.memref_slice %arg4[%add3A_131, %dma_start3A_755] : memref<320000x64xf32, #tpu.memory_space<hbm>> -> memref<400x64xf32, #tpu.memory_space<hbm>>
      %dma_start3A_757 = arith.constant 0 : i32
      %dma_start3A_758 = arith.constant 0 : i32
      %dma_start3A_759 = tpu.memref_slice %arg6[%run_scoped3A_132, %dma_start3A_757, %dma_start3A_758] : memref<2x400x64xf32, #tpu.memory_space<vmem>> -> memref<1x400x64xf32, #tpu.memory_space<vmem>>
      %dma_start3A_760 = tpu.memref_squeeze %dma_start3A_759 : memref<1x400x64xf32, #tpu.memory_space<vmem>> -> memref<400x64xf32, #tpu.memory_space<vmem>>
      tpu.enqueue_dma source(%dma_start3A_760 : memref<400x64xf32, #tpu.memory_space<vmem>>) target(%dma_start3A_756 : memref<400x64xf32, #tpu.memory_space<hbm>>) target_semaphore(%run_scoped3A_748 : memref<!tpu.dma_semaphore, #tpu.memory_space<semaphore_mem>>)
      %dma_wait3A_761 = arith.constant 0 : i32
      %dma_wait3A_762 = arith.constant 0 : i32
      %dma_wait3A_763 = tpu.memref_slice %arg6[%run_scoped3A_132, %dma_wait3A_761, %dma_wait3A_762] : memref<2x400x64xf32, #tpu.memory_space<vmem>> -> memref<1x400x64xf32, #tpu.memory_space<vmem>>
      %dma_wait3A_764 = tpu.memref_squeeze %dma_wait3A_763 : memref<1x400x64xf32, #tpu.memory_space<vmem>> -> memref<400x64xf32, #tpu.memory_space<vmem>>
      %dma_wait3A_765 = arith.constant 0 : i32
      %dma_wait3A_766 = tpu.memref_slice %arg4[%add3A_131, %dma_wait3A_765] : memref<320000x64xf32, #tpu.memory_space<hbm>> -> memref<400x64xf32, #tpu.memory_space<hbm>>
      %dma_wait3A_767 = arith.constant 0 : i32
      %dma_wait3A_768 = tpu.memref_slice %arg4[%add3A_131, %dma_wait3A_767] : memref<320000x64xf32, #tpu.memory_space<hbm>> -> memref<400x64xf32, #tpu.memory_space<hbm>>
      %dma_wait3A_769 = arith.constant 0 : i32
      %dma_wait3A_770 = arith.constant 0 : i32
      %dma_wait3A_771 = tpu.memref_slice %arg6[%run_scoped3A_132, %dma_wait3A_769, %dma_wait3A_770] : memref<2x400x64xf32, #tpu.memory_space<vmem>> -> memref<1x400x64xf32, #tpu.memory_space<vmem>>
      %dma_wait3A_772 = tpu.memref_squeeze %dma_wait3A_771 : memref<1x400x64xf32, #tpu.memory_space<vmem>> -> memref<400x64xf32, #tpu.memory_space<vmem>>
      tpu.wait_dma2 semaphore(%run_scoped3A_748 : memref<!tpu.dma_semaphore, #tpu.memory_space<semaphore_mem>>) src(%dma_wait3A_772 : memref<400x64xf32, #tpu.memory_space<vmem>>) dst(%dma_wait3A_768 : memref<400x64xf32, #tpu.memory_space<hbm>>)
      tpu.yield
    }) : () -> ()
    %add3A_133 = arith.constant 2000 : i32
    %add3A_134 = arith.addi %mul3A_2, %add3A_133 : i32
    %run_scoped3A_135 = arith.constant 1 : i32
    "tpu.region"() ({
      %run_scoped3A_748 = tpu.sem_alloc : memref<!tpu.dma_semaphore, #tpu.memory_space<semaphore_mem>>
      %dma_start3A_749 = arith.constant 0 : i32
      %dma_start3A_750 = tpu.memref_slice %arg5[%run_scoped3A_135, %dma_start3A_749] : memref<2x400xi32, #tpu.memory_space<vmem>> -> memref<1x400xi32, #tpu.memory_space<vmem>>
      %dma_start3A_751 = tpu.memref_squeeze %dma_start3A_750 : memref<1x400xi32, #tpu.memory_space<vmem>> -> memref<400xi32, #tpu.memory_space<vmem>>
      %dma_start3A_752 = tpu.memref_slice %arg3[%add3A_134] : memref<320000xi32, #tpu.memory_space<hbm>> -> memref<400xi32, #tpu.memory_space<hbm>>
      %dma_start3A_753 = arith.constant 0 : i32
      %dma_start3A_754 = tpu.memref_slice %arg5[%run_scoped3A_135, %dma_start3A_753] : memref<2x400xi32, #tpu.memory_space<vmem>> -> memref<1x400xi32, #tpu.memory_space<vmem>>
      %dma_start3A_755 = tpu.memref_squeeze %dma_start3A_754 : memref<1x400xi32, #tpu.memory_space<vmem>> -> memref<400xi32, #tpu.memory_space<vmem>>
      %dma_start3A_756 = tpu.memref_slice %arg3[%add3A_134] : memref<320000xi32, #tpu.memory_space<hbm>> -> memref<400xi32, #tpu.memory_space<hbm>>
      tpu.enqueue_dma source(%dma_start3A_756 : memref<400xi32, #tpu.memory_space<hbm>>) target(%dma_start3A_755 : memref<400xi32, #tpu.memory_space<vmem>>) target_semaphore(%run_scoped3A_748 : memref<!tpu.dma_semaphore, #tpu.memory_space<semaphore_mem>>)
      %dma_wait3A_757 = arith.constant 0 : i32
      %dma_wait3A_758 = tpu.memref_slice %arg5[%run_scoped3A_135, %dma_wait3A_757] : memref<2x400xi32, #tpu.memory_space<vmem>> -> memref<1x400xi32, #tpu.memory_space<vmem>>
      %dma_wait3A_759 = tpu.memref_squeeze %dma_wait3A_758 : memref<1x400xi32, #tpu.memory_space<vmem>> -> memref<400xi32, #tpu.memory_space<vmem>>
      %dma_wait3A_760 = tpu.memref_slice %arg3[%add3A_134] : memref<320000xi32, #tpu.memory_space<hbm>> -> memref<400xi32, #tpu.memory_space<hbm>>
      %dma_wait3A_761 = arith.constant 0 : i32
      %dma_wait3A_762 = tpu.memref_slice %arg5[%run_scoped3A_135, %dma_wait3A_761] : memref<2x400xi32, #tpu.memory_space<vmem>> -> memref<1x400xi32, #tpu.memory_space<vmem>>
      %dma_wait3A_763 = tpu.memref_squeeze %dma_wait3A_762 : memref<1x400xi32, #tpu.memory_space<vmem>> -> memref<400xi32, #tpu.memory_space<vmem>>
      %dma_wait3A_764 = tpu.memref_slice %arg3[%add3A_134] : memref<320000xi32, #tpu.memory_space<hbm>> -> memref<400xi32, #tpu.memory_space<hbm>>
      tpu.wait_dma2 semaphore(%run_scoped3A_748 : memref<!tpu.dma_semaphore, #tpu.memory_space<semaphore_mem>>) src(%dma_wait3A_764 : memref<400xi32, #tpu.memory_space<hbm>>) dst(%dma_wait3A_763 : memref<400xi32, #tpu.memory_space<vmem>>)
      tpu.yield
    }) : () -> ()
    %dma_start3A_136 = arith.constant 1 : i32
    %dma_start3A_137 = arith.constant 1 : i32
    %dma_start3A_138 = arith.constant 0 : i32
    %dma_start3A_139 = arith.constant 0 : i32
    %dma_start3A_140 = tpu.memref_slice %arg6[%dma_start3A_137, %dma_start3A_138, %dma_start3A_139] : memref<2x400x64xf32, #tpu.memory_space<vmem>> -> memref<1x400x64xf32, #tpu.memory_space<vmem>>
    %dma_start3A_141 = tpu.memref_squeeze %dma_start3A_140 : memref<1x400x64xf32, #tpu.memory_space<vmem>> -> memref<400x64xf32, #tpu.memory_space<vmem>>
    %dma_start3A_142 = arith.constant 0 : i32
    %dma_start3A_143 = tpu.memref_slice %arg5[%dma_start3A_136, %dma_start3A_142] : memref<2x400xi32, #tpu.memory_space<vmem>> -> memref<1x400xi32, #tpu.memory_space<vmem>>
    %dma_start3A_144 = tpu.memref_squeeze %dma_start3A_143 : memref<1x400xi32, #tpu.memory_space<vmem>> -> memref<400xi32, #tpu.memory_space<vmem>>
    %dma_start3A_145 = arith.constant 0 : i32
    %dma_start3A_146 = arith.constant 0 : i32
    %dma_start3A_147 = tpu.memref_slice %arg2[%dma_start3A_145, %dma_start3A_146] : memref<10000x64xf32, #tpu.memory_space<hbm>> -> memref<10000x64xf32, #tpu.memory_space<hbm>>
    tpu.enqueue_indirect_dma source(%dma_start3A_147 : memref<10000x64xf32, #tpu.memory_space<hbm>>) target(%dma_start3A_141 : memref<400x64xf32, #tpu.memory_space<vmem>>) offsets(%dma_start3A_144 : memref<400xi32, #tpu.memory_space<vmem>>) semaphore(%arg7 : memref<!tpu.dma_semaphore, #tpu.memory_space<semaphore_mem>>)
    %dma_wait3A_148 = arith.constant 0 : i32
    %dma_wait3A_149 = arith.constant 0 : i32
    %dma_wait3A_150 = arith.constant 0 : i32
    %dma_wait3A_151 = arith.constant 0 : i32
    %dma_wait3A_152 = tpu.memref_slice %arg6[%dma_wait3A_149, %dma_wait3A_150, %dma_wait3A_151] : memref<2x400x64xf32, #tpu.memory_space<vmem>> -> memref<1x400x64xf32, #tpu.memory_space<vmem>>
    %dma_wait3A_153 = tpu.memref_squeeze %dma_wait3A_152 : memref<1x400x64xf32, #tpu.memory_space<vmem>> -> memref<400x64xf32, #tpu.memory_space<vmem>>
    %dma_wait3A_154 = arith.constant 0 : i32
    %dma_wait3A_155 = tpu.memref_slice %arg5[%dma_wait3A_148, %dma_wait3A_154] : memref<2x400xi32, #tpu.memory_space<vmem>> -> memref<1x400xi32, #tpu.memory_space<vmem>>
    %dma_wait3A_156 = tpu.memref_squeeze %dma_wait3A_155 : memref<1x400xi32, #tpu.memory_space<vmem>> -> memref<400xi32, #tpu.memory_space<vmem>>
    %dma_wait3A_157 = arith.constant 0 : i32
    %dma_wait3A_158 = arith.constant 0 : i32
    %dma_wait3A_159 = tpu.memref_slice %arg2[%dma_wait3A_157, %dma_wait3A_158] : memref<10000x64xf32, #tpu.memory_space<hbm>> -> memref<10000x64xf32, #tpu.memory_space<hbm>>
    tpu.wait_indirect_dma semaphore(%arg7 : memref<!tpu.dma_semaphore, #tpu.memory_space<semaphore_mem>>) src(%dma_wait3A_159 : memref<10000x64xf32, #tpu.memory_space<hbm>>) dst(%dma_wait3A_153 : memref<400x64xf32, #tpu.memory_space<vmem>>)
    %add3A_160 = arith.constant 1600 : i32
    %add3A_161 = arith.addi %mul3A_2, %add3A_160 : i32
    %run_scoped3A_162 = arith.constant 0 : i32
    "tpu.region"() ({
      %run_scoped3A_748 = tpu.sem_alloc : memref<!tpu.dma_semaphore, #tpu.memory_space<semaphore_mem>>
      %dma_start3A_749 = arith.constant 0 : i32
      %dma_start3A_750 = arith.constant 0 : i32
      %dma_start3A_751 = tpu.memref_slice %arg6[%run_scoped3A_162, %dma_start3A_749, %dma_start3A_750] : memref<2x400x64xf32, #tpu.memory_space<vmem>> -> memref<1x400x64xf32, #tpu.memory_space<vmem>>
      %dma_start3A_752 = tpu.memref_squeeze %dma_start3A_751 : memref<1x400x64xf32, #tpu.memory_space<vmem>> -> memref<400x64xf32, #tpu.memory_space<vmem>>
      %dma_start3A_753 = arith.constant 0 : i32
      %dma_start3A_754 = tpu.memref_slice %arg4[%add3A_161, %dma_start3A_753] : memref<320000x64xf32, #tpu.memory_space<hbm>> -> memref<400x64xf32, #tpu.memory_space<hbm>>
      %dma_start3A_755 = arith.constant 0 : i32
      %dma_start3A_756 = tpu.memref_slice %arg4[%add3A_161, %dma_start3A_755] : memref<320000x64xf32, #tpu.memory_space<hbm>> -> memref<400x64xf32, #tpu.memory_space<hbm>>
      %dma_start3A_757 = arith.constant 0 : i32
      %dma_start3A_758 = arith.constant 0 : i32
      %dma_start3A_759 = tpu.memref_slice %arg6[%run_scoped3A_162, %dma_start3A_757, %dma_start3A_758] : memref<2x400x64xf32, #tpu.memory_space<vmem>> -> memref<1x400x64xf32, #tpu.memory_space<vmem>>
      %dma_start3A_760 = tpu.memref_squeeze %dma_start3A_759 : memref<1x400x64xf32, #tpu.memory_space<vmem>> -> memref<400x64xf32, #tpu.memory_space<vmem>>
      tpu.enqueue_dma source(%dma_start3A_760 : memref<400x64xf32, #tpu.memory_space<vmem>>) target(%dma_start3A_756 : memref<400x64xf32, #tpu.memory_space<hbm>>) target_semaphore(%run_scoped3A_748 : memref<!tpu.dma_semaphore, #tpu.memory_space<semaphore_mem>>)
      %dma_wait3A_761 = arith.constant 0 : i32
      %dma_wait3A_762 = arith.constant 0 : i32
      %dma_wait3A_763 = tpu.memref_slice %arg6[%run_scoped3A_162, %dma_wait3A_761, %dma_wait3A_762] : memref<2x400x64xf32, #tpu.memory_space<vmem>> -> memref<1x400x64xf32, #tpu.memory_space<vmem>>
      %dma_wait3A_764 = tpu.memref_squeeze %dma_wait3A_763 : memref<1x400x64xf32, #tpu.memory_space<vmem>> -> memref<400x64xf32, #tpu.memory_space<vmem>>
      %dma_wait3A_765 = arith.constant 0 : i32
      %dma_wait3A_766 = tpu.memref_slice %arg4[%add3A_161, %dma_wait3A_765] : memref<320000x64xf32, #tpu.memory_space<hbm>> -> memref<400x64xf32, #tpu.memory_space<hbm>>
      %dma_wait3A_767 = arith.constant 0 : i32
      %dma_wait3A_768 = tpu.memref_slice %arg4[%add3A_161, %dma_wait3A_767] : memref<320000x64xf32, #tpu.memory_space<hbm>> -> memref<400x64xf32, #tpu.memory_space<hbm>>
      %dma_wait3A_769 = arith.constant 0 : i32
      %dma_wait3A_770 = arith.constant 0 : i32
      %dma_wait3A_771 = tpu.memref_slice %arg6[%run_scoped3A_162, %dma_wait3A_769, %dma_wait3A_770] : memref<2x400x64xf32, #tpu.memory_space<vmem>> -> memref<1x400x64xf32, #tpu.memory_space<vmem>>
      %dma_wait3A_772 = tpu.memref_squeeze %dma_wait3A_771 : memref<1x400x64xf32, #tpu.memory_space<vmem>> -> memref<400x64xf32, #tpu.memory_space<vmem>>
      tpu.wait_dma2 semaphore(%run_scoped3A_748 : memref<!tpu.dma_semaphore, #tpu.memory_space<semaphore_mem>>) src(%dma_wait3A_772 : memref<400x64xf32, #tpu.memory_space<vmem>>) dst(%dma_wait3A_768 : memref<400x64xf32, #tpu.memory_space<hbm>>)
      tpu.yield
    }) : () -> ()
    %add3A_163 = arith.constant 2400 : i32
    %add3A_164 = arith.addi %mul3A_2, %add3A_163 : i32
    %run_scoped3A_165 = arith.constant 0 : i32
    "tpu.region"() ({
      %run_scoped3A_748 = tpu.sem_alloc : memref<!tpu.dma_semaphore, #tpu.memory_space<semaphore_mem>>
      %dma_start3A_749 = arith.constant 0 : i32
      %dma_start3A_750 = tpu.memref_slice %arg5[%run_scoped3A_165, %dma_start3A_749] : memref<2x400xi32, #tpu.memory_space<vmem>> -> memref<1x400xi32, #tpu.memory_space<vmem>>
      %dma_start3A_751 = tpu.memref_squeeze %dma_start3A_750 : memref<1x400xi32, #tpu.memory_space<vmem>> -> memref<400xi32, #tpu.memory_space<vmem>>
      %dma_start3A_752 = tpu.memref_slice %arg3[%add3A_164] : memref<320000xi32, #tpu.memory_space<hbm>> -> memref<400xi32, #tpu.memory_space<hbm>>
      %dma_start3A_753 = arith.constant 0 : i32
      %dma_start3A_754 = tpu.memref_slice %arg5[%run_scoped3A_165, %dma_start3A_753] : memref<2x400xi32, #tpu.memory_space<vmem>> -> memref<1x400xi32, #tpu.memory_space<vmem>>
      %dma_start3A_755 = tpu.memref_squeeze %dma_start3A_754 : memref<1x400xi32, #tpu.memory_space<vmem>> -> memref<400xi32, #tpu.memory_space<vmem>>
      %dma_start3A_756 = tpu.memref_slice %arg3[%add3A_164] : memref<320000xi32, #tpu.memory_space<hbm>> -> memref<400xi32, #tpu.memory_space<hbm>>
      tpu.enqueue_dma source(%dma_start3A_756 : memref<400xi32, #tpu.memory_space<hbm>>) target(%dma_start3A_755 : memref<400xi32, #tpu.memory_space<vmem>>) target_semaphore(%run_scoped3A_748 : memref<!tpu.dma_semaphore, #tpu.memory_space<semaphore_mem>>)
      %dma_wait3A_757 = arith.constant 0 : i32
      %dma_wait3A_758 = tpu.memref_slice %arg5[%run_scoped3A_165, %dma_wait3A_757] : memref<2x400xi32, #tpu.memory_space<vmem>> -> memref<1x400xi32, #tpu.memory_space<vmem>>
      %dma_wait3A_759 = tpu.memref_squeeze %dma_wait3A_758 : memref<1x400xi32, #tpu.memory_space<vmem>> -> memref<400xi32, #tpu.memory_space<vmem>>
      %dma_wait3A_760 = tpu.memref_slice %arg3[%add3A_164] : memref<320000xi32, #tpu.memory_space<hbm>> -> memref<400xi32, #tpu.memory_space<hbm>>
      %dma_wait3A_761 = arith.constant 0 : i32
      %dma_wait3A_762 = tpu.memref_slice %arg5[%run_scoped3A_165, %dma_wait3A_761] : memref<2x400xi32, #tpu.memory_space<vmem>> -> memref<1x400xi32, #tpu.memory_space<vmem>>
      %dma_wait3A_763 = tpu.memref_squeeze %dma_wait3A_762 : memref<1x400xi32, #tpu.memory_space<vmem>> -> memref<400xi32, #tpu.memory_space<vmem>>
      %dma_wait3A_764 = tpu.memref_slice %arg3[%add3A_164] : memref<320000xi32, #tpu.memory_space<hbm>> -> memref<400xi32, #tpu.memory_space<hbm>>
      tpu.wait_dma2 semaphore(%run_scoped3A_748 : memref<!tpu.dma_semaphore, #tpu.memory_space<semaphore_mem>>) src(%dma_wait3A_764 : memref<400xi32, #tpu.memory_space<hbm>>) dst(%dma_wait3A_763 : memref<400xi32, #tpu.memory_space<vmem>>)
      tpu.yield
    }) : () -> ()
    %dma_start3A_166 = arith.constant 0 : i32
    %dma_start3A_167 = arith.constant 0 : i32
    %dma_start3A_168 = arith.constant 0 : i32
    %dma_start3A_169 = arith.constant 0 : i32
    %dma_start3A_170 = tpu.memref_slice %arg6[%dma_start3A_167, %dma_start3A_168, %dma_start3A_169] : memref<2x400x64xf32, #tpu.memory_space<vmem>> -> memref<1x400x64xf32, #tpu.memory_space<vmem>>
    %dma_start3A_171 = tpu.memref_squeeze %dma_start3A_170 : memref<1x400x64xf32, #tpu.memory_space<vmem>> -> memref<400x64xf32, #tpu.memory_space<vmem>>
    %dma_start3A_172 = arith.constant 0 : i32
    %dma_start3A_173 = tpu.memref_slice %arg5[%dma_start3A_166, %dma_start3A_172] : memref<2x400xi32, #tpu.memory_space<vmem>> -> memref<1x400xi32, #tpu.memory_space<vmem>>
    %dma_start3A_174 = tpu.memref_squeeze %dma_start3A_173 : memref<1x400xi32, #tpu.memory_space<vmem>> -> memref<400xi32, #tpu.memory_space<vmem>>
    %dma_start3A_175 = arith.constant 0 : i32
    %dma_start3A_176 = arith.constant 0 : i32
    %dma_start3A_177 = tpu.memref_slice %arg2[%dma_start3A_175, %dma_start3A_176] : memref<10000x64xf32, #tpu.memory_space<hbm>> -> memref<10000x64xf32, #tpu.memory_space<hbm>>
    tpu.enqueue_indirect_dma source(%dma_start3A_177 : memref<10000x64xf32, #tpu.memory_space<hbm>>) target(%dma_start3A_171 : memref<400x64xf32, #tpu.memory_space<vmem>>) offsets(%dma_start3A_174 : memref<400xi32, #tpu.memory_space<vmem>>) semaphore(%arg7 : memref<!tpu.dma_semaphore, #tpu.memory_space<semaphore_mem>>)
    %dma_wait3A_178 = arith.constant 1 : i32
    %dma_wait3A_179 = arith.constant 1 : i32
    %dma_wait3A_180 = arith.constant 0 : i32
    %dma_wait3A_181 = arith.constant 0 : i32
    %dma_wait3A_182 = tpu.memref_slice %arg6[%dma_wait3A_179, %dma_wait3A_180, %dma_wait3A_181] : memref<2x400x64xf32, #tpu.memory_space<vmem>> -> memref<1x400x64xf32, #tpu.memory_space<vmem>>
    %dma_wait3A_183 = tpu.memref_squeeze %dma_wait3A_182 : memref<1x400x64xf32, #tpu.memory_space<vmem>> -> memref<400x64xf32, #tpu.memory_space<vmem>>
    %dma_wait3A_184 = arith.constant 0 : i32
    %dma_wait3A_185 = tpu.memref_slice %arg5[%dma_wait3A_178, %dma_wait3A_184] : memref<2x400xi32, #tpu.memory_space<vmem>> -> memref<1x400xi32, #tpu.memory_space<vmem>>
    %dma_wait3A_186 = tpu.memref_squeeze %dma_wait3A_185 : memref<1x400xi32, #tpu.memory_space<vmem>> -> memref<400xi32, #tpu.memory_space<vmem>>
    %dma_wait3A_187 = arith.constant 0 : i32
    %dma_wait3A_188 = arith.constant 0 : i32
    %dma_wait3A_189 = tpu.memref_slice %arg2[%dma_wait3A_187, %dma_wait3A_188] : memref<10000x64xf32, #tpu.memory_space<hbm>> -> memref<10000x64xf32, #tpu.memory_space<hbm>>
    tpu.wait_indirect_dma semaphore(%arg7 : memref<!tpu.dma_semaphore, #tpu.memory_space<semaphore_mem>>) src(%dma_wait3A_189 : memref<10000x64xf32, #tpu.memory_space<hbm>>) dst(%dma_wait3A_183 : memref<400x64xf32, #tpu.memory_space<vmem>>)
    %add3A_190 = arith.constant 2000 : i32
    %add3A_191 = arith.addi %mul3A_2, %add3A_190 : i32
    %run_scoped3A_192 = arith.constant 1 : i32
    "tpu.region"() ({
      %run_scoped3A_748 = tpu.sem_alloc : memref<!tpu.dma_semaphore, #tpu.memory_space<semaphore_mem>>
      %dma_start3A_749 = arith.constant 0 : i32
      %dma_start3A_750 = arith.constant 0 : i32
      %dma_start3A_751 = tpu.memref_slice %arg6[%run_scoped3A_192, %dma_start3A_749, %dma_start3A_750] : memref<2x400x64xf32, #tpu.memory_space<vmem>> -> memref<1x400x64xf32, #tpu.memory_space<vmem>>
      %dma_start3A_752 = tpu.memref_squeeze %dma_start3A_751 : memref<1x400x64xf32, #tpu.memory_space<vmem>> -> memref<400x64xf32, #tpu.memory_space<vmem>>
      %dma_start3A_753 = arith.constant 0 : i32
      %dma_start3A_754 = tpu.memref_slice %arg4[%add3A_191, %dma_start3A_753] : memref<320000x64xf32, #tpu.memory_space<hbm>> -> memref<400x64xf32, #tpu.memory_space<hbm>>
      %dma_start3A_755 = arith.constant 0 : i32
      %dma_start3A_756 = tpu.memref_slice %arg4[%add3A_191, %dma_start3A_755] : memref<320000x64xf32, #tpu.memory_space<hbm>> -> memref<400x64xf32, #tpu.memory_space<hbm>>
      %dma_start3A_757 = arith.constant 0 : i32
      %dma_start3A_758 = arith.constant 0 : i32
      %dma_start3A_759 = tpu.memref_slice %arg6[%run_scoped3A_192, %dma_start3A_757, %dma_start3A_758] : memref<2x400x64xf32, #tpu.memory_space<vmem>> -> memref<1x400x64xf32, #tpu.memory_space<vmem>>
      %dma_start3A_760 = tpu.memref_squeeze %dma_start3A_759 : memref<1x400x64xf32, #tpu.memory_space<vmem>> -> memref<400x64xf32, #tpu.memory_space<vmem>>
      tpu.enqueue_dma source(%dma_start3A_760 : memref<400x64xf32, #tpu.memory_space<vmem>>) target(%dma_start3A_756 : memref<400x64xf32, #tpu.memory_space<hbm>>) target_semaphore(%run_scoped3A_748 : memref<!tpu.dma_semaphore, #tpu.memory_space<semaphore_mem>>)
      %dma_wait3A_761 = arith.constant 0 : i32
      %dma_wait3A_762 = arith.constant 0 : i32
      %dma_wait3A_763 = tpu.memref_slice %arg6[%run_scoped3A_192, %dma_wait3A_761, %dma_wait3A_762] : memref<2x400x64xf32, #tpu.memory_space<vmem>> -> memref<1x400x64xf32, #tpu.memory_space<vmem>>
      %dma_wait3A_764 = tpu.memref_squeeze %dma_wait3A_763 : memref<1x400x64xf32, #tpu.memory_space<vmem>> -> memref<400x64xf32, #tpu.memory_space<vmem>>
      %dma_wait3A_765 = arith.constant 0 : i32
      %dma_wait3A_766 = tpu.memref_slice %arg4[%add3A_191, %dma_wait3A_765] : memref<320000x64xf32, #tpu.memory_space<hbm>> -> memref<400x64xf32, #tpu.memory_space<hbm>>
      %dma_wait3A_767 = arith.constant 0 : i32
      %dma_wait3A_768 = tpu.memref_slice %arg4[%add3A_191, %dma_wait3A_767] : memref<320000x64xf32, #tpu.memory_space<hbm>> -> memref<400x64xf32, #tpu.memory_space<hbm>>
      %dma_wait3A_769 = arith.constant 0 : i32
      %dma_wait3A_770 = arith.constant 0 : i32
      %dma_wait3A_771 = tpu.memref_slice %arg6[%run_scoped3A_192, %dma_wait3A_769, %dma_wait3A_770] : memref<2x400x64xf32, #tpu.memory_space<vmem>> -> memref<1x400x64xf32, #tpu.memory_space<vmem>>
      %dma_wait3A_772 = tpu.memref_squeeze %dma_wait3A_771 : memref<1x400x64xf32, #tpu.memory_space<vmem>> -> memref<400x64xf32, #tpu.memory_space<vmem>>
      tpu.wait_dma2 semaphore(%run_scoped3A_748 : memref<!tpu.dma_semaphore, #tpu.memory_space<semaphore_mem>>) src(%dma_wait3A_772 : memref<400x64xf32, #tpu.memory_space<vmem>>) dst(%dma_wait3A_768 : memref<400x64xf32, #tpu.memory_space<hbm>>)
      tpu.yield
    }) : () -> ()
    %add3A_193 = arith.constant 2800 : i32
    %add3A_194 = arith.addi %mul3A_2, %add3A_193 : i32
    %run_scoped3A_195 = arith.constant 1 : i32
    "tpu.region"() ({
      %run_scoped3A_748 = tpu.sem_alloc : memref<!tpu.dma_semaphore, #tpu.memory_space<semaphore_mem>>
      %dma_start3A_749 = arith.constant 0 : i32
      %dma_start3A_750 = tpu.memref_slice %arg5[%run_scoped3A_195, %dma_start3A_749] : memref<2x400xi32, #tpu.memory_space<vmem>> -> memref<1x400xi32, #tpu.memory_space<vmem>>
      %dma_start3A_751 = tpu.memref_squeeze %dma_start3A_750 : memref<1x400xi32, #tpu.memory_space<vmem>> -> memref<400xi32, #tpu.memory_space<vmem>>
      %dma_start3A_752 = tpu.memref_slice %arg3[%add3A_194] : memref<320000xi32, #tpu.memory_space<hbm>> -> memref<400xi32, #tpu.memory_space<hbm>>
      %dma_start3A_753 = arith.constant 0 : i32
      %dma_start3A_754 = tpu.memref_slice %arg5[%run_scoped3A_195, %dma_start3A_753] : memref<2x400xi32, #tpu.memory_space<vmem>> -> memref<1x400xi32, #tpu.memory_space<vmem>>
      %dma_start3A_755 = tpu.memref_squeeze %dma_start3A_754 : memref<1x400xi32, #tpu.memory_space<vmem>> -> memref<400xi32, #tpu.memory_space<vmem>>
      %dma_start3A_756 = tpu.memref_slice %arg3[%add3A_194] : memref<320000xi32, #tpu.memory_space<hbm>> -> memref<400xi32, #tpu.memory_space<hbm>>
      tpu.enqueue_dma source(%dma_start3A_756 : memref<400xi32, #tpu.memory_space<hbm>>) target(%dma_start3A_755 : memref<400xi32, #tpu.memory_space<vmem>>) target_semaphore(%run_scoped3A_748 : memref<!tpu.dma_semaphore, #tpu.memory_space<semaphore_mem>>)
      %dma_wait3A_757 = arith.constant 0 : i32
      %dma_wait3A_758 = tpu.memref_slice %arg5[%run_scoped3A_195, %dma_wait3A_757] : memref<2x400xi32, #tpu.memory_space<vmem>> -> memref<1x400xi32, #tpu.memory_space<vmem>>
      %dma_wait3A_759 = tpu.memref_squeeze %dma_wait3A_758 : memref<1x400xi32, #tpu.memory_space<vmem>> -> memref<400xi32, #tpu.memory_space<vmem>>
      %dma_wait3A_760 = tpu.memref_slice %arg3[%add3A_194] : memref<320000xi32, #tpu.memory_space<hbm>> -> memref<400xi32, #tpu.memory_space<hbm>>
      %dma_wait3A_761 = arith.constant 0 : i32
      %dma_wait3A_762 = tpu.memref_slice %arg5[%run_scoped3A_195, %dma_wait3A_761] : memref<2x400xi32, #tpu.memory_space<vmem>> -> memref<1x400xi32, #tpu.memory_space<vmem>>
      %dma_wait3A_763 = tpu.memref_squeeze %dma_wait3A_762 : memref<1x400xi32, #tpu.memory_space<vmem>> -> memref<400xi32, #tpu.memory_space<vmem>>
      %dma_wait3A_764 = tpu.memref_slice %arg3[%add3A_194] : memref<320000xi32, #tpu.memory_space<hbm>> -> memref<400xi32, #tpu.memory_space<hbm>>
      tpu.wait_dma2 semaphore(%run_scoped3A_748 : memref<!tpu.dma_semaphore, #tpu.memory_space<semaphore_mem>>) src(%dma_wait3A_764 : memref<400xi32, #tpu.memory_space<hbm>>) dst(%dma_wait3A_763 : memref<400xi32, #tpu.memory_space<vmem>>)
      tpu.yield
    }) : () -> ()
    %dma_start3A_196 = arith.constant 1 : i32
    %dma_start3A_197 = arith.constant 1 : i32
    %dma_start3A_198 = arith.constant 0 : i32
    %dma_start3A_199 = arith.constant 0 : i32
    %dma_start3A_200 = tpu.memref_slice %arg6[%dma_start3A_197, %dma_start3A_198, %dma_start3A_199] : memref<2x400x64xf32, #tpu.memory_space<vmem>> -> memref<1x400x64xf32, #tpu.memory_space<vmem>>
    %dma_start3A_201 = tpu.memref_squeeze %dma_start3A_200 : memref<1x400x64xf32, #tpu.memory_space<vmem>> -> memref<400x64xf32, #tpu.memory_space<vmem>>
    %dma_start3A_202 = arith.constant 0 : i32
    %dma_start3A_203 = tpu.memref_slice %arg5[%dma_start3A_196, %dma_start3A_202] : memref<2x400xi32, #tpu.memory_space<vmem>> -> memref<1x400xi32, #tpu.memory_space<vmem>>
    %dma_start3A_204 = tpu.memref_squeeze %dma_start3A_203 : memref<1x400xi32, #tpu.memory_space<vmem>> -> memref<400xi32, #tpu.memory_space<vmem>>
    %dma_start3A_205 = arith.constant 0 : i32
    %dma_start3A_206 = arith.constant 0 : i32
    %dma_start3A_207 = tpu.memref_slice %arg2[%dma_start3A_205, %dma_start3A_206] : memref<10000x64xf32, #tpu.memory_space<hbm>> -> memref<10000x64xf32, #tpu.memory_space<hbm>>
    tpu.enqueue_indirect_dma source(%dma_start3A_207 : memref<10000x64xf32, #tpu.memory_space<hbm>>) target(%dma_start3A_201 : memref<400x64xf32, #tpu.memory_space<vmem>>) offsets(%dma_start3A_204 : memref<400xi32, #tpu.memory_space<vmem>>) semaphore(%arg7 : memref<!tpu.dma_semaphore, #tpu.memory_space<semaphore_mem>>)
    %dma_wait3A_208 = arith.constant 0 : i32
    %dma_wait3A_209 = arith.constant 0 : i32
    %dma_wait3A_210 = arith.constant 0 : i32
    %dma_wait3A_211 = arith.constant 0 : i32
    %dma_wait3A_212 = tpu.memref_slice %arg6[%dma_wait3A_209, %dma_wait3A_210, %dma_wait3A_211] : memref<2x400x64xf32, #tpu.memory_space<vmem>> -> memref<1x400x64xf32, #tpu.memory_space<vmem>>
    %dma_wait3A_213 = tpu.memref_squeeze %dma_wait3A_212 : memref<1x400x64xf32, #tpu.memory_space<vmem>> -> memref<400x64xf32, #tpu.memory_space<vmem>>
    %dma_wait3A_214 = arith.constant 0 : i32
    %dma_wait3A_215 = tpu.memref_slice %arg5[%dma_wait3A_208, %dma_wait3A_214] : memref<2x400xi32, #tpu.memory_space<vmem>> -> memref<1x400xi32, #tpu.memory_space<vmem>>
    %dma_wait3A_216 = tpu.memref_squeeze %dma_wait3A_215 : memref<1x400xi32, #tpu.memory_space<vmem>> -> memref<400xi32, #tpu.memory_space<vmem>>
    %dma_wait3A_217 = arith.constant 0 : i32
    %dma_wait3A_218 = arith.constant 0 : i32
    %dma_wait3A_219 = tpu.memref_slice %arg2[%dma_wait3A_217, %dma_wait3A_218] : memref<10000x64xf32, #tpu.memory_space<hbm>> -> memref<10000x64xf32, #tpu.memory_space<hbm>>
    tpu.wait_indirect_dma semaphore(%arg7 : memref<!tpu.dma_semaphore, #tpu.memory_space<semaphore_mem>>) src(%dma_wait3A_219 : memref<10000x64xf32, #tpu.memory_space<hbm>>) dst(%dma_wait3A_213 : memref<400x64xf32, #tpu.memory_space<vmem>>)
    %add3A_220 = arith.constant 2400 : i32
    %add3A_221 = arith.addi %mul3A_2, %add3A_220 : i32
    %run_scoped3A_222 = arith.constant 0 : i32
    "tpu.region"() ({
      %run_scoped3A_748 = tpu.sem_alloc : memref<!tpu.dma_semaphore, #tpu.memory_space<semaphore_mem>>
      %dma_start3A_749 = arith.constant 0 : i32
      %dma_start3A_750 = arith.constant 0 : i32
      %dma_start3A_751 = tpu.memref_slice %arg6[%run_scoped3A_222, %dma_start3A_749, %dma_start3A_750] : memref<2x400x64xf32, #tpu.memory_space<vmem>> -> memref<1x400x64xf32, #tpu.memory_space<vmem>>
      %dma_start3A_752 = tpu.memref_squeeze %dma_start3A_751 : memref<1x400x64xf32, #tpu.memory_space<vmem>> -> memref<400x64xf32, #tpu.memory_space<vmem>>
      %dma_start3A_753 = arith.constant 0 : i32
      %dma_start3A_754 = tpu.memref_slice %arg4[%add3A_221, %dma_start3A_753] : memref<320000x64xf32, #tpu.memory_space<hbm>> -> memref<400x64xf32, #tpu.memory_space<hbm>>
      %dma_start3A_755 = arith.constant 0 : i32
      %dma_start3A_756 = tpu.memref_slice %arg4[%add3A_221, %dma_start3A_755] : memref<320000x64xf32, #tpu.memory_space<hbm>> -> memref<400x64xf32, #tpu.memory_space<hbm>>
      %dma_start3A_757 = arith.constant 0 : i32
      %dma_start3A_758 = arith.constant 0 : i32
      %dma_start3A_759 = tpu.memref_slice %arg6[%run_scoped3A_222, %dma_start3A_757, %dma_start3A_758] : memref<2x400x64xf32, #tpu.memory_space<vmem>> -> memref<1x400x64xf32, #tpu.memory_space<vmem>>
      %dma_start3A_760 = tpu.memref_squeeze %dma_start3A_759 : memref<1x400x64xf32, #tpu.memory_space<vmem>> -> memref<400x64xf32, #tpu.memory_space<vmem>>
      tpu.enqueue_dma source(%dma_start3A_760 : memref<400x64xf32, #tpu.memory_space<vmem>>) target(%dma_start3A_756 : memref<400x64xf32, #tpu.memory_space<hbm>>) target_semaphore(%run_scoped3A_748 : memref<!tpu.dma_semaphore, #tpu.memory_space<semaphore_mem>>)
      %dma_wait3A_761 = arith.constant 0 : i32
      %dma_wait3A_762 = arith.constant 0 : i32
      %dma_wait3A_763 = tpu.memref_slice %arg6[%run_scoped3A_222, %dma_wait3A_761, %dma_wait3A_762] : memref<2x400x64xf32, #tpu.memory_space<vmem>> -> memref<1x400x64xf32, #tpu.memory_space<vmem>>
      %dma_wait3A_764 = tpu.memref_squeeze %dma_wait3A_763 : memref<1x400x64xf32, #tpu.memory_space<vmem>> -> memref<400x64xf32, #tpu.memory_space<vmem>>
      %dma_wait3A_765 = arith.constant 0 : i32
      %dma_wait3A_766 = tpu.memref_slice %arg4[%add3A_221, %dma_wait3A_765] : memref<320000x64xf32, #tpu.memory_space<hbm>> -> memref<400x64xf32, #tpu.memory_space<hbm>>
      %dma_wait3A_767 = arith.constant 0 : i32
      %dma_wait3A_768 = tpu.memref_slice %arg4[%add3A_221, %dma_wait3A_767] : memref<320000x64xf32, #tpu.memory_space<hbm>> -> memref<400x64xf32, #tpu.memory_space<hbm>>
      %dma_wait3A_769 = arith.constant 0 : i32
      %dma_wait3A_770 = arith.constant 0 : i32
      %dma_wait3A_771 = tpu.memref_slice %arg6[%run_scoped3A_222, %dma_wait3A_769, %dma_wait3A_770] : memref<2x400x64xf32, #tpu.memory_space<vmem>> -> memref<1x400x64xf32, #tpu.memory_space<vmem>>
      %dma_wait3A_772 = tpu.memref_squeeze %dma_wait3A_771 : memref<1x400x64xf32, #tpu.memory_space<vmem>> -> memref<400x64xf32, #tpu.memory_space<vmem>>
      tpu.wait_dma2 semaphore(%run_scoped3A_748 : memref<!tpu.dma_semaphore, #tpu.memory_space<semaphore_mem>>) src(%dma_wait3A_772 : memref<400x64xf32, #tpu.memory_space<vmem>>) dst(%dma_wait3A_768 : memref<400x64xf32, #tpu.memory_space<hbm>>)
      tpu.yield
    }) : () -> ()
    %add3A_223 = arith.constant 3200 : i32
    %add3A_224 = arith.addi %mul3A_2, %add3A_223 : i32
    %run_scoped3A_225 = arith.constant 0 : i32
    "tpu.region"() ({
      %run_scoped3A_748 = tpu.sem_alloc : memref<!tpu.dma_semaphore, #tpu.memory_space<semaphore_mem>>
      %dma_start3A_749 = arith.constant 0 : i32
      %dma_start3A_750 = tpu.memref_slice %arg5[%run_scoped3A_225, %dma_start3A_749] : memref<2x400xi32, #tpu.memory_space<vmem>> -> memref<1x400xi32, #tpu.memory_space<vmem>>
      %dma_start3A_751 = tpu.memref_squeeze %dma_start3A_750 : memref<1x400xi32, #tpu.memory_space<vmem>> -> memref<400xi32, #tpu.memory_space<vmem>>
      %dma_start3A_752 = tpu.memref_slice %arg3[%add3A_224] : memref<320000xi32, #tpu.memory_space<hbm>> -> memref<400xi32, #tpu.memory_space<hbm>>
      %dma_start3A_753 = arith.constant 0 : i32
      %dma_start3A_754 = tpu.memref_slice %arg5[%run_scoped3A_225, %dma_start3A_753] : memref<2x400xi32, #tpu.memory_space<vmem>> -> memref<1x400xi32, #tpu.memory_space<vmem>>
      %dma_start3A_755 = tpu.memref_squeeze %dma_start3A_754 : memref<1x400xi32, #tpu.memory_space<vmem>> -> memref<400xi32, #tpu.memory_space<vmem>>
      %dma_start3A_756 = tpu.memref_slice %arg3[%add3A_224] : memref<320000xi32, #tpu.memory_space<hbm>> -> memref<400xi32, #tpu.memory_space<hbm>>
      tpu.enqueue_dma source(%dma_start3A_756 : memref<400xi32, #tpu.memory_space<hbm>>) target(%dma_start3A_755 : memref<400xi32, #tpu.memory_space<vmem>>) target_semaphore(%run_scoped3A_748 : memref<!tpu.dma_semaphore, #tpu.memory_space<semaphore_mem>>)
      %dma_wait3A_757 = arith.constant 0 : i32
      %dma_wait3A_758 = tpu.memref_slice %arg5[%run_scoped3A_225, %dma_wait3A_757] : memref<2x400xi32, #tpu.memory_space<vmem>> -> memref<1x400xi32, #tpu.memory_space<vmem>>
      %dma_wait3A_759 = tpu.memref_squeeze %dma_wait3A_758 : memref<1x400xi32, #tpu.memory_space<vmem>> -> memref<400xi32, #tpu.memory_space<vmem>>
      %dma_wait3A_760 = tpu.memref_slice %arg3[%add3A_224] : memref<320000xi32, #tpu.memory_space<hbm>> -> memref<400xi32, #tpu.memory_space<hbm>>
      %dma_wait3A_761 = arith.constant 0 : i32
      %dma_wait3A_762 = tpu.memref_slice %arg5[%run_scoped3A_225, %dma_wait3A_761] : memref<2x400xi32, #tpu.memory_space<vmem>> -> memref<1x400xi32, #tpu.memory_space<vmem>>
      %dma_wait3A_763 = tpu.memref_squeeze %dma_wait3A_762 : memref<1x400xi32, #tpu.memory_space<vmem>> -> memref<400xi32, #tpu.memory_space<vmem>>
      %dma_wait3A_764 = tpu.memref_slice %arg3[%add3A_224] : memref<320000xi32, #tpu.memory_space<hbm>> -> memref<400xi32, #tpu.memory_space<hbm>>
      tpu.wait_dma2 semaphore(%run_scoped3A_748 : memref<!tpu.dma_semaphore, #tpu.memory_space<semaphore_mem>>) src(%dma_wait3A_764 : memref<400xi32, #tpu.memory_space<hbm>>) dst(%dma_wait3A_763 : memref<400xi32, #tpu.memory_space<vmem>>)
      tpu.yield
    }) : () -> ()
    %dma_start3A_226 = arith.constant 0 : i32
    %dma_start3A_227 = arith.constant 0 : i32
    %dma_start3A_228 = arith.constant 0 : i32
    %dma_start3A_229 = arith.constant 0 : i32
    %dma_start3A_230 = tpu.memref_slice %arg6[%dma_start3A_227, %dma_start3A_228, %dma_start3A_229] : memref<2x400x64xf32, #tpu.memory_space<vmem>> -> memref<1x400x64xf32, #tpu.memory_space<vmem>>
    %dma_start3A_231 = tpu.memref_squeeze %dma_start3A_230 : memref<1x400x64xf32, #tpu.memory_space<vmem>> -> memref<400x64xf32, #tpu.memory_space<vmem>>
    %dma_start3A_232 = arith.constant 0 : i32
    %dma_start3A_233 = tpu.memref_slice %arg5[%dma_start3A_226, %dma_start3A_232] : memref<2x400xi32, #tpu.memory_space<vmem>> -> memref<1x400xi32, #tpu.memory_space<vmem>>
    %dma_start3A_234 = tpu.memref_squeeze %dma_start3A_233 : memref<1x400xi32, #tpu.memory_space<vmem>> -> memref<400xi32, #tpu.memory_space<vmem>>
    %dma_start3A_235 = arith.constant 0 : i32
    %dma_start3A_236 = arith.constant 0 : i32
    %dma_start3A_237 = tpu.memref_slice %arg2[%dma_start3A_235, %dma_start3A_236] : memref<10000x64xf32, #tpu.memory_space<hbm>> -> memref<10000x64xf32, #tpu.memory_space<hbm>>
    tpu.enqueue_indirect_dma source(%dma_start3A_237 : memref<10000x64xf32, #tpu.memory_space<hbm>>) target(%dma_start3A_231 : memref<400x64xf32, #tpu.memory_space<vmem>>) offsets(%dma_start3A_234 : memref<400xi32, #tpu.memory_space<vmem>>) semaphore(%arg7 : memref<!tpu.dma_semaphore, #tpu.memory_space<semaphore_mem>>)
    %dma_wait3A_238 = arith.constant 1 : i32
    %dma_wait3A_239 = arith.constant 1 : i32
    %dma_wait3A_240 = arith.constant 0 : i32
    %dma_wait3A_241 = arith.constant 0 : i32
    %dma_wait3A_242 = tpu.memref_slice %arg6[%dma_wait3A_239, %dma_wait3A_240, %dma_wait3A_241] : memref<2x400x64xf32, #tpu.memory_space<vmem>> -> memref<1x400x64xf32, #tpu.memory_space<vmem>>
    %dma_wait3A_243 = tpu.memref_squeeze %dma_wait3A_242 : memref<1x400x64xf32, #tpu.memory_space<vmem>> -> memref<400x64xf32, #tpu.memory_space<vmem>>
    %dma_wait3A_244 = arith.constant 0 : i32
    %dma_wait3A_245 = tpu.memref_slice %arg5[%dma_wait3A_238, %dma_wait3A_244] : memref<2x400xi32, #tpu.memory_space<vmem>> -> memref<1x400xi32, #tpu.memory_space<vmem>>
    %dma_wait3A_246 = tpu.memref_squeeze %dma_wait3A_245 : memref<1x400xi32, #tpu.memory_space<vmem>> -> memref<400xi32, #tpu.memory_space<vmem>>
    %dma_wait3A_247 = arith.constant 0 : i32
    %dma_wait3A_248 = arith.constant 0 : i32
    %dma_wait3A_249 = tpu.memref_slice %arg2[%dma_wait3A_247, %dma_wait3A_248] : memref<10000x64xf32, #tpu.memory_space<hbm>> -> memref<10000x64xf32, #tpu.memory_space<hbm>>
    tpu.wait_indirect_dma semaphore(%arg7 : memref<!tpu.dma_semaphore, #tpu.memory_space<semaphore_mem>>) src(%dma_wait3A_249 : memref<10000x64xf32, #tpu.memory_space<hbm>>) dst(%dma_wait3A_243 : memref<400x64xf32, #tpu.memory_space<vmem>>)
    %add3A_250 = arith.constant 2800 : i32
    %add3A_251 = arith.addi %mul3A_2, %add3A_250 : i32
    %run_scoped3A_252 = arith.constant 1 : i32
    "tpu.region"() ({
      %run_scoped3A_748 = tpu.sem_alloc : memref<!tpu.dma_semaphore, #tpu.memory_space<semaphore_mem>>
      %dma_start3A_749 = arith.constant 0 : i32
      %dma_start3A_750 = arith.constant 0 : i32
      %dma_start3A_751 = tpu.memref_slice %arg6[%run_scoped3A_252, %dma_start3A_749, %dma_start3A_750] : memref<2x400x64xf32, #tpu.memory_space<vmem>> -> memref<1x400x64xf32, #tpu.memory_space<vmem>>
      %dma_start3A_752 = tpu.memref_squeeze %dma_start3A_751 : memref<1x400x64xf32, #tpu.memory_space<vmem>> -> memref<400x64xf32, #tpu.memory_space<vmem>>
      %dma_start3A_753 = arith.constant 0 : i32
      %dma_start3A_754 = tpu.memref_slice %arg4[%add3A_251, %dma_start3A_753] : memref<320000x64xf32, #tpu.memory_space<hbm>> -> memref<400x64xf32, #tpu.memory_space<hbm>>
      %dma_start3A_755 = arith.constant 0 : i32
      %dma_start3A_756 = tpu.memref_slice %arg4[%add3A_251, %dma_start3A_755] : memref<320000x64xf32, #tpu.memory_space<hbm>> -> memref<400x64xf32, #tpu.memory_space<hbm>>
      %dma_start3A_757 = arith.constant 0 : i32
      %dma_start3A_758 = arith.constant 0 : i32
      %dma_start3A_759 = tpu.memref_slice %arg6[%run_scoped3A_252, %dma_start3A_757, %dma_start3A_758] : memref<2x400x64xf32, #tpu.memory_space<vmem>> -> memref<1x400x64xf32, #tpu.memory_space<vmem>>
      %dma_start3A_760 = tpu.memref_squeeze %dma_start3A_759 : memref<1x400x64xf32, #tpu.memory_space<vmem>> -> memref<400x64xf32, #tpu.memory_space<vmem>>
      tpu.enqueue_dma source(%dma_start3A_760 : memref<400x64xf32, #tpu.memory_space<vmem>>) target(%dma_start3A_756 : memref<400x64xf32, #tpu.memory_space<hbm>>) target_semaphore(%run_scoped3A_748 : memref<!tpu.dma_semaphore, #tpu.memory_space<semaphore_mem>>)
      %dma_wait3A_761 = arith.constant 0 : i32
      %dma_wait3A_762 = arith.constant 0 : i32
      %dma_wait3A_763 = tpu.memref_slice %arg6[%run_scoped3A_252, %dma_wait3A_761, %dma_wait3A_762] : memref<2x400x64xf32, #tpu.memory_space<vmem>> -> memref<1x400x64xf32, #tpu.memory_space<vmem>>
      %dma_wait3A_764 = tpu.memref_squeeze %dma_wait3A_763 : memref<1x400x64xf32, #tpu.memory_space<vmem>> -> memref<400x64xf32, #tpu.memory_space<vmem>>
      %dma_wait3A_765 = arith.constant 0 : i32
      %dma_wait3A_766 = tpu.memref_slice %arg4[%add3A_251, %dma_wait3A_765] : memref<320000x64xf32, #tpu.memory_space<hbm>> -> memref<400x64xf32, #tpu.memory_space<hbm>>
      %dma_wait3A_767 = arith.constant 0 : i32
      %dma_wait3A_768 = tpu.memref_slice %arg4[%add3A_251, %dma_wait3A_767] : memref<320000x64xf32, #tpu.memory_space<hbm>> -> memref<400x64xf32, #tpu.memory_space<hbm>>
      %dma_wait3A_769 = arith.constant 0 : i32
      %dma_wait3A_770 = arith.constant 0 : i32
      %dma_wait3A_771 = tpu.memref_slice %arg6[%run_scoped3A_252, %dma_wait3A_769, %dma_wait3A_770] : memref<2x400x64xf32, #tpu.memory_space<vmem>> -> memref<1x400x64xf32, #tpu.memory_space<vmem>>
      %dma_wait3A_772 = tpu.memref_squeeze %dma_wait3A_771 : memref<1x400x64xf32, #tpu.memory_space<vmem>> -> memref<400x64xf32, #tpu.memory_space<vmem>>
      tpu.wait_dma2 semaphore(%run_scoped3A_748 : memref<!tpu.dma_semaphore, #tpu.memory_space<semaphore_mem>>) src(%dma_wait3A_772 : memref<400x64xf32, #tpu.memory_space<vmem>>) dst(%dma_wait3A_768 : memref<400x64xf32, #tpu.memory_space<hbm>>)
      tpu.yield
    }) : () -> ()
    %add3A_253 = arith.constant 3600 : i32
    %add3A_254 = arith.addi %mul3A_2, %add3A_253 : i32
    %run_scoped3A_255 = arith.constant 1 : i32
    "tpu.region"() ({
      %run_scoped3A_748 = tpu.sem_alloc : memref<!tpu.dma_semaphore, #tpu.memory_space<semaphore_mem>>
      %dma_start3A_749 = arith.constant 0 : i32
      %dma_start3A_750 = tpu.memref_slice %arg5[%run_scoped3A_255, %dma_start3A_749] : memref<2x400xi32, #tpu.memory_space<vmem>> -> memref<1x400xi32, #tpu.memory_space<vmem>>
      %dma_start3A_751 = tpu.memref_squeeze %dma_start3A_750 : memref<1x400xi32, #tpu.memory_space<vmem>> -> memref<400xi32, #tpu.memory_space<vmem>>
      %dma_start3A_752 = tpu.memref_slice %arg3[%add3A_254] : memref<320000xi32, #tpu.memory_space<hbm>> -> memref<400xi32, #tpu.memory_space<hbm>>
      %dma_start3A_753 = arith.constant 0 : i32
      %dma_start3A_754 = tpu.memref_slice %arg5[%run_scoped3A_255, %dma_start3A_753] : memref<2x400xi32, #tpu.memory_space<vmem>> -> memref<1x400xi32, #tpu.memory_space<vmem>>
      %dma_start3A_755 = tpu.memref_squeeze %dma_start3A_754 : memref<1x400xi32, #tpu.memory_space<vmem>> -> memref<400xi32, #tpu.memory_space<vmem>>
      %dma_start3A_756 = tpu.memref_slice %arg3[%add3A_254] : memref<320000xi32, #tpu.memory_space<hbm>> -> memref<400xi32, #tpu.memory_space<hbm>>
      tpu.enqueue_dma source(%dma_start3A_756 : memref<400xi32, #tpu.memory_space<hbm>>) target(%dma_start3A_755 : memref<400xi32, #tpu.memory_space<vmem>>) target_semaphore(%run_scoped3A_748 : memref<!tpu.dma_semaphore, #tpu.memory_space<semaphore_mem>>)
      %dma_wait3A_757 = arith.constant 0 : i32
      %dma_wait3A_758 = tpu.memref_slice %arg5[%run_scoped3A_255, %dma_wait3A_757] : memref<2x400xi32, #tpu.memory_space<vmem>> -> memref<1x400xi32, #tpu.memory_space<vmem>>
      %dma_wait3A_759 = tpu.memref_squeeze %dma_wait3A_758 : memref<1x400xi32, #tpu.memory_space<vmem>> -> memref<400xi32, #tpu.memory_space<vmem>>
      %dma_wait3A_760 = tpu.memref_slice %arg3[%add3A_254] : memref<320000xi32, #tpu.memory_space<hbm>> -> memref<400xi32, #tpu.memory_space<hbm>>
      %dma_wait3A_761 = arith.constant 0 : i32
      %dma_wait3A_762 = tpu.memref_slice %arg5[%run_scoped3A_255, %dma_wait3A_761] : memref<2x400xi32, #tpu.memory_space<vmem>> -> memref<1x400xi32, #tpu.memory_space<vmem>>
      %dma_wait3A_763 = tpu.memref_squeeze %dma_wait3A_762 : memref<1x400xi32, #tpu.memory_space<vmem>> -> memref<400xi32, #tpu.memory_space<vmem>>
      %dma_wait3A_764 = tpu.memref_slice %arg3[%add3A_254] : memref<320000xi32, #tpu.memory_space<hbm>> -> memref<400xi32, #tpu.memory_space<hbm>>
      tpu.wait_dma2 semaphore(%run_scoped3A_748 : memref<!tpu.dma_semaphore, #tpu.memory_space<semaphore_mem>>) src(%dma_wait3A_764 : memref<400xi32, #tpu.memory_space<hbm>>) dst(%dma_wait3A_763 : memref<400xi32, #tpu.memory_space<vmem>>)
      tpu.yield
    }) : () -> ()
    %dma_start3A_256 = arith.constant 1 : i32
    %dma_start3A_257 = arith.constant 1 : i32
    %dma_start3A_258 = arith.constant 0 : i32
    %dma_start3A_259 = arith.constant 0 : i32
    %dma_start3A_260 = tpu.memref_slice %arg6[%dma_start3A_257, %dma_start3A_258, %dma_start3A_259] : memref<2x400x64xf32, #tpu.memory_space<vmem>> -> memref<1x400x64xf32, #tpu.memory_space<vmem>>
    %dma_start3A_261 = tpu.memref_squeeze %dma_start3A_260 : memref<1x400x64xf32, #tpu.memory_space<vmem>> -> memref<400x64xf32, #tpu.memory_space<vmem>>
    %dma_start3A_262 = arith.constant 0 : i32
    %dma_start3A_263 = tpu.memref_slice %arg5[%dma_start3A_256, %dma_start3A_262] : memref<2x400xi32, #tpu.memory_space<vmem>> -> memref<1x400xi32, #tpu.memory_space<vmem>>
    %dma_start3A_264 = tpu.memref_squeeze %dma_start3A_263 : memref<1x400xi32, #tpu.memory_space<vmem>> -> memref<400xi32, #tpu.memory_space<vmem>>
    %dma_start3A_265 = arith.constant 0 : i32
    %dma_start3A_266 = arith.constant 0 : i32
    %dma_start3A_267 = tpu.memref_slice %arg2[%dma_start3A_265, %dma_start3A_266] : memref<10000x64xf32, #tpu.memory_space<hbm>> -> memref<10000x64xf32, #tpu.memory_space<hbm>>
    tpu.enqueue_indirect_dma source(%dma_start3A_267 : memref<10000x64xf32, #tpu.memory_space<hbm>>) target(%dma_start3A_261 : memref<400x64xf32, #tpu.memory_space<vmem>>) offsets(%dma_start3A_264 : memref<400xi32, #tpu.memory_space<vmem>>) semaphore(%arg7 : memref<!tpu.dma_semaphore, #tpu.memory_space<semaphore_mem>>)
    %dma_wait3A_268 = arith.constant 0 : i32
    %dma_wait3A_269 = arith.constant 0 : i32
    %dma_wait3A_270 = arith.constant 0 : i32
    %dma_wait3A_271 = arith.constant 0 : i32
    %dma_wait3A_272 = tpu.memref_slice %arg6[%dma_wait3A_269, %dma_wait3A_270, %dma_wait3A_271] : memref<2x400x64xf32, #tpu.memory_space<vmem>> -> memref<1x400x64xf32, #tpu.memory_space<vmem>>
    %dma_wait3A_273 = tpu.memref_squeeze %dma_wait3A_272 : memref<1x400x64xf32, #tpu.memory_space<vmem>> -> memref<400x64xf32, #tpu.memory_space<vmem>>
    %dma_wait3A_274 = arith.constant 0 : i32
    %dma_wait3A_275 = tpu.memref_slice %arg5[%dma_wait3A_268, %dma_wait3A_274] : memref<2x400xi32, #tpu.memory_space<vmem>> -> memref<1x400xi32, #tpu.memory_space<vmem>>
    %dma_wait3A_276 = tpu.memref_squeeze %dma_wait3A_275 : memref<1x400xi32, #tpu.memory_space<vmem>> -> memref<400xi32, #tpu.memory_space<vmem>>
    %dma_wait3A_277 = arith.constant 0 : i32
    %dma_wait3A_278 = arith.constant 0 : i32
    %dma_wait3A_279 = tpu.memref_slice %arg2[%dma_wait3A_277, %dma_wait3A_278] : memref<10000x64xf32, #tpu.memory_space<hbm>> -> memref<10000x64xf32, #tpu.memory_space<hbm>>
    tpu.wait_indirect_dma semaphore(%arg7 : memref<!tpu.dma_semaphore, #tpu.memory_space<semaphore_mem>>) src(%dma_wait3A_279 : memref<10000x64xf32, #tpu.memory_space<hbm>>) dst(%dma_wait3A_273 : memref<400x64xf32, #tpu.memory_space<vmem>>)
    %add3A_280 = arith.constant 3200 : i32
    %add3A_281 = arith.addi %mul3A_2, %add3A_280 : i32
    %run_scoped3A_282 = arith.constant 0 : i32
    "tpu.region"() ({
      %run_scoped3A_748 = tpu.sem_alloc : memref<!tpu.dma_semaphore, #tpu.memory_space<semaphore_mem>>
      %dma_start3A_749 = arith.constant 0 : i32
      %dma_start3A_750 = arith.constant 0 : i32
      %dma_start3A_751 = tpu.memref_slice %arg6[%run_scoped3A_282, %dma_start3A_749, %dma_start3A_750] : memref<2x400x64xf32, #tpu.memory_space<vmem>> -> memref<1x400x64xf32, #tpu.memory_space<vmem>>
      %dma_start3A_752 = tpu.memref_squeeze %dma_start3A_751 : memref<1x400x64xf32, #tpu.memory_space<vmem>> -> memref<400x64xf32, #tpu.memory_space<vmem>>
      %dma_start3A_753 = arith.constant 0 : i32
      %dma_start3A_754 = tpu.memref_slice %arg4[%add3A_281, %dma_start3A_753] : memref<320000x64xf32, #tpu.memory_space<hbm>> -> memref<400x64xf32, #tpu.memory_space<hbm>>
      %dma_start3A_755 = arith.constant 0 : i32
      %dma_start3A_756 = tpu.memref_slice %arg4[%add3A_281, %dma_start3A_755] : memref<320000x64xf32, #tpu.memory_space<hbm>> -> memref<400x64xf32, #tpu.memory_space<hbm>>
      %dma_start3A_757 = arith.constant 0 : i32
      %dma_start3A_758 = arith.constant 0 : i32
      %dma_start3A_759 = tpu.memref_slice %arg6[%run_scoped3A_282, %dma_start3A_757, %dma_start3A_758] : memref<2x400x64xf32, #tpu.memory_space<vmem>> -> memref<1x400x64xf32, #tpu.memory_space<vmem>>
      %dma_start3A_760 = tpu.memref_squeeze %dma_start3A_759 : memref<1x400x64xf32, #tpu.memory_space<vmem>> -> memref<400x64xf32, #tpu.memory_space<vmem>>
      tpu.enqueue_dma source(%dma_start3A_760 : memref<400x64xf32, #tpu.memory_space<vmem>>) target(%dma_start3A_756 : memref<400x64xf32, #tpu.memory_space<hbm>>) target_semaphore(%run_scoped3A_748 : memref<!tpu.dma_semaphore, #tpu.memory_space<semaphore_mem>>)
      %dma_wait3A_761 = arith.constant 0 : i32
      %dma_wait3A_762 = arith.constant 0 : i32
      %dma_wait3A_763 = tpu.memref_slice %arg6[%run_scoped3A_282, %dma_wait3A_761, %dma_wait3A_762] : memref<2x400x64xf32, #tpu.memory_space<vmem>> -> memref<1x400x64xf32, #tpu.memory_space<vmem>>
      %dma_wait3A_764 = tpu.memref_squeeze %dma_wait3A_763 : memref<1x400x64xf32, #tpu.memory_space<vmem>> -> memref<400x64xf32, #tpu.memory_space<vmem>>
      %dma_wait3A_765 = arith.constant 0 : i32
      %dma_wait3A_766 = tpu.memref_slice %arg4[%add3A_281, %dma_wait3A_765] : memref<320000x64xf32, #tpu.memory_space<hbm>> -> memref<400x64xf32, #tpu.memory_space<hbm>>
      %dma_wait3A_767 = arith.constant 0 : i32
      %dma_wait3A_768 = tpu.memref_slice %arg4[%add3A_281, %dma_wait3A_767] : memref<320000x64xf32, #tpu.memory_space<hbm>> -> memref<400x64xf32, #tpu.memory_space<hbm>>
      %dma_wait3A_769 = arith.constant 0 : i32
      %dma_wait3A_770 = arith.constant 0 : i32
      %dma_wait3A_771 = tpu.memref_slice %arg6[%run_scoped3A_282, %dma_wait3A_769, %dma_wait3A_770] : memref<2x400x64xf32, #tpu.memory_space<vmem>> -> memref<1x400x64xf32, #tpu.memory_space<vmem>>
      %dma_wait3A_772 = tpu.memref_squeeze %dma_wait3A_771 : memref<1x400x64xf32, #tpu.memory_space<vmem>> -> memref<400x64xf32, #tpu.memory_space<vmem>>
      tpu.wait_dma2 semaphore(%run_scoped3A_748 : memref<!tpu.dma_semaphore, #tpu.memory_space<semaphore_mem>>) src(%dma_wait3A_772 : memref<400x64xf32, #tpu.memory_space<vmem>>) dst(%dma_wait3A_768 : memref<400x64xf32, #tpu.memory_space<hbm>>)
      tpu.yield
    }) : () -> ()
    %add3A_283 = arith.constant 4000 : i32
    %add3A_284 = arith.addi %mul3A_2, %add3A_283 : i32
    %run_scoped3A_285 = arith.constant 0 : i32
    "tpu.region"() ({
      %run_scoped3A_748 = tpu.sem_alloc : memref<!tpu.dma_semaphore, #tpu.memory_space<semaphore_mem>>
      %dma_start3A_749 = arith.constant 0 : i32
      %dma_start3A_750 = tpu.memref_slice %arg5[%run_scoped3A_285, %dma_start3A_749] : memref<2x400xi32, #tpu.memory_space<vmem>> -> memref<1x400xi32, #tpu.memory_space<vmem>>
      %dma_start3A_751 = tpu.memref_squeeze %dma_start3A_750 : memref<1x400xi32, #tpu.memory_space<vmem>> -> memref<400xi32, #tpu.memory_space<vmem>>
      %dma_start3A_752 = tpu.memref_slice %arg3[%add3A_284] : memref<320000xi32, #tpu.memory_space<hbm>> -> memref<400xi32, #tpu.memory_space<hbm>>
      %dma_start3A_753 = arith.constant 0 : i32
      %dma_start3A_754 = tpu.memref_slice %arg5[%run_scoped3A_285, %dma_start3A_753] : memref<2x400xi32, #tpu.memory_space<vmem>> -> memref<1x400xi32, #tpu.memory_space<vmem>>
      %dma_start3A_755 = tpu.memref_squeeze %dma_start3A_754 : memref<1x400xi32, #tpu.memory_space<vmem>> -> memref<400xi32, #tpu.memory_space<vmem>>
      %dma_start3A_756 = tpu.memref_slice %arg3[%add3A_284] : memref<320000xi32, #tpu.memory_space<hbm>> -> memref<400xi32, #tpu.memory_space<hbm>>
      tpu.enqueue_dma source(%dma_start3A_756 : memref<400xi32, #tpu.memory_space<hbm>>) target(%dma_start3A_755 : memref<400xi32, #tpu.memory_space<vmem>>) target_semaphore(%run_scoped3A_748 : memref<!tpu.dma_semaphore, #tpu.memory_space<semaphore_mem>>)
      %dma_wait3A_757 = arith.constant 0 : i32
      %dma_wait3A_758 = tpu.memref_slice %arg5[%run_scoped3A_285, %dma_wait3A_757] : memref<2x400xi32, #tpu.memory_space<vmem>> -> memref<1x400xi32, #tpu.memory_space<vmem>>
      %dma_wait3A_759 = tpu.memref_squeeze %dma_wait3A_758 : memref<1x400xi32, #tpu.memory_space<vmem>> -> memref<400xi32, #tpu.memory_space<vmem>>
      %dma_wait3A_760 = tpu.memref_slice %arg3[%add3A_284] : memref<320000xi32, #tpu.memory_space<hbm>> -> memref<400xi32, #tpu.memory_space<hbm>>
      %dma_wait3A_761 = arith.constant 0 : i32
      %dma_wait3A_762 = tpu.memref_slice %arg5[%run_scoped3A_285, %dma_wait3A_761] : memref<2x400xi32, #tpu.memory_space<vmem>> -> memref<1x400xi32, #tpu.memory_space<vmem>>
      %dma_wait3A_763 = tpu.memref_squeeze %dma_wait3A_762 : memref<1x400xi32, #tpu.memory_space<vmem>> -> memref<400xi32, #tpu.memory_space<vmem>>
      %dma_wait3A_764 = tpu.memref_slice %arg3[%add3A_284] : memref<320000xi32, #tpu.memory_space<hbm>> -> memref<400xi32, #tpu.memory_space<hbm>>
      tpu.wait_dma2 semaphore(%run_scoped3A_748 : memref<!tpu.dma_semaphore, #tpu.memory_space<semaphore_mem>>) src(%dma_wait3A_764 : memref<400xi32, #tpu.memory_space<hbm>>) dst(%dma_wait3A_763 : memref<400xi32, #tpu.memory_space<vmem>>)
      tpu.yield
    }) : () -> ()
    %dma_start3A_286 = arith.constant 0 : i32
    %dma_start3A_287 = arith.constant 0 : i32
    %dma_start3A_288 = arith.constant 0 : i32
    %dma_start3A_289 = arith.constant 0 : i32
    %dma_start3A_290 = tpu.memref_slice %arg6[%dma_start3A_287, %dma_start3A_288, %dma_start3A_289] : memref<2x400x64xf32, #tpu.memory_space<vmem>> -> memref<1x400x64xf32, #tpu.memory_space<vmem>>
    %dma_start3A_291 = tpu.memref_squeeze %dma_start3A_290 : memref<1x400x64xf32, #tpu.memory_space<vmem>> -> memref<400x64xf32, #tpu.memory_space<vmem>>
    %dma_start3A_292 = arith.constant 0 : i32
    %dma_start3A_293 = tpu.memref_slice %arg5[%dma_start3A_286, %dma_start3A_292] : memref<2x400xi32, #tpu.memory_space<vmem>> -> memref<1x400xi32, #tpu.memory_space<vmem>>
    %dma_start3A_294 = tpu.memref_squeeze %dma_start3A_293 : memref<1x400xi32, #tpu.memory_space<vmem>> -> memref<400xi32, #tpu.memory_space<vmem>>
    %dma_start3A_295 = arith.constant 0 : i32
    %dma_start3A_296 = arith.constant 0 : i32
    %dma_start3A_297 = tpu.memref_slice %arg2[%dma_start3A_295, %dma_start3A_296] : memref<10000x64xf32, #tpu.memory_space<hbm>> -> memref<10000x64xf32, #tpu.memory_space<hbm>>
    tpu.enqueue_indirect_dma source(%dma_start3A_297 : memref<10000x64xf32, #tpu.memory_space<hbm>>) target(%dma_start3A_291 : memref<400x64xf32, #tpu.memory_space<vmem>>) offsets(%dma_start3A_294 : memref<400xi32, #tpu.memory_space<vmem>>) semaphore(%arg7 : memref<!tpu.dma_semaphore, #tpu.memory_space<semaphore_mem>>)
    %dma_wait3A_298 = arith.constant 1 : i32
    %dma_wait3A_299 = arith.constant 1 : i32
    %dma_wait3A_300 = arith.constant 0 : i32
    %dma_wait3A_301 = arith.constant 0 : i32
    %dma_wait3A_302 = tpu.memref_slice %arg6[%dma_wait3A_299, %dma_wait3A_300, %dma_wait3A_301] : memref<2x400x64xf32, #tpu.memory_space<vmem>> -> memref<1x400x64xf32, #tpu.memory_space<vmem>>
    %dma_wait3A_303 = tpu.memref_squeeze %dma_wait3A_302 : memref<1x400x64xf32, #tpu.memory_space<vmem>> -> memref<400x64xf32, #tpu.memory_space<vmem>>
    %dma_wait3A_304 = arith.constant 0 : i32
    %dma_wait3A_305 = tpu.memref_slice %arg5[%dma_wait3A_298, %dma_wait3A_304] : memref<2x400xi32, #tpu.memory_space<vmem>> -> memref<1x400xi32, #tpu.memory_space<vmem>>
    %dma_wait3A_306 = tpu.memref_squeeze %dma_wait3A_305 : memref<1x400xi32, #tpu.memory_space<vmem>> -> memref<400xi32, #tpu.memory_space<vmem>>
    %dma_wait3A_307 = arith.constant 0 : i32
    %dma_wait3A_308 = arith.constant 0 : i32
    %dma_wait3A_309 = tpu.memref_slice %arg2[%dma_wait3A_307, %dma_wait3A_308] : memref<10000x64xf32, #tpu.memory_space<hbm>> -> memref<10000x64xf32, #tpu.memory_space<hbm>>
    tpu.wait_indirect_dma semaphore(%arg7 : memref<!tpu.dma_semaphore, #tpu.memory_space<semaphore_mem>>) src(%dma_wait3A_309 : memref<10000x64xf32, #tpu.memory_space<hbm>>) dst(%dma_wait3A_303 : memref<400x64xf32, #tpu.memory_space<vmem>>)
    %add3A_310 = arith.constant 3600 : i32
    %add3A_311 = arith.addi %mul3A_2, %add3A_310 : i32
    %run_scoped3A_312 = arith.constant 1 : i32
    "tpu.region"() ({
      %run_scoped3A_748 = tpu.sem_alloc : memref<!tpu.dma_semaphore, #tpu.memory_space<semaphore_mem>>
      %dma_start3A_749 = arith.constant 0 : i32
      %dma_start3A_750 = arith.constant 0 : i32
      %dma_start3A_751 = tpu.memref_slice %arg6[%run_scoped3A_312, %dma_start3A_749, %dma_start3A_750] : memref<2x400x64xf32, #tpu.memory_space<vmem>> -> memref<1x400x64xf32, #tpu.memory_space<vmem>>
      %dma_start3A_752 = tpu.memref_squeeze %dma_start3A_751 : memref<1x400x64xf32, #tpu.memory_space<vmem>> -> memref<400x64xf32, #tpu.memory_space<vmem>>
      %dma_start3A_753 = arith.constant 0 : i32
      %dma_start3A_754 = tpu.memref_slice %arg4[%add3A_311, %dma_start3A_753] : memref<320000x64xf32, #tpu.memory_space<hbm>> -> memref<400x64xf32, #tpu.memory_space<hbm>>
      %dma_start3A_755 = arith.constant 0 : i32
      %dma_start3A_756 = tpu.memref_slice %arg4[%add3A_311, %dma_start3A_755] : memref<320000x64xf32, #tpu.memory_space<hbm>> -> memref<400x64xf32, #tpu.memory_space<hbm>>
      %dma_start3A_757 = arith.constant 0 : i32
      %dma_start3A_758 = arith.constant 0 : i32
      %dma_start3A_759 = tpu.memref_slice %arg6[%run_scoped3A_312, %dma_start3A_757, %dma_start3A_758] : memref<2x400x64xf32, #tpu.memory_space<vmem>> -> memref<1x400x64xf32, #tpu.memory_space<vmem>>
      %dma_start3A_760 = tpu.memref_squeeze %dma_start3A_759 : memref<1x400x64xf32, #tpu.memory_space<vmem>> -> memref<400x64xf32, #tpu.memory_space<vmem>>
      tpu.enqueue_dma source(%dma_start3A_760 : memref<400x64xf32, #tpu.memory_space<vmem>>) target(%dma_start3A_756 : memref<400x64xf32, #tpu.memory_space<hbm>>) target_semaphore(%run_scoped3A_748 : memref<!tpu.dma_semaphore, #tpu.memory_space<semaphore_mem>>)
      %dma_wait3A_761 = arith.constant 0 : i32
      %dma_wait3A_762 = arith.constant 0 : i32
      %dma_wait3A_763 = tpu.memref_slice %arg6[%run_scoped3A_312, %dma_wait3A_761, %dma_wait3A_762] : memref<2x400x64xf32, #tpu.memory_space<vmem>> -> memref<1x400x64xf32, #tpu.memory_space<vmem>>
      %dma_wait3A_764 = tpu.memref_squeeze %dma_wait3A_763 : memref<1x400x64xf32, #tpu.memory_space<vmem>> -> memref<400x64xf32, #tpu.memory_space<vmem>>
      %dma_wait3A_765 = arith.constant 0 : i32
      %dma_wait3A_766 = tpu.memref_slice %arg4[%add3A_311, %dma_wait3A_765] : memref<320000x64xf32, #tpu.memory_space<hbm>> -> memref<400x64xf32, #tpu.memory_space<hbm>>
      %dma_wait3A_767 = arith.constant 0 : i32
      %dma_wait3A_768 = tpu.memref_slice %arg4[%add3A_311, %dma_wait3A_767] : memref<320000x64xf32, #tpu.memory_space<hbm>> -> memref<400x64xf32, #tpu.memory_space<hbm>>
      %dma_wait3A_769 = arith.constant 0 : i32
      %dma_wait3A_770 = arith.constant 0 : i32
      %dma_wait3A_771 = tpu.memref_slice %arg6[%run_scoped3A_312, %dma_wait3A_769, %dma_wait3A_770] : memref<2x400x64xf32, #tpu.memory_space<vmem>> -> memref<1x400x64xf32, #tpu.memory_space<vmem>>
      %dma_wait3A_772 = tpu.memref_squeeze %dma_wait3A_771 : memref<1x400x64xf32, #tpu.memory_space<vmem>> -> memref<400x64xf32, #tpu.memory_space<vmem>>
      tpu.wait_dma2 semaphore(%run_scoped3A_748 : memref<!tpu.dma_semaphore, #tpu.memory_space<semaphore_mem>>) src(%dma_wait3A_772 : memref<400x64xf32, #tpu.memory_space<vmem>>) dst(%dma_wait3A_768 : memref<400x64xf32, #tpu.memory_space<hbm>>)
      tpu.yield
    }) : () -> ()
    %add3A_313 = arith.constant 4400 : i32
    %add3A_314 = arith.addi %mul3A_2, %add3A_313 : i32
    %run_scoped3A_315 = arith.constant 1 : i32
    "tpu.region"() ({
      %run_scoped3A_748 = tpu.sem_alloc : memref<!tpu.dma_semaphore, #tpu.memory_space<semaphore_mem>>
      %dma_start3A_749 = arith.constant 0 : i32
      %dma_start3A_750 = tpu.memref_slice %arg5[%run_scoped3A_315, %dma_start3A_749] : memref<2x400xi32, #tpu.memory_space<vmem>> -> memref<1x400xi32, #tpu.memory_space<vmem>>
      %dma_start3A_751 = tpu.memref_squeeze %dma_start3A_750 : memref<1x400xi32, #tpu.memory_space<vmem>> -> memref<400xi32, #tpu.memory_space<vmem>>
      %dma_start3A_752 = tpu.memref_slice %arg3[%add3A_314] : memref<320000xi32, #tpu.memory_space<hbm>> -> memref<400xi32, #tpu.memory_space<hbm>>
      %dma_start3A_753 = arith.constant 0 : i32
      %dma_start3A_754 = tpu.memref_slice %arg5[%run_scoped3A_315, %dma_start3A_753] : memref<2x400xi32, #tpu.memory_space<vmem>> -> memref<1x400xi32, #tpu.memory_space<vmem>>
      %dma_start3A_755 = tpu.memref_squeeze %dma_start3A_754 : memref<1x400xi32, #tpu.memory_space<vmem>> -> memref<400xi32, #tpu.memory_space<vmem>>
      %dma_start3A_756 = tpu.memref_slice %arg3[%add3A_314] : memref<320000xi32, #tpu.memory_space<hbm>> -> memref<400xi32, #tpu.memory_space<hbm>>
      tpu.enqueue_dma source(%dma_start3A_756 : memref<400xi32, #tpu.memory_space<hbm>>) target(%dma_start3A_755 : memref<400xi32, #tpu.memory_space<vmem>>) target_semaphore(%run_scoped3A_748 : memref<!tpu.dma_semaphore, #tpu.memory_space<semaphore_mem>>)
      %dma_wait3A_757 = arith.constant 0 : i32
      %dma_wait3A_758 = tpu.memref_slice %arg5[%run_scoped3A_315, %dma_wait3A_757] : memref<2x400xi32, #tpu.memory_space<vmem>> -> memref<1x400xi32, #tpu.memory_space<vmem>>
      %dma_wait3A_759 = tpu.memref_squeeze %dma_wait3A_758 : memref<1x400xi32, #tpu.memory_space<vmem>> -> memref<400xi32, #tpu.memory_space<vmem>>
      %dma_wait3A_760 = tpu.memref_slice %arg3[%add3A_314] : memref<320000xi32, #tpu.memory_space<hbm>> -> memref<400xi32, #tpu.memory_space<hbm>>
      %dma_wait3A_761 = arith.constant 0 : i32
      %dma_wait3A_762 = tpu.memref_slice %arg5[%run_scoped3A_315, %dma_wait3A_761] : memref<2x400xi32, #tpu.memory_space<vmem>> -> memref<1x400xi32, #tpu.memory_space<vmem>>
      %dma_wait3A_763 = tpu.memref_squeeze %dma_wait3A_762 : memref<1x400xi32, #tpu.memory_space<vmem>> -> memref<400xi32, #tpu.memory_space<vmem>>
      %dma_wait3A_764 = tpu.memref_slice %arg3[%add3A_314] : memref<320000xi32, #tpu.memory_space<hbm>> -> memref<400xi32, #tpu.memory_space<hbm>>
      tpu.wait_dma2 semaphore(%run_scoped3A_748 : memref<!tpu.dma_semaphore, #tpu.memory_space<semaphore_mem>>) src(%dma_wait3A_764 : memref<400xi32, #tpu.memory_space<hbm>>) dst(%dma_wait3A_763 : memref<400xi32, #tpu.memory_space<vmem>>)
      tpu.yield
    }) : () -> ()
    %dma_start3A_316 = arith.constant 1 : i32
    %dma_start3A_317 = arith.constant 1 : i32
    %dma_start3A_318 = arith.constant 0 : i32
    %dma_start3A_319 = arith.constant 0 : i32
    %dma_start3A_320 = tpu.memref_slice %arg6[%dma_start3A_317, %dma_start3A_318, %dma_start3A_319] : memref<2x400x64xf32, #tpu.memory_space<vmem>> -> memref<1x400x64xf32, #tpu.memory_space<vmem>>
    %dma_start3A_321 = tpu.memref_squeeze %dma_start3A_320 : memref<1x400x64xf32, #tpu.memory_space<vmem>> -> memref<400x64xf32, #tpu.memory_space<vmem>>
    %dma_start3A_322 = arith.constant 0 : i32
    %dma_start3A_323 = tpu.memref_slice %arg5[%dma_start3A_316, %dma_start3A_322] : memref<2x400xi32, #tpu.memory_space<vmem>> -> memref<1x400xi32, #tpu.memory_space<vmem>>
    %dma_start3A_324 = tpu.memref_squeeze %dma_start3A_323 : memref<1x400xi32, #tpu.memory_space<vmem>> -> memref<400xi32, #tpu.memory_space<vmem>>
    %dma_start3A_325 = arith.constant 0 : i32
    %dma_start3A_326 = arith.constant 0 : i32
    %dma_start3A_327 = tpu.memref_slice %arg2[%dma_start3A_325, %dma_start3A_326] : memref<10000x64xf32, #tpu.memory_space<hbm>> -> memref<10000x64xf32, #tpu.memory_space<hbm>>
    tpu.enqueue_indirect_dma source(%dma_start3A_327 : memref<10000x64xf32, #tpu.memory_space<hbm>>) target(%dma_start3A_321 : memref<400x64xf32, #tpu.memory_space<vmem>>) offsets(%dma_start3A_324 : memref<400xi32, #tpu.memory_space<vmem>>) semaphore(%arg7 : memref<!tpu.dma_semaphore, #tpu.memory_space<semaphore_mem>>)
    %dma_wait3A_328 = arith.constant 0 : i32
    %dma_wait3A_329 = arith.constant 0 : i32
    %dma_wait3A_330 = arith.constant 0 : i32
    %dma_wait3A_331 = arith.constant 0 : i32
    %dma_wait3A_332 = tpu.memref_slice %arg6[%dma_wait3A_329, %dma_wait3A_330, %dma_wait3A_331] : memref<2x400x64xf32, #tpu.memory_space<vmem>> -> memref<1x400x64xf32, #tpu.memory_space<vmem>>
    %dma_wait3A_333 = tpu.memref_squeeze %dma_wait3A_332 : memref<1x400x64xf32, #tpu.memory_space<vmem>> -> memref<400x64xf32, #tpu.memory_space<vmem>>
    %dma_wait3A_334 = arith.constant 0 : i32
    %dma_wait3A_335 = tpu.memref_slice %arg5[%dma_wait3A_328, %dma_wait3A_334] : memref<2x400xi32, #tpu.memory_space<vmem>> -> memref<1x400xi32, #tpu.memory_space<vmem>>
    %dma_wait3A_336 = tpu.memref_squeeze %dma_wait3A_335 : memref<1x400xi32, #tpu.memory_space<vmem>> -> memref<400xi32, #tpu.memory_space<vmem>>
    %dma_wait3A_337 = arith.constant 0 : i32
    %dma_wait3A_338 = arith.constant 0 : i32
    %dma_wait3A_339 = tpu.memref_slice %arg2[%dma_wait3A_337, %dma_wait3A_338] : memref<10000x64xf32, #tpu.memory_space<hbm>> -> memref<10000x64xf32, #tpu.memory_space<hbm>>
    tpu.wait_indirect_dma semaphore(%arg7 : memref<!tpu.dma_semaphore, #tpu.memory_space<semaphore_mem>>) src(%dma_wait3A_339 : memref<10000x64xf32, #tpu.memory_space<hbm>>) dst(%dma_wait3A_333 : memref<400x64xf32, #tpu.memory_space<vmem>>)
    %add3A_340 = arith.constant 4000 : i32
    %add3A_341 = arith.addi %mul3A_2, %add3A_340 : i32
    %run_scoped3A_342 = arith.constant 0 : i32
    "tpu.region"() ({
      %run_scoped3A_748 = tpu.sem_alloc : memref<!tpu.dma_semaphore, #tpu.memory_space<semaphore_mem>>
      %dma_start3A_749 = arith.constant 0 : i32
      %dma_start3A_750 = arith.constant 0 : i32
      %dma_start3A_751 = tpu.memref_slice %arg6[%run_scoped3A_342, %dma_start3A_749, %dma_start3A_750] : memref<2x400x64xf32, #tpu.memory_space<vmem>> -> memref<1x400x64xf32, #tpu.memory_space<vmem>>
      %dma_start3A_752 = tpu.memref_squeeze %dma_start3A_751 : memref<1x400x64xf32, #tpu.memory_space<vmem>> -> memref<400x64xf32, #tpu.memory_space<vmem>>
      %dma_start3A_753 = arith.constant 0 : i32
      %dma_start3A_754 = tpu.memref_slice %arg4[%add3A_341, %dma_start3A_753] : memref<320000x64xf32, #tpu.memory_space<hbm>> -> memref<400x64xf32, #tpu.memory_space<hbm>>
      %dma_start3A_755 = arith.constant 0 : i32
      %dma_start3A_756 = tpu.memref_slice %arg4[%add3A_341, %dma_start3A_755] : memref<320000x64xf32, #tpu.memory_space<hbm>> -> memref<400x64xf32, #tpu.memory_space<hbm>>
      %dma_start3A_757 = arith.constant 0 : i32
      %dma_start3A_758 = arith.constant 0 : i32
      %dma_start3A_759 = tpu.memref_slice %arg6[%run_scoped3A_342, %dma_start3A_757, %dma_start3A_758] : memref<2x400x64xf32, #tpu.memory_space<vmem>> -> memref<1x400x64xf32, #tpu.memory_space<vmem>>
      %dma_start3A_760 = tpu.memref_squeeze %dma_start3A_759 : memref<1x400x64xf32, #tpu.memory_space<vmem>> -> memref<400x64xf32, #tpu.memory_space<vmem>>
      tpu.enqueue_dma source(%dma_start3A_760 : memref<400x64xf32, #tpu.memory_space<vmem>>) target(%dma_start3A_756 : memref<400x64xf32, #tpu.memory_space<hbm>>) target_semaphore(%run_scoped3A_748 : memref<!tpu.dma_semaphore, #tpu.memory_space<semaphore_mem>>)
      %dma_wait3A_761 = arith.constant 0 : i32
      %dma_wait3A_762 = arith.constant 0 : i32
      %dma_wait3A_763 = tpu.memref_slice %arg6[%run_scoped3A_342, %dma_wait3A_761, %dma_wait3A_762] : memref<2x400x64xf32, #tpu.memory_space<vmem>> -> memref<1x400x64xf32, #tpu.memory_space<vmem>>
      %dma_wait3A_764 = tpu.memref_squeeze %dma_wait3A_763 : memref<1x400x64xf32, #tpu.memory_space<vmem>> -> memref<400x64xf32, #tpu.memory_space<vmem>>
      %dma_wait3A_765 = arith.constant 0 : i32
      %dma_wait3A_766 = tpu.memref_slice %arg4[%add3A_341, %dma_wait3A_765] : memref<320000x64xf32, #tpu.memory_space<hbm>> -> memref<400x64xf32, #tpu.memory_space<hbm>>
      %dma_wait3A_767 = arith.constant 0 : i32
      %dma_wait3A_768 = tpu.memref_slice %arg4[%add3A_341, %dma_wait3A_767] : memref<320000x64xf32, #tpu.memory_space<hbm>> -> memref<400x64xf32, #tpu.memory_space<hbm>>
      %dma_wait3A_769 = arith.constant 0 : i32
      %dma_wait3A_770 = arith.constant 0 : i32
      %dma_wait3A_771 = tpu.memref_slice %arg6[%run_scoped3A_342, %dma_wait3A_769, %dma_wait3A_770] : memref<2x400x64xf32, #tpu.memory_space<vmem>> -> memref<1x400x64xf32, #tpu.memory_space<vmem>>
      %dma_wait3A_772 = tpu.memref_squeeze %dma_wait3A_771 : memref<1x400x64xf32, #tpu.memory_space<vmem>> -> memref<400x64xf32, #tpu.memory_space<vmem>>
      tpu.wait_dma2 semaphore(%run_scoped3A_748 : memref<!tpu.dma_semaphore, #tpu.memory_space<semaphore_mem>>) src(%dma_wait3A_772 : memref<400x64xf32, #tpu.memory_space<vmem>>) dst(%dma_wait3A_768 : memref<400x64xf32, #tpu.memory_space<hbm>>)
      tpu.yield
    }) : () -> ()
    %add3A_343 = arith.constant 4800 : i32
    %add3A_344 = arith.addi %mul3A_2, %add3A_343 : i32
    %run_scoped3A_345 = arith.constant 0 : i32
    "tpu.region"() ({
      %run_scoped3A_748 = tpu.sem_alloc : memref<!tpu.dma_semaphore, #tpu.memory_space<semaphore_mem>>
      %dma_start3A_749 = arith.constant 0 : i32
      %dma_start3A_750 = tpu.memref_slice %arg5[%run_scoped3A_345, %dma_start3A_749] : memref<2x400xi32, #tpu.memory_space<vmem>> -> memref<1x400xi32, #tpu.memory_space<vmem>>
      %dma_start3A_751 = tpu.memref_squeeze %dma_start3A_750 : memref<1x400xi32, #tpu.memory_space<vmem>> -> memref<400xi32, #tpu.memory_space<vmem>>
      %dma_start3A_752 = tpu.memref_slice %arg3[%add3A_344] : memref<320000xi32, #tpu.memory_space<hbm>> -> memref<400xi32, #tpu.memory_space<hbm>>
      %dma_start3A_753 = arith.constant 0 : i32
      %dma_start3A_754 = tpu.memref_slice %arg5[%run_scoped3A_345, %dma_start3A_753] : memref<2x400xi32, #tpu.memory_space<vmem>> -> memref<1x400xi32, #tpu.memory_space<vmem>>
      %dma_start3A_755 = tpu.memref_squeeze %dma_start3A_754 : memref<1x400xi32, #tpu.memory_space<vmem>> -> memref<400xi32, #tpu.memory_space<vmem>>
      %dma_start3A_756 = tpu.memref_slice %arg3[%add3A_344] : memref<320000xi32, #tpu.memory_space<hbm>> -> memref<400xi32, #tpu.memory_space<hbm>>
      tpu.enqueue_dma source(%dma_start3A_756 : memref<400xi32, #tpu.memory_space<hbm>>) target(%dma_start3A_755 : memref<400xi32, #tpu.memory_space<vmem>>) target_semaphore(%run_scoped3A_748 : memref<!tpu.dma_semaphore, #tpu.memory_space<semaphore_mem>>)
      %dma_wait3A_757 = arith.constant 0 : i32
      %dma_wait3A_758 = tpu.memref_slice %arg5[%run_scoped3A_345, %dma_wait3A_757] : memref<2x400xi32, #tpu.memory_space<vmem>> -> memref<1x400xi32, #tpu.memory_space<vmem>>
      %dma_wait3A_759 = tpu.memref_squeeze %dma_wait3A_758 : memref<1x400xi32, #tpu.memory_space<vmem>> -> memref<400xi32, #tpu.memory_space<vmem>>
      %dma_wait3A_760 = tpu.memref_slice %arg3[%add3A_344] : memref<320000xi32, #tpu.memory_space<hbm>> -> memref<400xi32, #tpu.memory_space<hbm>>
      %dma_wait3A_761 = arith.constant 0 : i32
      %dma_wait3A_762 = tpu.memref_slice %arg5[%run_scoped3A_345, %dma_wait3A_761] : memref<2x400xi32, #tpu.memory_space<vmem>> -> memref<1x400xi32, #tpu.memory_space<vmem>>
      %dma_wait3A_763 = tpu.memref_squeeze %dma_wait3A_762 : memref<1x400xi32, #tpu.memory_space<vmem>> -> memref<400xi32, #tpu.memory_space<vmem>>
      %dma_wait3A_764 = tpu.memref_slice %arg3[%add3A_344] : memref<320000xi32, #tpu.memory_space<hbm>> -> memref<400xi32, #tpu.memory_space<hbm>>
      tpu.wait_dma2 semaphore(%run_scoped3A_748 : memref<!tpu.dma_semaphore, #tpu.memory_space<semaphore_mem>>) src(%dma_wait3A_764 : memref<400xi32, #tpu.memory_space<hbm>>) dst(%dma_wait3A_763 : memref<400xi32, #tpu.memory_space<vmem>>)
      tpu.yield
    }) : () -> ()
    %dma_start3A_346 = arith.constant 0 : i32
    %dma_start3A_347 = arith.constant 0 : i32
    %dma_start3A_348 = arith.constant 0 : i32
    %dma_start3A_349 = arith.constant 0 : i32
    %dma_start3A_350 = tpu.memref_slice %arg6[%dma_start3A_347, %dma_start3A_348, %dma_start3A_349] : memref<2x400x64xf32, #tpu.memory_space<vmem>> -> memref<1x400x64xf32, #tpu.memory_space<vmem>>
    %dma_start3A_351 = tpu.memref_squeeze %dma_start3A_350 : memref<1x400x64xf32, #tpu.memory_space<vmem>> -> memref<400x64xf32, #tpu.memory_space<vmem>>
    %dma_start3A_352 = arith.constant 0 : i32
    %dma_start3A_353 = tpu.memref_slice %arg5[%dma_start3A_346, %dma_start3A_352] : memref<2x400xi32, #tpu.memory_space<vmem>> -> memref<1x400xi32, #tpu.memory_space<vmem>>
    %dma_start3A_354 = tpu.memref_squeeze %dma_start3A_353 : memref<1x400xi32, #tpu.memory_space<vmem>> -> memref<400xi32, #tpu.memory_space<vmem>>
    %dma_start3A_355 = arith.constant 0 : i32
    %dma_start3A_356 = arith.constant 0 : i32
    %dma_start3A_357 = tpu.memref_slice %arg2[%dma_start3A_355, %dma_start3A_356] : memref<10000x64xf32, #tpu.memory_space<hbm>> -> memref<10000x64xf32, #tpu.memory_space<hbm>>
    tpu.enqueue_indirect_dma source(%dma_start3A_357 : memref<10000x64xf32, #tpu.memory_space<hbm>>) target(%dma_start3A_351 : memref<400x64xf32, #tpu.memory_space<vmem>>) offsets(%dma_start3A_354 : memref<400xi32, #tpu.memory_space<vmem>>) semaphore(%arg7 : memref<!tpu.dma_semaphore, #tpu.memory_space<semaphore_mem>>)
    %dma_wait3A_358 = arith.constant 1 : i32
    %dma_wait3A_359 = arith.constant 1 : i32
    %dma_wait3A_360 = arith.constant 0 : i32
    %dma_wait3A_361 = arith.constant 0 : i32
    %dma_wait3A_362 = tpu.memref_slice %arg6[%dma_wait3A_359, %dma_wait3A_360, %dma_wait3A_361] : memref<2x400x64xf32, #tpu.memory_space<vmem>> -> memref<1x400x64xf32, #tpu.memory_space<vmem>>
    %dma_wait3A_363 = tpu.memref_squeeze %dma_wait3A_362 : memref<1x400x64xf32, #tpu.memory_space<vmem>> -> memref<400x64xf32, #tpu.memory_space<vmem>>
    %dma_wait3A_364 = arith.constant 0 : i32
    %dma_wait3A_365 = tpu.memref_slice %arg5[%dma_wait3A_358, %dma_wait3A_364] : memref<2x400xi32, #tpu.memory_space<vmem>> -> memref<1x400xi32, #tpu.memory_space<vmem>>
    %dma_wait3A_366 = tpu.memref_squeeze %dma_wait3A_365 : memref<1x400xi32, #tpu.memory_space<vmem>> -> memref<400xi32, #tpu.memory_space<vmem>>
    %dma_wait3A_367 = arith.constant 0 : i32
    %dma_wait3A_368 = arith.constant 0 : i32
    %dma_wait3A_369 = tpu.memref_slice %arg2[%dma_wait3A_367, %dma_wait3A_368] : memref<10000x64xf32, #tpu.memory_space<hbm>> -> memref<10000x64xf32, #tpu.memory_space<hbm>>
    tpu.wait_indirect_dma semaphore(%arg7 : memref<!tpu.dma_semaphore, #tpu.memory_space<semaphore_mem>>) src(%dma_wait3A_369 : memref<10000x64xf32, #tpu.memory_space<hbm>>) dst(%dma_wait3A_363 : memref<400x64xf32, #tpu.memory_space<vmem>>)
    %add3A_370 = arith.constant 4400 : i32
    %add3A_371 = arith.addi %mul3A_2, %add3A_370 : i32
    %run_scoped3A_372 = arith.constant 1 : i32
    "tpu.region"() ({
      %run_scoped3A_748 = tpu.sem_alloc : memref<!tpu.dma_semaphore, #tpu.memory_space<semaphore_mem>>
      %dma_start3A_749 = arith.constant 0 : i32
      %dma_start3A_750 = arith.constant 0 : i32
      %dma_start3A_751 = tpu.memref_slice %arg6[%run_scoped3A_372, %dma_start3A_749, %dma_start3A_750] : memref<2x400x64xf32, #tpu.memory_space<vmem>> -> memref<1x400x64xf32, #tpu.memory_space<vmem>>
      %dma_start3A_752 = tpu.memref_squeeze %dma_start3A_751 : memref<1x400x64xf32, #tpu.memory_space<vmem>> -> memref<400x64xf32, #tpu.memory_space<vmem>>
      %dma_start3A_753 = arith.constant 0 : i32
      %dma_start3A_754 = tpu.memref_slice %arg4[%add3A_371, %dma_start3A_753] : memref<320000x64xf32, #tpu.memory_space<hbm>> -> memref<400x64xf32, #tpu.memory_space<hbm>>
      %dma_start3A_755 = arith.constant 0 : i32
      %dma_start3A_756 = tpu.memref_slice %arg4[%add3A_371, %dma_start3A_755] : memref<320000x64xf32, #tpu.memory_space<hbm>> -> memref<400x64xf32, #tpu.memory_space<hbm>>
      %dma_start3A_757 = arith.constant 0 : i32
      %dma_start3A_758 = arith.constant 0 : i32
      %dma_start3A_759 = tpu.memref_slice %arg6[%run_scoped3A_372, %dma_start3A_757, %dma_start3A_758] : memref<2x400x64xf32, #tpu.memory_space<vmem>> -> memref<1x400x64xf32, #tpu.memory_space<vmem>>
      %dma_start3A_760 = tpu.memref_squeeze %dma_start3A_759 : memref<1x400x64xf32, #tpu.memory_space<vmem>> -> memref<400x64xf32, #tpu.memory_space<vmem>>
      tpu.enqueue_dma source(%dma_start3A_760 : memref<400x64xf32, #tpu.memory_space<vmem>>) target(%dma_start3A_756 : memref<400x64xf32, #tpu.memory_space<hbm>>) target_semaphore(%run_scoped3A_748 : memref<!tpu.dma_semaphore, #tpu.memory_space<semaphore_mem>>)
      %dma_wait3A_761 = arith.constant 0 : i32
      %dma_wait3A_762 = arith.constant 0 : i32
      %dma_wait3A_763 = tpu.memref_slice %arg6[%run_scoped3A_372, %dma_wait3A_761, %dma_wait3A_762] : memref<2x400x64xf32, #tpu.memory_space<vmem>> -> memref<1x400x64xf32, #tpu.memory_space<vmem>>
      %dma_wait3A_764 = tpu.memref_squeeze %dma_wait3A_763 : memref<1x400x64xf32, #tpu.memory_space<vmem>> -> memref<400x64xf32, #tpu.memory_space<vmem>>
      %dma_wait3A_765 = arith.constant 0 : i32
      %dma_wait3A_766 = tpu.memref_slice %arg4[%add3A_371, %dma_wait3A_765] : memref<320000x64xf32, #tpu.memory_space<hbm>> -> memref<400x64xf32, #tpu.memory_space<hbm>>
      %dma_wait3A_767 = arith.constant 0 : i32
      %dma_wait3A_768 = tpu.memref_slice %arg4[%add3A_371, %dma_wait3A_767] : memref<320000x64xf32, #tpu.memory_space<hbm>> -> memref<400x64xf32, #tpu.memory_space<hbm>>
      %dma_wait3A_769 = arith.constant 0 : i32
      %dma_wait3A_770 = arith.constant 0 : i32
      %dma_wait3A_771 = tpu.memref_slice %arg6[%run_scoped3A_372, %dma_wait3A_769, %dma_wait3A_770] : memref<2x400x64xf32, #tpu.memory_space<vmem>> -> memref<1x400x64xf32, #tpu.memory_space<vmem>>
      %dma_wait3A_772 = tpu.memref_squeeze %dma_wait3A_771 : memref<1x400x64xf32, #tpu.memory_space<vmem>> -> memref<400x64xf32, #tpu.memory_space<vmem>>
      tpu.wait_dma2 semaphore(%run_scoped3A_748 : memref<!tpu.dma_semaphore, #tpu.memory_space<semaphore_mem>>) src(%dma_wait3A_772 : memref<400x64xf32, #tpu.memory_space<vmem>>) dst(%dma_wait3A_768 : memref<400x64xf32, #tpu.memory_space<hbm>>)
      tpu.yield
    }) : () -> ()
    %add3A_373 = arith.constant 5200 : i32
    %add3A_374 = arith.addi %mul3A_2, %add3A_373 : i32
    %run_scoped3A_375 = arith.constant 1 : i32
    "tpu.region"() ({
      %run_scoped3A_748 = tpu.sem_alloc : memref<!tpu.dma_semaphore, #tpu.memory_space<semaphore_mem>>
      %dma_start3A_749 = arith.constant 0 : i32
      %dma_start3A_750 = tpu.memref_slice %arg5[%run_scoped3A_375, %dma_start3A_749] : memref<2x400xi32, #tpu.memory_space<vmem>> -> memref<1x400xi32, #tpu.memory_space<vmem>>
      %dma_start3A_751 = tpu.memref_squeeze %dma_start3A_750 : memref<1x400xi32, #tpu.memory_space<vmem>> -> memref<400xi32, #tpu.memory_space<vmem>>
      %dma_start3A_752 = tpu.memref_slice %arg3[%add3A_374] : memref<320000xi32, #tpu.memory_space<hbm>> -> memref<400xi32, #tpu.memory_space<hbm>>
      %dma_start3A_753 = arith.constant 0 : i32
      %dma_start3A_754 = tpu.memref_slice %arg5[%run_scoped3A_375, %dma_start3A_753] : memref<2x400xi32, #tpu.memory_space<vmem>> -> memref<1x400xi32, #tpu.memory_space<vmem>>
      %dma_start3A_755 = tpu.memref_squeeze %dma_start3A_754 : memref<1x400xi32, #tpu.memory_space<vmem>> -> memref<400xi32, #tpu.memory_space<vmem>>
      %dma_start3A_756 = tpu.memref_slice %arg3[%add3A_374] : memref<320000xi32, #tpu.memory_space<hbm>> -> memref<400xi32, #tpu.memory_space<hbm>>
      tpu.enqueue_dma source(%dma_start3A_756 : memref<400xi32, #tpu.memory_space<hbm>>) target(%dma_start3A_755 : memref<400xi32, #tpu.memory_space<vmem>>) target_semaphore(%run_scoped3A_748 : memref<!tpu.dma_semaphore, #tpu.memory_space<semaphore_mem>>)
      %dma_wait3A_757 = arith.constant 0 : i32
      %dma_wait3A_758 = tpu.memref_slice %arg5[%run_scoped3A_375, %dma_wait3A_757] : memref<2x400xi32, #tpu.memory_space<vmem>> -> memref<1x400xi32, #tpu.memory_space<vmem>>
      %dma_wait3A_759 = tpu.memref_squeeze %dma_wait3A_758 : memref<1x400xi32, #tpu.memory_space<vmem>> -> memref<400xi32, #tpu.memory_space<vmem>>
      %dma_wait3A_760 = tpu.memref_slice %arg3[%add3A_374] : memref<320000xi32, #tpu.memory_space<hbm>> -> memref<400xi32, #tpu.memory_space<hbm>>
      %dma_wait3A_761 = arith.constant 0 : i32
      %dma_wait3A_762 = tpu.memref_slice %arg5[%run_scoped3A_375, %dma_wait3A_761] : memref<2x400xi32, #tpu.memory_space<vmem>> -> memref<1x400xi32, #tpu.memory_space<vmem>>
      %dma_wait3A_763 = tpu.memref_squeeze %dma_wait3A_762 : memref<1x400xi32, #tpu.memory_space<vmem>> -> memref<400xi32, #tpu.memory_space<vmem>>
      %dma_wait3A_764 = tpu.memref_slice %arg3[%add3A_374] : memref<320000xi32, #tpu.memory_space<hbm>> -> memref<400xi32, #tpu.memory_space<hbm>>
      tpu.wait_dma2 semaphore(%run_scoped3A_748 : memref<!tpu.dma_semaphore, #tpu.memory_space<semaphore_mem>>) src(%dma_wait3A_764 : memref<400xi32, #tpu.memory_space<hbm>>) dst(%dma_wait3A_763 : memref<400xi32, #tpu.memory_space<vmem>>)
      tpu.yield
    }) : () -> ()
    %dma_start3A_376 = arith.constant 1 : i32
    %dma_start3A_377 = arith.constant 1 : i32
    %dma_start3A_378 = arith.constant 0 : i32
    %dma_start3A_379 = arith.constant 0 : i32
    %dma_start3A_380 = tpu.memref_slice %arg6[%dma_start3A_377, %dma_start3A_378, %dma_start3A_379] : memref<2x400x64xf32, #tpu.memory_space<vmem>> -> memref<1x400x64xf32, #tpu.memory_space<vmem>>
    %dma_start3A_381 = tpu.memref_squeeze %dma_start3A_380 : memref<1x400x64xf32, #tpu.memory_space<vmem>> -> memref<400x64xf32, #tpu.memory_space<vmem>>
    %dma_start3A_382 = arith.constant 0 : i32
    %dma_start3A_383 = tpu.memref_slice %arg5[%dma_start3A_376, %dma_start3A_382] : memref<2x400xi32, #tpu.memory_space<vmem>> -> memref<1x400xi32, #tpu.memory_space<vmem>>
    %dma_start3A_384 = tpu.memref_squeeze %dma_start3A_383 : memref<1x400xi32, #tpu.memory_space<vmem>> -> memref<400xi32, #tpu.memory_space<vmem>>
    %dma_start3A_385 = arith.constant 0 : i32
    %dma_start3A_386 = arith.constant 0 : i32
    %dma_start3A_387 = tpu.memref_slice %arg2[%dma_start3A_385, %dma_start3A_386] : memref<10000x64xf32, #tpu.memory_space<hbm>> -> memref<10000x64xf32, #tpu.memory_space<hbm>>
    tpu.enqueue_indirect_dma source(%dma_start3A_387 : memref<10000x64xf32, #tpu.memory_space<hbm>>) target(%dma_start3A_381 : memref<400x64xf32, #tpu.memory_space<vmem>>) offsets(%dma_start3A_384 : memref<400xi32, #tpu.memory_space<vmem>>) semaphore(%arg7 : memref<!tpu.dma_semaphore, #tpu.memory_space<semaphore_mem>>)
    %dma_wait3A_388 = arith.constant 0 : i32
    %dma_wait3A_389 = arith.constant 0 : i32
    %dma_wait3A_390 = arith.constant 0 : i32
    %dma_wait3A_391 = arith.constant 0 : i32
    %dma_wait3A_392 = tpu.memref_slice %arg6[%dma_wait3A_389, %dma_wait3A_390, %dma_wait3A_391] : memref<2x400x64xf32, #tpu.memory_space<vmem>> -> memref<1x400x64xf32, #tpu.memory_space<vmem>>
    %dma_wait3A_393 = tpu.memref_squeeze %dma_wait3A_392 : memref<1x400x64xf32, #tpu.memory_space<vmem>> -> memref<400x64xf32, #tpu.memory_space<vmem>>
    %dma_wait3A_394 = arith.constant 0 : i32
    %dma_wait3A_395 = tpu.memref_slice %arg5[%dma_wait3A_388, %dma_wait3A_394] : memref<2x400xi32, #tpu.memory_space<vmem>> -> memref<1x400xi32, #tpu.memory_space<vmem>>
    %dma_wait3A_396 = tpu.memref_squeeze %dma_wait3A_395 : memref<1x400xi32, #tpu.memory_space<vmem>> -> memref<400xi32, #tpu.memory_space<vmem>>
    %dma_wait3A_397 = arith.constant 0 : i32
    %dma_wait3A_398 = arith.constant 0 : i32
    %dma_wait3A_399 = tpu.memref_slice %arg2[%dma_wait3A_397, %dma_wait3A_398] : memref<10000x64xf32, #tpu.memory_space<hbm>> -> memref<10000x64xf32, #tpu.memory_space<hbm>>
    tpu.wait_indirect_dma semaphore(%arg7 : memref<!tpu.dma_semaphore, #tpu.memory_space<semaphore_mem>>) src(%dma_wait3A_399 : memref<10000x64xf32, #tpu.memory_space<hbm>>) dst(%dma_wait3A_393 : memref<400x64xf32, #tpu.memory_space<vmem>>)
    %add3A_400 = arith.constant 4800 : i32
    %add3A_401 = arith.addi %mul3A_2, %add3A_400 : i32
    %run_scoped3A_402 = arith.constant 0 : i32
    "tpu.region"() ({
      %run_scoped3A_748 = tpu.sem_alloc : memref<!tpu.dma_semaphore, #tpu.memory_space<semaphore_mem>>
      %dma_start3A_749 = arith.constant 0 : i32
      %dma_start3A_750 = arith.constant 0 : i32
      %dma_start3A_751 = tpu.memref_slice %arg6[%run_scoped3A_402, %dma_start3A_749, %dma_start3A_750] : memref<2x400x64xf32, #tpu.memory_space<vmem>> -> memref<1x400x64xf32, #tpu.memory_space<vmem>>
      %dma_start3A_752 = tpu.memref_squeeze %dma_start3A_751 : memref<1x400x64xf32, #tpu.memory_space<vmem>> -> memref<400x64xf32, #tpu.memory_space<vmem>>
      %dma_start3A_753 = arith.constant 0 : i32
      %dma_start3A_754 = tpu.memref_slice %arg4[%add3A_401, %dma_start3A_753] : memref<320000x64xf32, #tpu.memory_space<hbm>> -> memref<400x64xf32, #tpu.memory_space<hbm>>
      %dma_start3A_755 = arith.constant 0 : i32
      %dma_start3A_756 = tpu.memref_slice %arg4[%add3A_401, %dma_start3A_755] : memref<320000x64xf32, #tpu.memory_space<hbm>> -> memref<400x64xf32, #tpu.memory_space<hbm>>
      %dma_start3A_757 = arith.constant 0 : i32
      %dma_start3A_758 = arith.constant 0 : i32
      %dma_start3A_759 = tpu.memref_slice %arg6[%run_scoped3A_402, %dma_start3A_757, %dma_start3A_758] : memref<2x400x64xf32, #tpu.memory_space<vmem>> -> memref<1x400x64xf32, #tpu.memory_space<vmem>>
      %dma_start3A_760 = tpu.memref_squeeze %dma_start3A_759 : memref<1x400x64xf32, #tpu.memory_space<vmem>> -> memref<400x64xf32, #tpu.memory_space<vmem>>
      tpu.enqueue_dma source(%dma_start3A_760 : memref<400x64xf32, #tpu.memory_space<vmem>>) target(%dma_start3A_756 : memref<400x64xf32, #tpu.memory_space<hbm>>) target_semaphore(%run_scoped3A_748 : memref<!tpu.dma_semaphore, #tpu.memory_space<semaphore_mem>>)
      %dma_wait3A_761 = arith.constant 0 : i32
      %dma_wait3A_762 = arith.constant 0 : i32
      %dma_wait3A_763 = tpu.memref_slice %arg6[%run_scoped3A_402, %dma_wait3A_761, %dma_wait3A_762] : memref<2x400x64xf32, #tpu.memory_space<vmem>> -> memref<1x400x64xf32, #tpu.memory_space<vmem>>
      %dma_wait3A_764 = tpu.memref_squeeze %dma_wait3A_763 : memref<1x400x64xf32, #tpu.memory_space<vmem>> -> memref<400x64xf32, #tpu.memory_space<vmem>>
      %dma_wait3A_765 = arith.constant 0 : i32
      %dma_wait3A_766 = tpu.memref_slice %arg4[%add3A_401, %dma_wait3A_765] : memref<320000x64xf32, #tpu.memory_space<hbm>> -> memref<400x64xf32, #tpu.memory_space<hbm>>
      %dma_wait3A_767 = arith.constant 0 : i32
      %dma_wait3A_768 = tpu.memref_slice %arg4[%add3A_401, %dma_wait3A_767] : memref<320000x64xf32, #tpu.memory_space<hbm>> -> memref<400x64xf32, #tpu.memory_space<hbm>>
      %dma_wait3A_769 = arith.constant 0 : i32
      %dma_wait3A_770 = arith.constant 0 : i32
      %dma_wait3A_771 = tpu.memref_slice %arg6[%run_scoped3A_402, %dma_wait3A_769, %dma_wait3A_770] : memref<2x400x64xf32, #tpu.memory_space<vmem>> -> memref<1x400x64xf32, #tpu.memory_space<vmem>>
      %dma_wait3A_772 = tpu.memref_squeeze %dma_wait3A_771 : memref<1x400x64xf32, #tpu.memory_space<vmem>> -> memref<400x64xf32, #tpu.memory_space<vmem>>
      tpu.wait_dma2 semaphore(%run_scoped3A_748 : memref<!tpu.dma_semaphore, #tpu.memory_space<semaphore_mem>>) src(%dma_wait3A_772 : memref<400x64xf32, #tpu.memory_space<vmem>>) dst(%dma_wait3A_768 : memref<400x64xf32, #tpu.memory_space<hbm>>)
      tpu.yield
    }) : () -> ()
    %add3A_403 = arith.constant 5600 : i32
    %add3A_404 = arith.addi %mul3A_2, %add3A_403 : i32
    %run_scoped3A_405 = arith.constant 0 : i32
    "tpu.region"() ({
      %run_scoped3A_748 = tpu.sem_alloc : memref<!tpu.dma_semaphore, #tpu.memory_space<semaphore_mem>>
      %dma_start3A_749 = arith.constant 0 : i32
      %dma_start3A_750 = tpu.memref_slice %arg5[%run_scoped3A_405, %dma_start3A_749] : memref<2x400xi32, #tpu.memory_space<vmem>> -> memref<1x400xi32, #tpu.memory_space<vmem>>
      %dma_start3A_751 = tpu.memref_squeeze %dma_start3A_750 : memref<1x400xi32, #tpu.memory_space<vmem>> -> memref<400xi32, #tpu.memory_space<vmem>>
      %dma_start3A_752 = tpu.memref_slice %arg3[%add3A_404] : memref<320000xi32, #tpu.memory_space<hbm>> -> memref<400xi32, #tpu.memory_space<hbm>>
      %dma_start3A_753 = arith.constant 0 : i32
      %dma_start3A_754 = tpu.memref_slice %arg5[%run_scoped3A_405, %dma_start3A_753] : memref<2x400xi32, #tpu.memory_space<vmem>> -> memref<1x400xi32, #tpu.memory_space<vmem>>
      %dma_start3A_755 = tpu.memref_squeeze %dma_start3A_754 : memref<1x400xi32, #tpu.memory_space<vmem>> -> memref<400xi32, #tpu.memory_space<vmem>>
      %dma_start3A_756 = tpu.memref_slice %arg3[%add3A_404] : memref<320000xi32, #tpu.memory_space<hbm>> -> memref<400xi32, #tpu.memory_space<hbm>>
      tpu.enqueue_dma source(%dma_start3A_756 : memref<400xi32, #tpu.memory_space<hbm>>) target(%dma_start3A_755 : memref<400xi32, #tpu.memory_space<vmem>>) target_semaphore(%run_scoped3A_748 : memref<!tpu.dma_semaphore, #tpu.memory_space<semaphore_mem>>)
      %dma_wait3A_757 = arith.constant 0 : i32
      %dma_wait3A_758 = tpu.memref_slice %arg5[%run_scoped3A_405, %dma_wait3A_757] : memref<2x400xi32, #tpu.memory_space<vmem>> -> memref<1x400xi32, #tpu.memory_space<vmem>>
      %dma_wait3A_759 = tpu.memref_squeeze %dma_wait3A_758 : memref<1x400xi32, #tpu.memory_space<vmem>> -> memref<400xi32, #tpu.memory_space<vmem>>
      %dma_wait3A_760 = tpu.memref_slice %arg3[%add3A_404] : memref<320000xi32, #tpu.memory_space<hbm>> -> memref<400xi32, #tpu.memory_space<hbm>>
      %dma_wait3A_761 = arith.constant 0 : i32
      %dma_wait3A_762 = tpu.memref_slice %arg5[%run_scoped3A_405, %dma_wait3A_761] : memref<2x400xi32, #tpu.memory_space<vmem>> -> memref<1x400xi32, #tpu.memory_space<vmem>>
      %dma_wait3A_763 = tpu.memref_squeeze %dma_wait3A_762 : memref<1x400xi32, #tpu.memory_space<vmem>> -> memref<400xi32, #tpu.memory_space<vmem>>
      %dma_wait3A_764 = tpu.memref_slice %arg3[%add3A_404] : memref<320000xi32, #tpu.memory_space<hbm>> -> memref<400xi32, #tpu.memory_space<hbm>>
      tpu.wait_dma2 semaphore(%run_scoped3A_748 : memref<!tpu.dma_semaphore, #tpu.memory_space<semaphore_mem>>) src(%dma_wait3A_764 : memref<400xi32, #tpu.memory_space<hbm>>) dst(%dma_wait3A_763 : memref<400xi32, #tpu.memory_space<vmem>>)
      tpu.yield
    }) : () -> ()
    %dma_start3A_406 = arith.constant 0 : i32
    %dma_start3A_407 = arith.constant 0 : i32
    %dma_start3A_408 = arith.constant 0 : i32
    %dma_start3A_409 = arith.constant 0 : i32
    %dma_start3A_410 = tpu.memref_slice %arg6[%dma_start3A_407, %dma_start3A_408, %dma_start3A_409] : memref<2x400x64xf32, #tpu.memory_space<vmem>> -> memref<1x400x64xf32, #tpu.memory_space<vmem>>
    %dma_start3A_411 = tpu.memref_squeeze %dma_start3A_410 : memref<1x400x64xf32, #tpu.memory_space<vmem>> -> memref<400x64xf32, #tpu.memory_space<vmem>>
    %dma_start3A_412 = arith.constant 0 : i32
    %dma_start3A_413 = tpu.memref_slice %arg5[%dma_start3A_406, %dma_start3A_412] : memref<2x400xi32, #tpu.memory_space<vmem>> -> memref<1x400xi32, #tpu.memory_space<vmem>>
    %dma_start3A_414 = tpu.memref_squeeze %dma_start3A_413 : memref<1x400xi32, #tpu.memory_space<vmem>> -> memref<400xi32, #tpu.memory_space<vmem>>
    %dma_start3A_415 = arith.constant 0 : i32
    %dma_start3A_416 = arith.constant 0 : i32
    %dma_start3A_417 = tpu.memref_slice %arg2[%dma_start3A_415, %dma_start3A_416] : memref<10000x64xf32, #tpu.memory_space<hbm>> -> memref<10000x64xf32, #tpu.memory_space<hbm>>
    tpu.enqueue_indirect_dma source(%dma_start3A_417 : memref<10000x64xf32, #tpu.memory_space<hbm>>) target(%dma_start3A_411 : memref<400x64xf32, #tpu.memory_space<vmem>>) offsets(%dma_start3A_414 : memref<400xi32, #tpu.memory_space<vmem>>) semaphore(%arg7 : memref<!tpu.dma_semaphore, #tpu.memory_space<semaphore_mem>>)
    %dma_wait3A_418 = arith.constant 1 : i32
    %dma_wait3A_419 = arith.constant 1 : i32
    %dma_wait3A_420 = arith.constant 0 : i32
    %dma_wait3A_421 = arith.constant 0 : i32
    %dma_wait3A_422 = tpu.memref_slice %arg6[%dma_wait3A_419, %dma_wait3A_420, %dma_wait3A_421] : memref<2x400x64xf32, #tpu.memory_space<vmem>> -> memref<1x400x64xf32, #tpu.memory_space<vmem>>
    %dma_wait3A_423 = tpu.memref_squeeze %dma_wait3A_422 : memref<1x400x64xf32, #tpu.memory_space<vmem>> -> memref<400x64xf32, #tpu.memory_space<vmem>>
    %dma_wait3A_424 = arith.constant 0 : i32
    %dma_wait3A_425 = tpu.memref_slice %arg5[%dma_wait3A_418, %dma_wait3A_424] : memref<2x400xi32, #tpu.memory_space<vmem>> -> memref<1x400xi32, #tpu.memory_space<vmem>>
    %dma_wait3A_426 = tpu.memref_squeeze %dma_wait3A_425 : memref<1x400xi32, #tpu.memory_space<vmem>> -> memref<400xi32, #tpu.memory_space<vmem>>
    %dma_wait3A_427 = arith.constant 0 : i32
    %dma_wait3A_428 = arith.constant 0 : i32
    %dma_wait3A_429 = tpu.memref_slice %arg2[%dma_wait3A_427, %dma_wait3A_428] : memref<10000x64xf32, #tpu.memory_space<hbm>> -> memref<10000x64xf32, #tpu.memory_space<hbm>>
    tpu.wait_indirect_dma semaphore(%arg7 : memref<!tpu.dma_semaphore, #tpu.memory_space<semaphore_mem>>) src(%dma_wait3A_429 : memref<10000x64xf32, #tpu.memory_space<hbm>>) dst(%dma_wait3A_423 : memref<400x64xf32, #tpu.memory_space<vmem>>)
    %add3A_430 = arith.constant 5200 : i32
    %add3A_431 = arith.addi %mul3A_2, %add3A_430 : i32
    %run_scoped3A_432 = arith.constant 1 : i32
    "tpu.region"() ({
      %run_scoped3A_748 = tpu.sem_alloc : memref<!tpu.dma_semaphore, #tpu.memory_space<semaphore_mem>>
      %dma_start3A_749 = arith.constant 0 : i32
      %dma_start3A_750 = arith.constant 0 : i32
      %dma_start3A_751 = tpu.memref_slice %arg6[%run_scoped3A_432, %dma_start3A_749, %dma_start3A_750] : memref<2x400x64xf32, #tpu.memory_space<vmem>> -> memref<1x400x64xf32, #tpu.memory_space<vmem>>
      %dma_start3A_752 = tpu.memref_squeeze %dma_start3A_751 : memref<1x400x64xf32, #tpu.memory_space<vmem>> -> memref<400x64xf32, #tpu.memory_space<vmem>>
      %dma_start3A_753 = arith.constant 0 : i32
      %dma_start3A_754 = tpu.memref_slice %arg4[%add3A_431, %dma_start3A_753] : memref<320000x64xf32, #tpu.memory_space<hbm>> -> memref<400x64xf32, #tpu.memory_space<hbm>>
      %dma_start3A_755 = arith.constant 0 : i32
      %dma_start3A_756 = tpu.memref_slice %arg4[%add3A_431, %dma_start3A_755] : memref<320000x64xf32, #tpu.memory_space<hbm>> -> memref<400x64xf32, #tpu.memory_space<hbm>>
      %dma_start3A_757 = arith.constant 0 : i32
      %dma_start3A_758 = arith.constant 0 : i32
      %dma_start3A_759 = tpu.memref_slice %arg6[%run_scoped3A_432, %dma_start3A_757, %dma_start3A_758] : memref<2x400x64xf32, #tpu.memory_space<vmem>> -> memref<1x400x64xf32, #tpu.memory_space<vmem>>
      %dma_start3A_760 = tpu.memref_squeeze %dma_start3A_759 : memref<1x400x64xf32, #tpu.memory_space<vmem>> -> memref<400x64xf32, #tpu.memory_space<vmem>>
      tpu.enqueue_dma source(%dma_start3A_760 : memref<400x64xf32, #tpu.memory_space<vmem>>) target(%dma_start3A_756 : memref<400x64xf32, #tpu.memory_space<hbm>>) target_semaphore(%run_scoped3A_748 : memref<!tpu.dma_semaphore, #tpu.memory_space<semaphore_mem>>)
      %dma_wait3A_761 = arith.constant 0 : i32
      %dma_wait3A_762 = arith.constant 0 : i32
      %dma_wait3A_763 = tpu.memref_slice %arg6[%run_scoped3A_432, %dma_wait3A_761, %dma_wait3A_762] : memref<2x400x64xf32, #tpu.memory_space<vmem>> -> memref<1x400x64xf32, #tpu.memory_space<vmem>>
      %dma_wait3A_764 = tpu.memref_squeeze %dma_wait3A_763 : memref<1x400x64xf32, #tpu.memory_space<vmem>> -> memref<400x64xf32, #tpu.memory_space<vmem>>
      %dma_wait3A_765 = arith.constant 0 : i32
      %dma_wait3A_766 = tpu.memref_slice %arg4[%add3A_431, %dma_wait3A_765] : memref<320000x64xf32, #tpu.memory_space<hbm>> -> memref<400x64xf32, #tpu.memory_space<hbm>>
      %dma_wait3A_767 = arith.constant 0 : i32
      %dma_wait3A_768 = tpu.memref_slice %arg4[%add3A_431, %dma_wait3A_767] : memref<320000x64xf32, #tpu.memory_space<hbm>> -> memref<400x64xf32, #tpu.memory_space<hbm>>
      %dma_wait3A_769 = arith.constant 0 : i32
      %dma_wait3A_770 = arith.constant 0 : i32
      %dma_wait3A_771 = tpu.memref_slice %arg6[%run_scoped3A_432, %dma_wait3A_769, %dma_wait3A_770] : memref<2x400x64xf32, #tpu.memory_space<vmem>> -> memref<1x400x64xf32, #tpu.memory_space<vmem>>
      %dma_wait3A_772 = tpu.memref_squeeze %dma_wait3A_771 : memref<1x400x64xf32, #tpu.memory_space<vmem>> -> memref<400x64xf32, #tpu.memory_space<vmem>>
      tpu.wait_dma2 semaphore(%run_scoped3A_748 : memref<!tpu.dma_semaphore, #tpu.memory_space<semaphore_mem>>) src(%dma_wait3A_772 : memref<400x64xf32, #tpu.memory_space<vmem>>) dst(%dma_wait3A_768 : memref<400x64xf32, #tpu.memory_space<hbm>>)
      tpu.yield
    }) : () -> ()
    %add3A_433 = arith.constant 6000 : i32
    %add3A_434 = arith.addi %mul3A_2, %add3A_433 : i32
    %run_scoped3A_435 = arith.constant 1 : i32
    "tpu.region"() ({
      %run_scoped3A_748 = tpu.sem_alloc : memref<!tpu.dma_semaphore, #tpu.memory_space<semaphore_mem>>
      %dma_start3A_749 = arith.constant 0 : i32
      %dma_start3A_750 = tpu.memref_slice %arg5[%run_scoped3A_435, %dma_start3A_749] : memref<2x400xi32, #tpu.memory_space<vmem>> -> memref<1x400xi32, #tpu.memory_space<vmem>>
      %dma_start3A_751 = tpu.memref_squeeze %dma_start3A_750 : memref<1x400xi32, #tpu.memory_space<vmem>> -> memref<400xi32, #tpu.memory_space<vmem>>
      %dma_start3A_752 = tpu.memref_slice %arg3[%add3A_434] : memref<320000xi32, #tpu.memory_space<hbm>> -> memref<400xi32, #tpu.memory_space<hbm>>
      %dma_start3A_753 = arith.constant 0 : i32
      %dma_start3A_754 = tpu.memref_slice %arg5[%run_scoped3A_435, %dma_start3A_753] : memref<2x400xi32, #tpu.memory_space<vmem>> -> memref<1x400xi32, #tpu.memory_space<vmem>>
      %dma_start3A_755 = tpu.memref_squeeze %dma_start3A_754 : memref<1x400xi32, #tpu.memory_space<vmem>> -> memref<400xi32, #tpu.memory_space<vmem>>
      %dma_start3A_756 = tpu.memref_slice %arg3[%add3A_434] : memref<320000xi32, #tpu.memory_space<hbm>> -> memref<400xi32, #tpu.memory_space<hbm>>
      tpu.enqueue_dma source(%dma_start3A_756 : memref<400xi32, #tpu.memory_space<hbm>>) target(%dma_start3A_755 : memref<400xi32, #tpu.memory_space<vmem>>) target_semaphore(%run_scoped3A_748 : memref<!tpu.dma_semaphore, #tpu.memory_space<semaphore_mem>>)
      %dma_wait3A_757 = arith.constant 0 : i32
      %dma_wait3A_758 = tpu.memref_slice %arg5[%run_scoped3A_435, %dma_wait3A_757] : memref<2x400xi32, #tpu.memory_space<vmem>> -> memref<1x400xi32, #tpu.memory_space<vmem>>
      %dma_wait3A_759 = tpu.memref_squeeze %dma_wait3A_758 : memref<1x400xi32, #tpu.memory_space<vmem>> -> memref<400xi32, #tpu.memory_space<vmem>>
      %dma_wait3A_760 = tpu.memref_slice %arg3[%add3A_434] : memref<320000xi32, #tpu.memory_space<hbm>> -> memref<400xi32, #tpu.memory_space<hbm>>
      %dma_wait3A_761 = arith.constant 0 : i32
      %dma_wait3A_762 = tpu.memref_slice %arg5[%run_scoped3A_435, %dma_wait3A_761] : memref<2x400xi32, #tpu.memory_space<vmem>> -> memref<1x400xi32, #tpu.memory_space<vmem>>
      %dma_wait3A_763 = tpu.memref_squeeze %dma_wait3A_762 : memref<1x400xi32, #tpu.memory_space<vmem>> -> memref<400xi32, #tpu.memory_space<vmem>>
      %dma_wait3A_764 = tpu.memref_slice %arg3[%add3A_434] : memref<320000xi32, #tpu.memory_space<hbm>> -> memref<400xi32, #tpu.memory_space<hbm>>
      tpu.wait_dma2 semaphore(%run_scoped3A_748 : memref<!tpu.dma_semaphore, #tpu.memory_space<semaphore_mem>>) src(%dma_wait3A_764 : memref<400xi32, #tpu.memory_space<hbm>>) dst(%dma_wait3A_763 : memref<400xi32, #tpu.memory_space<vmem>>)
      tpu.yield
    }) : () -> ()
    %dma_start3A_436 = arith.constant 1 : i32
    %dma_start3A_437 = arith.constant 1 : i32
    %dma_start3A_438 = arith.constant 0 : i32
    %dma_start3A_439 = arith.constant 0 : i32
    %dma_start3A_440 = tpu.memref_slice %arg6[%dma_start3A_437, %dma_start3A_438, %dma_start3A_439] : memref<2x400x64xf32, #tpu.memory_space<vmem>> -> memref<1x400x64xf32, #tpu.memory_space<vmem>>
    %dma_start3A_441 = tpu.memref_squeeze %dma_start3A_440 : memref<1x400x64xf32, #tpu.memory_space<vmem>> -> memref<400x64xf32, #tpu.memory_space<vmem>>
    %dma_start3A_442 = arith.constant 0 : i32
    %dma_start3A_443 = tpu.memref_slice %arg5[%dma_start3A_436, %dma_start3A_442] : memref<2x400xi32, #tpu.memory_space<vmem>> -> memref<1x400xi32, #tpu.memory_space<vmem>>
    %dma_start3A_444 = tpu.memref_squeeze %dma_start3A_443 : memref<1x400xi32, #tpu.memory_space<vmem>> -> memref<400xi32, #tpu.memory_space<vmem>>
    %dma_start3A_445 = arith.constant 0 : i32
    %dma_start3A_446 = arith.constant 0 : i32
    %dma_start3A_447 = tpu.memref_slice %arg2[%dma_start3A_445, %dma_start3A_446] : memref<10000x64xf32, #tpu.memory_space<hbm>> -> memref<10000x64xf32, #tpu.memory_space<hbm>>
    tpu.enqueue_indirect_dma source(%dma_start3A_447 : memref<10000x64xf32, #tpu.memory_space<hbm>>) target(%dma_start3A_441 : memref<400x64xf32, #tpu.memory_space<vmem>>) offsets(%dma_start3A_444 : memref<400xi32, #tpu.memory_space<vmem>>) semaphore(%arg7 : memref<!tpu.dma_semaphore, #tpu.memory_space<semaphore_mem>>)
    %dma_wait3A_448 = arith.constant 0 : i32
    %dma_wait3A_449 = arith.constant 0 : i32
    %dma_wait3A_450 = arith.constant 0 : i32
    %dma_wait3A_451 = arith.constant 0 : i32
    %dma_wait3A_452 = tpu.memref_slice %arg6[%dma_wait3A_449, %dma_wait3A_450, %dma_wait3A_451] : memref<2x400x64xf32, #tpu.memory_space<vmem>> -> memref<1x400x64xf32, #tpu.memory_space<vmem>>
    %dma_wait3A_453 = tpu.memref_squeeze %dma_wait3A_452 : memref<1x400x64xf32, #tpu.memory_space<vmem>> -> memref<400x64xf32, #tpu.memory_space<vmem>>
    %dma_wait3A_454 = arith.constant 0 : i32
    %dma_wait3A_455 = tpu.memref_slice %arg5[%dma_wait3A_448, %dma_wait3A_454] : memref<2x400xi32, #tpu.memory_space<vmem>> -> memref<1x400xi32, #tpu.memory_space<vmem>>
    %dma_wait3A_456 = tpu.memref_squeeze %dma_wait3A_455 : memref<1x400xi32, #tpu.memory_space<vmem>> -> memref<400xi32, #tpu.memory_space<vmem>>
    %dma_wait3A_457 = arith.constant 0 : i32
    %dma_wait3A_458 = arith.constant 0 : i32
    %dma_wait3A_459 = tpu.memref_slice %arg2[%dma_wait3A_457, %dma_wait3A_458] : memref<10000x64xf32, #tpu.memory_space<hbm>> -> memref<10000x64xf32, #tpu.memory_space<hbm>>
    tpu.wait_indirect_dma semaphore(%arg7 : memref<!tpu.dma_semaphore, #tpu.memory_space<semaphore_mem>>) src(%dma_wait3A_459 : memref<10000x64xf32, #tpu.memory_space<hbm>>) dst(%dma_wait3A_453 : memref<400x64xf32, #tpu.memory_space<vmem>>)
    %add3A_460 = arith.constant 5600 : i32
    %add3A_461 = arith.addi %mul3A_2, %add3A_460 : i32
    %run_scoped3A_462 = arith.constant 0 : i32
    "tpu.region"() ({
      %run_scoped3A_748 = tpu.sem_alloc : memref<!tpu.dma_semaphore, #tpu.memory_space<semaphore_mem>>
      %dma_start3A_749 = arith.constant 0 : i32
      %dma_start3A_750 = arith.constant 0 : i32
      %dma_start3A_751 = tpu.memref_slice %arg6[%run_scoped3A_462, %dma_start3A_749, %dma_start3A_750] : memref<2x400x64xf32, #tpu.memory_space<vmem>> -> memref<1x400x64xf32, #tpu.memory_space<vmem>>
      %dma_start3A_752 = tpu.memref_squeeze %dma_start3A_751 : memref<1x400x64xf32, #tpu.memory_space<vmem>> -> memref<400x64xf32, #tpu.memory_space<vmem>>
      %dma_start3A_753 = arith.constant 0 : i32
      %dma_start3A_754 = tpu.memref_slice %arg4[%add3A_461, %dma_start3A_753] : memref<320000x64xf32, #tpu.memory_space<hbm>> -> memref<400x64xf32, #tpu.memory_space<hbm>>
      %dma_start3A_755 = arith.constant 0 : i32
      %dma_start3A_756 = tpu.memref_slice %arg4[%add3A_461, %dma_start3A_755] : memref<320000x64xf32, #tpu.memory_space<hbm>> -> memref<400x64xf32, #tpu.memory_space<hbm>>
      %dma_start3A_757 = arith.constant 0 : i32
      %dma_start3A_758 = arith.constant 0 : i32
      %dma_start3A_759 = tpu.memref_slice %arg6[%run_scoped3A_462, %dma_start3A_757, %dma_start3A_758] : memref<2x400x64xf32, #tpu.memory_space<vmem>> -> memref<1x400x64xf32, #tpu.memory_space<vmem>>
      %dma_start3A_760 = tpu.memref_squeeze %dma_start3A_759 : memref<1x400x64xf32, #tpu.memory_space<vmem>> -> memref<400x64xf32, #tpu.memory_space<vmem>>
      tpu.enqueue_dma source(%dma_start3A_760 : memref<400x64xf32, #tpu.memory_space<vmem>>) target(%dma_start3A_756 : memref<400x64xf32, #tpu.memory_space<hbm>>) target_semaphore(%run_scoped3A_748 : memref<!tpu.dma_semaphore, #tpu.memory_space<semaphore_mem>>)
      %dma_wait3A_761 = arith.constant 0 : i32
      %dma_wait3A_762 = arith.constant 0 : i32
      %dma_wait3A_763 = tpu.memref_slice %arg6[%run_scoped3A_462, %dma_wait3A_761, %dma_wait3A_762] : memref<2x400x64xf32, #tpu.memory_space<vmem>> -> memref<1x400x64xf32, #tpu.memory_space<vmem>>
      %dma_wait3A_764 = tpu.memref_squeeze %dma_wait3A_763 : memref<1x400x64xf32, #tpu.memory_space<vmem>> -> memref<400x64xf32, #tpu.memory_space<vmem>>
      %dma_wait3A_765 = arith.constant 0 : i32
      %dma_wait3A_766 = tpu.memref_slice %arg4[%add3A_461, %dma_wait3A_765] : memref<320000x64xf32, #tpu.memory_space<hbm>> -> memref<400x64xf32, #tpu.memory_space<hbm>>
      %dma_wait3A_767 = arith.constant 0 : i32
      %dma_wait3A_768 = tpu.memref_slice %arg4[%add3A_461, %dma_wait3A_767] : memref<320000x64xf32, #tpu.memory_space<hbm>> -> memref<400x64xf32, #tpu.memory_space<hbm>>
      %dma_wait3A_769 = arith.constant 0 : i32
      %dma_wait3A_770 = arith.constant 0 : i32
      %dma_wait3A_771 = tpu.memref_slice %arg6[%run_scoped3A_462, %dma_wait3A_769, %dma_wait3A_770] : memref<2x400x64xf32, #tpu.memory_space<vmem>> -> memref<1x400x64xf32, #tpu.memory_space<vmem>>
      %dma_wait3A_772 = tpu.memref_squeeze %dma_wait3A_771 : memref<1x400x64xf32, #tpu.memory_space<vmem>> -> memref<400x64xf32, #tpu.memory_space<vmem>>
      tpu.wait_dma2 semaphore(%run_scoped3A_748 : memref<!tpu.dma_semaphore, #tpu.memory_space<semaphore_mem>>) src(%dma_wait3A_772 : memref<400x64xf32, #tpu.memory_space<vmem>>) dst(%dma_wait3A_768 : memref<400x64xf32, #tpu.memory_space<hbm>>)
      tpu.yield
    }) : () -> ()
    %add3A_463 = arith.constant 6400 : i32
    %add3A_464 = arith.addi %mul3A_2, %add3A_463 : i32
    %run_scoped3A_465 = arith.constant 0 : i32
    "tpu.region"() ({
      %run_scoped3A_748 = tpu.sem_alloc : memref<!tpu.dma_semaphore, #tpu.memory_space<semaphore_mem>>
      %dma_start3A_749 = arith.constant 0 : i32
      %dma_start3A_750 = tpu.memref_slice %arg5[%run_scoped3A_465, %dma_start3A_749] : memref<2x400xi32, #tpu.memory_space<vmem>> -> memref<1x400xi32, #tpu.memory_space<vmem>>
      %dma_start3A_751 = tpu.memref_squeeze %dma_start3A_750 : memref<1x400xi32, #tpu.memory_space<vmem>> -> memref<400xi32, #tpu.memory_space<vmem>>
      %dma_start3A_752 = tpu.memref_slice %arg3[%add3A_464] : memref<320000xi32, #tpu.memory_space<hbm>> -> memref<400xi32, #tpu.memory_space<hbm>>
      %dma_start3A_753 = arith.constant 0 : i32
      %dma_start3A_754 = tpu.memref_slice %arg5[%run_scoped3A_465, %dma_start3A_753] : memref<2x400xi32, #tpu.memory_space<vmem>> -> memref<1x400xi32, #tpu.memory_space<vmem>>
      %dma_start3A_755 = tpu.memref_squeeze %dma_start3A_754 : memref<1x400xi32, #tpu.memory_space<vmem>> -> memref<400xi32, #tpu.memory_space<vmem>>
      %dma_start3A_756 = tpu.memref_slice %arg3[%add3A_464] : memref<320000xi32, #tpu.memory_space<hbm>> -> memref<400xi32, #tpu.memory_space<hbm>>
      tpu.enqueue_dma source(%dma_start3A_756 : memref<400xi32, #tpu.memory_space<hbm>>) target(%dma_start3A_755 : memref<400xi32, #tpu.memory_space<vmem>>) target_semaphore(%run_scoped3A_748 : memref<!tpu.dma_semaphore, #tpu.memory_space<semaphore_mem>>)
      %dma_wait3A_757 = arith.constant 0 : i32
      %dma_wait3A_758 = tpu.memref_slice %arg5[%run_scoped3A_465, %dma_wait3A_757] : memref<2x400xi32, #tpu.memory_space<vmem>> -> memref<1x400xi32, #tpu.memory_space<vmem>>
      %dma_wait3A_759 = tpu.memref_squeeze %dma_wait3A_758 : memref<1x400xi32, #tpu.memory_space<vmem>> -> memref<400xi32, #tpu.memory_space<vmem>>
      %dma_wait3A_760 = tpu.memref_slice %arg3[%add3A_464] : memref<320000xi32, #tpu.memory_space<hbm>> -> memref<400xi32, #tpu.memory_space<hbm>>
      %dma_wait3A_761 = arith.constant 0 : i32
      %dma_wait3A_762 = tpu.memref_slice %arg5[%run_scoped3A_465, %dma_wait3A_761] : memref<2x400xi32, #tpu.memory_space<vmem>> -> memref<1x400xi32, #tpu.memory_space<vmem>>
      %dma_wait3A_763 = tpu.memref_squeeze %dma_wait3A_762 : memref<1x400xi32, #tpu.memory_space<vmem>> -> memref<400xi32, #tpu.memory_space<vmem>>
      %dma_wait3A_764 = tpu.memref_slice %arg3[%add3A_464] : memref<320000xi32, #tpu.memory_space<hbm>> -> memref<400xi32, #tpu.memory_space<hbm>>
      tpu.wait_dma2 semaphore(%run_scoped3A_748 : memref<!tpu.dma_semaphore, #tpu.memory_space<semaphore_mem>>) src(%dma_wait3A_764 : memref<400xi32, #tpu.memory_space<hbm>>) dst(%dma_wait3A_763 : memref<400xi32, #tpu.memory_space<vmem>>)
      tpu.yield
    }) : () -> ()
    %dma_start3A_466 = arith.constant 0 : i32
    %dma_start3A_467 = arith.constant 0 : i32
    %dma_start3A_468 = arith.constant 0 : i32
    %dma_start3A_469 = arith.constant 0 : i32
    %dma_start3A_470 = tpu.memref_slice %arg6[%dma_start3A_467, %dma_start3A_468, %dma_start3A_469] : memref<2x400x64xf32, #tpu.memory_space<vmem>> -> memref<1x400x64xf32, #tpu.memory_space<vmem>>
    %dma_start3A_471 = tpu.memref_squeeze %dma_start3A_470 : memref<1x400x64xf32, #tpu.memory_space<vmem>> -> memref<400x64xf32, #tpu.memory_space<vmem>>
    %dma_start3A_472 = arith.constant 0 : i32
    %dma_start3A_473 = tpu.memref_slice %arg5[%dma_start3A_466, %dma_start3A_472] : memref<2x400xi32, #tpu.memory_space<vmem>> -> memref<1x400xi32, #tpu.memory_space<vmem>>
    %dma_start3A_474 = tpu.memref_squeeze %dma_start3A_473 : memref<1x400xi32, #tpu.memory_space<vmem>> -> memref<400xi32, #tpu.memory_space<vmem>>
    %dma_start3A_475 = arith.constant 0 : i32
    %dma_start3A_476 = arith.constant 0 : i32
    %dma_start3A_477 = tpu.memref_slice %arg2[%dma_start3A_475, %dma_start3A_476] : memref<10000x64xf32, #tpu.memory_space<hbm>> -> memref<10000x64xf32, #tpu.memory_space<hbm>>
    tpu.enqueue_indirect_dma source(%dma_start3A_477 : memref<10000x64xf32, #tpu.memory_space<hbm>>) target(%dma_start3A_471 : memref<400x64xf32, #tpu.memory_space<vmem>>) offsets(%dma_start3A_474 : memref<400xi32, #tpu.memory_space<vmem>>) semaphore(%arg7 : memref<!tpu.dma_semaphore, #tpu.memory_space<semaphore_mem>>)
    %dma_wait3A_478 = arith.constant 1 : i32
    %dma_wait3A_479 = arith.constant 1 : i32
    %dma_wait3A_480 = arith.constant 0 : i32
    %dma_wait3A_481 = arith.constant 0 : i32
    %dma_wait3A_482 = tpu.memref_slice %arg6[%dma_wait3A_479, %dma_wait3A_480, %dma_wait3A_481] : memref<2x400x64xf32, #tpu.memory_space<vmem>> -> memref<1x400x64xf32, #tpu.memory_space<vmem>>
    %dma_wait3A_483 = tpu.memref_squeeze %dma_wait3A_482 : memref<1x400x64xf32, #tpu.memory_space<vmem>> -> memref<400x64xf32, #tpu.memory_space<vmem>>
    %dma_wait3A_484 = arith.constant 0 : i32
    %dma_wait3A_485 = tpu.memref_slice %arg5[%dma_wait3A_478, %dma_wait3A_484] : memref<2x400xi32, #tpu.memory_space<vmem>> -> memref<1x400xi32, #tpu.memory_space<vmem>>
    %dma_wait3A_486 = tpu.memref_squeeze %dma_wait3A_485 : memref<1x400xi32, #tpu.memory_space<vmem>> -> memref<400xi32, #tpu.memory_space<vmem>>
    %dma_wait3A_487 = arith.constant 0 : i32
    %dma_wait3A_488 = arith.constant 0 : i32
    %dma_wait3A_489 = tpu.memref_slice %arg2[%dma_wait3A_487, %dma_wait3A_488] : memref<10000x64xf32, #tpu.memory_space<hbm>> -> memref<10000x64xf32, #tpu.memory_space<hbm>>
    tpu.wait_indirect_dma semaphore(%arg7 : memref<!tpu.dma_semaphore, #tpu.memory_space<semaphore_mem>>) src(%dma_wait3A_489 : memref<10000x64xf32, #tpu.memory_space<hbm>>) dst(%dma_wait3A_483 : memref<400x64xf32, #tpu.memory_space<vmem>>)
    %add3A_490 = arith.constant 6000 : i32
    %add3A_491 = arith.addi %mul3A_2, %add3A_490 : i32
    %run_scoped3A_492 = arith.constant 1 : i32
    "tpu.region"() ({
      %run_scoped3A_748 = tpu.sem_alloc : memref<!tpu.dma_semaphore, #tpu.memory_space<semaphore_mem>>
      %dma_start3A_749 = arith.constant 0 : i32
      %dma_start3A_750 = arith.constant 0 : i32
      %dma_start3A_751 = tpu.memref_slice %arg6[%run_scoped3A_492, %dma_start3A_749, %dma_start3A_750] : memref<2x400x64xf32, #tpu.memory_space<vmem>> -> memref<1x400x64xf32, #tpu.memory_space<vmem>>
      %dma_start3A_752 = tpu.memref_squeeze %dma_start3A_751 : memref<1x400x64xf32, #tpu.memory_space<vmem>> -> memref<400x64xf32, #tpu.memory_space<vmem>>
      %dma_start3A_753 = arith.constant 0 : i32
      %dma_start3A_754 = tpu.memref_slice %arg4[%add3A_491, %dma_start3A_753] : memref<320000x64xf32, #tpu.memory_space<hbm>> -> memref<400x64xf32, #tpu.memory_space<hbm>>
      %dma_start3A_755 = arith.constant 0 : i32
      %dma_start3A_756 = tpu.memref_slice %arg4[%add3A_491, %dma_start3A_755] : memref<320000x64xf32, #tpu.memory_space<hbm>> -> memref<400x64xf32, #tpu.memory_space<hbm>>
      %dma_start3A_757 = arith.constant 0 : i32
      %dma_start3A_758 = arith.constant 0 : i32
      %dma_start3A_759 = tpu.memref_slice %arg6[%run_scoped3A_492, %dma_start3A_757, %dma_start3A_758] : memref<2x400x64xf32, #tpu.memory_space<vmem>> -> memref<1x400x64xf32, #tpu.memory_space<vmem>>
      %dma_start3A_760 = tpu.memref_squeeze %dma_start3A_759 : memref<1x400x64xf32, #tpu.memory_space<vmem>> -> memref<400x64xf32, #tpu.memory_space<vmem>>
      tpu.enqueue_dma source(%dma_start3A_760 : memref<400x64xf32, #tpu.memory_space<vmem>>) target(%dma_start3A_756 : memref<400x64xf32, #tpu.memory_space<hbm>>) target_semaphore(%run_scoped3A_748 : memref<!tpu.dma_semaphore, #tpu.memory_space<semaphore_mem>>)
      %dma_wait3A_761 = arith.constant 0 : i32
      %dma_wait3A_762 = arith.constant 0 : i32
      %dma_wait3A_763 = tpu.memref_slice %arg6[%run_scoped3A_492, %dma_wait3A_761, %dma_wait3A_762] : memref<2x400x64xf32, #tpu.memory_space<vmem>> -> memref<1x400x64xf32, #tpu.memory_space<vmem>>
      %dma_wait3A_764 = tpu.memref_squeeze %dma_wait3A_763 : memref<1x400x64xf32, #tpu.memory_space<vmem>> -> memref<400x64xf32, #tpu.memory_space<vmem>>
      %dma_wait3A_765 = arith.constant 0 : i32
      %dma_wait3A_766 = tpu.memref_slice %arg4[%add3A_491, %dma_wait3A_765] : memref<320000x64xf32, #tpu.memory_space<hbm>> -> memref<400x64xf32, #tpu.memory_space<hbm>>
      %dma_wait3A_767 = arith.constant 0 : i32
      %dma_wait3A_768 = tpu.memref_slice %arg4[%add3A_491, %dma_wait3A_767] : memref<320000x64xf32, #tpu.memory_space<hbm>> -> memref<400x64xf32, #tpu.memory_space<hbm>>
      %dma_wait3A_769 = arith.constant 0 : i32
      %dma_wait3A_770 = arith.constant 0 : i32
      %dma_wait3A_771 = tpu.memref_slice %arg6[%run_scoped3A_492, %dma_wait3A_769, %dma_wait3A_770] : memref<2x400x64xf32, #tpu.memory_space<vmem>> -> memref<1x400x64xf32, #tpu.memory_space<vmem>>
      %dma_wait3A_772 = tpu.memref_squeeze %dma_wait3A_771 : memref<1x400x64xf32, #tpu.memory_space<vmem>> -> memref<400x64xf32, #tpu.memory_space<vmem>>
      tpu.wait_dma2 semaphore(%run_scoped3A_748 : memref<!tpu.dma_semaphore, #tpu.memory_space<semaphore_mem>>) src(%dma_wait3A_772 : memref<400x64xf32, #tpu.memory_space<vmem>>) dst(%dma_wait3A_768 : memref<400x64xf32, #tpu.memory_space<hbm>>)
      tpu.yield
    }) : () -> ()
    %add3A_493 = arith.constant 6800 : i32
    %add3A_494 = arith.addi %mul3A_2, %add3A_493 : i32
    %run_scoped3A_495 = arith.constant 1 : i32
    "tpu.region"() ({
      %run_scoped3A_748 = tpu.sem_alloc : memref<!tpu.dma_semaphore, #tpu.memory_space<semaphore_mem>>
      %dma_start3A_749 = arith.constant 0 : i32
      %dma_start3A_750 = tpu.memref_slice %arg5[%run_scoped3A_495, %dma_start3A_749] : memref<2x400xi32, #tpu.memory_space<vmem>> -> memref<1x400xi32, #tpu.memory_space<vmem>>
      %dma_start3A_751 = tpu.memref_squeeze %dma_start3A_750 : memref<1x400xi32, #tpu.memory_space<vmem>> -> memref<400xi32, #tpu.memory_space<vmem>>
      %dma_start3A_752 = tpu.memref_slice %arg3[%add3A_494] : memref<320000xi32, #tpu.memory_space<hbm>> -> memref<400xi32, #tpu.memory_space<hbm>>
      %dma_start3A_753 = arith.constant 0 : i32
      %dma_start3A_754 = tpu.memref_slice %arg5[%run_scoped3A_495, %dma_start3A_753] : memref<2x400xi32, #tpu.memory_space<vmem>> -> memref<1x400xi32, #tpu.memory_space<vmem>>
      %dma_start3A_755 = tpu.memref_squeeze %dma_start3A_754 : memref<1x400xi32, #tpu.memory_space<vmem>> -> memref<400xi32, #tpu.memory_space<vmem>>
      %dma_start3A_756 = tpu.memref_slice %arg3[%add3A_494] : memref<320000xi32, #tpu.memory_space<hbm>> -> memref<400xi32, #tpu.memory_space<hbm>>
      tpu.enqueue_dma source(%dma_start3A_756 : memref<400xi32, #tpu.memory_space<hbm>>) target(%dma_start3A_755 : memref<400xi32, #tpu.memory_space<vmem>>) target_semaphore(%run_scoped3A_748 : memref<!tpu.dma_semaphore, #tpu.memory_space<semaphore_mem>>)
      %dma_wait3A_757 = arith.constant 0 : i32
      %dma_wait3A_758 = tpu.memref_slice %arg5[%run_scoped3A_495, %dma_wait3A_757] : memref<2x400xi32, #tpu.memory_space<vmem>> -> memref<1x400xi32, #tpu.memory_space<vmem>>
      %dma_wait3A_759 = tpu.memref_squeeze %dma_wait3A_758 : memref<1x400xi32, #tpu.memory_space<vmem>> -> memref<400xi32, #tpu.memory_space<vmem>>
      %dma_wait3A_760 = tpu.memref_slice %arg3[%add3A_494] : memref<320000xi32, #tpu.memory_space<hbm>> -> memref<400xi32, #tpu.memory_space<hbm>>
      %dma_wait3A_761 = arith.constant 0 : i32
      %dma_wait3A_762 = tpu.memref_slice %arg5[%run_scoped3A_495, %dma_wait3A_761] : memref<2x400xi32, #tpu.memory_space<vmem>> -> memref<1x400xi32, #tpu.memory_space<vmem>>
      %dma_wait3A_763 = tpu.memref_squeeze %dma_wait3A_762 : memref<1x400xi32, #tpu.memory_space<vmem>> -> memref<400xi32, #tpu.memory_space<vmem>>
      %dma_wait3A_764 = tpu.memref_slice %arg3[%add3A_494] : memref<320000xi32, #tpu.memory_space<hbm>> -> memref<400xi32, #tpu.memory_space<hbm>>
      tpu.wait_dma2 semaphore(%run_scoped3A_748 : memref<!tpu.dma_semaphore, #tpu.memory_space<semaphore_mem>>) src(%dma_wait3A_764 : memref<400xi32, #tpu.memory_space<hbm>>) dst(%dma_wait3A_763 : memref<400xi32, #tpu.memory_space<vmem>>)
      tpu.yield
    }) : () -> ()
    %dma_start3A_496 = arith.constant 1 : i32
    %dma_start3A_497 = arith.constant 1 : i32
    %dma_start3A_498 = arith.constant 0 : i32
    %dma_start3A_499 = arith.constant 0 : i32
    %dma_start3A_500 = tpu.memref_slice %arg6[%dma_start3A_497, %dma_start3A_498, %dma_start3A_499] : memref<2x400x64xf32, #tpu.memory_space<vmem>> -> memref<1x400x64xf32, #tpu.memory_space<vmem>>
    %dma_start3A_501 = tpu.memref_squeeze %dma_start3A_500 : memref<1x400x64xf32, #tpu.memory_space<vmem>> -> memref<400x64xf32, #tpu.memory_space<vmem>>
    %dma_start3A_502 = arith.constant 0 : i32
    %dma_start3A_503 = tpu.memref_slice %arg5[%dma_start3A_496, %dma_start3A_502] : memref<2x400xi32, #tpu.memory_space<vmem>> -> memref<1x400xi32, #tpu.memory_space<vmem>>
    %dma_start3A_504 = tpu.memref_squeeze %dma_start3A_503 : memref<1x400xi32, #tpu.memory_space<vmem>> -> memref<400xi32, #tpu.memory_space<vmem>>
    %dma_start3A_505 = arith.constant 0 : i32
    %dma_start3A_506 = arith.constant 0 : i32
    %dma_start3A_507 = tpu.memref_slice %arg2[%dma_start3A_505, %dma_start3A_506] : memref<10000x64xf32, #tpu.memory_space<hbm>> -> memref<10000x64xf32, #tpu.memory_space<hbm>>
    tpu.enqueue_indirect_dma source(%dma_start3A_507 : memref<10000x64xf32, #tpu.memory_space<hbm>>) target(%dma_start3A_501 : memref<400x64xf32, #tpu.memory_space<vmem>>) offsets(%dma_start3A_504 : memref<400xi32, #tpu.memory_space<vmem>>) semaphore(%arg7 : memref<!tpu.dma_semaphore, #tpu.memory_space<semaphore_mem>>)
    %dma_wait3A_508 = arith.constant 0 : i32
    %dma_wait3A_509 = arith.constant 0 : i32
    %dma_wait3A_510 = arith.constant 0 : i32
    %dma_wait3A_511 = arith.constant 0 : i32
    %dma_wait3A_512 = tpu.memref_slice %arg6[%dma_wait3A_509, %dma_wait3A_510, %dma_wait3A_511] : memref<2x400x64xf32, #tpu.memory_space<vmem>> -> memref<1x400x64xf32, #tpu.memory_space<vmem>>
    %dma_wait3A_513 = tpu.memref_squeeze %dma_wait3A_512 : memref<1x400x64xf32, #tpu.memory_space<vmem>> -> memref<400x64xf32, #tpu.memory_space<vmem>>
    %dma_wait3A_514 = arith.constant 0 : i32
    %dma_wait3A_515 = tpu.memref_slice %arg5[%dma_wait3A_508, %dma_wait3A_514] : memref<2x400xi32, #tpu.memory_space<vmem>> -> memref<1x400xi32, #tpu.memory_space<vmem>>
    %dma_wait3A_516 = tpu.memref_squeeze %dma_wait3A_515 : memref<1x400xi32, #tpu.memory_space<vmem>> -> memref<400xi32, #tpu.memory_space<vmem>>
    %dma_wait3A_517 = arith.constant 0 : i32
    %dma_wait3A_518 = arith.constant 0 : i32
    %dma_wait3A_519 = tpu.memref_slice %arg2[%dma_wait3A_517, %dma_wait3A_518] : memref<10000x64xf32, #tpu.memory_space<hbm>> -> memref<10000x64xf32, #tpu.memory_space<hbm>>
    tpu.wait_indirect_dma semaphore(%arg7 : memref<!tpu.dma_semaphore, #tpu.memory_space<semaphore_mem>>) src(%dma_wait3A_519 : memref<10000x64xf32, #tpu.memory_space<hbm>>) dst(%dma_wait3A_513 : memref<400x64xf32, #tpu.memory_space<vmem>>)
    %add3A_520 = arith.constant 6400 : i32
    %add3A_521 = arith.addi %mul3A_2, %add3A_520 : i32
    %run_scoped3A_522 = arith.constant 0 : i32
    "tpu.region"() ({
      %run_scoped3A_748 = tpu.sem_alloc : memref<!tpu.dma_semaphore, #tpu.memory_space<semaphore_mem>>
      %dma_start3A_749 = arith.constant 0 : i32
      %dma_start3A_750 = arith.constant 0 : i32
      %dma_start3A_751 = tpu.memref_slice %arg6[%run_scoped3A_522, %dma_start3A_749, %dma_start3A_750] : memref<2x400x64xf32, #tpu.memory_space<vmem>> -> memref<1x400x64xf32, #tpu.memory_space<vmem>>
      %dma_start3A_752 = tpu.memref_squeeze %dma_start3A_751 : memref<1x400x64xf32, #tpu.memory_space<vmem>> -> memref<400x64xf32, #tpu.memory_space<vmem>>
      %dma_start3A_753 = arith.constant 0 : i32
      %dma_start3A_754 = tpu.memref_slice %arg4[%add3A_521, %dma_start3A_753] : memref<320000x64xf32, #tpu.memory_space<hbm>> -> memref<400x64xf32, #tpu.memory_space<hbm>>
      %dma_start3A_755 = arith.constant 0 : i32
      %dma_start3A_756 = tpu.memref_slice %arg4[%add3A_521, %dma_start3A_755] : memref<320000x64xf32, #tpu.memory_space<hbm>> -> memref<400x64xf32, #tpu.memory_space<hbm>>
      %dma_start3A_757 = arith.constant 0 : i32
      %dma_start3A_758 = arith.constant 0 : i32
      %dma_start3A_759 = tpu.memref_slice %arg6[%run_scoped3A_522, %dma_start3A_757, %dma_start3A_758] : memref<2x400x64xf32, #tpu.memory_space<vmem>> -> memref<1x400x64xf32, #tpu.memory_space<vmem>>
      %dma_start3A_760 = tpu.memref_squeeze %dma_start3A_759 : memref<1x400x64xf32, #tpu.memory_space<vmem>> -> memref<400x64xf32, #tpu.memory_space<vmem>>
      tpu.enqueue_dma source(%dma_start3A_760 : memref<400x64xf32, #tpu.memory_space<vmem>>) target(%dma_start3A_756 : memref<400x64xf32, #tpu.memory_space<hbm>>) target_semaphore(%run_scoped3A_748 : memref<!tpu.dma_semaphore, #tpu.memory_space<semaphore_mem>>)
      %dma_wait3A_761 = arith.constant 0 : i32
      %dma_wait3A_762 = arith.constant 0 : i32
      %dma_wait3A_763 = tpu.memref_slice %arg6[%run_scoped3A_522, %dma_wait3A_761, %dma_wait3A_762] : memref<2x400x64xf32, #tpu.memory_space<vmem>> -> memref<1x400x64xf32, #tpu.memory_space<vmem>>
      %dma_wait3A_764 = tpu.memref_squeeze %dma_wait3A_763 : memref<1x400x64xf32, #tpu.memory_space<vmem>> -> memref<400x64xf32, #tpu.memory_space<vmem>>
      %dma_wait3A_765 = arith.constant 0 : i32
      %dma_wait3A_766 = tpu.memref_slice %arg4[%add3A_521, %dma_wait3A_765] : memref<320000x64xf32, #tpu.memory_space<hbm>> -> memref<400x64xf32, #tpu.memory_space<hbm>>
      %dma_wait3A_767 = arith.constant 0 : i32
      %dma_wait3A_768 = tpu.memref_slice %arg4[%add3A_521, %dma_wait3A_767] : memref<320000x64xf32, #tpu.memory_space<hbm>> -> memref<400x64xf32, #tpu.memory_space<hbm>>
      %dma_wait3A_769 = arith.constant 0 : i32
      %dma_wait3A_770 = arith.constant 0 : i32
      %dma_wait3A_771 = tpu.memref_slice %arg6[%run_scoped3A_522, %dma_wait3A_769, %dma_wait3A_770] : memref<2x400x64xf32, #tpu.memory_space<vmem>> -> memref<1x400x64xf32, #tpu.memory_space<vmem>>
      %dma_wait3A_772 = tpu.memref_squeeze %dma_wait3A_771 : memref<1x400x64xf32, #tpu.memory_space<vmem>> -> memref<400x64xf32, #tpu.memory_space<vmem>>
      tpu.wait_dma2 semaphore(%run_scoped3A_748 : memref<!tpu.dma_semaphore, #tpu.memory_space<semaphore_mem>>) src(%dma_wait3A_772 : memref<400x64xf32, #tpu.memory_space<vmem>>) dst(%dma_wait3A_768 : memref<400x64xf32, #tpu.memory_space<hbm>>)
      tpu.yield
    }) : () -> ()
    %add3A_523 = arith.constant 7200 : i32
    %add3A_524 = arith.addi %mul3A_2, %add3A_523 : i32
    %run_scoped3A_525 = arith.constant 0 : i32
    "tpu.region"() ({
      %run_scoped3A_748 = tpu.sem_alloc : memref<!tpu.dma_semaphore, #tpu.memory_space<semaphore_mem>>
      %dma_start3A_749 = arith.constant 0 : i32
      %dma_start3A_750 = tpu.memref_slice %arg5[%run_scoped3A_525, %dma_start3A_749] : memref<2x400xi32, #tpu.memory_space<vmem>> -> memref<1x400xi32, #tpu.memory_space<vmem>>
      %dma_start3A_751 = tpu.memref_squeeze %dma_start3A_750 : memref<1x400xi32, #tpu.memory_space<vmem>> -> memref<400xi32, #tpu.memory_space<vmem>>
      %dma_start3A_752 = tpu.memref_slice %arg3[%add3A_524] : memref<320000xi32, #tpu.memory_space<hbm>> -> memref<400xi32, #tpu.memory_space<hbm>>
      %dma_start3A_753 = arith.constant 0 : i32
      %dma_start3A_754 = tpu.memref_slice %arg5[%run_scoped3A_525, %dma_start3A_753] : memref<2x400xi32, #tpu.memory_space<vmem>> -> memref<1x400xi32, #tpu.memory_space<vmem>>
      %dma_start3A_755 = tpu.memref_squeeze %dma_start3A_754 : memref<1x400xi32, #tpu.memory_space<vmem>> -> memref<400xi32, #tpu.memory_space<vmem>>
      %dma_start3A_756 = tpu.memref_slice %arg3[%add3A_524] : memref<320000xi32, #tpu.memory_space<hbm>> -> memref<400xi32, #tpu.memory_space<hbm>>
      tpu.enqueue_dma source(%dma_start3A_756 : memref<400xi32, #tpu.memory_space<hbm>>) target(%dma_start3A_755 : memref<400xi32, #tpu.memory_space<vmem>>) target_semaphore(%run_scoped3A_748 : memref<!tpu.dma_semaphore, #tpu.memory_space<semaphore_mem>>)
      %dma_wait3A_757 = arith.constant 0 : i32
      %dma_wait3A_758 = tpu.memref_slice %arg5[%run_scoped3A_525, %dma_wait3A_757] : memref<2x400xi32, #tpu.memory_space<vmem>> -> memref<1x400xi32, #tpu.memory_space<vmem>>
      %dma_wait3A_759 = tpu.memref_squeeze %dma_wait3A_758 : memref<1x400xi32, #tpu.memory_space<vmem>> -> memref<400xi32, #tpu.memory_space<vmem>>
      %dma_wait3A_760 = tpu.memref_slice %arg3[%add3A_524] : memref<320000xi32, #tpu.memory_space<hbm>> -> memref<400xi32, #tpu.memory_space<hbm>>
      %dma_wait3A_761 = arith.constant 0 : i32
      %dma_wait3A_762 = tpu.memref_slice %arg5[%run_scoped3A_525, %dma_wait3A_761] : memref<2x400xi32, #tpu.memory_space<vmem>> -> memref<1x400xi32, #tpu.memory_space<vmem>>
      %dma_wait3A_763 = tpu.memref_squeeze %dma_wait3A_762 : memref<1x400xi32, #tpu.memory_space<vmem>> -> memref<400xi32, #tpu.memory_space<vmem>>
      %dma_wait3A_764 = tpu.memref_slice %arg3[%add3A_524] : memref<320000xi32, #tpu.memory_space<hbm>> -> memref<400xi32, #tpu.memory_space<hbm>>
      tpu.wait_dma2 semaphore(%run_scoped3A_748 : memref<!tpu.dma_semaphore, #tpu.memory_space<semaphore_mem>>) src(%dma_wait3A_764 : memref<400xi32, #tpu.memory_space<hbm>>) dst(%dma_wait3A_763 : memref<400xi32, #tpu.memory_space<vmem>>)
      tpu.yield
    }) : () -> ()
    %dma_start3A_526 = arith.constant 0 : i32
    %dma_start3A_527 = arith.constant 0 : i32
    %dma_start3A_528 = arith.constant 0 : i32
    %dma_start3A_529 = arith.constant 0 : i32
    %dma_start3A_530 = tpu.memref_slice %arg6[%dma_start3A_527, %dma_start3A_528, %dma_start3A_529] : memref<2x400x64xf32, #tpu.memory_space<vmem>> -> memref<1x400x64xf32, #tpu.memory_space<vmem>>
    %dma_start3A_531 = tpu.memref_squeeze %dma_start3A_530 : memref<1x400x64xf32, #tpu.memory_space<vmem>> -> memref<400x64xf32, #tpu.memory_space<vmem>>
    %dma_start3A_532 = arith.constant 0 : i32
    %dma_start3A_533 = tpu.memref_slice %arg5[%dma_start3A_526, %dma_start3A_532] : memref<2x400xi32, #tpu.memory_space<vmem>> -> memref<1x400xi32, #tpu.memory_space<vmem>>
    %dma_start3A_534 = tpu.memref_squeeze %dma_start3A_533 : memref<1x400xi32, #tpu.memory_space<vmem>> -> memref<400xi32, #tpu.memory_space<vmem>>
    %dma_start3A_535 = arith.constant 0 : i32
    %dma_start3A_536 = arith.constant 0 : i32
    %dma_start3A_537 = tpu.memref_slice %arg2[%dma_start3A_535, %dma_start3A_536] : memref<10000x64xf32, #tpu.memory_space<hbm>> -> memref<10000x64xf32, #tpu.memory_space<hbm>>
    tpu.enqueue_indirect_dma source(%dma_start3A_537 : memref<10000x64xf32, #tpu.memory_space<hbm>>) target(%dma_start3A_531 : memref<400x64xf32, #tpu.memory_space<vmem>>) offsets(%dma_start3A_534 : memref<400xi32, #tpu.memory_space<vmem>>) semaphore(%arg7 : memref<!tpu.dma_semaphore, #tpu.memory_space<semaphore_mem>>)
    %dma_wait3A_538 = arith.constant 1 : i32
    %dma_wait3A_539 = arith.constant 1 : i32
    %dma_wait3A_540 = arith.constant 0 : i32
    %dma_wait3A_541 = arith.constant 0 : i32
    %dma_wait3A_542 = tpu.memref_slice %arg6[%dma_wait3A_539, %dma_wait3A_540, %dma_wait3A_541] : memref<2x400x64xf32, #tpu.memory_space<vmem>> -> memref<1x400x64xf32, #tpu.memory_space<vmem>>
    %dma_wait3A_543 = tpu.memref_squeeze %dma_wait3A_542 : memref<1x400x64xf32, #tpu.memory_space<vmem>> -> memref<400x64xf32, #tpu.memory_space<vmem>>
    %dma_wait3A_544 = arith.constant 0 : i32
    %dma_wait3A_545 = tpu.memref_slice %arg5[%dma_wait3A_538, %dma_wait3A_544] : memref<2x400xi32, #tpu.memory_space<vmem>> -> memref<1x400xi32, #tpu.memory_space<vmem>>
    %dma_wait3A_546 = tpu.memref_squeeze %dma_wait3A_545 : memref<1x400xi32, #tpu.memory_space<vmem>> -> memref<400xi32, #tpu.memory_space<vmem>>
    %dma_wait3A_547 = arith.constant 0 : i32
    %dma_wait3A_548 = arith.constant 0 : i32
    %dma_wait3A_549 = tpu.memref_slice %arg2[%dma_wait3A_547, %dma_wait3A_548] : memref<10000x64xf32, #tpu.memory_space<hbm>> -> memref<10000x64xf32, #tpu.memory_space<hbm>>
    tpu.wait_indirect_dma semaphore(%arg7 : memref<!tpu.dma_semaphore, #tpu.memory_space<semaphore_mem>>) src(%dma_wait3A_549 : memref<10000x64xf32, #tpu.memory_space<hbm>>) dst(%dma_wait3A_543 : memref<400x64xf32, #tpu.memory_space<vmem>>)
    %add3A_550 = arith.constant 6800 : i32
    %add3A_551 = arith.addi %mul3A_2, %add3A_550 : i32
    %run_scoped3A_552 = arith.constant 1 : i32
    "tpu.region"() ({
      %run_scoped3A_748 = tpu.sem_alloc : memref<!tpu.dma_semaphore, #tpu.memory_space<semaphore_mem>>
      %dma_start3A_749 = arith.constant 0 : i32
      %dma_start3A_750 = arith.constant 0 : i32
      %dma_start3A_751 = tpu.memref_slice %arg6[%run_scoped3A_552, %dma_start3A_749, %dma_start3A_750] : memref<2x400x64xf32, #tpu.memory_space<vmem>> -> memref<1x400x64xf32, #tpu.memory_space<vmem>>
      %dma_start3A_752 = tpu.memref_squeeze %dma_start3A_751 : memref<1x400x64xf32, #tpu.memory_space<vmem>> -> memref<400x64xf32, #tpu.memory_space<vmem>>
      %dma_start3A_753 = arith.constant 0 : i32
      %dma_start3A_754 = tpu.memref_slice %arg4[%add3A_551, %dma_start3A_753] : memref<320000x64xf32, #tpu.memory_space<hbm>> -> memref<400x64xf32, #tpu.memory_space<hbm>>
      %dma_start3A_755 = arith.constant 0 : i32
      %dma_start3A_756 = tpu.memref_slice %arg4[%add3A_551, %dma_start3A_755] : memref<320000x64xf32, #tpu.memory_space<hbm>> -> memref<400x64xf32, #tpu.memory_space<hbm>>
      %dma_start3A_757 = arith.constant 0 : i32
      %dma_start3A_758 = arith.constant 0 : i32
      %dma_start3A_759 = tpu.memref_slice %arg6[%run_scoped3A_552, %dma_start3A_757, %dma_start3A_758] : memref<2x400x64xf32, #tpu.memory_space<vmem>> -> memref<1x400x64xf32, #tpu.memory_space<vmem>>
      %dma_start3A_760 = tpu.memref_squeeze %dma_start3A_759 : memref<1x400x64xf32, #tpu.memory_space<vmem>> -> memref<400x64xf32, #tpu.memory_space<vmem>>
      tpu.enqueue_dma source(%dma_start3A_760 : memref<400x64xf32, #tpu.memory_space<vmem>>) target(%dma_start3A_756 : memref<400x64xf32, #tpu.memory_space<hbm>>) target_semaphore(%run_scoped3A_748 : memref<!tpu.dma_semaphore, #tpu.memory_space<semaphore_mem>>)
      %dma_wait3A_761 = arith.constant 0 : i32
      %dma_wait3A_762 = arith.constant 0 : i32
      %dma_wait3A_763 = tpu.memref_slice %arg6[%run_scoped3A_552, %dma_wait3A_761, %dma_wait3A_762] : memref<2x400x64xf32, #tpu.memory_space<vmem>> -> memref<1x400x64xf32, #tpu.memory_space<vmem>>
      %dma_wait3A_764 = tpu.memref_squeeze %dma_wait3A_763 : memref<1x400x64xf32, #tpu.memory_space<vmem>> -> memref<400x64xf32, #tpu.memory_space<vmem>>
      %dma_wait3A_765 = arith.constant 0 : i32
      %dma_wait3A_766 = tpu.memref_slice %arg4[%add3A_551, %dma_wait3A_765] : memref<320000x64xf32, #tpu.memory_space<hbm>> -> memref<400x64xf32, #tpu.memory_space<hbm>>
      %dma_wait3A_767 = arith.constant 0 : i32
      %dma_wait3A_768 = tpu.memref_slice %arg4[%add3A_551, %dma_wait3A_767] : memref<320000x64xf32, #tpu.memory_space<hbm>> -> memref<400x64xf32, #tpu.memory_space<hbm>>
      %dma_wait3A_769 = arith.constant 0 : i32
      %dma_wait3A_770 = arith.constant 0 : i32
      %dma_wait3A_771 = tpu.memref_slice %arg6[%run_scoped3A_552, %dma_wait3A_769, %dma_wait3A_770] : memref<2x400x64xf32, #tpu.memory_space<vmem>> -> memref<1x400x64xf32, #tpu.memory_space<vmem>>
      %dma_wait3A_772 = tpu.memref_squeeze %dma_wait3A_771 : memref<1x400x64xf32, #tpu.memory_space<vmem>> -> memref<400x64xf32, #tpu.memory_space<vmem>>
      tpu.wait_dma2 semaphore(%run_scoped3A_748 : memref<!tpu.dma_semaphore, #tpu.memory_space<semaphore_mem>>) src(%dma_wait3A_772 : memref<400x64xf32, #tpu.memory_space<vmem>>) dst(%dma_wait3A_768 : memref<400x64xf32, #tpu.memory_space<hbm>>)
      tpu.yield
    }) : () -> ()
    %add3A_553 = arith.constant 7600 : i32
    %add3A_554 = arith.addi %mul3A_2, %add3A_553 : i32
    %run_scoped3A_555 = arith.constant 1 : i32
    "tpu.region"() ({
      %run_scoped3A_748 = tpu.sem_alloc : memref<!tpu.dma_semaphore, #tpu.memory_space<semaphore_mem>>
      %dma_start3A_749 = arith.constant 0 : i32
      %dma_start3A_750 = tpu.memref_slice %arg5[%run_scoped3A_555, %dma_start3A_749] : memref<2x400xi32, #tpu.memory_space<vmem>> -> memref<1x400xi32, #tpu.memory_space<vmem>>
      %dma_start3A_751 = tpu.memref_squeeze %dma_start3A_750 : memref<1x400xi32, #tpu.memory_space<vmem>> -> memref<400xi32, #tpu.memory_space<vmem>>
      %dma_start3A_752 = tpu.memref_slice %arg3[%add3A_554] : memref<320000xi32, #tpu.memory_space<hbm>> -> memref<400xi32, #tpu.memory_space<hbm>>
      %dma_start3A_753 = arith.constant 0 : i32
      %dma_start3A_754 = tpu.memref_slice %arg5[%run_scoped3A_555, %dma_start3A_753] : memref<2x400xi32, #tpu.memory_space<vmem>> -> memref<1x400xi32, #tpu.memory_space<vmem>>
      %dma_start3A_755 = tpu.memref_squeeze %dma_start3A_754 : memref<1x400xi32, #tpu.memory_space<vmem>> -> memref<400xi32, #tpu.memory_space<vmem>>
      %dma_start3A_756 = tpu.memref_slice %arg3[%add3A_554] : memref<320000xi32, #tpu.memory_space<hbm>> -> memref<400xi32, #tpu.memory_space<hbm>>
      tpu.enqueue_dma source(%dma_start3A_756 : memref<400xi32, #tpu.memory_space<hbm>>) target(%dma_start3A_755 : memref<400xi32, #tpu.memory_space<vmem>>) target_semaphore(%run_scoped3A_748 : memref<!tpu.dma_semaphore, #tpu.memory_space<semaphore_mem>>)
      %dma_wait3A_757 = arith.constant 0 : i32
      %dma_wait3A_758 = tpu.memref_slice %arg5[%run_scoped3A_555, %dma_wait3A_757] : memref<2x400xi32, #tpu.memory_space<vmem>> -> memref<1x400xi32, #tpu.memory_space<vmem>>
      %dma_wait3A_759 = tpu.memref_squeeze %dma_wait3A_758 : memref<1x400xi32, #tpu.memory_space<vmem>> -> memref<400xi32, #tpu.memory_space<vmem>>
      %dma_wait3A_760 = tpu.memref_slice %arg3[%add3A_554] : memref<320000xi32, #tpu.memory_space<hbm>> -> memref<400xi32, #tpu.memory_space<hbm>>
      %dma_wait3A_761 = arith.constant 0 : i32
      %dma_wait3A_762 = tpu.memref_slice %arg5[%run_scoped3A_555, %dma_wait3A_761] : memref<2x400xi32, #tpu.memory_space<vmem>> -> memref<1x400xi32, #tpu.memory_space<vmem>>
      %dma_wait3A_763 = tpu.memref_squeeze %dma_wait3A_762 : memref<1x400xi32, #tpu.memory_space<vmem>> -> memref<400xi32, #tpu.memory_space<vmem>>
      %dma_wait3A_764 = tpu.memref_slice %arg3[%add3A_554] : memref<320000xi32, #tpu.memory_space<hbm>> -> memref<400xi32, #tpu.memory_space<hbm>>
      tpu.wait_dma2 semaphore(%run_scoped3A_748 : memref<!tpu.dma_semaphore, #tpu.memory_space<semaphore_mem>>) src(%dma_wait3A_764 : memref<400xi32, #tpu.memory_space<hbm>>) dst(%dma_wait3A_763 : memref<400xi32, #tpu.memory_space<vmem>>)
      tpu.yield
    }) : () -> ()
    %dma_start3A_556 = arith.constant 1 : i32
    %dma_start3A_557 = arith.constant 1 : i32
    %dma_start3A_558 = arith.constant 0 : i32
    %dma_start3A_559 = arith.constant 0 : i32
    %dma_start3A_560 = tpu.memref_slice %arg6[%dma_start3A_557, %dma_start3A_558, %dma_start3A_559] : memref<2x400x64xf32, #tpu.memory_space<vmem>> -> memref<1x400x64xf32, #tpu.memory_space<vmem>>
    %dma_start3A_561 = tpu.memref_squeeze %dma_start3A_560 : memref<1x400x64xf32, #tpu.memory_space<vmem>> -> memref<400x64xf32, #tpu.memory_space<vmem>>
    %dma_start3A_562 = arith.constant 0 : i32
    %dma_start3A_563 = tpu.memref_slice %arg5[%dma_start3A_556, %dma_start3A_562] : memref<2x400xi32, #tpu.memory_space<vmem>> -> memref<1x400xi32, #tpu.memory_space<vmem>>
    %dma_start3A_564 = tpu.memref_squeeze %dma_start3A_563 : memref<1x400xi32, #tpu.memory_space<vmem>> -> memref<400xi32, #tpu.memory_space<vmem>>
    %dma_start3A_565 = arith.constant 0 : i32
    %dma_start3A_566 = arith.constant 0 : i32
    %dma_start3A_567 = tpu.memref_slice %arg2[%dma_start3A_565, %dma_start3A_566] : memref<10000x64xf32, #tpu.memory_space<hbm>> -> memref<10000x64xf32, #tpu.memory_space<hbm>>
    tpu.enqueue_indirect_dma source(%dma_start3A_567 : memref<10000x64xf32, #tpu.memory_space<hbm>>) target(%dma_start3A_561 : memref<400x64xf32, #tpu.memory_space<vmem>>) offsets(%dma_start3A_564 : memref<400xi32, #tpu.memory_space<vmem>>) semaphore(%arg7 : memref<!tpu.dma_semaphore, #tpu.memory_space<semaphore_mem>>)
    %dma_wait3A_568 = arith.constant 0 : i32
    %dma_wait3A_569 = arith.constant 0 : i32
    %dma_wait3A_570 = arith.constant 0 : i32
    %dma_wait3A_571 = arith.constant 0 : i32
    %dma_wait3A_572 = tpu.memref_slice %arg6[%dma_wait3A_569, %dma_wait3A_570, %dma_wait3A_571] : memref<2x400x64xf32, #tpu.memory_space<vmem>> -> memref<1x400x64xf32, #tpu.memory_space<vmem>>
    %dma_wait3A_573 = tpu.memref_squeeze %dma_wait3A_572 : memref<1x400x64xf32, #tpu.memory_space<vmem>> -> memref<400x64xf32, #tpu.memory_space<vmem>>
    %dma_wait3A_574 = arith.constant 0 : i32
    %dma_wait3A_575 = tpu.memref_slice %arg5[%dma_wait3A_568, %dma_wait3A_574] : memref<2x400xi32, #tpu.memory_space<vmem>> -> memref<1x400xi32, #tpu.memory_space<vmem>>
    %dma_wait3A_576 = tpu.memref_squeeze %dma_wait3A_575 : memref<1x400xi32, #tpu.memory_space<vmem>> -> memref<400xi32, #tpu.memory_space<vmem>>
    %dma_wait3A_577 = arith.constant 0 : i32
    %dma_wait3A_578 = arith.constant 0 : i32
    %dma_wait3A_579 = tpu.memref_slice %arg2[%dma_wait3A_577, %dma_wait3A_578] : memref<10000x64xf32, #tpu.memory_space<hbm>> -> memref<10000x64xf32, #tpu.memory_space<hbm>>
    tpu.wait_indirect_dma semaphore(%arg7 : memref<!tpu.dma_semaphore, #tpu.memory_space<semaphore_mem>>) src(%dma_wait3A_579 : memref<10000x64xf32, #tpu.memory_space<hbm>>) dst(%dma_wait3A_573 : memref<400x64xf32, #tpu.memory_space<vmem>>)
    %add3A_580 = arith.constant 7200 : i32
    %add3A_581 = arith.addi %mul3A_2, %add3A_580 : i32
    %run_scoped3A_582 = arith.constant 0 : i32
    "tpu.region"() ({
      %run_scoped3A_748 = tpu.sem_alloc : memref<!tpu.dma_semaphore, #tpu.memory_space<semaphore_mem>>
      %dma_start3A_749 = arith.constant 0 : i32
      %dma_start3A_750 = arith.constant 0 : i32
      %dma_start3A_751 = tpu.memref_slice %arg6[%run_scoped3A_582, %dma_start3A_749, %dma_start3A_750] : memref<2x400x64xf32, #tpu.memory_space<vmem>> -> memref<1x400x64xf32, #tpu.memory_space<vmem>>
      %dma_start3A_752 = tpu.memref_squeeze %dma_start3A_751 : memref<1x400x64xf32, #tpu.memory_space<vmem>> -> memref<400x64xf32, #tpu.memory_space<vmem>>
      %dma_start3A_753 = arith.constant 0 : i32
      %dma_start3A_754 = tpu.memref_slice %arg4[%add3A_581, %dma_start3A_753] : memref<320000x64xf32, #tpu.memory_space<hbm>> -> memref<400x64xf32, #tpu.memory_space<hbm>>
      %dma_start3A_755 = arith.constant 0 : i32
      %dma_start3A_756 = tpu.memref_slice %arg4[%add3A_581, %dma_start3A_755] : memref<320000x64xf32, #tpu.memory_space<hbm>> -> memref<400x64xf32, #tpu.memory_space<hbm>>
      %dma_start3A_757 = arith.constant 0 : i32
      %dma_start3A_758 = arith.constant 0 : i32
      %dma_start3A_759 = tpu.memref_slice %arg6[%run_scoped3A_582, %dma_start3A_757, %dma_start3A_758] : memref<2x400x64xf32, #tpu.memory_space<vmem>> -> memref<1x400x64xf32, #tpu.memory_space<vmem>>
      %dma_start3A_760 = tpu.memref_squeeze %dma_start3A_759 : memref<1x400x64xf32, #tpu.memory_space<vmem>> -> memref<400x64xf32, #tpu.memory_space<vmem>>
      tpu.enqueue_dma source(%dma_start3A_760 : memref<400x64xf32, #tpu.memory_space<vmem>>) target(%dma_start3A_756 : memref<400x64xf32, #tpu.memory_space<hbm>>) target_semaphore(%run_scoped3A_748 : memref<!tpu.dma_semaphore, #tpu.memory_space<semaphore_mem>>)
      %dma_wait3A_761 = arith.constant 0 : i32
      %dma_wait3A_762 = arith.constant 0 : i32
      %dma_wait3A_763 = tpu.memref_slice %arg6[%run_scoped3A_582, %dma_wait3A_761, %dma_wait3A_762] : memref<2x400x64xf32, #tpu.memory_space<vmem>> -> memref<1x400x64xf32, #tpu.memory_space<vmem>>
      %dma_wait3A_764 = tpu.memref_squeeze %dma_wait3A_763 : memref<1x400x64xf32, #tpu.memory_space<vmem>> -> memref<400x64xf32, #tpu.memory_space<vmem>>
      %dma_wait3A_765 = arith.constant 0 : i32
      %dma_wait3A_766 = tpu.memref_slice %arg4[%add3A_581, %dma_wait3A_765] : memref<320000x64xf32, #tpu.memory_space<hbm>> -> memref<400x64xf32, #tpu.memory_space<hbm>>
      %dma_wait3A_767 = arith.constant 0 : i32
      %dma_wait3A_768 = tpu.memref_slice %arg4[%add3A_581, %dma_wait3A_767] : memref<320000x64xf32, #tpu.memory_space<hbm>> -> memref<400x64xf32, #tpu.memory_space<hbm>>
      %dma_wait3A_769 = arith.constant 0 : i32
      %dma_wait3A_770 = arith.constant 0 : i32
      %dma_wait3A_771 = tpu.memref_slice %arg6[%run_scoped3A_582, %dma_wait3A_769, %dma_wait3A_770] : memref<2x400x64xf32, #tpu.memory_space<vmem>> -> memref<1x400x64xf32, #tpu.memory_space<vmem>>
      %dma_wait3A_772 = tpu.memref_squeeze %dma_wait3A_771 : memref<1x400x64xf32, #tpu.memory_space<vmem>> -> memref<400x64xf32, #tpu.memory_space<vmem>>
      tpu.wait_dma2 semaphore(%run_scoped3A_748 : memref<!tpu.dma_semaphore, #tpu.memory_space<semaphore_mem>>) src(%dma_wait3A_772 : memref<400x64xf32, #tpu.memory_space<vmem>>) dst(%dma_wait3A_768 : memref<400x64xf32, #tpu.memory_space<hbm>>)
      tpu.yield
    }) : () -> ()
    %add3A_583 = arith.constant 8000 : i32
    %add3A_584 = arith.addi %mul3A_2, %add3A_583 : i32
    %run_scoped3A_585 = arith.constant 0 : i32
    "tpu.region"() ({
      %run_scoped3A_748 = tpu.sem_alloc : memref<!tpu.dma_semaphore, #tpu.memory_space<semaphore_mem>>
      %dma_start3A_749 = arith.constant 0 : i32
      %dma_start3A_750 = tpu.memref_slice %arg5[%run_scoped3A_585, %dma_start3A_749] : memref<2x400xi32, #tpu.memory_space<vmem>> -> memref<1x400xi32, #tpu.memory_space<vmem>>
      %dma_start3A_751 = tpu.memref_squeeze %dma_start3A_750 : memref<1x400xi32, #tpu.memory_space<vmem>> -> memref<400xi32, #tpu.memory_space<vmem>>
      %dma_start3A_752 = tpu.memref_slice %arg3[%add3A_584] : memref<320000xi32, #tpu.memory_space<hbm>> -> memref<400xi32, #tpu.memory_space<hbm>>
      %dma_start3A_753 = arith.constant 0 : i32
      %dma_start3A_754 = tpu.memref_slice %arg5[%run_scoped3A_585, %dma_start3A_753] : memref<2x400xi32, #tpu.memory_space<vmem>> -> memref<1x400xi32, #tpu.memory_space<vmem>>
      %dma_start3A_755 = tpu.memref_squeeze %dma_start3A_754 : memref<1x400xi32, #tpu.memory_space<vmem>> -> memref<400xi32, #tpu.memory_space<vmem>>
      %dma_start3A_756 = tpu.memref_slice %arg3[%add3A_584] : memref<320000xi32, #tpu.memory_space<hbm>> -> memref<400xi32, #tpu.memory_space<hbm>>
      tpu.enqueue_dma source(%dma_start3A_756 : memref<400xi32, #tpu.memory_space<hbm>>) target(%dma_start3A_755 : memref<400xi32, #tpu.memory_space<vmem>>) target_semaphore(%run_scoped3A_748 : memref<!tpu.dma_semaphore, #tpu.memory_space<semaphore_mem>>)
      %dma_wait3A_757 = arith.constant 0 : i32
      %dma_wait3A_758 = tpu.memref_slice %arg5[%run_scoped3A_585, %dma_wait3A_757] : memref<2x400xi32, #tpu.memory_space<vmem>> -> memref<1x400xi32, #tpu.memory_space<vmem>>
      %dma_wait3A_759 = tpu.memref_squeeze %dma_wait3A_758 : memref<1x400xi32, #tpu.memory_space<vmem>> -> memref<400xi32, #tpu.memory_space<vmem>>
      %dma_wait3A_760 = tpu.memref_slice %arg3[%add3A_584] : memref<320000xi32, #tpu.memory_space<hbm>> -> memref<400xi32, #tpu.memory_space<hbm>>
      %dma_wait3A_761 = arith.constant 0 : i32
      %dma_wait3A_762 = tpu.memref_slice %arg5[%run_scoped3A_585, %dma_wait3A_761] : memref<2x400xi32, #tpu.memory_space<vmem>> -> memref<1x400xi32, #tpu.memory_space<vmem>>
      %dma_wait3A_763 = tpu.memref_squeeze %dma_wait3A_762 : memref<1x400xi32, #tpu.memory_space<vmem>> -> memref<400xi32, #tpu.memory_space<vmem>>
      %dma_wait3A_764 = tpu.memref_slice %arg3[%add3A_584] : memref<320000xi32, #tpu.memory_space<hbm>> -> memref<400xi32, #tpu.memory_space<hbm>>
      tpu.wait_dma2 semaphore(%run_scoped3A_748 : memref<!tpu.dma_semaphore, #tpu.memory_space<semaphore_mem>>) src(%dma_wait3A_764 : memref<400xi32, #tpu.memory_space<hbm>>) dst(%dma_wait3A_763 : memref<400xi32, #tpu.memory_space<vmem>>)
      tpu.yield
    }) : () -> ()
    %dma_start3A_586 = arith.constant 0 : i32
    %dma_start3A_587 = arith.constant 0 : i32
    %dma_start3A_588 = arith.constant 0 : i32
    %dma_start3A_589 = arith.constant 0 : i32
    %dma_start3A_590 = tpu.memref_slice %arg6[%dma_start3A_587, %dma_start3A_588, %dma_start3A_589] : memref<2x400x64xf32, #tpu.memory_space<vmem>> -> memref<1x400x64xf32, #tpu.memory_space<vmem>>
    %dma_start3A_591 = tpu.memref_squeeze %dma_start3A_590 : memref<1x400x64xf32, #tpu.memory_space<vmem>> -> memref<400x64xf32, #tpu.memory_space<vmem>>
    %dma_start3A_592 = arith.constant 0 : i32
    %dma_start3A_593 = tpu.memref_slice %arg5[%dma_start3A_586, %dma_start3A_592] : memref<2x400xi32, #tpu.memory_space<vmem>> -> memref<1x400xi32, #tpu.memory_space<vmem>>
    %dma_start3A_594 = tpu.memref_squeeze %dma_start3A_593 : memref<1x400xi32, #tpu.memory_space<vmem>> -> memref<400xi32, #tpu.memory_space<vmem>>
    %dma_start3A_595 = arith.constant 0 : i32
    %dma_start3A_596 = arith.constant 0 : i32
    %dma_start3A_597 = tpu.memref_slice %arg2[%dma_start3A_595, %dma_start3A_596] : memref<10000x64xf32, #tpu.memory_space<hbm>> -> memref<10000x64xf32, #tpu.memory_space<hbm>>
    tpu.enqueue_indirect_dma source(%dma_start3A_597 : memref<10000x64xf32, #tpu.memory_space<hbm>>) target(%dma_start3A_591 : memref<400x64xf32, #tpu.memory_space<vmem>>) offsets(%dma_start3A_594 : memref<400xi32, #tpu.memory_space<vmem>>) semaphore(%arg7 : memref<!tpu.dma_semaphore, #tpu.memory_space<semaphore_mem>>)
    %dma_wait3A_598 = arith.constant 1 : i32
    %dma_wait3A_599 = arith.constant 1 : i32
    %dma_wait3A_600 = arith.constant 0 : i32
    %dma_wait3A_601 = arith.constant 0 : i32
    %dma_wait3A_602 = tpu.memref_slice %arg6[%dma_wait3A_599, %dma_wait3A_600, %dma_wait3A_601] : memref<2x400x64xf32, #tpu.memory_space<vmem>> -> memref<1x400x64xf32, #tpu.memory_space<vmem>>
    %dma_wait3A_603 = tpu.memref_squeeze %dma_wait3A_602 : memref<1x400x64xf32, #tpu.memory_space<vmem>> -> memref<400x64xf32, #tpu.memory_space<vmem>>
    %dma_wait3A_604 = arith.constant 0 : i32
    %dma_wait3A_605 = tpu.memref_slice %arg5[%dma_wait3A_598, %dma_wait3A_604] : memref<2x400xi32, #tpu.memory_space<vmem>> -> memref<1x400xi32, #tpu.memory_space<vmem>>
    %dma_wait3A_606 = tpu.memref_squeeze %dma_wait3A_605 : memref<1x400xi32, #tpu.memory_space<vmem>> -> memref<400xi32, #tpu.memory_space<vmem>>
    %dma_wait3A_607 = arith.constant 0 : i32
    %dma_wait3A_608 = arith.constant 0 : i32
    %dma_wait3A_609 = tpu.memref_slice %arg2[%dma_wait3A_607, %dma_wait3A_608] : memref<10000x64xf32, #tpu.memory_space<hbm>> -> memref<10000x64xf32, #tpu.memory_space<hbm>>
    tpu.wait_indirect_dma semaphore(%arg7 : memref<!tpu.dma_semaphore, #tpu.memory_space<semaphore_mem>>) src(%dma_wait3A_609 : memref<10000x64xf32, #tpu.memory_space<hbm>>) dst(%dma_wait3A_603 : memref<400x64xf32, #tpu.memory_space<vmem>>)
    %add3A_610 = arith.constant 7600 : i32
    %add3A_611 = arith.addi %mul3A_2, %add3A_610 : i32
    %run_scoped3A_612 = arith.constant 1 : i32
    "tpu.region"() ({
      %run_scoped3A_748 = tpu.sem_alloc : memref<!tpu.dma_semaphore, #tpu.memory_space<semaphore_mem>>
      %dma_start3A_749 = arith.constant 0 : i32
      %dma_start3A_750 = arith.constant 0 : i32
      %dma_start3A_751 = tpu.memref_slice %arg6[%run_scoped3A_612, %dma_start3A_749, %dma_start3A_750] : memref<2x400x64xf32, #tpu.memory_space<vmem>> -> memref<1x400x64xf32, #tpu.memory_space<vmem>>
      %dma_start3A_752 = tpu.memref_squeeze %dma_start3A_751 : memref<1x400x64xf32, #tpu.memory_space<vmem>> -> memref<400x64xf32, #tpu.memory_space<vmem>>
      %dma_start3A_753 = arith.constant 0 : i32
      %dma_start3A_754 = tpu.memref_slice %arg4[%add3A_611, %dma_start3A_753] : memref<320000x64xf32, #tpu.memory_space<hbm>> -> memref<400x64xf32, #tpu.memory_space<hbm>>
      %dma_start3A_755 = arith.constant 0 : i32
      %dma_start3A_756 = tpu.memref_slice %arg4[%add3A_611, %dma_start3A_755] : memref<320000x64xf32, #tpu.memory_space<hbm>> -> memref<400x64xf32, #tpu.memory_space<hbm>>
      %dma_start3A_757 = arith.constant 0 : i32
      %dma_start3A_758 = arith.constant 0 : i32
      %dma_start3A_759 = tpu.memref_slice %arg6[%run_scoped3A_612, %dma_start3A_757, %dma_start3A_758] : memref<2x400x64xf32, #tpu.memory_space<vmem>> -> memref<1x400x64xf32, #tpu.memory_space<vmem>>
      %dma_start3A_760 = tpu.memref_squeeze %dma_start3A_759 : memref<1x400x64xf32, #tpu.memory_space<vmem>> -> memref<400x64xf32, #tpu.memory_space<vmem>>
      tpu.enqueue_dma source(%dma_start3A_760 : memref<400x64xf32, #tpu.memory_space<vmem>>) target(%dma_start3A_756 : memref<400x64xf32, #tpu.memory_space<hbm>>) target_semaphore(%run_scoped3A_748 : memref<!tpu.dma_semaphore, #tpu.memory_space<semaphore_mem>>)
      %dma_wait3A_761 = arith.constant 0 : i32
      %dma_wait3A_762 = arith.constant 0 : i32
      %dma_wait3A_763 = tpu.memref_slice %arg6[%run_scoped3A_612, %dma_wait3A_761, %dma_wait3A_762] : memref<2x400x64xf32, #tpu.memory_space<vmem>> -> memref<1x400x64xf32, #tpu.memory_space<vmem>>
      %dma_wait3A_764 = tpu.memref_squeeze %dma_wait3A_763 : memref<1x400x64xf32, #tpu.memory_space<vmem>> -> memref<400x64xf32, #tpu.memory_space<vmem>>
      %dma_wait3A_765 = arith.constant 0 : i32
      %dma_wait3A_766 = tpu.memref_slice %arg4[%add3A_611, %dma_wait3A_765] : memref<320000x64xf32, #tpu.memory_space<hbm>> -> memref<400x64xf32, #tpu.memory_space<hbm>>
      %dma_wait3A_767 = arith.constant 0 : i32
      %dma_wait3A_768 = tpu.memref_slice %arg4[%add3A_611, %dma_wait3A_767] : memref<320000x64xf32, #tpu.memory_space<hbm>> -> memref<400x64xf32, #tpu.memory_space<hbm>>
      %dma_wait3A_769 = arith.constant 0 : i32
      %dma_wait3A_770 = arith.constant 0 : i32
      %dma_wait3A_771 = tpu.memref_slice %arg6[%run_scoped3A_612, %dma_wait3A_769, %dma_wait3A_770] : memref<2x400x64xf32, #tpu.memory_space<vmem>> -> memref<1x400x64xf32, #tpu.memory_space<vmem>>
      %dma_wait3A_772 = tpu.memref_squeeze %dma_wait3A_771 : memref<1x400x64xf32, #tpu.memory_space<vmem>> -> memref<400x64xf32, #tpu.memory_space<vmem>>
      tpu.wait_dma2 semaphore(%run_scoped3A_748 : memref<!tpu.dma_semaphore, #tpu.memory_space<semaphore_mem>>) src(%dma_wait3A_772 : memref<400x64xf32, #tpu.memory_space<vmem>>) dst(%dma_wait3A_768 : memref<400x64xf32, #tpu.memory_space<hbm>>)
      tpu.yield
    }) : () -> ()
    %add3A_613 = arith.constant 8400 : i32
    %add3A_614 = arith.addi %mul3A_2, %add3A_613 : i32
    %run_scoped3A_615 = arith.constant 1 : i32
    "tpu.region"() ({
      %run_scoped3A_748 = tpu.sem_alloc : memref<!tpu.dma_semaphore, #tpu.memory_space<semaphore_mem>>
      %dma_start3A_749 = arith.constant 0 : i32
      %dma_start3A_750 = tpu.memref_slice %arg5[%run_scoped3A_615, %dma_start3A_749] : memref<2x400xi32, #tpu.memory_space<vmem>> -> memref<1x400xi32, #tpu.memory_space<vmem>>
      %dma_start3A_751 = tpu.memref_squeeze %dma_start3A_750 : memref<1x400xi32, #tpu.memory_space<vmem>> -> memref<400xi32, #tpu.memory_space<vmem>>
      %dma_start3A_752 = tpu.memref_slice %arg3[%add3A_614] : memref<320000xi32, #tpu.memory_space<hbm>> -> memref<400xi32, #tpu.memory_space<hbm>>
      %dma_start3A_753 = arith.constant 0 : i32
      %dma_start3A_754 = tpu.memref_slice %arg5[%run_scoped3A_615, %dma_start3A_753] : memref<2x400xi32, #tpu.memory_space<vmem>> -> memref<1x400xi32, #tpu.memory_space<vmem>>
      %dma_start3A_755 = tpu.memref_squeeze %dma_start3A_754 : memref<1x400xi32, #tpu.memory_space<vmem>> -> memref<400xi32, #tpu.memory_space<vmem>>
      %dma_start3A_756 = tpu.memref_slice %arg3[%add3A_614] : memref<320000xi32, #tpu.memory_space<hbm>> -> memref<400xi32, #tpu.memory_space<hbm>>
      tpu.enqueue_dma source(%dma_start3A_756 : memref<400xi32, #tpu.memory_space<hbm>>) target(%dma_start3A_755 : memref<400xi32, #tpu.memory_space<vmem>>) target_semaphore(%run_scoped3A_748 : memref<!tpu.dma_semaphore, #tpu.memory_space<semaphore_mem>>)
      %dma_wait3A_757 = arith.constant 0 : i32
      %dma_wait3A_758 = tpu.memref_slice %arg5[%run_scoped3A_615, %dma_wait3A_757] : memref<2x400xi32, #tpu.memory_space<vmem>> -> memref<1x400xi32, #tpu.memory_space<vmem>>
      %dma_wait3A_759 = tpu.memref_squeeze %dma_wait3A_758 : memref<1x400xi32, #tpu.memory_space<vmem>> -> memref<400xi32, #tpu.memory_space<vmem>>
      %dma_wait3A_760 = tpu.memref_slice %arg3[%add3A_614] : memref<320000xi32, #tpu.memory_space<hbm>> -> memref<400xi32, #tpu.memory_space<hbm>>
      %dma_wait3A_761 = arith.constant 0 : i32
      %dma_wait3A_762 = tpu.memref_slice %arg5[%run_scoped3A_615, %dma_wait3A_761] : memref<2x400xi32, #tpu.memory_space<vmem>> -> memref<1x400xi32, #tpu.memory_space<vmem>>
      %dma_wait3A_763 = tpu.memref_squeeze %dma_wait3A_762 : memref<1x400xi32, #tpu.memory_space<vmem>> -> memref<400xi32, #tpu.memory_space<vmem>>
      %dma_wait3A_764 = tpu.memref_slice %arg3[%add3A_614] : memref<320000xi32, #tpu.memory_space<hbm>> -> memref<400xi32, #tpu.memory_space<hbm>>
      tpu.wait_dma2 semaphore(%run_scoped3A_748 : memref<!tpu.dma_semaphore, #tpu.memory_space<semaphore_mem>>) src(%dma_wait3A_764 : memref<400xi32, #tpu.memory_space<hbm>>) dst(%dma_wait3A_763 : memref<400xi32, #tpu.memory_space<vmem>>)
      tpu.yield
    }) : () -> ()
    %dma_start3A_616 = arith.constant 1 : i32
    %dma_start3A_617 = arith.constant 1 : i32
    %dma_start3A_618 = arith.constant 0 : i32
    %dma_start3A_619 = arith.constant 0 : i32
    %dma_start3A_620 = tpu.memref_slice %arg6[%dma_start3A_617, %dma_start3A_618, %dma_start3A_619] : memref<2x400x64xf32, #tpu.memory_space<vmem>> -> memref<1x400x64xf32, #tpu.memory_space<vmem>>
    %dma_start3A_621 = tpu.memref_squeeze %dma_start3A_620 : memref<1x400x64xf32, #tpu.memory_space<vmem>> -> memref<400x64xf32, #tpu.memory_space<vmem>>
    %dma_start3A_622 = arith.constant 0 : i32
    %dma_start3A_623 = tpu.memref_slice %arg5[%dma_start3A_616, %dma_start3A_622] : memref<2x400xi32, #tpu.memory_space<vmem>> -> memref<1x400xi32, #tpu.memory_space<vmem>>
    %dma_start3A_624 = tpu.memref_squeeze %dma_start3A_623 : memref<1x400xi32, #tpu.memory_space<vmem>> -> memref<400xi32, #tpu.memory_space<vmem>>
    %dma_start3A_625 = arith.constant 0 : i32
    %dma_start3A_626 = arith.constant 0 : i32
    %dma_start3A_627 = tpu.memref_slice %arg2[%dma_start3A_625, %dma_start3A_626] : memref<10000x64xf32, #tpu.memory_space<hbm>> -> memref<10000x64xf32, #tpu.memory_space<hbm>>
    tpu.enqueue_indirect_dma source(%dma_start3A_627 : memref<10000x64xf32, #tpu.memory_space<hbm>>) target(%dma_start3A_621 : memref<400x64xf32, #tpu.memory_space<vmem>>) offsets(%dma_start3A_624 : memref<400xi32, #tpu.memory_space<vmem>>) semaphore(%arg7 : memref<!tpu.dma_semaphore, #tpu.memory_space<semaphore_mem>>)
    %dma_wait3A_628 = arith.constant 0 : i32
    %dma_wait3A_629 = arith.constant 0 : i32
    %dma_wait3A_630 = arith.constant 0 : i32
    %dma_wait3A_631 = arith.constant 0 : i32
    %dma_wait3A_632 = tpu.memref_slice %arg6[%dma_wait3A_629, %dma_wait3A_630, %dma_wait3A_631] : memref<2x400x64xf32, #tpu.memory_space<vmem>> -> memref<1x400x64xf32, #tpu.memory_space<vmem>>
    %dma_wait3A_633 = tpu.memref_squeeze %dma_wait3A_632 : memref<1x400x64xf32, #tpu.memory_space<vmem>> -> memref<400x64xf32, #tpu.memory_space<vmem>>
    %dma_wait3A_634 = arith.constant 0 : i32
    %dma_wait3A_635 = tpu.memref_slice %arg5[%dma_wait3A_628, %dma_wait3A_634] : memref<2x400xi32, #tpu.memory_space<vmem>> -> memref<1x400xi32, #tpu.memory_space<vmem>>
    %dma_wait3A_636 = tpu.memref_squeeze %dma_wait3A_635 : memref<1x400xi32, #tpu.memory_space<vmem>> -> memref<400xi32, #tpu.memory_space<vmem>>
    %dma_wait3A_637 = arith.constant 0 : i32
    %dma_wait3A_638 = arith.constant 0 : i32
    %dma_wait3A_639 = tpu.memref_slice %arg2[%dma_wait3A_637, %dma_wait3A_638] : memref<10000x64xf32, #tpu.memory_space<hbm>> -> memref<10000x64xf32, #tpu.memory_space<hbm>>
    tpu.wait_indirect_dma semaphore(%arg7 : memref<!tpu.dma_semaphore, #tpu.memory_space<semaphore_mem>>) src(%dma_wait3A_639 : memref<10000x64xf32, #tpu.memory_space<hbm>>) dst(%dma_wait3A_633 : memref<400x64xf32, #tpu.memory_space<vmem>>)
    %add3A_640 = arith.constant 8000 : i32
    %add3A_641 = arith.addi %mul3A_2, %add3A_640 : i32
    %run_scoped3A_642 = arith.constant 0 : i32
    "tpu.region"() ({
      %run_scoped3A_748 = tpu.sem_alloc : memref<!tpu.dma_semaphore, #tpu.memory_space<semaphore_mem>>
      %dma_start3A_749 = arith.constant 0 : i32
      %dma_start3A_750 = arith.constant 0 : i32
      %dma_start3A_751 = tpu.memref_slice %arg6[%run_scoped3A_642, %dma_start3A_749, %dma_start3A_750] : memref<2x400x64xf32, #tpu.memory_space<vmem>> -> memref<1x400x64xf32, #tpu.memory_space<vmem>>
      %dma_start3A_752 = tpu.memref_squeeze %dma_start3A_751 : memref<1x400x64xf32, #tpu.memory_space<vmem>> -> memref<400x64xf32, #tpu.memory_space<vmem>>
      %dma_start3A_753 = arith.constant 0 : i32
      %dma_start3A_754 = tpu.memref_slice %arg4[%add3A_641, %dma_start3A_753] : memref<320000x64xf32, #tpu.memory_space<hbm>> -> memref<400x64xf32, #tpu.memory_space<hbm>>
      %dma_start3A_755 = arith.constant 0 : i32
      %dma_start3A_756 = tpu.memref_slice %arg4[%add3A_641, %dma_start3A_755] : memref<320000x64xf32, #tpu.memory_space<hbm>> -> memref<400x64xf32, #tpu.memory_space<hbm>>
      %dma_start3A_757 = arith.constant 0 : i32
      %dma_start3A_758 = arith.constant 0 : i32
      %dma_start3A_759 = tpu.memref_slice %arg6[%run_scoped3A_642, %dma_start3A_757, %dma_start3A_758] : memref<2x400x64xf32, #tpu.memory_space<vmem>> -> memref<1x400x64xf32, #tpu.memory_space<vmem>>
      %dma_start3A_760 = tpu.memref_squeeze %dma_start3A_759 : memref<1x400x64xf32, #tpu.memory_space<vmem>> -> memref<400x64xf32, #tpu.memory_space<vmem>>
      tpu.enqueue_dma source(%dma_start3A_760 : memref<400x64xf32, #tpu.memory_space<vmem>>) target(%dma_start3A_756 : memref<400x64xf32, #tpu.memory_space<hbm>>) target_semaphore(%run_scoped3A_748 : memref<!tpu.dma_semaphore, #tpu.memory_space<semaphore_mem>>)
      %dma_wait3A_761 = arith.constant 0 : i32
      %dma_wait3A_762 = arith.constant 0 : i32
      %dma_wait3A_763 = tpu.memref_slice %arg6[%run_scoped3A_642, %dma_wait3A_761, %dma_wait3A_762] : memref<2x400x64xf32, #tpu.memory_space<vmem>> -> memref<1x400x64xf32, #tpu.memory_space<vmem>>
      %dma_wait3A_764 = tpu.memref_squeeze %dma_wait3A_763 : memref<1x400x64xf32, #tpu.memory_space<vmem>> -> memref<400x64xf32, #tpu.memory_space<vmem>>
      %dma_wait3A_765 = arith.constant 0 : i32
      %dma_wait3A_766 = tpu.memref_slice %arg4[%add3A_641, %dma_wait3A_765] : memref<320000x64xf32, #tpu.memory_space<hbm>> -> memref<400x64xf32, #tpu.memory_space<hbm>>
      %dma_wait3A_767 = arith.constant 0 : i32
      %dma_wait3A_768 = tpu.memref_slice %arg4[%add3A_641, %dma_wait3A_767] : memref<320000x64xf32, #tpu.memory_space<hbm>> -> memref<400x64xf32, #tpu.memory_space<hbm>>
      %dma_wait3A_769 = arith.constant 0 : i32
      %dma_wait3A_770 = arith.constant 0 : i32
      %dma_wait3A_771 = tpu.memref_slice %arg6[%run_scoped3A_642, %dma_wait3A_769, %dma_wait3A_770] : memref<2x400x64xf32, #tpu.memory_space<vmem>> -> memref<1x400x64xf32, #tpu.memory_space<vmem>>
      %dma_wait3A_772 = tpu.memref_squeeze %dma_wait3A_771 : memref<1x400x64xf32, #tpu.memory_space<vmem>> -> memref<400x64xf32, #tpu.memory_space<vmem>>
      tpu.wait_dma2 semaphore(%run_scoped3A_748 : memref<!tpu.dma_semaphore, #tpu.memory_space<semaphore_mem>>) src(%dma_wait3A_772 : memref<400x64xf32, #tpu.memory_space<vmem>>) dst(%dma_wait3A_768 : memref<400x64xf32, #tpu.memory_space<hbm>>)
      tpu.yield
    }) : () -> ()
    %add3A_643 = arith.constant 8800 : i32
    %add3A_644 = arith.addi %mul3A_2, %add3A_643 : i32
    %run_scoped3A_645 = arith.constant 0 : i32
    "tpu.region"() ({
      %run_scoped3A_748 = tpu.sem_alloc : memref<!tpu.dma_semaphore, #tpu.memory_space<semaphore_mem>>
      %dma_start3A_749 = arith.constant 0 : i32
      %dma_start3A_750 = tpu.memref_slice %arg5[%run_scoped3A_645, %dma_start3A_749] : memref<2x400xi32, #tpu.memory_space<vmem>> -> memref<1x400xi32, #tpu.memory_space<vmem>>
      %dma_start3A_751 = tpu.memref_squeeze %dma_start3A_750 : memref<1x400xi32, #tpu.memory_space<vmem>> -> memref<400xi32, #tpu.memory_space<vmem>>
      %dma_start3A_752 = tpu.memref_slice %arg3[%add3A_644] : memref<320000xi32, #tpu.memory_space<hbm>> -> memref<400xi32, #tpu.memory_space<hbm>>
      %dma_start3A_753 = arith.constant 0 : i32
      %dma_start3A_754 = tpu.memref_slice %arg5[%run_scoped3A_645, %dma_start3A_753] : memref<2x400xi32, #tpu.memory_space<vmem>> -> memref<1x400xi32, #tpu.memory_space<vmem>>
      %dma_start3A_755 = tpu.memref_squeeze %dma_start3A_754 : memref<1x400xi32, #tpu.memory_space<vmem>> -> memref<400xi32, #tpu.memory_space<vmem>>
      %dma_start3A_756 = tpu.memref_slice %arg3[%add3A_644] : memref<320000xi32, #tpu.memory_space<hbm>> -> memref<400xi32, #tpu.memory_space<hbm>>
      tpu.enqueue_dma source(%dma_start3A_756 : memref<400xi32, #tpu.memory_space<hbm>>) target(%dma_start3A_755 : memref<400xi32, #tpu.memory_space<vmem>>) target_semaphore(%run_scoped3A_748 : memref<!tpu.dma_semaphore, #tpu.memory_space<semaphore_mem>>)
      %dma_wait3A_757 = arith.constant 0 : i32
      %dma_wait3A_758 = tpu.memref_slice %arg5[%run_scoped3A_645, %dma_wait3A_757] : memref<2x400xi32, #tpu.memory_space<vmem>> -> memref<1x400xi32, #tpu.memory_space<vmem>>
      %dma_wait3A_759 = tpu.memref_squeeze %dma_wait3A_758 : memref<1x400xi32, #tpu.memory_space<vmem>> -> memref<400xi32, #tpu.memory_space<vmem>>
      %dma_wait3A_760 = tpu.memref_slice %arg3[%add3A_644] : memref<320000xi32, #tpu.memory_space<hbm>> -> memref<400xi32, #tpu.memory_space<hbm>>
      %dma_wait3A_761 = arith.constant 0 : i32
      %dma_wait3A_762 = tpu.memref_slice %arg5[%run_scoped3A_645, %dma_wait3A_761] : memref<2x400xi32, #tpu.memory_space<vmem>> -> memref<1x400xi32, #tpu.memory_space<vmem>>
      %dma_wait3A_763 = tpu.memref_squeeze %dma_wait3A_762 : memref<1x400xi32, #tpu.memory_space<vmem>> -> memref<400xi32, #tpu.memory_space<vmem>>
      %dma_wait3A_764 = tpu.memref_slice %arg3[%add3A_644] : memref<320000xi32, #tpu.memory_space<hbm>> -> memref<400xi32, #tpu.memory_space<hbm>>
      tpu.wait_dma2 semaphore(%run_scoped3A_748 : memref<!tpu.dma_semaphore, #tpu.memory_space<semaphore_mem>>) src(%dma_wait3A_764 : memref<400xi32, #tpu.memory_space<hbm>>) dst(%dma_wait3A_763 : memref<400xi32, #tpu.memory_space<vmem>>)
      tpu.yield
    }) : () -> ()
    %dma_start3A_646 = arith.constant 0 : i32
    %dma_start3A_647 = arith.constant 0 : i32
    %dma_start3A_648 = arith.constant 0 : i32
    %dma_start3A_649 = arith.constant 0 : i32
    %dma_start3A_650 = tpu.memref_slice %arg6[%dma_start3A_647, %dma_start3A_648, %dma_start3A_649] : memref<2x400x64xf32, #tpu.memory_space<vmem>> -> memref<1x400x64xf32, #tpu.memory_space<vmem>>
    %dma_start3A_651 = tpu.memref_squeeze %dma_start3A_650 : memref<1x400x64xf32, #tpu.memory_space<vmem>> -> memref<400x64xf32, #tpu.memory_space<vmem>>
    %dma_start3A_652 = arith.constant 0 : i32
    %dma_start3A_653 = tpu.memref_slice %arg5[%dma_start3A_646, %dma_start3A_652] : memref<2x400xi32, #tpu.memory_space<vmem>> -> memref<1x400xi32, #tpu.memory_space<vmem>>
    %dma_start3A_654 = tpu.memref_squeeze %dma_start3A_653 : memref<1x400xi32, #tpu.memory_space<vmem>> -> memref<400xi32, #tpu.memory_space<vmem>>
    %dma_start3A_655 = arith.constant 0 : i32
    %dma_start3A_656 = arith.constant 0 : i32
    %dma_start3A_657 = tpu.memref_slice %arg2[%dma_start3A_655, %dma_start3A_656] : memref<10000x64xf32, #tpu.memory_space<hbm>> -> memref<10000x64xf32, #tpu.memory_space<hbm>>
    tpu.enqueue_indirect_dma source(%dma_start3A_657 : memref<10000x64xf32, #tpu.memory_space<hbm>>) target(%dma_start3A_651 : memref<400x64xf32, #tpu.memory_space<vmem>>) offsets(%dma_start3A_654 : memref<400xi32, #tpu.memory_space<vmem>>) semaphore(%arg7 : memref<!tpu.dma_semaphore, #tpu.memory_space<semaphore_mem>>)
    %dma_wait3A_658 = arith.constant 1 : i32
    %dma_wait3A_659 = arith.constant 1 : i32
    %dma_wait3A_660 = arith.constant 0 : i32
    %dma_wait3A_661 = arith.constant 0 : i32
    %dma_wait3A_662 = tpu.memref_slice %arg6[%dma_wait3A_659, %dma_wait3A_660, %dma_wait3A_661] : memref<2x400x64xf32, #tpu.memory_space<vmem>> -> memref<1x400x64xf32, #tpu.memory_space<vmem>>
    %dma_wait3A_663 = tpu.memref_squeeze %dma_wait3A_662 : memref<1x400x64xf32, #tpu.memory_space<vmem>> -> memref<400x64xf32, #tpu.memory_space<vmem>>
    %dma_wait3A_664 = arith.constant 0 : i32
    %dma_wait3A_665 = tpu.memref_slice %arg5[%dma_wait3A_658, %dma_wait3A_664] : memref<2x400xi32, #tpu.memory_space<vmem>> -> memref<1x400xi32, #tpu.memory_space<vmem>>
    %dma_wait3A_666 = tpu.memref_squeeze %dma_wait3A_665 : memref<1x400xi32, #tpu.memory_space<vmem>> -> memref<400xi32, #tpu.memory_space<vmem>>
    %dma_wait3A_667 = arith.constant 0 : i32
    %dma_wait3A_668 = arith.constant 0 : i32
    %dma_wait3A_669 = tpu.memref_slice %arg2[%dma_wait3A_667, %dma_wait3A_668] : memref<10000x64xf32, #tpu.memory_space<hbm>> -> memref<10000x64xf32, #tpu.memory_space<hbm>>
    tpu.wait_indirect_dma semaphore(%arg7 : memref<!tpu.dma_semaphore, #tpu.memory_space<semaphore_mem>>) src(%dma_wait3A_669 : memref<10000x64xf32, #tpu.memory_space<hbm>>) dst(%dma_wait3A_663 : memref<400x64xf32, #tpu.memory_space<vmem>>)
    %add3A_670 = arith.constant 8400 : i32
    %add3A_671 = arith.addi %mul3A_2, %add3A_670 : i32
    %run_scoped3A_672 = arith.constant 1 : i32
    "tpu.region"() ({
      %run_scoped3A_748 = tpu.sem_alloc : memref<!tpu.dma_semaphore, #tpu.memory_space<semaphore_mem>>
      %dma_start3A_749 = arith.constant 0 : i32
      %dma_start3A_750 = arith.constant 0 : i32
      %dma_start3A_751 = tpu.memref_slice %arg6[%run_scoped3A_672, %dma_start3A_749, %dma_start3A_750] : memref<2x400x64xf32, #tpu.memory_space<vmem>> -> memref<1x400x64xf32, #tpu.memory_space<vmem>>
      %dma_start3A_752 = tpu.memref_squeeze %dma_start3A_751 : memref<1x400x64xf32, #tpu.memory_space<vmem>> -> memref<400x64xf32, #tpu.memory_space<vmem>>
      %dma_start3A_753 = arith.constant 0 : i32
      %dma_start3A_754 = tpu.memref_slice %arg4[%add3A_671, %dma_start3A_753] : memref<320000x64xf32, #tpu.memory_space<hbm>> -> memref<400x64xf32, #tpu.memory_space<hbm>>
      %dma_start3A_755 = arith.constant 0 : i32
      %dma_start3A_756 = tpu.memref_slice %arg4[%add3A_671, %dma_start3A_755] : memref<320000x64xf32, #tpu.memory_space<hbm>> -> memref<400x64xf32, #tpu.memory_space<hbm>>
      %dma_start3A_757 = arith.constant 0 : i32
      %dma_start3A_758 = arith.constant 0 : i32
      %dma_start3A_759 = tpu.memref_slice %arg6[%run_scoped3A_672, %dma_start3A_757, %dma_start3A_758] : memref<2x400x64xf32, #tpu.memory_space<vmem>> -> memref<1x400x64xf32, #tpu.memory_space<vmem>>
      %dma_start3A_760 = tpu.memref_squeeze %dma_start3A_759 : memref<1x400x64xf32, #tpu.memory_space<vmem>> -> memref<400x64xf32, #tpu.memory_space<vmem>>
      tpu.enqueue_dma source(%dma_start3A_760 : memref<400x64xf32, #tpu.memory_space<vmem>>) target(%dma_start3A_756 : memref<400x64xf32, #tpu.memory_space<hbm>>) target_semaphore(%run_scoped3A_748 : memref<!tpu.dma_semaphore, #tpu.memory_space<semaphore_mem>>)
      %dma_wait3A_761 = arith.constant 0 : i32
      %dma_wait3A_762 = arith.constant 0 : i32
      %dma_wait3A_763 = tpu.memref_slice %arg6[%run_scoped3A_672, %dma_wait3A_761, %dma_wait3A_762] : memref<2x400x64xf32, #tpu.memory_space<vmem>> -> memref<1x400x64xf32, #tpu.memory_space<vmem>>
      %dma_wait3A_764 = tpu.memref_squeeze %dma_wait3A_763 : memref<1x400x64xf32, #tpu.memory_space<vmem>> -> memref<400x64xf32, #tpu.memory_space<vmem>>
      %dma_wait3A_765 = arith.constant 0 : i32
      %dma_wait3A_766 = tpu.memref_slice %arg4[%add3A_671, %dma_wait3A_765] : memref<320000x64xf32, #tpu.memory_space<hbm>> -> memref<400x64xf32, #tpu.memory_space<hbm>>
      %dma_wait3A_767 = arith.constant 0 : i32
      %dma_wait3A_768 = tpu.memref_slice %arg4[%add3A_671, %dma_wait3A_767] : memref<320000x64xf32, #tpu.memory_space<hbm>> -> memref<400x64xf32, #tpu.memory_space<hbm>>
      %dma_wait3A_769 = arith.constant 0 : i32
      %dma_wait3A_770 = arith.constant 0 : i32
      %dma_wait3A_771 = tpu.memref_slice %arg6[%run_scoped3A_672, %dma_wait3A_769, %dma_wait3A_770] : memref<2x400x64xf32, #tpu.memory_space<vmem>> -> memref<1x400x64xf32, #tpu.memory_space<vmem>>
      %dma_wait3A_772 = tpu.memref_squeeze %dma_wait3A_771 : memref<1x400x64xf32, #tpu.memory_space<vmem>> -> memref<400x64xf32, #tpu.memory_space<vmem>>
      tpu.wait_dma2 semaphore(%run_scoped3A_748 : memref<!tpu.dma_semaphore, #tpu.memory_space<semaphore_mem>>) src(%dma_wait3A_772 : memref<400x64xf32, #tpu.memory_space<vmem>>) dst(%dma_wait3A_768 : memref<400x64xf32, #tpu.memory_space<hbm>>)
      tpu.yield
    }) : () -> ()
    %add3A_673 = arith.constant 9200 : i32
    %add3A_674 = arith.addi %mul3A_2, %add3A_673 : i32
    %run_scoped3A_675 = arith.constant 1 : i32
    "tpu.region"() ({
      %run_scoped3A_748 = tpu.sem_alloc : memref<!tpu.dma_semaphore, #tpu.memory_space<semaphore_mem>>
      %dma_start3A_749 = arith.constant 0 : i32
      %dma_start3A_750 = tpu.memref_slice %arg5[%run_scoped3A_675, %dma_start3A_749] : memref<2x400xi32, #tpu.memory_space<vmem>> -> memref<1x400xi32, #tpu.memory_space<vmem>>
      %dma_start3A_751 = tpu.memref_squeeze %dma_start3A_750 : memref<1x400xi32, #tpu.memory_space<vmem>> -> memref<400xi32, #tpu.memory_space<vmem>>
      %dma_start3A_752 = tpu.memref_slice %arg3[%add3A_674] : memref<320000xi32, #tpu.memory_space<hbm>> -> memref<400xi32, #tpu.memory_space<hbm>>
      %dma_start3A_753 = arith.constant 0 : i32
      %dma_start3A_754 = tpu.memref_slice %arg5[%run_scoped3A_675, %dma_start3A_753] : memref<2x400xi32, #tpu.memory_space<vmem>> -> memref<1x400xi32, #tpu.memory_space<vmem>>
      %dma_start3A_755 = tpu.memref_squeeze %dma_start3A_754 : memref<1x400xi32, #tpu.memory_space<vmem>> -> memref<400xi32, #tpu.memory_space<vmem>>
      %dma_start3A_756 = tpu.memref_slice %arg3[%add3A_674] : memref<320000xi32, #tpu.memory_space<hbm>> -> memref<400xi32, #tpu.memory_space<hbm>>
      tpu.enqueue_dma source(%dma_start3A_756 : memref<400xi32, #tpu.memory_space<hbm>>) target(%dma_start3A_755 : memref<400xi32, #tpu.memory_space<vmem>>) target_semaphore(%run_scoped3A_748 : memref<!tpu.dma_semaphore, #tpu.memory_space<semaphore_mem>>)
      %dma_wait3A_757 = arith.constant 0 : i32
      %dma_wait3A_758 = tpu.memref_slice %arg5[%run_scoped3A_675, %dma_wait3A_757] : memref<2x400xi32, #tpu.memory_space<vmem>> -> memref<1x400xi32, #tpu.memory_space<vmem>>
      %dma_wait3A_759 = tpu.memref_squeeze %dma_wait3A_758 : memref<1x400xi32, #tpu.memory_space<vmem>> -> memref<400xi32, #tpu.memory_space<vmem>>
      %dma_wait3A_760 = tpu.memref_slice %arg3[%add3A_674] : memref<320000xi32, #tpu.memory_space<hbm>> -> memref<400xi32, #tpu.memory_space<hbm>>
      %dma_wait3A_761 = arith.constant 0 : i32
      %dma_wait3A_762 = tpu.memref_slice %arg5[%run_scoped3A_675, %dma_wait3A_761] : memref<2x400xi32, #tpu.memory_space<vmem>> -> memref<1x400xi32, #tpu.memory_space<vmem>>
      %dma_wait3A_763 = tpu.memref_squeeze %dma_wait3A_762 : memref<1x400xi32, #tpu.memory_space<vmem>> -> memref<400xi32, #tpu.memory_space<vmem>>
      %dma_wait3A_764 = tpu.memref_slice %arg3[%add3A_674] : memref<320000xi32, #tpu.memory_space<hbm>> -> memref<400xi32, #tpu.memory_space<hbm>>
      tpu.wait_dma2 semaphore(%run_scoped3A_748 : memref<!tpu.dma_semaphore, #tpu.memory_space<semaphore_mem>>) src(%dma_wait3A_764 : memref<400xi32, #tpu.memory_space<hbm>>) dst(%dma_wait3A_763 : memref<400xi32, #tpu.memory_space<vmem>>)
      tpu.yield
    }) : () -> ()
    %dma_start3A_676 = arith.constant 1 : i32
    %dma_start3A_677 = arith.constant 1 : i32
    %dma_start3A_678 = arith.constant 0 : i32
    %dma_start3A_679 = arith.constant 0 : i32
    %dma_start3A_680 = tpu.memref_slice %arg6[%dma_start3A_677, %dma_start3A_678, %dma_start3A_679] : memref<2x400x64xf32, #tpu.memory_space<vmem>> -> memref<1x400x64xf32, #tpu.memory_space<vmem>>
    %dma_start3A_681 = tpu.memref_squeeze %dma_start3A_680 : memref<1x400x64xf32, #tpu.memory_space<vmem>> -> memref<400x64xf32, #tpu.memory_space<vmem>>
    %dma_start3A_682 = arith.constant 0 : i32
    %dma_start3A_683 = tpu.memref_slice %arg5[%dma_start3A_676, %dma_start3A_682] : memref<2x400xi32, #tpu.memory_space<vmem>> -> memref<1x400xi32, #tpu.memory_space<vmem>>
    %dma_start3A_684 = tpu.memref_squeeze %dma_start3A_683 : memref<1x400xi32, #tpu.memory_space<vmem>> -> memref<400xi32, #tpu.memory_space<vmem>>
    %dma_start3A_685 = arith.constant 0 : i32
    %dma_start3A_686 = arith.constant 0 : i32
    %dma_start3A_687 = tpu.memref_slice %arg2[%dma_start3A_685, %dma_start3A_686] : memref<10000x64xf32, #tpu.memory_space<hbm>> -> memref<10000x64xf32, #tpu.memory_space<hbm>>
    tpu.enqueue_indirect_dma source(%dma_start3A_687 : memref<10000x64xf32, #tpu.memory_space<hbm>>) target(%dma_start3A_681 : memref<400x64xf32, #tpu.memory_space<vmem>>) offsets(%dma_start3A_684 : memref<400xi32, #tpu.memory_space<vmem>>) semaphore(%arg7 : memref<!tpu.dma_semaphore, #tpu.memory_space<semaphore_mem>>)
    %dma_wait3A_688 = arith.constant 0 : i32
    %dma_wait3A_689 = arith.constant 0 : i32
    %dma_wait3A_690 = arith.constant 0 : i32
    %dma_wait3A_691 = arith.constant 0 : i32
    %dma_wait3A_692 = tpu.memref_slice %arg6[%dma_wait3A_689, %dma_wait3A_690, %dma_wait3A_691] : memref<2x400x64xf32, #tpu.memory_space<vmem>> -> memref<1x400x64xf32, #tpu.memory_space<vmem>>
    %dma_wait3A_693 = tpu.memref_squeeze %dma_wait3A_692 : memref<1x400x64xf32, #tpu.memory_space<vmem>> -> memref<400x64xf32, #tpu.memory_space<vmem>>
    %dma_wait3A_694 = arith.constant 0 : i32
    %dma_wait3A_695 = tpu.memref_slice %arg5[%dma_wait3A_688, %dma_wait3A_694] : memref<2x400xi32, #tpu.memory_space<vmem>> -> memref<1x400xi32, #tpu.memory_space<vmem>>
    %dma_wait3A_696 = tpu.memref_squeeze %dma_wait3A_695 : memref<1x400xi32, #tpu.memory_space<vmem>> -> memref<400xi32, #tpu.memory_space<vmem>>
    %dma_wait3A_697 = arith.constant 0 : i32
    %dma_wait3A_698 = arith.constant 0 : i32
    %dma_wait3A_699 = tpu.memref_slice %arg2[%dma_wait3A_697, %dma_wait3A_698] : memref<10000x64xf32, #tpu.memory_space<hbm>> -> memref<10000x64xf32, #tpu.memory_space<hbm>>
    tpu.wait_indirect_dma semaphore(%arg7 : memref<!tpu.dma_semaphore, #tpu.memory_space<semaphore_mem>>) src(%dma_wait3A_699 : memref<10000x64xf32, #tpu.memory_space<hbm>>) dst(%dma_wait3A_693 : memref<400x64xf32, #tpu.memory_space<vmem>>)
    %add3A_700 = arith.constant 8800 : i32
    %add3A_701 = arith.addi %mul3A_2, %add3A_700 : i32
    %run_scoped3A_702 = arith.constant 0 : i32
    "tpu.region"() ({
      %run_scoped3A_748 = tpu.sem_alloc : memref<!tpu.dma_semaphore, #tpu.memory_space<semaphore_mem>>
      %dma_start3A_749 = arith.constant 0 : i32
      %dma_start3A_750 = arith.constant 0 : i32
      %dma_start3A_751 = tpu.memref_slice %arg6[%run_scoped3A_702, %dma_start3A_749, %dma_start3A_750] : memref<2x400x64xf32, #tpu.memory_space<vmem>> -> memref<1x400x64xf32, #tpu.memory_space<vmem>>
      %dma_start3A_752 = tpu.memref_squeeze %dma_start3A_751 : memref<1x400x64xf32, #tpu.memory_space<vmem>> -> memref<400x64xf32, #tpu.memory_space<vmem>>
      %dma_start3A_753 = arith.constant 0 : i32
      %dma_start3A_754 = tpu.memref_slice %arg4[%add3A_701, %dma_start3A_753] : memref<320000x64xf32, #tpu.memory_space<hbm>> -> memref<400x64xf32, #tpu.memory_space<hbm>>
      %dma_start3A_755 = arith.constant 0 : i32
      %dma_start3A_756 = tpu.memref_slice %arg4[%add3A_701, %dma_start3A_755] : memref<320000x64xf32, #tpu.memory_space<hbm>> -> memref<400x64xf32, #tpu.memory_space<hbm>>
      %dma_start3A_757 = arith.constant 0 : i32
      %dma_start3A_758 = arith.constant 0 : i32
      %dma_start3A_759 = tpu.memref_slice %arg6[%run_scoped3A_702, %dma_start3A_757, %dma_start3A_758] : memref<2x400x64xf32, #tpu.memory_space<vmem>> -> memref<1x400x64xf32, #tpu.memory_space<vmem>>
      %dma_start3A_760 = tpu.memref_squeeze %dma_start3A_759 : memref<1x400x64xf32, #tpu.memory_space<vmem>> -> memref<400x64xf32, #tpu.memory_space<vmem>>
      tpu.enqueue_dma source(%dma_start3A_760 : memref<400x64xf32, #tpu.memory_space<vmem>>) target(%dma_start3A_756 : memref<400x64xf32, #tpu.memory_space<hbm>>) target_semaphore(%run_scoped3A_748 : memref<!tpu.dma_semaphore, #tpu.memory_space<semaphore_mem>>)
      %dma_wait3A_761 = arith.constant 0 : i32
      %dma_wait3A_762 = arith.constant 0 : i32
      %dma_wait3A_763 = tpu.memref_slice %arg6[%run_scoped3A_702, %dma_wait3A_761, %dma_wait3A_762] : memref<2x400x64xf32, #tpu.memory_space<vmem>> -> memref<1x400x64xf32, #tpu.memory_space<vmem>>
      %dma_wait3A_764 = tpu.memref_squeeze %dma_wait3A_763 : memref<1x400x64xf32, #tpu.memory_space<vmem>> -> memref<400x64xf32, #tpu.memory_space<vmem>>
      %dma_wait3A_765 = arith.constant 0 : i32
      %dma_wait3A_766 = tpu.memref_slice %arg4[%add3A_701, %dma_wait3A_765] : memref<320000x64xf32, #tpu.memory_space<hbm>> -> memref<400x64xf32, #tpu.memory_space<hbm>>
      %dma_wait3A_767 = arith.constant 0 : i32
      %dma_wait3A_768 = tpu.memref_slice %arg4[%add3A_701, %dma_wait3A_767] : memref<320000x64xf32, #tpu.memory_space<hbm>> -> memref<400x64xf32, #tpu.memory_space<hbm>>
      %dma_wait3A_769 = arith.constant 0 : i32
      %dma_wait3A_770 = arith.constant 0 : i32
      %dma_wait3A_771 = tpu.memref_slice %arg6[%run_scoped3A_702, %dma_wait3A_769, %dma_wait3A_770] : memref<2x400x64xf32, #tpu.memory_space<vmem>> -> memref<1x400x64xf32, #tpu.memory_space<vmem>>
      %dma_wait3A_772 = tpu.memref_squeeze %dma_wait3A_771 : memref<1x400x64xf32, #tpu.memory_space<vmem>> -> memref<400x64xf32, #tpu.memory_space<vmem>>
      tpu.wait_dma2 semaphore(%run_scoped3A_748 : memref<!tpu.dma_semaphore, #tpu.memory_space<semaphore_mem>>) src(%dma_wait3A_772 : memref<400x64xf32, #tpu.memory_space<vmem>>) dst(%dma_wait3A_768 : memref<400x64xf32, #tpu.memory_space<hbm>>)
      tpu.yield
    }) : () -> ()
    %add3A_703 = arith.constant 9600 : i32
    %add3A_704 = arith.addi %mul3A_2, %add3A_703 : i32
    %run_scoped3A_705 = arith.constant 0 : i32
    "tpu.region"() ({
      %run_scoped3A_748 = tpu.sem_alloc : memref<!tpu.dma_semaphore, #tpu.memory_space<semaphore_mem>>
      %dma_start3A_749 = arith.constant 0 : i32
      %dma_start3A_750 = tpu.memref_slice %arg5[%run_scoped3A_705, %dma_start3A_749] : memref<2x400xi32, #tpu.memory_space<vmem>> -> memref<1x400xi32, #tpu.memory_space<vmem>>
      %dma_start3A_751 = tpu.memref_squeeze %dma_start3A_750 : memref<1x400xi32, #tpu.memory_space<vmem>> -> memref<400xi32, #tpu.memory_space<vmem>>
      %dma_start3A_752 = tpu.memref_slice %arg3[%add3A_704] : memref<320000xi32, #tpu.memory_space<hbm>> -> memref<400xi32, #tpu.memory_space<hbm>>
      %dma_start3A_753 = arith.constant 0 : i32
      %dma_start3A_754 = tpu.memref_slice %arg5[%run_scoped3A_705, %dma_start3A_753] : memref<2x400xi32, #tpu.memory_space<vmem>> -> memref<1x400xi32, #tpu.memory_space<vmem>>
      %dma_start3A_755 = tpu.memref_squeeze %dma_start3A_754 : memref<1x400xi32, #tpu.memory_space<vmem>> -> memref<400xi32, #tpu.memory_space<vmem>>
      %dma_start3A_756 = tpu.memref_slice %arg3[%add3A_704] : memref<320000xi32, #tpu.memory_space<hbm>> -> memref<400xi32, #tpu.memory_space<hbm>>
      tpu.enqueue_dma source(%dma_start3A_756 : memref<400xi32, #tpu.memory_space<hbm>>) target(%dma_start3A_755 : memref<400xi32, #tpu.memory_space<vmem>>) target_semaphore(%run_scoped3A_748 : memref<!tpu.dma_semaphore, #tpu.memory_space<semaphore_mem>>)
      %dma_wait3A_757 = arith.constant 0 : i32
      %dma_wait3A_758 = tpu.memref_slice %arg5[%run_scoped3A_705, %dma_wait3A_757] : memref<2x400xi32, #tpu.memory_space<vmem>> -> memref<1x400xi32, #tpu.memory_space<vmem>>
      %dma_wait3A_759 = tpu.memref_squeeze %dma_wait3A_758 : memref<1x400xi32, #tpu.memory_space<vmem>> -> memref<400xi32, #tpu.memory_space<vmem>>
      %dma_wait3A_760 = tpu.memref_slice %arg3[%add3A_704] : memref<320000xi32, #tpu.memory_space<hbm>> -> memref<400xi32, #tpu.memory_space<hbm>>
      %dma_wait3A_761 = arith.constant 0 : i32
      %dma_wait3A_762 = tpu.memref_slice %arg5[%run_scoped3A_705, %dma_wait3A_761] : memref<2x400xi32, #tpu.memory_space<vmem>> -> memref<1x400xi32, #tpu.memory_space<vmem>>
      %dma_wait3A_763 = tpu.memref_squeeze %dma_wait3A_762 : memref<1x400xi32, #tpu.memory_space<vmem>> -> memref<400xi32, #tpu.memory_space<vmem>>
      %dma_wait3A_764 = tpu.memref_slice %arg3[%add3A_704] : memref<320000xi32, #tpu.memory_space<hbm>> -> memref<400xi32, #tpu.memory_space<hbm>>
      tpu.wait_dma2 semaphore(%run_scoped3A_748 : memref<!tpu.dma_semaphore, #tpu.memory_space<semaphore_mem>>) src(%dma_wait3A_764 : memref<400xi32, #tpu.memory_space<hbm>>) dst(%dma_wait3A_763 : memref<400xi32, #tpu.memory_space<vmem>>)
      tpu.yield
    }) : () -> ()
    %dma_start3A_706 = arith.constant 0 : i32
    %dma_start3A_707 = arith.constant 0 : i32
    %dma_start3A_708 = arith.constant 0 : i32
    %dma_start3A_709 = arith.constant 0 : i32
    %dma_start3A_710 = tpu.memref_slice %arg6[%dma_start3A_707, %dma_start3A_708, %dma_start3A_709] : memref<2x400x64xf32, #tpu.memory_space<vmem>> -> memref<1x400x64xf32, #tpu.memory_space<vmem>>
    %dma_start3A_711 = tpu.memref_squeeze %dma_start3A_710 : memref<1x400x64xf32, #tpu.memory_space<vmem>> -> memref<400x64xf32, #tpu.memory_space<vmem>>
    %dma_start3A_712 = arith.constant 0 : i32
    %dma_start3A_713 = tpu.memref_slice %arg5[%dma_start3A_706, %dma_start3A_712] : memref<2x400xi32, #tpu.memory_space<vmem>> -> memref<1x400xi32, #tpu.memory_space<vmem>>
    %dma_start3A_714 = tpu.memref_squeeze %dma_start3A_713 : memref<1x400xi32, #tpu.memory_space<vmem>> -> memref<400xi32, #tpu.memory_space<vmem>>
    %dma_start3A_715 = arith.constant 0 : i32
    %dma_start3A_716 = arith.constant 0 : i32
    %dma_start3A_717 = tpu.memref_slice %arg2[%dma_start3A_715, %dma_start3A_716] : memref<10000x64xf32, #tpu.memory_space<hbm>> -> memref<10000x64xf32, #tpu.memory_space<hbm>>
    tpu.enqueue_indirect_dma source(%dma_start3A_717 : memref<10000x64xf32, #tpu.memory_space<hbm>>) target(%dma_start3A_711 : memref<400x64xf32, #tpu.memory_space<vmem>>) offsets(%dma_start3A_714 : memref<400xi32, #tpu.memory_space<vmem>>) semaphore(%arg7 : memref<!tpu.dma_semaphore, #tpu.memory_space<semaphore_mem>>)
    %dma_wait3A_718 = arith.constant 1 : i32
    %dma_wait3A_719 = arith.constant 1 : i32
    %dma_wait3A_720 = arith.constant 0 : i32
    %dma_wait3A_721 = arith.constant 0 : i32
    %dma_wait3A_722 = tpu.memref_slice %arg6[%dma_wait3A_719, %dma_wait3A_720, %dma_wait3A_721] : memref<2x400x64xf32, #tpu.memory_space<vmem>> -> memref<1x400x64xf32, #tpu.memory_space<vmem>>
    %dma_wait3A_723 = tpu.memref_squeeze %dma_wait3A_722 : memref<1x400x64xf32, #tpu.memory_space<vmem>> -> memref<400x64xf32, #tpu.memory_space<vmem>>
    %dma_wait3A_724 = arith.constant 0 : i32
    %dma_wait3A_725 = tpu.memref_slice %arg5[%dma_wait3A_718, %dma_wait3A_724] : memref<2x400xi32, #tpu.memory_space<vmem>> -> memref<1x400xi32, #tpu.memory_space<vmem>>
    %dma_wait3A_726 = tpu.memref_squeeze %dma_wait3A_725 : memref<1x400xi32, #tpu.memory_space<vmem>> -> memref<400xi32, #tpu.memory_space<vmem>>
    %dma_wait3A_727 = arith.constant 0 : i32
    %dma_wait3A_728 = arith.constant 0 : i32
    %dma_wait3A_729 = tpu.memref_slice %arg2[%dma_wait3A_727, %dma_wait3A_728] : memref<10000x64xf32, #tpu.memory_space<hbm>> -> memref<10000x64xf32, #tpu.memory_space<hbm>>
    tpu.wait_indirect_dma semaphore(%arg7 : memref<!tpu.dma_semaphore, #tpu.memory_space<semaphore_mem>>) src(%dma_wait3A_729 : memref<10000x64xf32, #tpu.memory_space<hbm>>) dst(%dma_wait3A_723 : memref<400x64xf32, #tpu.memory_space<vmem>>)
    %add3A_730 = arith.constant 9200 : i32
    %add3A_731 = arith.addi %mul3A_2, %add3A_730 : i32
    %run_scoped3A_732 = arith.constant 1 : i32
    "tpu.region"() ({
      %run_scoped3A_748 = tpu.sem_alloc : memref<!tpu.dma_semaphore, #tpu.memory_space<semaphore_mem>>
      %dma_start3A_749 = arith.constant 0 : i32
      %dma_start3A_750 = arith.constant 0 : i32
      %dma_start3A_751 = tpu.memref_slice %arg6[%run_scoped3A_732, %dma_start3A_749, %dma_start3A_750] : memref<2x400x64xf32, #tpu.memory_space<vmem>> -> memref<1x400x64xf32, #tpu.memory_space<vmem>>
      %dma_start3A_752 = tpu.memref_squeeze %dma_start3A_751 : memref<1x400x64xf32, #tpu.memory_space<vmem>> -> memref<400x64xf32, #tpu.memory_space<vmem>>
      %dma_start3A_753 = arith.constant 0 : i32
      %dma_start3A_754 = tpu.memref_slice %arg4[%add3A_731, %dma_start3A_753] : memref<320000x64xf32, #tpu.memory_space<hbm>> -> memref<400x64xf32, #tpu.memory_space<hbm>>
      %dma_start3A_755 = arith.constant 0 : i32
      %dma_start3A_756 = tpu.memref_slice %arg4[%add3A_731, %dma_start3A_755] : memref<320000x64xf32, #tpu.memory_space<hbm>> -> memref<400x64xf32, #tpu.memory_space<hbm>>
      %dma_start3A_757 = arith.constant 0 : i32
      %dma_start3A_758 = arith.constant 0 : i32
      %dma_start3A_759 = tpu.memref_slice %arg6[%run_scoped3A_732, %dma_start3A_757, %dma_start3A_758] : memref<2x400x64xf32, #tpu.memory_space<vmem>> -> memref<1x400x64xf32, #tpu.memory_space<vmem>>
      %dma_start3A_760 = tpu.memref_squeeze %dma_start3A_759 : memref<1x400x64xf32, #tpu.memory_space<vmem>> -> memref<400x64xf32, #tpu.memory_space<vmem>>
      tpu.enqueue_dma source(%dma_start3A_760 : memref<400x64xf32, #tpu.memory_space<vmem>>) target(%dma_start3A_756 : memref<400x64xf32, #tpu.memory_space<hbm>>) target_semaphore(%run_scoped3A_748 : memref<!tpu.dma_semaphore, #tpu.memory_space<semaphore_mem>>)
      %dma_wait3A_761 = arith.constant 0 : i32
      %dma_wait3A_762 = arith.constant 0 : i32
      %dma_wait3A_763 = tpu.memref_slice %arg6[%run_scoped3A_732, %dma_wait3A_761, %dma_wait3A_762] : memref<2x400x64xf32, #tpu.memory_space<vmem>> -> memref<1x400x64xf32, #tpu.memory_space<vmem>>
      %dma_wait3A_764 = tpu.memref_squeeze %dma_wait3A_763 : memref<1x400x64xf32, #tpu.memory_space<vmem>> -> memref<400x64xf32, #tpu.memory_space<vmem>>
      %dma_wait3A_765 = arith.constant 0 : i32
      %dma_wait3A_766 = tpu.memref_slice %arg4[%add3A_731, %dma_wait3A_765] : memref<320000x64xf32, #tpu.memory_space<hbm>> -> memref<400x64xf32, #tpu.memory_space<hbm>>
      %dma_wait3A_767 = arith.constant 0 : i32
      %dma_wait3A_768 = tpu.memref_slice %arg4[%add3A_731, %dma_wait3A_767] : memref<320000x64xf32, #tpu.memory_space<hbm>> -> memref<400x64xf32, #tpu.memory_space<hbm>>
      %dma_wait3A_769 = arith.constant 0 : i32
      %dma_wait3A_770 = arith.constant 0 : i32
      %dma_wait3A_771 = tpu.memref_slice %arg6[%run_scoped3A_732, %dma_wait3A_769, %dma_wait3A_770] : memref<2x400x64xf32, #tpu.memory_space<vmem>> -> memref<1x400x64xf32, #tpu.memory_space<vmem>>
      %dma_wait3A_772 = tpu.memref_squeeze %dma_wait3A_771 : memref<1x400x64xf32, #tpu.memory_space<vmem>> -> memref<400x64xf32, #tpu.memory_space<vmem>>
      tpu.wait_dma2 semaphore(%run_scoped3A_748 : memref<!tpu.dma_semaphore, #tpu.memory_space<semaphore_mem>>) src(%dma_wait3A_772 : memref<400x64xf32, #tpu.memory_space<vmem>>) dst(%dma_wait3A_768 : memref<400x64xf32, #tpu.memory_space<hbm>>)
      tpu.yield
    }) : () -> ()
    %dma_wait3A_733 = arith.constant 0 : i32
    %dma_wait3A_734 = arith.constant 0 : i32
    %dma_wait3A_735 = arith.constant 0 : i32
    %dma_wait3A_736 = arith.constant 0 : i32
    %dma_wait3A_737 = tpu.memref_slice %arg6[%dma_wait3A_734, %dma_wait3A_735, %dma_wait3A_736] : memref<2x400x64xf32, #tpu.memory_space<vmem>> -> memref<1x400x64xf32, #tpu.memory_space<vmem>>
    %dma_wait3A_738 = tpu.memref_squeeze %dma_wait3A_737 : memref<1x400x64xf32, #tpu.memory_space<vmem>> -> memref<400x64xf32, #tpu.memory_space<vmem>>
    %dma_wait3A_739 = arith.constant 0 : i32
    %dma_wait3A_740 = tpu.memref_slice %arg5[%dma_wait3A_733, %dma_wait3A_739] : memref<2x400xi32, #tpu.memory_space<vmem>> -> memref<1x400xi32, #tpu.memory_space<vmem>>
    %dma_wait3A_741 = tpu.memref_squeeze %dma_wait3A_740 : memref<1x400xi32, #tpu.memory_space<vmem>> -> memref<400xi32, #tpu.memory_space<vmem>>
    %dma_wait3A_742 = arith.constant 0 : i32
    %dma_wait3A_743 = arith.constant 0 : i32
    %dma_wait3A_744 = tpu.memref_slice %arg2[%dma_wait3A_742, %dma_wait3A_743] : memref<10000x64xf32, #tpu.memory_space<hbm>> -> memref<10000x64xf32, #tpu.memory_space<hbm>>
    tpu.wait_indirect_dma semaphore(%arg7 : memref<!tpu.dma_semaphore, #tpu.memory_space<semaphore_mem>>) src(%dma_wait3A_744 : memref<10000x64xf32, #tpu.memory_space<hbm>>) dst(%dma_wait3A_738 : memref<400x64xf32, #tpu.memory_space<vmem>>)
    %add3A_745 = arith.constant 9600 : i32
    %add3A_746 = arith.addi %mul3A_2, %add3A_745 : i32
    %run_scoped3A_747 = arith.constant 0 : i32
    "tpu.region"() ({
      %run_scoped3A_748 = tpu.sem_alloc : memref<!tpu.dma_semaphore, #tpu.memory_space<semaphore_mem>>
      %dma_start3A_749 = arith.constant 0 : i32
      %dma_start3A_750 = arith.constant 0 : i32
      %dma_start3A_751 = tpu.memref_slice %arg6[%run_scoped3A_747, %dma_start3A_749, %dma_start3A_750] : memref<2x400x64xf32, #tpu.memory_space<vmem>> -> memref<1x400x64xf32, #tpu.memory_space<vmem>>
      %dma_start3A_752 = tpu.memref_squeeze %dma_start3A_751 : memref<1x400x64xf32, #tpu.memory_space<vmem>> -> memref<400x64xf32, #tpu.memory_space<vmem>>
      %dma_start3A_753 = arith.constant 0 : i32
      %dma_start3A_754 = tpu.memref_slice %arg4[%add3A_746, %dma_start3A_753] : memref<320000x64xf32, #tpu.memory_space<hbm>> -> memref<400x64xf32, #tpu.memory_space<hbm>>
      %dma_start3A_755 = arith.constant 0 : i32
      %dma_start3A_756 = tpu.memref_slice %arg4[%add3A_746, %dma_start3A_755] : memref<320000x64xf32, #tpu.memory_space<hbm>> -> memref<400x64xf32, #tpu.memory_space<hbm>>
      %dma_start3A_757 = arith.constant 0 : i32
      %dma_start3A_758 = arith.constant 0 : i32
      %dma_start3A_759 = tpu.memref_slice %arg6[%run_scoped3A_747, %dma_start3A_757, %dma_start3A_758] : memref<2x400x64xf32, #tpu.memory_space<vmem>> -> memref<1x400x64xf32, #tpu.memory_space<vmem>>
      %dma_start3A_760 = tpu.memref_squeeze %dma_start3A_759 : memref<1x400x64xf32, #tpu.memory_space<vmem>> -> memref<400x64xf32, #tpu.memory_space<vmem>>
      tpu.enqueue_dma source(%dma_start3A_760 : memref<400x64xf32, #tpu.memory_space<vmem>>) target(%dma_start3A_756 : memref<400x64xf32, #tpu.memory_space<hbm>>) target_semaphore(%run_scoped3A_748 : memref<!tpu.dma_semaphore, #tpu.memory_space<semaphore_mem>>)
      %dma_wait3A_761 = arith.constant 0 : i32
      %dma_wait3A_762 = arith.constant 0 : i32
      %dma_wait3A_763 = tpu.memref_slice %arg6[%run_scoped3A_747, %dma_wait3A_761, %dma_wait3A_762] : memref<2x400x64xf32, #tpu.memory_space<vmem>> -> memref<1x400x64xf32, #tpu.memory_space<vmem>>
      %dma_wait3A_764 = tpu.memref_squeeze %dma_wait3A_763 : memref<1x400x64xf32, #tpu.memory_space<vmem>> -> memref<400x64xf32, #tpu.memory_space<vmem>>
      %dma_wait3A_765 = arith.constant 0 : i32
      %dma_wait3A_766 = tpu.memref_slice %arg4[%add3A_746, %dma_wait3A_765] : memref<320000x64xf32, #tpu.memory_space<hbm>> -> memref<400x64xf32, #tpu.memory_space<hbm>>
      %dma_wait3A_767 = arith.constant 0 : i32
      %dma_wait3A_768 = tpu.memref_slice %arg4[%add3A_746, %dma_wait3A_767] : memref<320000x64xf32, #tpu.memory_space<hbm>> -> memref<400x64xf32, #tpu.memory_space<hbm>>
      %dma_wait3A_769 = arith.constant 0 : i32
      %dma_wait3A_770 = arith.constant 0 : i32
      %dma_wait3A_771 = tpu.memref_slice %arg6[%run_scoped3A_747, %dma_wait3A_769, %dma_wait3A_770] : memref<2x400x64xf32, #tpu.memory_space<vmem>> -> memref<1x400x64xf32, #tpu.memory_space<vmem>>
      %dma_wait3A_772 = tpu.memref_squeeze %dma_wait3A_771 : memref<1x400x64xf32, #tpu.memory_space<vmem>> -> memref<400x64xf32, #tpu.memory_space<vmem>>
      tpu.wait_dma2 semaphore(%run_scoped3A_748 : memref<!tpu.dma_semaphore, #tpu.memory_space<semaphore_mem>>) src(%dma_wait3A_772 : memref<400x64xf32, #tpu.memory_space<vmem>>) dst(%dma_wait3A_768 : memref<400x64xf32, #tpu.memory_space<hbm>>)
      tpu.yield
    }) : () -> ()
    return
  }
}

</mosaic_0001>

<sc_bundles>
// kernel: _sc_gather.3.cloned.1.call-start
scs
__scs_entry_jumppad:
0x0: {  	(pc) =	sbr.rel $0x88, $3  }
0x1: {  	(tag) =	ssettag $0x0;
	lr =	simm.s32 $0x1  }
0x2: {  	[smem:$0x3F9F] =	sst lr;
	_ =	strace $0xD0000000  }
0x3: {  	_ = 	snop  }
0x4: {  	_ = 	snop  }
0x5: {  	_ = 	snop  }
0x6: {  	_ = 	snop  }
0x7: {  	_ = 	snop  }
__scs_overlays_trampoline_lowered:
0x8: {  	[smem:$0x3FAE] =	sst s0  }
0x9: {  	[smem:$0x3FAF] =	sst s1  }
0xa: {  	[smem:$0x3FB0] =	sst s2  }
0xb: {  	[smem:$0x3FB1] =	sst s3  }
0xc: {  	[smem:$0x3FB2] =	sst s4  }
0xd: {  	[smem:$0x3FB3] =	sst s5  }
0xe: {  	[smem:$0x3FB4] =	sst s6  }
0xf: {  	[smem:$0x3FB5] =	sst s7  }
0x10: {  	[smem:$0x3FB6] =	sst s8  }
0x11: {  	[smem:$0x3FB7] =	sst s9;
	s0 =	simm.s32 @!p0 $0x0  }
0x12: {  	s1 =	sld [smem:$0x3F9D];
	s0 =	simm.s32 @p0 $0x1  }
0x13: {  	[smem:$0x3FB8] =	sst s0;
	s0 =	simm.s32 @!p1 $0x0  }
0x14: {  	s2 =	sld [smem:$0x3F9C];
	s0 =	simm.s32 @p1 $0x1  }
0x15: {  	[smem:$0x3FB9] =	sst s0;
	s0 =	simm.s32 @!p2 $0x0  }
0x16: {  	s3 =	sld [smem:$0x3FDB];
	s0 =	simm.s32 @p2 $0x1  }
0x17: {  	s4 =	simm.s32 $0x1BF5;
	[smem:$0x3FBB] =	sst s0  }
0x18: {  	s0 =	sld [smem:$0x3F9E];
	_ =	swait.ge [sflag:s4], $0x0  }
0x19: {  	s7 =	sld [smem:$0x3F9F]  }
0x1a: {  	s8 =	sadd.s32 $0xFFFFE003, lr  }
0x1b: {  	s9 =	sadd.s32 $0xFFFFFEF7, lr;
	s5 =	simm.s32 $0xFFFFFFFF;
	p2 =	slt.u32 s8, $0xFFFFF086  }
0x1c: {  	p1 =	slt.u32 s9, $0xF7A;
	s5 =	simm.s32 @!p2 $0x0  }
0x1d: {  	s5 =	simm.s32 @p1 $0x1;
	p0 =	seq.s32 s7, s2  }
0x1e: {  	s7 =	smul.u32 @!p0 $0xF7A, s2;
	p2 =	seq.s32 @!p0 s5, $0x0  }
0x1f: {  	s9 =	smul.u32 $0xF7A, s1;
	s8 =	simm.s32 @!p0 $0x1BF5;
	p2 =	por !p2, p0  }
0x20: {  	[sflag:s8] =	ssyncset.s32 @!p0 $0xFFFFF086;
	s6 =	sadd.s32 @!p0 s3, s7;
	s7 =	simm.s32 @!p0 $0x108  }
0x21: {  	s3 =	sadd.s32 s3, s9;
	s6 =	sadd.s32 @!p0 $0x88, s6;
	s7 =	simm.s32 @p2 $0x1082  }
0x22: {  	[simem:s7], [sflag:s8] =	dma.local @!p0 [hbm:s6], $0xF7A  }
0x23: {  	s9 =	sor.u32 $0xD0000000, s2;
	s6 =	simm.s32 $0x108;
	_ =	swait.ge @!p0 [sflag:s8], $0x0  }
0x24: {  	s3 =	sadd.s32 $0x88, s3;
	s6 =	simm.s32 @!p1 $0x1082;
	[sflag:s4] =	ssyncset.s32 $0xFFFFF086  }
0x25: {  	[simem:s6], [sflag:s4] =	dma.local [hbm:s3], $0xF7A  }
0x26: {  	[smem:$0x3F9F] =	sst s1;
	(tag) =	ssettag s2;
	_ =	strace s9  }
0x27: {  	s1 =	sld [smem:$0x3FAF]  }
0x28: {  	s2 =	sld [smem:$0x3FB0]  }
0x29: {  	s4 =	sld [smem:$0x3FB2]  }
0x2a: {  	p0 =	seq.s32 s5, $0x0;
	s5 =	sld [smem:$0x3FB3]  }
0x2b: {  	s6 =	sld [smem:$0x3FB4]  }
0x2c: {  	s7 =	sld [smem:$0x3FB5]  }
0x2d: {  	s3 =	simm.s32 $0x108;
	s8 =	sld [smem:$0x3FB6]  }
0x2e: {  	s3 =	simm.s32 @!p0 $0x1082;
	s9 =	sld [smem:$0x3FB7]  }
0x2f: {  	lr =	sadd.s32 s0, s3;
	s0 =	sld [smem:$0x3FAE]  }
0x30: {  	s3 =	sld [smem:$0x3FB1]  }
0x31: {  	[smem:$0x3FBA] =	sst s10  }
0x32: {  	s10 =	sld [smem:$0x3FB8];
	_ =	sdelay $0x3  }
0x33: {  	p0 =	seq.s32 s10, $0x1;
	s10 =	sld [smem:$0x3FBA];
	_ =	sdelay $0x3  }
0x34: {  	[smem:$0x3FBA] =	sst s10  }
0x35: {  	s10 =	sld [smem:$0x3FB9];
	_ =	sdelay $0x3  }
0x36: {  	p1 =	seq.s32 s10, $0x1;
	s10 =	sld [smem:$0x3FBA];
	_ =	sdelay $0x3  }
0x37: {  	[smem:$0x3FBA] =	sst s10  }
0x38: {  	s10 =	sld [smem:$0x3FBB]  }
0x39: {  	_ = 	snop;
	(pc) =	sbr.ind lr, $3  }
0x3a: {  	_ = 	snop  }
0x3b: {  	_ = 	snop  }
0x3c: {  	p2 =	seq.s32 s10, $0x1;
	s10 =	sld [smem:$0x3FBA]  }
0x3d: {  	_ =	shalt  }
0x3e: {  	_ =	shalt  }
0x3f: {  	_ =	shalt  }
0x40: {  	_ =	shalt  }
0x41: {  	_ =	shalt  }
0x42: {  	_ =	shalt  }
0x43: {  	_ =	shalt  }
0x44: {  	_ =	shalt  }
0x45: {  	_ =	shalt  }
0x46: {  	_ =	shalt  }
0x47: {  	_ =	shalt  }
0x48: {  	_ =	shalt  }
0x49: {  	_ =	shalt  }
0x4a: {  	_ =	shalt  }
0x4b: {  	_ =	shalt  }
0x4c: {  	_ =	shalt  }
0x4d: {  	_ =	shalt  }
0x4e: {  	_ =	shalt  }
0x4f: {  	_ =	shalt  }
0x50: {  	_ =	shalt  }
0x51: {  	_ =	shalt  }
0x52: {  	_ =	shalt  }
0x53: {  	_ =	shalt  }
0x54: {  	_ =	shalt  }
0x55: {  	_ =	shalt  }
0x56: {  	_ =	shalt  }
0x57: {  	_ =	shalt  }
0x58: {  	_ =	shalt  }
0x59: {  	_ =	shalt  }
0x5a: {  	_ =	shalt  }
0x5b: {  	_ =	shalt  }
0x5c: {  	_ =	shalt  }
0x5d: {  	_ =	shalt  }
0x5e: {  	_ =	shalt  }
0x5f: {  	_ =	shalt  }
0x60: {  	_ =	shalt  }
0x61: {  	_ =	shalt  }
0x62: {  	_ =	shalt  }
0x63: {  	_ =	shalt  }
0x64: {  	_ =	shalt  }
0x65: {  	_ =	shalt  }
0x66: {  	_ =	shalt  }
0x67: {  	_ =	shalt  }
0x68: {  	_ =	shalt  }
0x69: {  	_ =	shalt  }
0x6a: {  	_ =	shalt  }
0x6b: {  	_ =	shalt  }
0x6c: {  	_ =	shalt  }
0x6d: {  	_ =	shalt  }
0x6e: {  	_ =	shalt  }
0x6f: {  	_ =	shalt  }
0x70: {  	_ =	shalt  }
0x71: {  	_ =	shalt  }
0x72: {  	_ =	shalt  }
0x73: {  	_ =	shalt  }
0x74: {  	_ =	shalt  }
0x75: {  	_ =	shalt  }
0x76: {  	_ =	shalt  }
0x77: {  	_ =	shalt  }
0x78: {  	_ =	shalt  }
0x79: {  	_ =	shalt  }
0x7a: {  	_ =	shalt  }
0x7b: {  	_ =	shalt  }
0x7c: {  	_ =	shalt  }
0x7d: {  	_ =	shalt  }
0x7e: {  	_ =	shalt  }
0x7f: {  	_ =	shalt  }
0x80: {  	_ =	shalt  }
0x81: {  	_ =	shalt  }
0x82: {  	_ =	shalt  }
0x83: {  	_ =	shalt  }
0x84: {  	_ =	shalt  }
0x85: {  	_ =	shalt  }
0x86: {  	_ =	shalt  }
0x87: {  	_ =	shalt  }
.Lfunc_end0:
.L_simem_size_0:
called_computation.1_lowered:
.L_overlay_start_0:
0x88: {  	s2 =	sld [smem:$0x3FD9]  }
0x89: {  	s3 =	sld [smem:$0x3FFE];
	_ =	sdelay $0x1  }
0x8a: {  	s1 =	srdreg.scid  }
0x8b: {  	s0 =	sand.u32 $0x1, s1  }
0x8c: {  	s17 =	sshll.u32 s0, $0xA;
	s2 =	sadd.s32 s3, s2  }
0x8d: {  	s2 =	sadd.s32 s2, s17  }
0x8e: {  	[smem:$0x3FC6] =	sst s2  }
0x8f: {  	_ = 	snop  }
0x90: {  	s2 =	sld [smem:$0x3FC8]  }
0x91: {  	s18 =	sld [smem:$0x3FD0];
	(tm) =	ssettm $0x1  }
0x92: {  	s4 =	sld [smem:$0x3FFB];
	_ =	sdelay $0x3  }
0x93: {  	_ =	strace s4  }
0x94: {  	s4 =	sld [smem:$0x3FFC];
	_ =	sdelay $0x3  }
0x95: {  	_ =	strace s4  }
0x96: {  	s4 =	sld [smem:$0x3FFD];
	_ =	sdelay $0x3  }
0x97: {  	_ =	strace s4  }
0x98: {  	_ =	strace $0x8FFFFFFF  }
0x99: {  	s19 =	sld [smem:$0x3FDB];
	_ =	sdelay $0x1  }
0x9a: {  	s5 =	simm.s32 $_scs_section_size  }
0x9b: {  	s6 =	simm.s32 $_size__tile_overlayer_lowered;
	s7 =	simm.s32 $_tile_overlayer_lowered  }
0x9c: {  	s22 =	simm.s32 $0x1BFF;
	s21 =	sshll.u32 s7, $0x1;
	s4 =	sadd.s32 s5, s19  }
0x9d: {  	s8 =	simm.s32 $0x0;
	s20 =	sshll.u32 s6, $0x1;
	s6 =	sadd.s32 s21, s4  }
0x9e: {  	[timem:s8], [sflag:s22] =	dma.local [hbm:s6], s20  }
0x9f: {  	_ =	swait.ge [sflag:s22], s20  }
0xa0: {  	s5 =	ssub.s32 $0x0, s20;
	[sflag:s22] =	ssyncset.done $0x0  }
0xa1: {  	[sflag:s22] =	ssyncadd.s32 s5;
	_ =	sdelay $0x1  }
0xa2: {  	s23 =	simm.s32 $0x1B8B  }
0xa3: {  	_ =	swait.ge [sflag:s23], $0x1  }
0xa4: {  	[sflag:s23] =	ssyncset.done $0x0  }
0xa5: {  	s25 =	simm.s32 $0x1B8E;
	s24 =	sld [smem:$0x3FFE];
	[sflag:s23] =	ssyncadd.s32 $0xFFFFFFFF  }
0xa6: {  	s26 =	simm.s32 $execute0_lowered;
	[smem:$0x3FD2] =	sst s25  }
0xa7: {  	s6 =	sshll.u32 s26, $0x1;
	_ =	strace $0x80000046;
	[dreg:$0x1] =	wrdreg $0xFFFFFFFF  }
0xa8: {  	s28 =	simm.s32 $_size_execute0_lowered;
	s4 =	sadd.s32 s4, s6;
	[dreg:$0x0] =	wrdreg $0x0  }
0xa9: {  	s6 =	sshll.u32 s28, $0x1;
	[dreg:$0x2] =	wrdreg s4  }
0xaa: {  	[dreg:$0x3] =	wrdreg s6  }
0xab: {  	[dreg:$0x4] =	wrdreg $0xC0  }
0xac: {  	_ =	task [dreg:s8], $0x5FFFF  }
0xad: {  	[dreg:$0x1] =	wrdreg $0xFFFFFFFF  }
0xae: {  	[dreg:$0x0] =	wrdreg $0x60  }
0xaf: {  	[dreg:$0x2] =	wrdreg s24  }
0xb0: {  	[dreg:$0x3] =	wrdreg s2  }
0xb1: {  	[dreg:$0x4] =	wrdreg s18  }
0xb2: {  	[dreg:$0x5] =	wrdreg $0x9  }
0xb3: {  	_ =	task.clear_ibuf [dreg:s8], $0x6FFFF;
	_ =	strace $0x90000046  }
0xb4: {  	s29 =	simm.s32 $0x9;
	_ =	strace $0x80000048  }
0xb5: {  	_ =	swait.ge [sflag:s29], $0x1  }
0xb6: {  	[sflag:s29] =	ssyncadd.s32 $0xFFFFFFFF  }
0xb7: {  	_ =	strace $0x90000048  }
0xb8: {  	_ =	sfence  }
0xb9: {  	s30 =	sld [smem:$0x0];
	_ =	sdelay $0x2  }
0xba: {  	s31 =	sshll.u32 s1, $0xD;
	s1 =	sshrl.u32 s1, $0x2  }
0xbb: {  	s3 =	sand.u32 $0x4000, s31;
	s1 =	sadd.s32 s1, s30  }
0xbc: {  	s0 =	sor.u32 s3, s0;
	s1 =	sshll.u32 s1, $0x11  }
0xbd: {  	s0 =	sor.u32 s1, s0  }
0xbe: {  	s0 =	sadd.s32 $0x8F2B, s0  }
0xbf: {  	[sflag:s0] =	ssyncadd.remote.s32 $0x1  }
0xc0: {  	_ =	sfence.sel $0xFFFF  }
0xc1: {  	[dreg:$0x0] =	wrdreg $0xFFFFFFFF;
	(pc) =	sbr.abs _section_cstart, $3  }
0xc2: {  	[dreg:$0x1] =	wrdreg $0xFFFFFFFF  }
0xc3: {  	_ =	task.clear_ibuf [dreg:s8], $0x2FFFF;
	_ =	strace $0x9FFFFFFF  }
0xc4: {  	(tm) =	ssettm $0x7FFFFFFF  }
0xc5: {  	_ =	shalt  }
tec
execute0_lowered:
.L_overlay_start_1:
0x0: {  	(tag) =	ssettag $0x1  }
0x1: {  	s4 =	rddreg [dreg:$0x0]  }
0x2: {  	s1 =	srdreg.scid;
	s0 =	stileid.u32  }
0x3: {  	s29 =	rddreg [dreg:$0x1];
	s1 =	sand.u32 $0x1, s1;
	s2 =	sshll.u32 s0, $0x1  }
0x4: {  	s31 =	rddreg [dreg:$0x2];
	s3 =	sor.u32 s1, s2  }
0x5: {  	[smem:$0x7FD] =	sst s1;
	s2 =	simm.s32 $0x0;
	s30 =	smul.u32 $0x2710, s3  }
0x6: {  	[smem:$0x7FF] =	sst s2;
	s3 =	smul.u32 $0x13880, s3  }
0x7: {  	_ =	strace $0x80000047;
	s5 =	sshrl.u32 s30, $0x3;
	s6 =	sadd.s32 $0x190, s30  }
0x8: {  	s3 =	sadd.s32 s31, s3;
	s13 =	sadd.s32 $0x320, s30;
	s15 =	sadd.s32 $0x4B0, s30  }
0x9: {  	s20 =	sadd.s32 $0x640, s30;
	s23 =	sadd.s32 $0x7D0, s30;
	s1 =	sadd.s32 $0x960, s30  }
0xa: {  	s9 =	sadd.s32 $0xAF0, s30;
	s5 =	sadd.s32 s29, s5;
	s7 =	sshrl.u32 s6, $0x3  }
0xb: {  	[dreg:$0x6] =	wrdreg s3;
	s14 =	sshrl.u32 s13, $0x3;
	s6 =	sshll.u32 s6, $0x3  }
0xc: {  	s17 =	sshrl.u32 s15, $0x3;
	s21 =	sshrl.u32 s20, $0x3;
	s22 =	sshll.u32 s15, $0x3  }
0xd: {  	s25 =	sshrl.u32 s23, $0x3;
	[dreg:$0x4] =	wrdreg s5;
	s12 =	sadd.s32 s29, s7  }
0xe: {  	s8 =	sshll.u32 s23, $0x3;
	s3 =	sadd.s32 s29, s14;
	[dreg:$0x5] =	wrdreg s12  }
0xf: {  	s11 =	sshrl.u32 s9, $0x3;
	s16 =	sadd.s32 s31, s6;
	[dreg:$0x7] =	wrdreg s3  }
0x10: {  	s18 =	sadd.s32 s29, s17;
	s5 =	sshll.u32 s13, $0x3;
	[dreg:$0x8] =	wrdreg s16  }
0x11: {  	s24 =	sadd.s32 s31, s22;
	s26 =	sadd.s32 s29, s25;
	[dreg:$0x9] =	wrdreg s18  }
0x12: {  	s6 =	sshrl.u32 s1, $0x3;
	s10 =	sadd.s32 s31, s8;
	[dreg:$0xc] =	wrdreg s24  }
0x13: {  	s14 =	sadd.s32 $0xC80, s30;
	s17 =	sadd.s32 $0xE10, s30;
	[dreg:$0xd] =	wrdreg s26  }
0x14: {  	s22 =	sadd.s32 $0xFA0, s30;
	s19 =	sadd.s32 s31, s5;
	[dreg:$0x10] =	wrdreg s10  }
0x15: {  	s25 =	sadd.s32 $0x1130, s30;
	s3 =	sadd.s32 s29, s21;
	[dreg:$0xa] =	wrdreg s19  }
0x16: {  	s8 =	sadd.s32 $0x12C0, s30;
	s12 =	sadd.s32 s29, s11;
	[dreg:$0xb] =	wrdreg s3  }
0x17: {  	s5 =	sshll.u32 s20, $0x3;
	s16 =	sshll.u32 s9, $0x3;
	[dreg:$0x11] =	wrdreg s12  }
0x18: {  	s0 =	sadd.s32 s31, s5;
	s18 =	sadd.s32 s31, s16;
	s16 =	rddreg [dreg:$0x4]  }
0x19: {  	s15 =	sshrl.u32 s14, $0x3;
	s3 =	sadd.s32 s29, s6;
	[dreg:$0xe] =	wrdreg s0  }
0x1a: {  	s23 =	sshrl.u32 s22, $0x3;
	s24 =	sshll.u32 s17, $0x3;
	[dreg:$0xf] =	wrdreg s3  }
0x1b: {  	s10 =	sshll.u32 s25, $0x3;
	s26 =	sadd.s32 s31, s24;
	[dreg:$0x14] =	wrdreg s18  }
0x1c: {  	s5 =	sshll.u32 s1, $0x3;
	s11 =	sadd.s32 s31, s10;
	[dreg:$0x18] =	wrdreg s26  }
0x1d: {  	s9 =	sshrl.u32 s8, $0x3;
	s13 =	sadd.s32 s31, s5;
	[dreg:$0x1c] =	wrdreg s11  }
0x1e: {  	[tilespmem:s2], [sflag:$0x2] =	stream.linear.gather [hbm4b:s16+s2], $0x190, $0x38;
	[tilespmem:$0xCB20] =	vst v63  }
0x1f: {  	s19 =	sshrl.u32 s17, $0x3;
	s3 =	sadd.s32 s29, s15;
	[dreg:$0x12] =	wrdreg s13  }
0x20: {  	s20 =	sadd.s32 s29, s19;
	s5 =	sshll.u32 s14, $0x3;
	[dreg:$0x13] =	wrdreg s3  }
0x21: {  	s0 =	sshrl.u32 s25, $0x3;
	[dreg:$0x15] =	wrdreg s20;
	s21 =	sadd.s32 s31, s5  }
0x22: {  	s14 =	sshll.u32 s8, $0x3;
	s3 =	sadd.s32 s29, s23;
	[dreg:$0x16] =	wrdreg s21  }
0x23: {  	s1 =	sadd.s32 s29, s0;
	s5 =	sshll.u32 s22, $0x3;
	[dreg:$0x17] =	wrdreg s3  }
0x24: {  	s11 =	sadd.s32 $0x15E0, s30;
	[dreg:$0x19] =	wrdreg s1;
	s6 =	sadd.s32 s31, s5  }
0x25: {  	s15 =	sshrl.u32 s11, $0x3;
	s3 =	sadd.s32 s29, s9;
	[dreg:$0x1a] =	wrdreg s6  }
0x26: {  	s9 =	sadd.s32 $0x1450, s30;
	s17 =	sadd.s32 s29, s15;
	[dreg:$0x1b] =	wrdreg s3  }
0x27: {  	s12 =	sshrl.u32 s9, $0x3;
	s3 =	sadd.s32 s31, s14;
	[dreg:$0x1f] =	wrdreg s17  }
0x28: {  	s13 =	sadd.s32 s29, s12;
	[dreg:$0x1e] =	wrdreg s3  }
0x29: {  	s3 =	simm.s32 $0x2;
	[dreg:$0x1d] =	wrdreg s13  }
0x2a: {  	_ =	swait.ge [sflag:s3], $0x190  }
0x2b: {  	s4 =	sadd.s32 $0x800, s4;
	[sflag:s3] =	ssyncset.done $0x0  }
0x2c: {  	s5 =	simm.s32 $0x190;
	s6 =	simm.s32 $0x320;
	[sflag:s3] =	ssyncadd.s32 $0xFFFFFE70  }
0x2d: {  	[tilespmem:s6], [sflag:$0x1] =	stream.indirect.gather [hbm4b:s4+s5], $0x40, s2, s5, $0xb8;
	[tilespmem:$0xCB20] =	vst v63  }
0x2e: {  	s18 =	rddreg [dreg:$0x5]  }
0x2f: {  	[tilespmem:s5], [sflag:$0x2] =	stream.linear.gather [hbm4b:s18+s2], $0x190, $0x38;
	[tilespmem:$0xCB20] =	vst v63  }
0x30: {  	_ =	swait.ge [sflag:s3], $0x190  }
0x31: {  	[sflag:s3] =	ssyncset.done $0x0  }
0x32: {  	s7 =	simm.s32 $0x6720;
	s8 =	simm.s32 $0x1;
	[sflag:s3] =	ssyncadd.s32 $0xFFFFFE70  }
0x33: {  	[tilespmem:s7], [sflag:$0x1] =	stream.indirect.gather [hbm4b:s4+s5], $0x40, s5, s5, $0xb8;
	[tilespmem:$0xCB20] =	vst v63  }
0x34: {  	_ =	swait.ge [sflag:s8], $0x6400  }
0x35: {  	[sflag:s8] =	ssyncset.done $0x0  }
0x36: {  	s10 =	rddreg [dreg:$0x6];
	[sflag:s8] =	ssyncadd.s32 $0xFFFF9C00  }
0x37: {  	[hbm4b:s10+s2] =	stream.linear.scatter [tilespmem:s6], [sflag:$0x2], $0x6400, $0x38;
	[tilespmem:$0xCB20] =	vst v63  }
0x38: {  	_ =	swait.ge [sflag:s3], $0x6400  }
0x39: {  	[sflag:s3] =	ssyncset.done $0x0  }
0x3a: {  	s19 =	rddreg [dreg:$0x7];
	[sflag:s3] =	ssyncadd.s32 $0xFFFF9C00  }
0x3b: {  	[tilespmem:s2], [sflag:$0x2] =	stream.linear.gather [hbm4b:s19+s2], $0x190, $0x38;
	[tilespmem:$0xCB20] =	vst v63  }
0x3c: {  	_ =	swait.ge [sflag:s3], $0x190  }
0x3d: {  	[sflag:s3] =	ssyncset.done $0x0  }
0x3e: {  	[sflag:s3] =	ssyncadd.s32 $0xFFFFFE70  }
0x3f: {  	[tilespmem:s6], [sflag:$0x1] =	stream.indirect.gather [hbm4b:s4+s5], $0x40, s2, s5, $0xb8;
	[tilespmem:$0xCB20] =	vst v63  }
0x40: {  	_ =	swait.ge [sflag:s8], $0x6400  }
0x41: {  	[sflag:s8] =	ssyncset.done $0x0  }
0x42: {  	s20 =	rddreg [dreg:$0x8];
	[sflag:s8] =	ssyncadd.s32 $0xFFFF9C00  }
0x43: {  	[hbm4b:s20+s2] =	stream.linear.scatter [tilespmem:s7], [sflag:$0x2], $0x6400, $0x38;
	[tilespmem:$0xCB20] =	vst v63  }
0x44: {  	_ =	swait.ge [sflag:s3], $0x6400  }
0x45: {  	[sflag:s3] =	ssyncset.done $0x0  }
0x46: {  	s21 =	rddreg [dreg:$0x9];
	[sflag:s3] =	ssyncadd.s32 $0xFFFF9C00  }
0x47: {  	[tilespmem:s5], [sflag:$0x2] =	stream.linear.gather [hbm4b:s21+s2], $0x190, $0x38;
	[tilespmem:$0xCB20] =	vst v63  }
0x48: {  	_ =	swait.ge [sflag:s3], $0x190  }
0x49: {  	[sflag:s3] =	ssyncset.done $0x0  }
0x4a: {  	[sflag:s3] =	ssyncadd.s32 $0xFFFFFE70  }
0x4b: {  	[tilespmem:s7], [sflag:$0x1] =	stream.indirect.gather [hbm4b:s4+s5], $0x40, s5, s5, $0xb8;
	[tilespmem:$0xCB20] =	vst v63  }
0x4c: {  	_ =	swait.ge [sflag:s8], $0x6400  }
0x4d: {  	[sflag:s8] =	ssyncset.done $0x0  }
0x4e: {  	s22 =	rddreg [dreg:$0xa];
	[sflag:s8] =	ssyncadd.s32 $0xFFFF9C00  }
0x4f: {  	[hbm4b:s22+s2] =	stream.linear.scatter [tilespmem:s6], [sflag:$0x2], $0x6400, $0x38;
	[tilespmem:$0xCB20] =	vst v63  }
0x50: {  	_ =	swait.ge [sflag:s3], $0x6400  }
0x51: {  	[sflag:s3] =	ssyncset.done $0x0  }
0x52: {  	s23 =	rddreg [dreg:$0xb];
	[sflag:s3] =	ssyncadd.s32 $0xFFFF9C00  }
0x53: {  	[tilespmem:s2], [sflag:$0x2] =	stream.linear.gather [hbm4b:s23+s2], $0x190, $0x38;
	[tilespmem:$0xCB20] =	vst v63  }
0x54: {  	_ =	swait.ge [sflag:s3], $0x190  }
0x55: {  	[sflag:s3] =	ssyncset.done $0x0  }
0x56: {  	[sflag:s3] =	ssyncadd.s32 $0xFFFFFE70  }
0x57: {  	[tilespmem:s6], [sflag:$0x1] =	stream.indirect.gather [hbm4b:s4+s5], $0x40, s2, s5, $0xb8;
	[tilespmem:$0xCB20] =	vst v63  }
0x58: {  	_ =	swait.ge [sflag:s8], $0x6400  }
0x59: {  	[sflag:s8] =	ssyncset.done $0x0  }
0x5a: {  	s24 =	rddreg [dreg:$0xc];
	[sflag:s8] =	ssyncadd.s32 $0xFFFF9C00  }
0x5b: {  	[hbm4b:s24+s2] =	stream.linear.scatter [tilespmem:s7], [sflag:$0x2], $0x6400, $0x38;
	[tilespmem:$0xCB20] =	vst v63  }
0x5c: {  	_ =	swait.ge [sflag:s3], $0x6400  }
0x5d: {  	[sflag:s3] =	ssyncset.done $0x0  }
0x5e: {  	s25 =	rddreg [dreg:$0xd];
	[sflag:s3] =	ssyncadd.s32 $0xFFFF9C00  }
0x5f: {  	[tilespmem:s5], [sflag:$0x2] =	stream.linear.gather [hbm4b:s25+s2], $0x190, $0x38;
	[tilespmem:$0xCB20] =	vst v63  }
0x60: {  	_ =	swait.ge [sflag:s3], $0x190  }
0x61: {  	[sflag:s3] =	ssyncset.done $0x0  }
0x62: {  	[sflag:s3] =	ssyncadd.s32 $0xFFFFFE70  }
0x63: {  	[tilespmem:s7], [sflag:$0x1] =	stream.indirect.gather [hbm4b:s4+s5], $0x40, s5, s5, $0xb8;
	[tilespmem:$0xCB20] =	vst v63  }
0x64: {  	_ =	swait.ge [sflag:s8], $0x6400  }
0x65: {  	[sflag:s8] =	ssyncset.done $0x0  }
0x66: {  	s26 =	rddreg [dreg:$0xe];
	[sflag:s8] =	ssyncadd.s32 $0xFFFF9C00  }
0x67: {  	[hbm4b:s26+s2] =	stream.linear.scatter [tilespmem:s6], [sflag:$0x2], $0x6400, $0x38;
	[tilespmem:$0xCB20] =	vst v63  }
0x68: {  	_ =	swait.ge [sflag:s3], $0x6400  }
0x69: {  	[sflag:s3] =	ssyncset.done $0x0  }
0x6a: {  	s0 =	rddreg [dreg:$0xf];
	[sflag:s3] =	ssyncadd.s32 $0xFFFF9C00  }
0x6b: {  	[tilespmem:s2], [sflag:$0x2] =	stream.linear.gather [hbm4b:s0+s2], $0x190, $0x38;
	[tilespmem:$0xCB20] =	vst v63  }
0x6c: {  	_ =	swait.ge [sflag:s3], $0x190  }
0x6d: {  	[sflag:s3] =	ssyncset.done $0x0  }
0x6e: {  	[sflag:s3] =	ssyncadd.s32 $0xFFFFFE70  }
0x6f: {  	[tilespmem:s6], [sflag:$0x1] =	stream.indirect.gather [hbm4b:s4+s5], $0x40, s2, s5, $0xb8;
	[tilespmem:$0xCB20] =	vst v63  }
0x70: {  	_ =	swait.ge [sflag:s8], $0x6400  }
0x71: {  	[sflag:s8] =	ssyncset.done $0x0  }
0x72: {  	s1 =	rddreg [dreg:$0x10];
	[sflag:s8] =	ssyncadd.s32 $0xFFFF9C00  }
0x73: {  	[hbm4b:s1+s2] =	stream.linear.scatter [tilespmem:s7], [sflag:$0x2], $0x6400, $0x38;
	[tilespmem:$0xCB20] =	vst v63  }
0x74: {  	_ =	swait.ge [sflag:s3], $0x6400  }
0x75: {  	[sflag:s3] =	ssyncset.done $0x0  }
0x76: {  	s12 =	rddreg [dreg:$0x11];
	[sflag:s3] =	ssyncadd.s32 $0xFFFF9C00  }
0x77: {  	[tilespmem:s5], [sflag:$0x2] =	stream.linear.gather [hbm4b:s12+s2], $0x190, $0x38;
	[tilespmem:$0xCB20] =	vst v63  }
0x78: {  	_ =	swait.ge [sflag:s3], $0x190  }
0x79: {  	[sflag:s3] =	ssyncset.done $0x0  }
0x7a: {  	[sflag:s3] =	ssyncadd.s32 $0xFFFFFE70  }
0x7b: {  	[tilespmem:s7], [sflag:$0x1] =	stream.indirect.gather [hbm4b:s4+s5], $0x40, s5, s5, $0xb8;
	[tilespmem:$0xCB20] =	vst v63  }
0x7c: {  	_ =	swait.ge [sflag:s8], $0x6400  }
0x7d: {  	[sflag:s8] =	ssyncset.done $0x0  }
0x7e: {  	s13 =	rddreg [dreg:$0x12];
	[sflag:s8] =	ssyncadd.s32 $0xFFFF9C00  }
0x7f: {  	[hbm4b:s13+s2] =	stream.linear.scatter [tilespmem:s6], [sflag:$0x2], $0x6400, $0x38;
	[tilespmem:$0xCB20] =	vst v63  }
0x80: {  	_ =	swait.ge [sflag:s3], $0x6400  }
0x81: {  	[sflag:s3] =	ssyncset.done $0x0  }
0x82: {  	s14 =	rddreg [dreg:$0x13];
	[sflag:s3] =	ssyncadd.s32 $0xFFFF9C00  }
0x83: {  	[tilespmem:s2], [sflag:$0x2] =	stream.linear.gather [hbm4b:s14+s2], $0x190, $0x38;
	[tilespmem:$0xCB20] =	vst v63  }
0x84: {  	_ =	swait.ge [sflag:s3], $0x190  }
0x85: {  	[sflag:s3] =	ssyncset.done $0x0  }
0x86: {  	[sflag:s3] =	ssyncadd.s32 $0xFFFFFE70  }
0x87: {  	[tilespmem:s6], [sflag:$0x1] =	stream.indirect.gather [hbm4b:s4+s5], $0x40, s2, s5, $0xb8;
	[tilespmem:$0xCB20] =	vst v63  }
0x88: {  	_ =	swait.ge [sflag:s8], $0x6400  }
0x89: {  	[sflag:s8] =	ssyncset.done $0x0  }
0x8a: {  	s15 =	rddreg [dreg:$0x14];
	[sflag:s8] =	ssyncadd.s32 $0xFFFF9C00  }
0x8b: {  	[hbm4b:s15+s2] =	stream.linear.scatter [tilespmem:s7], [sflag:$0x2], $0x6400, $0x38;
	[tilespmem:$0xCB20] =	vst v63  }
0x8c: {  	_ =	swait.ge [sflag:s3], $0x6400  }
0x8d: {  	[sflag:s3] =	ssyncset.done $0x0  }
0x8e: {  	s16 =	rddreg [dreg:$0x15];
	[sflag:s3] =	ssyncadd.s32 $0xFFFF9C00  }
0x8f: {  	[tilespmem:s5], [sflag:$0x2] =	stream.linear.gather [hbm4b:s16+s2], $0x190, $0x38;
	[tilespmem:$0xCB20] =	vst v63  }
0x90: {  	_ =	swait.ge [sflag:s3], $0x190  }
0x91: {  	[sflag:s3] =	ssyncset.done $0x0  }
0x92: {  	[sflag:s3] =	ssyncadd.s32 $0xFFFFFE70  }
0x93: {  	[tilespmem:s7], [sflag:$0x1] =	stream.indirect.gather [hbm4b:s4+s5], $0x40, s5, s5, $0xb8;
	[tilespmem:$0xCB20] =	vst v63  }
0x94: {  	_ =	swait.ge [sflag:s8], $0x6400  }
0x95: {  	[sflag:s8] =	ssyncset.done $0x0  }
0x96: {  	s17 =	rddreg [dreg:$0x16];
	[sflag:s8] =	ssyncadd.s32 $0xFFFF9C00  }
0x97: {  	[hbm4b:s17+s2] =	stream.linear.scatter [tilespmem:s6], [sflag:$0x2], $0x6400, $0x38;
	[tilespmem:$0xCB20] =	vst v63  }
0x98: {  	_ =	swait.ge [sflag:s3], $0x6400  }
0x99: {  	[sflag:s3] =	ssyncset.done $0x0  }
0x9a: {  	s18 =	rddreg [dreg:$0x17];
	[sflag:s3] =	ssyncadd.s32 $0xFFFF9C00  }
0x9b: {  	[tilespmem:s2], [sflag:$0x2] =	stream.linear.gather [hbm4b:s18+s2], $0x190, $0x38;
	[tilespmem:$0xCB20] =	vst v63  }
0x9c: {  	_ =	swait.ge [sflag:s3], $0x190  }
0x9d: {  	[sflag:s3] =	ssyncset.done $0x0  }
0x9e: {  	[sflag:s3] =	ssyncadd.s32 $0xFFFFFE70  }
0x9f: {  	[tilespmem:s6], [sflag:$0x1] =	stream.indirect.gather [hbm4b:s4+s5], $0x40, s2, s5, $0xb8;
	[tilespmem:$0xCB20] =	vst v63  }
0xa0: {  	_ =	swait.ge [sflag:s8], $0x6400  }
0xa1: {  	[sflag:s8] =	ssyncset.done $0x0  }
0xa2: {  	s19 =	rddreg [dreg:$0x18];
	[sflag:s8] =	ssyncadd.s32 $0xFFFF9C00  }
0xa3: {  	[hbm4b:s19+s2] =	stream.linear.scatter [tilespmem:s7], [sflag:$0x2], $0x6400, $0x38;
	[tilespmem:$0xCB20] =	vst v63  }
0xa4: {  	_ =	swait.ge [sflag:s3], $0x6400  }
0xa5: {  	[sflag:s3] =	ssyncset.done $0x0  }
0xa6: {  	s20 =	rddreg [dreg:$0x19];
	[sflag:s3] =	ssyncadd.s32 $0xFFFF9C00  }
0xa7: {  	[tilespmem:s5], [sflag:$0x2] =	stream.linear.gather [hbm4b:s20+s2], $0x190, $0x38;
	[tilespmem:$0xCB20] =	vst v63  }
0xa8: {  	_ =	swait.ge [sflag:s3], $0x190  }
0xa9: {  	[sflag:s3] =	ssyncset.done $0x0  }
0xaa: {  	[sflag:s3] =	ssyncadd.s32 $0xFFFFFE70  }
0xab: {  	[tilespmem:s7], [sflag:$0x1] =	stream.indirect.gather [hbm4b:s4+s5], $0x40, s5, s5, $0xb8;
	[tilespmem:$0xCB20] =	vst v63  }
0xac: {  	_ =	swait.ge [sflag:s8], $0x6400  }
0xad: {  	[sflag:s8] =	ssyncset.done $0x0  }
0xae: {  	s21 =	rddreg [dreg:$0x1a];
	[sflag:s8] =	ssyncadd.s32 $0xFFFF9C00  }
0xaf: {  	[hbm4b:s21+s2] =	stream.linear.scatter [tilespmem:s6], [sflag:$0x2], $0x6400, $0x38;
	[tilespmem:$0xCB20] =	vst v63  }
0xb0: {  	_ =	swait.ge [sflag:s3], $0x6400  }
0xb1: {  	[sflag:s3] =	ssyncset.done $0x0  }
0xb2: {  	s22 =	rddreg [dreg:$0x1b];
	[sflag:s3] =	ssyncadd.s32 $0xFFFF9C00  }
0xb3: {  	[tilespmem:s2], [sflag:$0x2] =	stream.linear.gather [hbm4b:s22+s2], $0x190, $0x38;
	[tilespmem:$0xCB20] =	vst v63  }
0xb4: {  	_ =	swait.ge [sflag:s3], $0x190  }
0xb5: {  	[sflag:s3] =	ssyncset.done $0x0  }
0xb6: {  	[sflag:s3] =	ssyncadd.s32 $0xFFFFFE70  }
0xb7: {  	[tilespmem:s6], [sflag:$0x1] =	stream.indirect.gather [hbm4b:s4+s5], $0x40, s2, s5, $0xb8;
	[tilespmem:$0xCB20] =	vst v63  }
0xb8: {  	_ =	swait.ge [sflag:s8], $0x6400  }
0xb9: {  	[sflag:s8] =	ssyncset.done $0x0  }
0xba: {  	s23 =	rddreg [dreg:$0x1c];
	[sflag:s8] =	ssyncadd.s32 $0xFFFF9C00  }
0xbb: {  	[hbm4b:s23+s2] =	stream.linear.scatter [tilespmem:s7], [sflag:$0x2], $0x6400, $0x38;
	[tilespmem:$0xCB20] =	vst v63  }
0xbc: {  	_ =	swait.ge [sflag:s3], $0x6400  }
0xbd: {  	[sflag:s3] =	ssyncset.done $0x0  }
0xbe: {  	s24 =	rddreg [dreg:$0x1d];
	[sflag:s3] =	ssyncadd.s32 $0xFFFF9C00  }
0xbf: {  	[tilespmem:s5], [sflag:$0x2] =	stream.linear.gather [hbm4b:s24+s2], $0x190, $0x38;
	[tilespmem:$0xCB20] =	vst v63  }
0xc0: {  	_ =	swait.ge [sflag:s3], $0x190  }
0xc1: {  	[sflag:s3] =	ssyncset.done $0x0  }
0xc2: {  	[sflag:s3] =	ssyncadd.s32 $0xFFFFFE70  }
0xc3: {  	[tilespmem:s7], [sflag:$0x1] =	stream.indirect.gather [hbm4b:s4+s5], $0x40, s5, s5, $0xb8;
	[tilespmem:$0xCB20] =	vst v63  }
0xc4: {  	_ =	swait.ge [sflag:s8], $0x6400  }
0xc5: {  	[sflag:s8] =	ssyncset.done $0x0  }
0xc6: {  	s25 =	rddreg [dreg:$0x1e];
	[sflag:s8] =	ssyncadd.s32 $0xFFFF9C00  }
0xc7: {  	[hbm4b:s25+s2] =	stream.linear.scatter [tilespmem:s6], [sflag:$0x2], $0x6400, $0x38;
	[tilespmem:$0xCB20] =	vst v63  }
0xc8: {  	_ =	swait.ge [sflag:s3], $0x6400  }
0xc9: {  	[sflag:s3] =	ssyncset.done $0x0  }
0xca: {  	s26 =	rddreg [dreg:$0x1f];
	[sflag:s3] =	ssyncadd.s32 $0xFFFF9C00  }
0xcb: {  	[tilespmem:s2], [sflag:$0x2] =	stream.linear.gather [hbm4b:s26+s2], $0x190, $0x38;
	[tilespmem:$0xCB20] =	vst v63  }
0xcc: {  	_ =	swait.ge [sflag:s3], $0x190  }
0xcd: {  	[sflag:s3] =	ssyncset.done $0x0  }
0xce: {  	[sflag:s3] =	ssyncadd.s32 $0xFFFFFE70  }
0xcf: {  	[tilespmem:s6], [sflag:$0x1] =	stream.indirect.gather [hbm4b:s4+s5], $0x40, s2, s5, $0xb8;
	[tilespmem:$0xCB20] =	vst v63  }
0xd0: {  	_ =	swait.ge [sflag:s8], $0x6400  }
0xd1: {  	s9 =	sshll.u32 s9, $0x3;
	[sflag:s8] =	ssyncset.done $0x0  }
0xd2: {  	s9 =	sadd.s32 s31, s9;
	[sflag:s8] =	ssyncadd.s32 $0xFFFF9C00  }
0xd3: {  	[hbm4b:s9+s2] =	stream.linear.scatter [tilespmem:s7], [sflag:$0x2], $0x6400, $0x38;
	[tilespmem:$0xCB20] =	vst v63  }
0xd4: {  	s13 =	sadd.s32 $0x1770, s30;
	_ =	swait.ge [sflag:s3], $0x6400  }
0xd5: {  	s0 =	sshrl.u32 s13, $0x3;
	[sflag:s3] =	ssyncset.done $0x0  }
0xd6: {  	s10 =	sadd.s32 s29, s0;
	[sflag:s3] =	ssyncadd.s32 $0xFFFF9C00  }
0xd7: {  	[tilespmem:s5], [sflag:$0x2] =	stream.linear.gather [hbm4b:s10+s2], $0x190, $0x38;
	[tilespmem:$0xCB20] =	vst v63  }
0xd8: {  	_ =	swait.ge [sflag:s3], $0x190  }
0xd9: {  	[sflag:s3] =	ssyncset.done $0x0  }
0xda: {  	[sflag:s3] =	ssyncadd.s32 $0xFFFFFE70  }
0xdb: {  	[tilespmem:s7], [sflag:$0x1] =	stream.indirect.gather [hbm4b:s4+s5], $0x40, s5, s5, $0xb8;
	[tilespmem:$0xCB20] =	vst v63  }
0xdc: {  	_ =	swait.ge [sflag:s8], $0x6400  }
0xdd: {  	s11 =	sshll.u32 s11, $0x3;
	[sflag:s8] =	ssyncset.done $0x0  }
0xde: {  	s11 =	sadd.s32 s31, s11;
	[sflag:s8] =	ssyncadd.s32 $0xFFFF9C00  }
0xdf: {  	[hbm4b:s11+s2] =	stream.linear.scatter [tilespmem:s6], [sflag:$0x2], $0x6400, $0x38;
	[tilespmem:$0xCB20] =	vst v63  }
0xe0: {  	s15 =	sadd.s32 $0x1900, s30;
	_ =	swait.ge [sflag:s3], $0x6400  }
0xe1: {  	s12 =	sshrl.u32 s15, $0x3;
	[sflag:s3] =	ssyncset.done $0x0  }
0xe2: {  	s12 =	sadd.s32 s29, s12;
	[sflag:s3] =	ssyncadd.s32 $0xFFFF9C00  }
0xe3: {  	[tilespmem:s2], [sflag:$0x2] =	stream.linear.gather [hbm4b:s12+s2], $0x190, $0x38;
	[tilespmem:$0xCB20] =	vst v63  }
0xe4: {  	_ =	swait.ge [sflag:s3], $0x190  }
0xe5: {  	[sflag:s3] =	ssyncset.done $0x0  }
0xe6: {  	[sflag:s3] =	ssyncadd.s32 $0xFFFFFE70  }
0xe7: {  	[tilespmem:s6], [sflag:$0x1] =	stream.indirect.gather [hbm4b:s4+s5], $0x40, s2, s5, $0xb8;
	[tilespmem:$0xCB20] =	vst v63  }
0xe8: {  	_ =	swait.ge [sflag:s8], $0x6400  }
0xe9: {  	s13 =	sshll.u32 s13, $0x3;
	[sflag:s8] =	ssyncset.done $0x0  }
0xea: {  	s13 =	sadd.s32 s31, s13;
	[sflag:s8] =	ssyncadd.s32 $0xFFFF9C00  }
0xeb: {  	[hbm4b:s13+s2] =	stream.linear.scatter [tilespmem:s7], [sflag:$0x2], $0x6400, $0x38;
	[tilespmem:$0xCB20] =	vst v63  }
0xec: {  	s17 =	sadd.s32 $0x1A90, s30;
	_ =	swait.ge [sflag:s3], $0x6400  }
0xed: {  	s14 =	sshrl.u32 s17, $0x3;
	[sflag:s3] =	ssyncset.done $0x0  }
0xee: {  	s14 =	sadd.s32 s29, s14;
	[sflag:s3] =	ssyncadd.s32 $0xFFFF9C00  }
0xef: {  	[tilespmem:s5], [sflag:$0x2] =	stream.linear.gather [hbm4b:s14+s2], $0x190, $0x38;
	[tilespmem:$0xCB20] =	vst v63  }
0xf0: {  	_ =	swait.ge [sflag:s3], $0x190  }
0xf1: {  	[sflag:s3] =	ssyncset.done $0x0  }
0xf2: {  	[sflag:s3] =	ssyncadd.s32 $0xFFFFFE70  }
0xf3: {  	[tilespmem:s7], [sflag:$0x1] =	stream.indirect.gather [hbm4b:s4+s5], $0x40, s5, s5, $0xb8;
	[tilespmem:$0xCB20] =	vst v63  }
0xf4: {  	_ =	swait.ge [sflag:s8], $0x6400  }
0xf5: {  	s15 =	sshll.u32 s15, $0x3;
	[sflag:s8] =	ssyncset.done $0x0  }
0xf6: {  	s15 =	sadd.s32 s31, s15;
	[sflag:s8] =	ssyncadd.s32 $0xFFFF9C00  }
0xf7: {  	[hbm4b:s15+s2] =	stream.linear.scatter [tilespmem:s6], [sflag:$0x2], $0x6400, $0x38;
	[tilespmem:$0xCB20] =	vst v63  }
0xf8: {  	s19 =	sadd.s32 $0x1C20, s30;
	_ =	swait.ge [sflag:s3], $0x6400  }
0xf9: {  	s16 =	sshrl.u32 s19, $0x3;
	[sflag:s3] =	ssyncset.done $0x0  }
0xfa: {  	s16 =	sadd.s32 s29, s16;
	[sflag:s3] =	ssyncadd.s32 $0xFFFF9C00  }
0xfb: {  	[tilespmem:s2], [sflag:$0x2] =	stream.linear.gather [hbm4b:s16+s2], $0x190, $0x38;
	[tilespmem:$0xCB20] =	vst v63  }
0xfc: {  	_ =	swait.ge [sflag:s3], $0x190  }
0xfd: {  	[sflag:s3] =	ssyncset.done $0x0  }
0xfe: {  	[sflag:s3] =	ssyncadd.s32 $0xFFFFFE70  }
0xff: {  	[tilespmem:s6], [sflag:$0x1] =	stream.indirect.gather [hbm4b:s4+s5], $0x40, s2, s5, $0xb8;
	[tilespmem:$0xCB20] =	vst v63  }
0x100: {  	_ =	swait.ge [sflag:s8], $0x6400  }
0x101: {  	s17 =	sshll.u32 s17, $0x3;
	[sflag:s8] =	ssyncset.done $0x0  }
0x102: {  	s17 =	sadd.s32 s31, s17;
	[sflag:s8] =	ssyncadd.s32 $0xFFFF9C00  }
0x103: {  	[hbm4b:s17+s2] =	stream.linear.scatter [tilespmem:s7], [sflag:$0x2], $0x6400, $0x38;
	[tilespmem:$0xCB20] =	vst v63  }
0x104: {  	s21 =	sadd.s32 $0x1DB0, s30;
	_ =	swait.ge [sflag:s3], $0x6400  }
0x105: {  	s18 =	sshrl.u32 s21, $0x3;
	[sflag:s3] =	ssyncset.done $0x0  }
0x106: {  	s18 =	sadd.s32 s29, s18;
	[sflag:s3] =	ssyncadd.s32 $0xFFFF9C00  }
0x107: {  	[tilespmem:s5], [sflag:$0x2] =	stream.linear.gather [hbm4b:s18+s2], $0x190, $0x38;
	[tilespmem:$0xCB20] =	vst v63  }
0x108: {  	_ =	swait.ge [sflag:s3], $0x190  }
0x109: {  	[sflag:s3] =	ssyncset.done $0x0  }
0x10a: {  	[sflag:s3] =	ssyncadd.s32 $0xFFFFFE70  }
0x10b: {  	[tilespmem:s7], [sflag:$0x1] =	stream.indirect.gather [hbm4b:s4+s5], $0x40, s5, s5, $0xb8;
	[tilespmem:$0xCB20] =	vst v63  }
0x10c: {  	_ =	swait.ge [sflag:s8], $0x6400  }
0x10d: {  	s19 =	sshll.u32 s19, $0x3;
	[sflag:s8] =	ssyncset.done $0x0  }
0x10e: {  	s19 =	sadd.s32 s31, s19;
	[sflag:s8] =	ssyncadd.s32 $0xFFFF9C00  }
0x10f: {  	[hbm4b:s19+s2] =	stream.linear.scatter [tilespmem:s6], [sflag:$0x2], $0x6400, $0x38;
	[tilespmem:$0xCB20] =	vst v63  }
0x110: {  	s23 =	sadd.s32 $0x1F40, s30;
	_ =	swait.ge [sflag:s3], $0x6400  }
0x111: {  	s20 =	sshrl.u32 s23, $0x3;
	[sflag:s3] =	ssyncset.done $0x0  }
0x112: {  	s20 =	sadd.s32 s29, s20;
	[sflag:s3] =	ssyncadd.s32 $0xFFFF9C00  }
0x113: {  	[tilespmem:s2], [sflag:$0x2] =	stream.linear.gather [hbm4b:s20+s2], $0x190, $0x38;
	[tilespmem:$0xCB20] =	vst v63  }
0x114: {  	_ =	swait.ge [sflag:s3], $0x190  }
0x115: {  	[sflag:s3] =	ssyncset.done $0x0  }
0x116: {  	[sflag:s3] =	ssyncadd.s32 $0xFFFFFE70  }
0x117: {  	[tilespmem:s6], [sflag:$0x1] =	stream.indirect.gather [hbm4b:s4+s5], $0x40, s2, s5, $0xb8;
	[tilespmem:$0xCB20] =	vst v63  }
0x118: {  	_ =	swait.ge [sflag:s8], $0x6400  }
0x119: {  	s21 =	sshll.u32 s21, $0x3;
	[sflag:s8] =	ssyncset.done $0x0  }
0x11a: {  	s21 =	sadd.s32 s31, s21;
	[sflag:s8] =	ssyncadd.s32 $0xFFFF9C00  }
0x11b: {  	[hbm4b:s21+s2] =	stream.linear.scatter [tilespmem:s7], [sflag:$0x2], $0x6400, $0x38;
	[tilespmem:$0xCB20] =	vst v63  }
0x11c: {  	s25 =	sadd.s32 $0x20D0, s30;
	_ =	swait.ge [sflag:s3], $0x6400  }
0x11d: {  	s22 =	sshrl.u32 s25, $0x3;
	[sflag:s3] =	ssyncset.done $0x0  }
0x11e: {  	s22 =	sadd.s32 s29, s22;
	[sflag:s3] =	ssyncadd.s32 $0xFFFF9C00  }
0x11f: {  	[tilespmem:s5], [sflag:$0x2] =	stream.linear.gather [hbm4b:s22+s2], $0x190, $0x38;
	[tilespmem:$0xCB20] =	vst v63  }
0x120: {  	_ =	swait.ge [sflag:s3], $0x190  }
0x121: {  	[sflag:s3] =	ssyncset.done $0x0  }
0x122: {  	[sflag:s3] =	ssyncadd.s32 $0xFFFFFE70  }
0x123: {  	[tilespmem:s7], [sflag:$0x1] =	stream.indirect.gather [hbm4b:s4+s5], $0x40, s5, s5, $0xb8;
	[tilespmem:$0xCB20] =	vst v63  }
0x124: {  	_ =	swait.ge [sflag:s8], $0x6400  }
0x125: {  	s23 =	sshll.u32 s23, $0x3;
	[sflag:s8] =	ssyncset.done $0x0  }
0x126: {  	s23 =	sadd.s32 s31, s23;
	[sflag:s8] =	ssyncadd.s32 $0xFFFF9C00  }
0x127: {  	[hbm4b:s23+s2] =	stream.linear.scatter [tilespmem:s6], [sflag:$0x2], $0x6400, $0x38;
	[tilespmem:$0xCB20] =	vst v63  }
0x128: {  	s28 =	sadd.s32 $0x2260, s30;
	_ =	swait.ge [sflag:s3], $0x6400  }
0x129: {  	s24 =	sshrl.u32 s28, $0x3;
	[sflag:s3] =	ssyncset.done $0x0  }
0x12a: {  	s24 =	sadd.s32 s29, s24;
	[sflag:s3] =	ssyncadd.s32 $0xFFFF9C00  }
0x12b: {  	[tilespmem:s2], [sflag:$0x2] =	stream.linear.gather [hbm4b:s24+s2], $0x190, $0x38;
	[tilespmem:$0xCB20] =	vst v63  }
0x12c: {  	_ =	swait.ge [sflag:s3], $0x190  }
0x12d: {  	[sflag:s3] =	ssyncset.done $0x0  }
0x12e: {  	[sflag:s3] =	ssyncadd.s32 $0xFFFFFE70  }
0x12f: {  	[tilespmem:s6], [sflag:$0x1] =	stream.indirect.gather [hbm4b:s4+s5], $0x40, s2, s5, $0xb8;
	[tilespmem:$0xCB20] =	vst v63  }
0x130: {  	_ =	swait.ge [sflag:s8], $0x6400  }
0x131: {  	s25 =	sshll.u32 s25, $0x3;
	[sflag:s8] =	ssyncset.done $0x0  }
0x132: {  	s25 =	sadd.s32 s31, s25;
	[sflag:s8] =	ssyncadd.s32 $0xFFFF9C00  }
0x133: {  	[hbm4b:s25+s2] =	stream.linear.scatter [tilespmem:s7], [sflag:$0x2], $0x6400, $0x38;
	[tilespmem:$0xCB20] =	vst v63  }
0x134: {  	s1 =	sadd.s32 $0x23F0, s30;
	_ =	swait.ge [sflag:s3], $0x6400  }
0x135: {  	s26 =	sshrl.u32 s1, $0x3;
	[sflag:s3] =	ssyncset.done $0x0  }
0x136: {  	s26 =	sadd.s32 s29, s26;
	[sflag:s3] =	ssyncadd.s32 $0xFFFF9C00  }
0x137: {  	[tilespmem:s5], [sflag:$0x2] =	stream.linear.gather [hbm4b:s26+s2], $0x190, $0x38;
	[tilespmem:$0xCB20] =	vst v63  }
0x138: {  	_ =	swait.ge [sflag:s3], $0x190  }
0x139: {  	[sflag:s3] =	ssyncset.done $0x0  }
0x13a: {  	[sflag:s3] =	ssyncadd.s32 $0xFFFFFE70  }
0x13b: {  	[tilespmem:s7], [sflag:$0x1] =	stream.indirect.gather [hbm4b:s4+s5], $0x40, s5, s5, $0xb8;
	[tilespmem:$0xCB20] =	vst v63  }
0x13c: {  	_ =	swait.ge [sflag:s8], $0x6400  }
0x13d: {  	s28 =	sshll.u32 s28, $0x3;
	[sflag:s8] =	ssyncset.done $0x0  }
0x13e: {  	s28 =	sadd.s32 s31, s28;
	[sflag:s8] =	ssyncadd.s32 $0xFFFF9C00  }
0x13f: {  	[hbm4b:s28+s2] =	stream.linear.scatter [tilespmem:s6], [sflag:$0x2], $0x6400, $0x38;
	[tilespmem:$0xCB20] =	vst v63  }
0x140: {  	s0 =	sadd.s32 $0x2580, s30;
	_ =	swait.ge [sflag:s3], $0x6400  }
0x141: {  	s30 =	sshrl.u32 s0, $0x3;
	[sflag:s3] =	ssyncset.done $0x0  }
0x142: {  	s29 =	sadd.s32 s29, s30;
	[sflag:s3] =	ssyncadd.s32 $0xFFFF9C00  }
0x143: {  	[tilespmem:s2], [sflag:$0x2] =	stream.linear.gather [hbm4b:s29+s2], $0x190, $0x38;
	[tilespmem:$0xCB20] =	vst v63  }
0x144: {  	_ =	swait.ge [sflag:s3], $0x190  }
0x145: {  	[sflag:s3] =	ssyncset.done $0x0  }
0x146: {  	[sflag:s3] =	ssyncadd.s32 $0xFFFFFE70  }
0x147: {  	[tilespmem:s6], [sflag:$0x1] =	stream.indirect.gather [hbm4b:s4+s5], $0x40, s2, s5, $0xb8;
	[tilespmem:$0xCB20] =	vst v63  }
0x148: {  	_ =	swait.ge [sflag:s8], $0x6400  }
0x149: {  	s1 =	sshll.u32 s1, $0x3;
	[sflag:s8] =	ssyncset.done $0x0  }
0x14a: {  	s30 =	sadd.s32 s31, s1;
	[sflag:s8] =	ssyncadd.s32 $0xFFFF9C00  }
0x14b: {  	[hbm4b:s30+s2] =	stream.linear.scatter [tilespmem:s7], [sflag:$0x2], $0x6400, $0x38;
	[tilespmem:$0xCB20] =	vst v63  }
0x14c: {  	_ =	swait.ge [sflag:s3], $0x6400  }
0x14d: {  	s1 =	sld [smem:$0x7FD];
	_ =	sdelay $0x2  }
0x14e: {  	s1 =	ssub.s32 $0x2, s1  }
0x14f: {  	s31 =	sshrl.u32 s1, $0x1  }
0x150: {  	[sflag:s3] =	ssyncset.done $0x0;
	s1 =	ssub.s32 s1, s31  }
0x151: {  	[sflag:s3] =	ssyncadd.s32 $0xFFFF9C00;
	s1 =	smax.u32 s1, $0x1  }
0x152: {  	_ =	swait.ge [sflag:s8], $0x6400;
	p0 =	sne.s32 s1, $0x1  }
.Ltmp0:
0x153: {  	[sflag:s8] =	ssyncset.done $0x0;
	(pc) =	sbr.rel @!p0 .LBB2_2-.Ltmp0, $4  }
0x154: {  	s0 =	sshll.u32 s0, $0x3;
	s31 =	rddreg [dreg:$0x2]  }
0x155: {  	[sflag:s8] =	ssyncadd.s32 $0xFFFF9C00;
	s31 =	sadd.s32 s31, s0  }
0x156: {  	[hbm4b:s31+s2] =	stream.linear.scatter [tilespmem:s6], [sflag:$0x2], $0x6400, $0x38;
	[tilespmem:$0xCB20] =	vst v63  }
0x157: {  	s1 =	sadd.s32 $0xFFFFFFFF, s1;
	_ =	swait.ge [sflag:s3], $0x6400  }
.LBB2_1:
0x158: {  	[sflag:s3] =	ssyncset.done $0x0  }
0x159: {  	s0 =	rddreg [dreg:$0x4];
	[sflag:s3] =	ssyncadd.s32 $0xFFFF9C00  }
0x15a: {  	[tilespmem:s2], [sflag:$0x2] =	stream.linear.gather [hbm4b:s0+s2], $0x190, $0x38;
	[tilespmem:$0xCB20] =	vst v63  }
0x15b: {  	_ =	swait.ge [sflag:s3], $0x190  }
0x15c: {  	[sflag:s3] =	ssyncset.done $0x0  }
0x15d: {  	[sflag:s3] =	ssyncadd.s32 $0xFFFFFE70  }
0x15e: {  	[tilespmem:s6], [sflag:$0x1] =	stream.indirect.gather [hbm4b:s4+s5], $0x40, s2, s5, $0xb8;
	[tilespmem:$0xCB20] =	vst v63  }
0x15f: {  	s0 =	rddreg [dreg:$0x5]  }
0x160: {  	[tilespmem:s5], [sflag:$0x2] =	stream.linear.gather [hbm4b:s0+s2], $0x190, $0x38;
	[tilespmem:$0xCB20] =	vst v63  }
0x161: {  	_ =	swait.ge [sflag:s3], $0x190  }
0x162: {  	[sflag:s3] =	ssyncset.done $0x0  }
0x163: {  	[sflag:s3] =	ssyncadd.s32 $0xFFFFFE70  }
0x164: {  	[tilespmem:s7], [sflag:$0x1] =	stream.indirect.gather [hbm4b:s4+s5], $0x40, s5, s5, $0xb8;
	[tilespmem:$0xCB20] =	vst v63  }
0x165: {  	_ =	swait.ge [sflag:s8], $0x6400  }
0x166: {  	[sflag:s8] =	ssyncset.done $0x0  }
0x167: {  	s0 =	rddreg [dreg:$0x6];
	[sflag:s8] =	ssyncadd.s32 $0xFFFF9C00  }
0x168: {  	[hbm4b:s0+s2] =	stream.linear.scatter [tilespmem:s6], [sflag:$0x2], $0x6400, $0x38;
	[tilespmem:$0xCB20] =	vst v63  }
0x169: {  	_ =	swait.ge [sflag:s3], $0x6400  }
0x16a: {  	[sflag:s3] =	ssyncset.done $0x0  }
0x16b: {  	s0 =	rddreg [dreg:$0x7];
	[sflag:s3] =	ssyncadd.s32 $0xFFFF9C00  }
0x16c: {  	[tilespmem:s2], [sflag:$0x2] =	stream.linear.gather [hbm4b:s0+s2], $0x190, $0x38;
	[tilespmem:$0xCB20] =	vst v63  }
0x16d: {  	_ =	swait.ge [sflag:s3], $0x190  }
0x16e: {  	[sflag:s3] =	ssyncset.done $0x0  }
0x16f: {  	[sflag:s3] =	ssyncadd.s32 $0xFFFFFE70  }
0x170: {  	[tilespmem:s6], [sflag:$0x1] =	stream.indirect.gather [hbm4b:s4+s5], $0x40, s2, s5, $0xb8;
	[tilespmem:$0xCB20] =	vst v63  }
0x171: {  	_ =	swait.ge [sflag:s8], $0x6400  }
0x172: {  	[sflag:s8] =	ssyncset.done $0x0  }
0x173: {  	s0 =	rddreg [dreg:$0x8];
	[sflag:s8] =	ssyncadd.s32 $0xFFFF9C00  }
0x174: {  	[hbm4b:s0+s2] =	stream.linear.scatter [tilespmem:s7], [sflag:$0x2], $0x6400, $0x38;
	[tilespmem:$0xCB20] =	vst v63  }
0x175: {  	_ =	swait.ge [sflag:s3], $0x6400  }
0x176: {  	[sflag:s3] =	ssyncset.done $0x0  }
0x177: {  	s0 =	rddreg [dreg:$0x9];
	[sflag:s3] =	ssyncadd.s32 $0xFFFF9C00  }
0x178: {  	[tilespmem:s5], [sflag:$0x2] =	stream.linear.gather [hbm4b:s0+s2], $0x190, $0x38;
	[tilespmem:$0xCB20] =	vst v63  }
0x179: {  	_ =	swait.ge [sflag:s3], $0x190  }
0x17a: {  	[sflag:s3] =	ssyncset.done $0x0  }
0x17b: {  	[sflag:s3] =	ssyncadd.s32 $0xFFFFFE70  }
0x17c: {  	[tilespmem:s7], [sflag:$0x1] =	stream.indirect.gather [hbm4b:s4+s5], $0x40, s5, s5, $0xb8;
	[tilespmem:$0xCB20] =	vst v63  }
0x17d: {  	_ =	swait.ge [sflag:s8], $0x6400  }
0x17e: {  	[sflag:s8] =	ssyncset.done $0x0  }
0x17f: {  	s0 =	rddreg [dreg:$0xa];
	[sflag:s8] =	ssyncadd.s32 $0xFFFF9C00  }
0x180: {  	[hbm4b:s0+s2] =	stream.linear.scatter [tilespmem:s6], [sflag:$0x2], $0x6400, $0x38;
	[tilespmem:$0xCB20] =	vst v63  }
0x181: {  	_ =	swait.ge [sflag:s3], $0x6400  }
0x182: {  	[sflag:s3] =	ssyncset.done $0x0  }
0x183: {  	s0 =	rddreg [dreg:$0xb];
	[sflag:s3] =	ssyncadd.s32 $0xFFFF9C00  }
0x184: {  	[tilespmem:s2], [sflag:$0x2] =	stream.linear.gather [hbm4b:s0+s2], $0x190, $0x38;
	[tilespmem:$0xCB20] =	vst v63  }
0x185: {  	_ =	swait.ge [sflag:s3], $0x190  }
0x186: {  	[sflag:s3] =	ssyncset.done $0x0  }
0x187: {  	[sflag:s3] =	ssyncadd.s32 $0xFFFFFE70  }
0x188: {  	[tilespmem:s6], [sflag:$0x1] =	stream.indirect.gather [hbm4b:s4+s5], $0x40, s2, s5, $0xb8;
	[tilespmem:$0xCB20] =	vst v63  }
0x189: {  	_ =	swait.ge [sflag:s8], $0x6400  }
0x18a: {  	[sflag:s8] =	ssyncset.done $0x0  }
0x18b: {  	s0 =	rddreg [dreg:$0xc];
	[sflag:s8] =	ssyncadd.s32 $0xFFFF9C00  }
0x18c: {  	[hbm4b:s0+s2] =	stream.linear.scatter [tilespmem:s7], [sflag:$0x2], $0x6400, $0x38;
	[tilespmem:$0xCB20] =	vst v63  }
0x18d: {  	_ =	swait.ge [sflag:s3], $0x6400  }
0x18e: {  	[sflag:s3] =	ssyncset.done $0x0  }
0x18f: {  	s0 =	rddreg [dreg:$0xd];
	[sflag:s3] =	ssyncadd.s32 $0xFFFF9C00  }
0x190: {  	[tilespmem:s5], [sflag:$0x2] =	stream.linear.gather [hbm4b:s0+s2], $0x190, $0x38;
	[tilespmem:$0xCB20] =	vst v63  }
0x191: {  	_ =	swait.ge [sflag:s3], $0x190  }
0x192: {  	[sflag:s3] =	ssyncset.done $0x0  }
0x193: {  	[sflag:s3] =	ssyncadd.s32 $0xFFFFFE70  }
0x194: {  	[tilespmem:s7], [sflag:$0x1] =	stream.indirect.gather [hbm4b:s4+s5], $0x40, s5, s5, $0xb8;
	[tilespmem:$0xCB20] =	vst v63  }
0x195: {  	_ =	swait.ge [sflag:s8], $0x6400  }
0x196: {  	[sflag:s8] =	ssyncset.done $0x0  }
0x197: {  	s0 =	rddreg [dreg:$0xe];
	[sflag:s8] =	ssyncadd.s32 $0xFFFF9C00  }
0x198: {  	[hbm4b:s0+s2] =	stream.linear.scatter [tilespmem:s6], [sflag:$0x2], $0x6400, $0x38;
	[tilespmem:$0xCB20] =	vst v63  }
0x199: {  	_ =	swait.ge [sflag:s3], $0x6400  }
0x19a: {  	[sflag:s3] =	ssyncset.done $0x0  }
0x19b: {  	s0 =	rddreg [dreg:$0xf];
	[sflag:s3] =	ssyncadd.s32 $0xFFFF9C00  }
0x19c: {  	[tilespmem:s2], [sflag:$0x2] =	stream.linear.gather [hbm4b:s0+s2], $0x190, $0x38;
	[tilespmem:$0xCB20] =	vst v63  }
0x19d: {  	_ =	swait.ge [sflag:s3], $0x190  }
0x19e: {  	[sflag:s3] =	ssyncset.done $0x0  }
0x19f: {  	[sflag:s3] =	ssyncadd.s32 $0xFFFFFE70  }
0x1a0: {  	[tilespmem:s6], [sflag:$0x1] =	stream.indirect.gather [hbm4b:s4+s5], $0x40, s2, s5, $0xb8;
	[tilespmem:$0xCB20] =	vst v63  }
0x1a1: {  	_ =	swait.ge [sflag:s8], $0x6400  }
0x1a2: {  	[sflag:s8] =	ssyncset.done $0x0  }
0x1a3: {  	s0 =	rddreg [dreg:$0x10];
	[sflag:s8] =	ssyncadd.s32 $0xFFFF9C00  }
0x1a4: {  	[hbm4b:s0+s2] =	stream.linear.scatter [tilespmem:s7], [sflag:$0x2], $0x6400, $0x38;
	[tilespmem:$0xCB20] =	vst v63  }
0x1a5: {  	_ =	swait.ge [sflag:s3], $0x6400  }
0x1a6: {  	[sflag:s3] =	ssyncset.done $0x0  }
0x1a7: {  	s0 =	rddreg [dreg:$0x11];
	[sflag:s3] =	ssyncadd.s32 $0xFFFF9C00  }
0x1a8: {  	[tilespmem:s5], [sflag:$0x2] =	stream.linear.gather [hbm4b:s0+s2], $0x190, $0x38;
	[tilespmem:$0xCB20] =	vst v63  }
0x1a9: {  	_ =	swait.ge [sflag:s3], $0x190  }
0x1aa: {  	[sflag:s3] =	ssyncset.done $0x0  }
0x1ab: {  	[sflag:s3] =	ssyncadd.s32 $0xFFFFFE70  }
0x1ac: {  	[tilespmem:s7], [sflag:$0x1] =	stream.indirect.gather [hbm4b:s4+s5], $0x40, s5, s5, $0xb8;
	[tilespmem:$0xCB20] =	vst v63  }
0x1ad: {  	_ =	swait.ge [sflag:s8], $0x6400  }
0x1ae: {  	[sflag:s8] =	ssyncset.done $0x0  }
0x1af: {  	s0 =	rddreg [dreg:$0x12];
	[sflag:s8] =	ssyncadd.s32 $0xFFFF9C00  }
0x1b0: {  	[hbm4b:s0+s2] =	stream.linear.scatter [tilespmem:s6], [sflag:$0x2], $0x6400, $0x38;
	[tilespmem:$0xCB20] =	vst v63  }
0x1b1: {  	_ =	swait.ge [sflag:s3], $0x6400  }
0x1b2: {  	[sflag:s3] =	ssyncset.done $0x0  }
0x1b3: {  	s0 =	rddreg [dreg:$0x13];
	[sflag:s3] =	ssyncadd.s32 $0xFFFF9C00  }
0x1b4: {  	[tilespmem:s2], [sflag:$0x2] =	stream.linear.gather [hbm4b:s0+s2], $0x190, $0x38;
	[tilespmem:$0xCB20] =	vst v63  }
0x1b5: {  	_ =	swait.ge [sflag:s3], $0x190  }
0x1b6: {  	[sflag:s3] =	ssyncset.done $0x0  }
0x1b7: {  	[sflag:s3] =	ssyncadd.s32 $0xFFFFFE70  }
0x1b8: {  	[tilespmem:s6], [sflag:$0x1] =	stream.indirect.gather [hbm4b:s4+s5], $0x40, s2, s5, $0xb8;
	[tilespmem:$0xCB20] =	vst v63  }
0x1b9: {  	_ =	swait.ge [sflag:s8], $0x6400  }
0x1ba: {  	[sflag:s8] =	ssyncset.done $0x0  }
0x1bb: {  	s0 =	rddreg [dreg:$0x14];
	[sflag:s8] =	ssyncadd.s32 $0xFFFF9C00  }
0x1bc: {  	[hbm4b:s0+s2] =	stream.linear.scatter [tilespmem:s7], [sflag:$0x2], $0x6400, $0x38;
	[tilespmem:$0xCB20] =	vst v63  }
0x1bd: {  	_ =	swait.ge [sflag:s3], $0x6400  }
0x1be: {  	[sflag:s3] =	ssyncset.done $0x0  }
0x1bf: {  	s0 =	rddreg [dreg:$0x15];
	[sflag:s3] =	ssyncadd.s32 $0xFFFF9C00  }
0x1c0: {  	[tilespmem:s5], [sflag:$0x2] =	stream.linear.gather [hbm4b:s0+s2], $0x190, $0x38;
	[tilespmem:$0xCB20] =	vst v63  }
0x1c1: {  	_ =	swait.ge [sflag:s3], $0x190  }
0x1c2: {  	[sflag:s3] =	ssyncset.done $0x0  }
0x1c3: {  	[sflag:s3] =	ssyncadd.s32 $0xFFFFFE70  }
0x1c4: {  	[tilespmem:s7], [sflag:$0x1] =	stream.indirect.gather [hbm4b:s4+s5], $0x40, s5, s5, $0xb8;
	[tilespmem:$0xCB20] =	vst v63  }
0x1c5: {  	_ =	swait.ge [sflag:s8], $0x6400  }
0x1c6: {  	[sflag:s8] =	ssyncset.done $0x0  }
0x1c7: {  	s0 =	rddreg [dreg:$0x16];
	[sflag:s8] =	ssyncadd.s32 $0xFFFF9C00  }
0x1c8: {  	[hbm4b:s0+s2] =	stream.linear.scatter [tilespmem:s6], [sflag:$0x2], $0x6400, $0x38;
	[tilespmem:$0xCB20] =	vst v63  }
0x1c9: {  	_ =	swait.ge [sflag:s3], $0x6400  }
0x1ca: {  	[sflag:s3] =	ssyncset.done $0x0  }
0x1cb: {  	s0 =	rddreg [dreg:$0x17];
	[sflag:s3] =	ssyncadd.s32 $0xFFFF9C00  }
0x1cc: {  	[tilespmem:s2], [sflag:$0x2] =	stream.linear.gather [hbm4b:s0+s2], $0x190, $0x38;
	[tilespmem:$0xCB20] =	vst v63  }
0x1cd: {  	_ =	swait.ge [sflag:s3], $0x190  }
0x1ce: {  	[sflag:s3] =	ssyncset.done $0x0  }
0x1cf: {  	[sflag:s3] =	ssyncadd.s32 $0xFFFFFE70  }
0x1d0: {  	[tilespmem:s6], [sflag:$0x1] =	stream.indirect.gather [hbm4b:s4+s5], $0x40, s2, s5, $0xb8;
	[tilespmem:$0xCB20] =	vst v63  }
0x1d1: {  	_ =	swait.ge [sflag:s8], $0x6400  }
0x1d2: {  	[sflag:s8] =	ssyncset.done $0x0  }
0x1d3: {  	s0 =	rddreg [dreg:$0x18];
	[sflag:s8] =	ssyncadd.s32 $0xFFFF9C00  }
0x1d4: {  	[hbm4b:s0+s2] =	stream.linear.scatter [tilespmem:s7], [sflag:$0x2], $0x6400, $0x38;
	[tilespmem:$0xCB20] =	vst v63  }
0x1d5: {  	_ =	swait.ge [sflag:s3], $0x6400  }
0x1d6: {  	[sflag:s3] =	ssyncset.done $0x0  }
0x1d7: {  	s0 =	rddreg [dreg:$0x19];
	[sflag:s3] =	ssyncadd.s32 $0xFFFF9C00  }
0x1d8: {  	[tilespmem:s5], [sflag:$0x2] =	stream.linear.gather [hbm4b:s0+s2], $0x190, $0x38;
	[tilespmem:$0xCB20] =	vst v63  }
0x1d9: {  	_ =	swait.ge [sflag:s3], $0x190  }
0x1da: {  	[sflag:s3] =	ssyncset.done $0x0  }
0x1db: {  	[sflag:s3] =	ssyncadd.s32 $0xFFFFFE70  }
0x1dc: {  	[tilespmem:s7], [sflag:$0x1] =	stream.indirect.gather [hbm4b:s4+s5], $0x40, s5, s5, $0xb8;
	[tilespmem:$0xCB20] =	vst v63  }
0x1dd: {  	_ =	swait.ge [sflag:s8], $0x6400  }
0x1de: {  	[sflag:s8] =	ssyncset.done $0x0  }
0x1df: {  	s0 =	rddreg [dreg:$0x1a];
	[sflag:s8] =	ssyncadd.s32 $0xFFFF9C00  }
0x1e0: {  	[hbm4b:s0+s2] =	stream.linear.scatter [tilespmem:s6], [sflag:$0x2], $0x6400, $0x38;
	[tilespmem:$0xCB20] =	vst v63  }
0x1e1: {  	_ =	swait.ge [sflag:s3], $0x6400  }
0x1e2: {  	[sflag:s3] =	ssyncset.done $0x0  }
0x1e3: {  	s0 =	rddreg [dreg:$0x1b];
	[sflag:s3] =	ssyncadd.s32 $0xFFFF9C00  }
0x1e4: {  	[tilespmem:s2], [sflag:$0x2] =	stream.linear.gather [hbm4b:s0+s2], $0x190, $0x38;
	[tilespmem:$0xCB20] =	vst v63  }
0x1e5: {  	_ =	swait.ge [sflag:s3], $0x190  }
0x1e6: {  	[sflag:s3] =	ssyncset.done $0x0  }
0x1e7: {  	[sflag:s3] =	ssyncadd.s32 $0xFFFFFE70  }
0x1e8: {  	[tilespmem:s6], [sflag:$0x1] =	stream.indirect.gather [hbm4b:s4+s5], $0x40, s2, s5, $0xb8;
	[tilespmem:$0xCB20] =	vst v63  }
0x1e9: {  	_ =	swait.ge [sflag:s8], $0x6400  }
0x1ea: {  	[sflag:s8] =	ssyncset.done $0x0  }
0x1eb: {  	s0 =	rddreg [dreg:$0x1c];
	[sflag:s8] =	ssyncadd.s32 $0xFFFF9C00  }
0x1ec: {  	[hbm4b:s0+s2] =	stream.linear.scatter [tilespmem:s7], [sflag:$0x2], $0x6400, $0x38;
	[tilespmem:$0xCB20] =	vst v63  }
0x1ed: {  	_ =	swait.ge [sflag:s3], $0x6400  }
0x1ee: {  	[sflag:s3] =	ssyncset.done $0x0  }
0x1ef: {  	s0 =	rddreg [dreg:$0x1d];
	[sflag:s3] =	ssyncadd.s32 $0xFFFF9C00  }
0x1f0: {  	[tilespmem:s5], [sflag:$0x2] =	stream.linear.gather [hbm4b:s0+s2], $0x190, $0x38;
	[tilespmem:$0xCB20] =	vst v63  }
0x1f1: {  	_ =	swait.ge [sflag:s3], $0x190  }
0x1f2: {  	[sflag:s3] =	ssyncset.done $0x0  }
0x1f3: {  	[sflag:s3] =	ssyncadd.s32 $0xFFFFFE70  }
0x1f4: {  	[tilespmem:s7], [sflag:$0x1] =	stream.indirect.gather [hbm4b:s4+s5], $0x40, s5, s5, $0xb8;
	[tilespmem:$0xCB20] =	vst v63  }
0x1f5: {  	_ =	swait.ge [sflag:s8], $0x6400  }
0x1f6: {  	[sflag:s8] =	ssyncset.done $0x0  }
0x1f7: {  	s0 =	rddreg [dreg:$0x1e];
	[sflag:s8] =	ssyncadd.s32 $0xFFFF9C00  }
0x1f8: {  	[hbm4b:s0+s2] =	stream.linear.scatter [tilespmem:s6], [sflag:$0x2], $0x6400, $0x38;
	[tilespmem:$0xCB20] =	vst v63  }
0x1f9: {  	_ =	swait.ge [sflag:s3], $0x6400  }
0x1fa: {  	[sflag:s3] =	ssyncset.done $0x0  }
0x1fb: {  	s0 =	rddreg [dreg:$0x1f];
	[sflag:s3] =	ssyncadd.s32 $0xFFFF9C00  }
0x1fc: {  	[tilespmem:s2], [sflag:$0x2] =	stream.linear.gather [hbm4b:s0+s2], $0x190, $0x38;
	[tilespmem:$0xCB20] =	vst v63  }
0x1fd: {  	_ =	swait.ge [sflag:s3], $0x190  }
0x1fe: {  	[sflag:s3] =	ssyncset.done $0x0  }
0x1ff: {  	[sflag:s3] =	ssyncadd.s32 $0xFFFFFE70  }
0x200: {  	[tilespmem:s6], [sflag:$0x1] =	stream.indirect.gather [hbm4b:s4+s5], $0x40, s2, s5, $0xb8;
	[tilespmem:$0xCB20] =	vst v63  }
0x201: {  	_ =	swait.ge [sflag:s8], $0x6400  }
0x202: {  	[sflag:s8] =	ssyncset.done $0x0  }
0x203: {  	[sflag:s8] =	ssyncadd.s32 $0xFFFF9C00  }
0x204: {  	[hbm4b:s9+s2] =	stream.linear.scatter [tilespmem:s7], [sflag:$0x2], $0x6400, $0x38;
	[tilespmem:$0xCB20] =	vst v63  }
0x205: {  	_ =	swait.ge [sflag:s3], $0x6400  }
0x206: {  	[sflag:s3] =	ssyncset.done $0x0  }
0x207: {  	[sflag:s3] =	ssyncadd.s32 $0xFFFF9C00  }
0x208: {  	[tilespmem:s5], [sflag:$0x2] =	stream.linear.gather [hbm4b:s10+s2], $0x190, $0x38;
	[tilespmem:$0xCB20] =	vst v63  }
0x209: {  	_ =	swait.ge [sflag:s3], $0x190  }
0x20a: {  	[sflag:s3] =	ssyncset.done $0x0  }
0x20b: {  	[sflag:s3] =	ssyncadd.s32 $0xFFFFFE70  }
0x20c: {  	[tilespmem:s7], [sflag:$0x1] =	stream.indirect.gather [hbm4b:s4+s5], $0x40, s5, s5, $0xb8;
	[tilespmem:$0xCB20] =	vst v63  }
0x20d: {  	_ =	swait.ge [sflag:s8], $0x6400  }
0x20e: {  	[sflag:s8] =	ssyncset.done $0x0  }
0x20f: {  	[sflag:s8] =	ssyncadd.s32 $0xFFFF9C00  }
0x210: {  	[hbm4b:s11+s2] =	stream.linear.scatter [tilespmem:s6], [sflag:$0x2], $0x6400, $0x38;
	[tilespmem:$0xCB20] =	vst v63  }
0x211: {  	_ =	swait.ge [sflag:s3], $0x6400  }
0x212: {  	[sflag:s3] =	ssyncset.done $0x0  }
0x213: {  	[sflag:s3] =	ssyncadd.s32 $0xFFFF9C00  }
0x214: {  	[tilespmem:s2], [sflag:$0x2] =	stream.linear.gather [hbm4b:s12+s2], $0x190, $0x38;
	[tilespmem:$0xCB20] =	vst v63  }
0x215: {  	_ =	swait.ge [sflag:s3], $0x190  }
0x216: {  	[sflag:s3] =	ssyncset.done $0x0  }
0x217: {  	[sflag:s3] =	ssyncadd.s32 $0xFFFFFE70  }
0x218: {  	[tilespmem:s6], [sflag:$0x1] =	stream.indirect.gather [hbm4b:s4+s5], $0x40, s2, s5, $0xb8;
	[tilespmem:$0xCB20] =	vst v63  }
0x219: {  	_ =	swait.ge [sflag:s8], $0x6400  }
0x21a: {  	[sflag:s8] =	ssyncset.done $0x0  }
0x21b: {  	[sflag:s8] =	ssyncadd.s32 $0xFFFF9C00  }
0x21c: {  	[hbm4b:s13+s2] =	stream.linear.scatter [tilespmem:s7], [sflag:$0x2], $0x6400, $0x38;
	[tilespmem:$0xCB20] =	vst v63  }
0x21d: {  	_ =	swait.ge [sflag:s3], $0x6400  }
0x21e: {  	[sflag:s3] =	ssyncset.done $0x0  }
0x21f: {  	[sflag:s3] =	ssyncadd.s32 $0xFFFF9C00  }
0x220: {  	[tilespmem:s5], [sflag:$0x2] =	stream.linear.gather [hbm4b:s14+s2], $0x190, $0x38;
	[tilespmem:$0xCB20] =	vst v63  }
0x221: {  	_ =	swait.ge [sflag:s3], $0x190  }
0x222: {  	[sflag:s3] =	ssyncset.done $0x0  }
0x223: {  	[sflag:s3] =	ssyncadd.s32 $0xFFFFFE70  }
0x224: {  	[tilespmem:s7], [sflag:$0x1] =	stream.indirect.gather [hbm4b:s4+s5], $0x40, s5, s5, $0xb8;
	[tilespmem:$0xCB20] =	vst v63  }
0x225: {  	_ =	swait.ge [sflag:s8], $0x6400  }
0x226: {  	[sflag:s8] =	ssyncset.done $0x0  }
0x227: {  	[sflag:s8] =	ssyncadd.s32 $0xFFFF9C00  }
0x228: {  	[hbm4b:s15+s2] =	stream.linear.scatter [tilespmem:s6], [sflag:$0x2], $0x6400, $0x38;
	[tilespmem:$0xCB20] =	vst v63  }
0x229: {  	_ =	swait.ge [sflag:s3], $0x6400  }
0x22a: {  	[sflag:s3] =	ssyncset.done $0x0  }
0x22b: {  	[sflag:s3] =	ssyncadd.s32 $0xFFFF9C00  }
0x22c: {  	[tilespmem:s2], [sflag:$0x2] =	stream.linear.gather [hbm4b:s16+s2], $0x190, $0x38;
	[tilespmem:$0xCB20] =	vst v63  }
0x22d: {  	_ =	swait.ge [sflag:s3], $0x190  }
0x22e: {  	[sflag:s3] =	ssyncset.done $0x0  }
0x22f: {  	[sflag:s3] =	ssyncadd.s32 $0xFFFFFE70  }
0x230: {  	[tilespmem:s6], [sflag:$0x1] =	stream.indirect.gather [hbm4b:s4+s5], $0x40, s2, s5, $0xb8;
	[tilespmem:$0xCB20] =	vst v63  }
0x231: {  	_ =	swait.ge [sflag:s8], $0x6400  }
0x232: {  	[sflag:s8] =	ssyncset.done $0x0  }
0x233: {  	[sflag:s8] =	ssyncadd.s32 $0xFFFF9C00  }
0x234: {  	[hbm4b:s17+s2] =	stream.linear.scatter [tilespmem:s7], [sflag:$0x2], $0x6400, $0x38;
	[tilespmem:$0xCB20] =	vst v63  }
0x235: {  	_ =	swait.ge [sflag:s3], $0x6400  }
0x236: {  	[sflag:s3] =	ssyncset.done $0x0  }
0x237: {  	[sflag:s3] =	ssyncadd.s32 $0xFFFF9C00  }
0x238: {  	[tilespmem:s5], [sflag:$0x2] =	stream.linear.gather [hbm4b:s18+s2], $0x190, $0x38;
	[tilespmem:$0xCB20] =	vst v63  }
0x239: {  	_ =	swait.ge [sflag:s3], $0x190  }
0x23a: {  	[sflag:s3] =	ssyncset.done $0x0  }
0x23b: {  	[sflag:s3] =	ssyncadd.s32 $0xFFFFFE70  }
0x23c: {  	[tilespmem:s7], [sflag:$0x1] =	stream.indirect.gather [hbm4b:s4+s5], $0x40, s5, s5, $0xb8;
	[tilespmem:$0xCB20] =	vst v63  }
0x23d: {  	_ =	swait.ge [sflag:s8], $0x6400  }
0x23e: {  	[sflag:s8] =	ssyncset.done $0x0  }
0x23f: {  	[sflag:s8] =	ssyncadd.s32 $0xFFFF9C00  }
0x240: {  	[hbm4b:s19+s2] =	stream.linear.scatter [tilespmem:s6], [sflag:$0x2], $0x6400, $0x38;
	[tilespmem:$0xCB20] =	vst v63  }
0x241: {  	_ =	swait.ge [sflag:s3], $0x6400  }
0x242: {  	[sflag:s3] =	ssyncset.done $0x0  }
0x243: {  	[sflag:s3] =	ssyncadd.s32 $0xFFFF9C00  }
0x244: {  	[tilespmem:s2], [sflag:$0x2] =	stream.linear.gather [hbm4b:s20+s2], $0x190, $0x38;
	[tilespmem:$0xCB20] =	vst v63  }
0x245: {  	_ =	swait.ge [sflag:s3], $0x190  }
0x246: {  	[sflag:s3] =	ssyncset.done $0x0  }
0x247: {  	[sflag:s3] =	ssyncadd.s32 $0xFFFFFE70  }
0x248: {  	[tilespmem:s6], [sflag:$0x1] =	stream.indirect.gather [hbm4b:s4+s5], $0x40, s2, s5, $0xb8;
	[tilespmem:$0xCB20] =	vst v63  }
0x249: {  	_ =	swait.ge [sflag:s8], $0x6400  }
0x24a: {  	[sflag:s8] =	ssyncset.done $0x0  }
0x24b: {  	[sflag:s8] =	ssyncadd.s32 $0xFFFF9C00  }
0x24c: {  	[hbm4b:s21+s2] =	stream.linear.scatter [tilespmem:s7], [sflag:$0x2], $0x6400, $0x38;
	[tilespmem:$0xCB20] =	vst v63  }
0x24d: {  	_ =	swait.ge [sflag:s3], $0x6400  }
0x24e: {  	[sflag:s3] =	ssyncset.done $0x0  }
0x24f: {  	[sflag:s3] =	ssyncadd.s32 $0xFFFF9C00  }
0x250: {  	[tilespmem:s5], [sflag:$0x2] =	stream.linear.gather [hbm4b:s22+s2], $0x190, $0x38;
	[tilespmem:$0xCB20] =	vst v63  }
0x251: {  	_ =	swait.ge [sflag:s3], $0x190  }
0x252: {  	[sflag:s3] =	ssyncset.done $0x0  }
0x253: {  	[sflag:s3] =	ssyncadd.s32 $0xFFFFFE70  }
0x254: {  	[tilespmem:s7], [sflag:$0x1] =	stream.indirect.gather [hbm4b:s4+s5], $0x40, s5, s5, $0xb8;
	[tilespmem:$0xCB20] =	vst v63  }
0x255: {  	_ =	swait.ge [sflag:s8], $0x6400  }
0x256: {  	[sflag:s8] =	ssyncset.done $0x0  }
0x257: {  	[sflag:s8] =	ssyncadd.s32 $0xFFFF9C00  }
0x258: {  	[hbm4b:s23+s2] =	stream.linear.scatter [tilespmem:s6], [sflag:$0x2], $0x6400, $0x38;
	[tilespmem:$0xCB20] =	vst v63  }
0x259: {  	_ =	swait.ge [sflag:s3], $0x6400  }
0x25a: {  	[sflag:s3] =	ssyncset.done $0x0  }
0x25b: {  	[sflag:s3] =	ssyncadd.s32 $0xFFFF9C00  }
0x25c: {  	[tilespmem:s2], [sflag:$0x2] =	stream.linear.gather [hbm4b:s24+s2], $0x190, $0x38;
	[tilespmem:$0xCB20] =	vst v63  }
0x25d: {  	_ =	swait.ge [sflag:s3], $0x190  }
0x25e: {  	[sflag:s3] =	ssyncset.done $0x0  }
0x25f: {  	[sflag:s3] =	ssyncadd.s32 $0xFFFFFE70  }
0x260: {  	[tilespmem:s6], [sflag:$0x1] =	stream.indirect.gather [hbm4b:s4+s5], $0x40, s2, s5, $0xb8;
	[tilespmem:$0xCB20] =	vst v63  }
0x261: {  	_ =	swait.ge [sflag:s8], $0x6400  }
0x262: {  	[sflag:s8] =	ssyncset.done $0x0  }
0x263: {  	[sflag:s8] =	ssyncadd.s32 $0xFFFF9C00  }
0x264: {  	[hbm4b:s25+s2] =	stream.linear.scatter [tilespmem:s7], [sflag:$0x2], $0x6400, $0x38;
	[tilespmem:$0xCB20] =	vst v63  }
0x265: {  	_ =	swait.ge [sflag:s3], $0x6400  }
0x266: {  	[sflag:s3] =	ssyncset.done $0x0  }
0x267: {  	[sflag:s3] =	ssyncadd.s32 $0xFFFF9C00  }
0x268: {  	[tilespmem:s5], [sflag:$0x2] =	stream.linear.gather [hbm4b:s26+s2], $0x190, $0x38;
	[tilespmem:$0xCB20] =	vst v63  }
0x269: {  	_ =	swait.ge [sflag:s3], $0x190  }
0x26a: {  	[sflag:s3] =	ssyncset.done $0x0  }
0x26b: {  	[sflag:s3] =	ssyncadd.s32 $0xFFFFFE70  }
0x26c: {  	[tilespmem:s7], [sflag:$0x1] =	stream.indirect.gather [hbm4b:s4+s5], $0x40, s5, s5, $0xb8;
	[tilespmem:$0xCB20] =	vst v63  }
0x26d: {  	_ =	swait.ge [sflag:s8], $0x6400  }
0x26e: {  	[sflag:s8] =	ssyncset.done $0x0  }
0x26f: {  	[sflag:s8] =	ssyncadd.s32 $0xFFFF9C00  }
0x270: {  	[hbm4b:s28+s2] =	stream.linear.scatter [tilespmem:s6], [sflag:$0x2], $0x6400, $0x38;
	[tilespmem:$0xCB20] =	vst v63  }
0x271: {  	_ =	swait.ge [sflag:s3], $0x6400  }
0x272: {  	[sflag:s3] =	ssyncset.done $0x0  }
0x273: {  	[sflag:s3] =	ssyncadd.s32 $0xFFFF9C00  }
0x274: {  	[tilespmem:s2], [sflag:$0x2] =	stream.linear.gather [hbm4b:s29+s2], $0x190, $0x38;
	[tilespmem:$0xCB20] =	vst v63  }
0x275: {  	_ =	swait.ge [sflag:s3], $0x190  }
0x276: {  	[sflag:s3] =	ssyncset.done $0x0  }
0x277: {  	[sflag:s3] =	ssyncadd.s32 $0xFFFFFE70  }
0x278: {  	[tilespmem:s6], [sflag:$0x1] =	stream.indirect.gather [hbm4b:s4+s5], $0x40, s2, s5, $0xb8;
	[tilespmem:$0xCB20] =	vst v63  }
0x279: {  	_ =	swait.ge [sflag:s8], $0x6400  }
0x27a: {  	[sflag:s8] =	ssyncset.done $0x0  }
0x27b: {  	[sflag:s8] =	ssyncadd.s32 $0xFFFF9C00  }
0x27c: {  	[hbm4b:s30+s2] =	stream.linear.scatter [tilespmem:s7], [sflag:$0x2], $0x6400, $0x38;
	[tilespmem:$0xCB20] =	vst v63  }
0x27d: {  	_ =	swait.ge [sflag:s3], $0x6400  }
0x27e: {  	[sflag:s3] =	ssyncset.done $0x0  }
0x27f: {  	p0 =	sne.s32 s1, $0x1;
	[sflag:s3] =	ssyncadd.s32 $0xFFFF9C00  }
.Ltmp1:
0x280: {  	_ =	swait.ge [sflag:s8], $0x6400;
	(pc) =	sbr.rel @p0 .LBB2_1-.Ltmp1, $4  }
0x281: {  	[sflag:s8] =	ssyncset.done $0x0  }
0x282: {  	[sflag:s8] =	ssyncadd.s32 $0xFFFF9C00  }
0x283: {  	[hbm4b:s31+s2] =	stream.linear.scatter [tilespmem:s6], [sflag:$0x2], $0x6400, $0x38;
	[tilespmem:$0xCB20] =	vst v63  }
0x284: {  	s1 =	sadd.s32 $0xFFFFFFFF, s1;
	_ =	swait.ge [sflag:s3], $0x6400  }
.LBB2_2:
0x285: {  	[sflag:s3] =	ssyncset.done $0x0  }
0x286: {  	[sflag:s3] =	ssyncadd.s32 $0xFFFF9C00  }
0x287: {  	_ =	sfence.sel $0x180000  }
0x288: {  	[bflag:$0x0] =	sbarrier.arrive $0xFFFF  }
0x289: {  	_ =	strace $0x90000047  }
0x28a: {  	s0 =	stileid.u32;
	[bflag:$0x2] =	sbarrier.arrive $0xFFFF  }
0x28b: {  	p0 =	sne.s32 s0, $0x0;
	s0 =	rddreg [dreg:$0x3]  }
0x28c: {  	s0 =	sadd.s32 @!p0 $0x100000, s0  }
0x28d: {  	[sflag:s0] =	ssyncadd.tile.s32 @!p0 $0x1;
	_ =	shalt  }
.Lfunc_end2:
_tile_overlayer_lowered:
.L_overlay_start_2:
0x28e: {  	(tag) =	ssettag $0x2  }
0x28f: {  	s0 =	rddreg [dreg:$0x0];
	s2 =	stileid.u32  }
0x290: {  	s1 =	rddreg [dreg:$0x1];
	p0 =	sne.s32 s2, $0x0  }
0x291: {  	s3 =	rddreg [dreg:$0x2];
	[bflag:$0x3] =	sbarrier.arrive $0xFFFF;
	s2 =	simm.s32 @!p0 $0x1C02  }
0x292: {  	[timem:s3], [sflag:s2] =	dma.local @!p0 [hbm:s0], s1  }
0x293: {  	s0 =	simm.s32 @!p0 $0x2  }
0x294: {  	_ =	swait.ge @!p0 [sflag:s0], s1  }
0x295: {  	s1 =	ssub.s32 @!p0 $0x0, s1;
	[sflag:s0] =	ssyncset.done @!p0 $0x0  }
0x296: {  	[sflag:s0] =	ssyncadd.s32 @!p0 s1  }
0x297: {  	[bflag:$0x3] =	sbarrier.arrive $0xFFFF  }
0x298: {  	_ =	shalt  }

// kernel: sparse-core-data-format-call.cloned.1.call-start
scs
called_computation_lowered:
.L_overlay_start_0:
0x0: {  	s2 =	sld [smem:$0x3FD9]  }
0x1: {  	s3 =	sld [smem:$0x3FFE];
	_ =	sdelay $0x1  }
0x2: {  	s1 =	srdreg.scid  }
0x3: {  	s0 =	sand.u32 $0x1, s1  }
0x4: {  	s18 =	sshll.u32 s0, $0xA;
	s2 =	sadd.s32 s3, s2  }
0x5: {  	s2 =	sadd.s32 s2, s18  }
0x6: {  	[smem:$0x3FC6] =	sst s2  }
0x7: {  	_ = 	snop  }
0x8: {  	s2 =	sld [smem:$0x3FD0];
	(tm) =	ssettm $0x1  }
0x9: {  	s19 =	sld [smem:$0x3FFB];
	_ =	sdelay $0x3  }
0xa: {  	_ =	strace s19  }
0xb: {  	s3 =	sld [smem:$0x3FFC];
	_ =	sdelay $0x3  }
0xc: {  	_ =	strace s3  }
0xd: {  	s3 =	sld [smem:$0x3FFD];
	_ =	sdelay $0x3  }
0xe: {  	_ =	strace s3  }
0xf: {  	_ =	strace $0x8FFFFFFF  }
0x10: {  	s20 =	sld [smem:$0x3FDB];
	_ =	sdelay $0x1  }
0x11: {  	s4 =	simm.s32 $_scs_section_size  }
0x12: {  	s5 =	simm.s32 $_size__tile_overlayer_lowered;
	s6 =	simm.s32 $_tile_overlayer_lowered  }
0x13: {  	s23 =	simm.s32 $0x1BFF;
	s22 =	sshll.u32 s6, $0x1;
	s3 =	sadd.s32 s4, s20  }
0x14: {  	s7 =	simm.s32 $0x0;
	s21 =	sshll.u32 s5, $0x1;
	s5 =	sadd.s32 s22, s3  }
0x15: {  	[timem:s7], [sflag:s23] =	dma.local [hbm:s5], s21  }
0x16: {  	_ =	swait.ge [sflag:s23], s21  }
0x17: {  	s4 =	ssub.s32 $0x0, s21;
	[sflag:s23] =	ssyncset.done $0x0  }
0x18: {  	[sflag:s23] =	ssyncadd.s32 s4;
	_ =	sdelay $0x1  }
0x19: {  	s24 =	simm.s32 $0x1B8B  }
0x1a: {  	_ =	swait.ge [sflag:s24], $0x1  }
0x1b: {  	[sflag:s24] =	ssyncset.done $0x0  }
0x1c: {  	s26 =	simm.s32 $0x1B8E;
	s25 =	sld [smem:$0x3FFE];
	[sflag:s24] =	ssyncadd.s32 $0xFFFFFFFF  }
0x1d: {  	s27 =	simm.s32 $execute0_lowered;
	[smem:$0x3FD2] =	sst s26  }
0x1e: {  	s5 =	sshll.u32 s27, $0x1;
	_ =	strace $0x80000049;
	[dreg:$0x1] =	wrdreg $0xFFFFFFFF  }
0x1f: {  	s28 =	simm.s32 $_size_execute0_lowered;
	s3 =	sadd.s32 s3, s5;
	[dreg:$0x0] =	wrdreg $0x0  }
0x20: {  	s5 =	sshll.u32 s28, $0x1;
	[dreg:$0x2] =	wrdreg s3  }
0x21: {  	[dreg:$0x3] =	wrdreg s5  }
0x22: {  	[dreg:$0x4] =	wrdreg $0xC0  }
0x23: {  	_ =	task [dreg:s7], $0x5FFFF  }
0x24: {  	[dreg:$0x1] =	wrdreg $0xFFFFFFFF  }
0x25: {  	[dreg:$0x0] =	wrdreg $0x60  }
0x26: {  	[dreg:$0x2] =	wrdreg s25  }
0x27: {  	[dreg:$0x3] =	wrdreg s2  }
0x28: {  	[dreg:$0x4] =	wrdreg $0x9  }
0x29: {  	_ =	task.clear_ibuf [dreg:s7], $0x5FFFF;
	_ =	strace $0x90000049  }
0x2a: {  	s29 =	simm.s32 $0x9;
	_ =	strace $0x8000004B  }
0x2b: {  	_ =	swait.ge [sflag:s29], $0x1  }
0x2c: {  	[sflag:s29] =	ssyncadd.s32 $0xFFFFFFFF  }
0x2d: {  	_ =	strace $0x9000004B  }
0x2e: {  	_ =	sfence  }
0x2f: {  	s30 =	sld [smem:$0x0];
	_ =	sdelay $0x2  }
0x30: {  	s31 =	sshll.u32 s1, $0xD;
	s1 =	sshrl.u32 s1, $0x2  }
0x31: {  	s3 =	sand.u32 $0x4000, s31;
	s1 =	sadd.s32 s1, s30  }
0x32: {  	s0 =	sor.u32 s3, s0;
	s1 =	sshll.u32 s1, $0x11  }
0x33: {  	s0 =	sor.u32 s1, s0  }
0x34: {  	s0 =	sadd.s32 $0x8F2B, s0  }
0x35: {  	[sflag:s0] =	ssyncadd.remote.s32 $0x1  }
0x36: {  	_ =	sfence.sel $0xFFFF  }
0x37: {  	[dreg:$0x0] =	wrdreg $0xFFFFFFFF;
	(pc) =	sbr.abs _section_cstart, $3  }
0x38: {  	[dreg:$0x1] =	wrdreg $0xFFFFFFFF  }
0x39: {  	_ =	task.clear_ibuf [dreg:s7], $0x2FFFF;
	_ =	strace $0x9FFFFFFF  }
0x3a: {  	(tm) =	ssettm $0x7FFFFFFF  }
0x3b: {  	_ =	shalt  }
tec
execute0_lowered:
.L_overlay_start_1:
0x0: {  	(tag) =	ssettag $0x1  }
0x1: {  	s0 =	srdreg.scid  }
0x2: {  	s1 =	sshll.u32 s0, $0x4  }
0x3: {  	s4 =	rddreg [dreg:$0x0];
	s0 =	stileid.u32;
	s1 =	sand.u32 $0x10, s1  }
0x4: {  	s2 =	rddreg [dreg:$0x1];
	s7 =	simm.s32 $0x1;
	s1 =	sor.u32 s0, s1  }
0x5: {  	s8 =	simm.s32 $0x2;
	s11 =	simm.s32 $0x0;
	s3 =	sshll.u32 s1, $0x7  }
0x6: {  	s10 =	simm.s32 $0x0;
	s4 =	sadd.s32 $0x800, s4;
	s6 =	ssub.s32 $0x4E200, s3  }
.Ltmp0:
0x7: {  	s1 =	rddreg [dreg:$0x2];
	s5 =	sand.u32 $0xF80, s6;
	(pc) =	sbr.rel .LBB1_1-.Ltmp0, $4  }
0x8: {  	_ =	strace $0x8000004A;
	s9 =	smov.u32 s3;
	p0 =	sne.s32 s5, $0x0  }
0x9: {  	s6 =	sshrl.u32 s6, $0xC;
	s5 =	simm.s32 $0x1;
	s7 =	simm.s32 @!p0 $0x0  }
0xa: {  	[sflag:s5] =	ssyncpa.u1 $0x0;
	p0 =	por $0x0, $0x0;
	s6 =	sadd.s32 s7, s6  }
0xb: {  	[sflag:s8] =	ssyncpa.u1 $0x0;
	s8 =	simm.s32 $0x271000;
	s7 =	sadd.s32 $0x1, s6  }
.LBB1_4:
0xc: {  	s14 =	sshll.u32 s11, $0x3  }
0xd: {  	s30 =	sand.u32 $0x7F, s11;
	s14 =	sand.u32 $0xFFFFFC00, s14  }
0xe: {  	s11 =	sor.u32 s30, s14  }
0xf: {  	s15 =	smulhi.u32 $0xD1B71759, s11;
	_ =	sdelay $0x1  }
0x10: {  	s14 =	smulhi.u32 $0xD1B71759, s14;
	s15 =	sshrl.u32 s15, $0x12  }
0x11: {  	s15 =	smul.u32 $0x4E200, s15  }
0x12: {  	s14 =	sshrl.u32 s14, $0x12  }
0x13: {  	s14 =	sand.u32 $0x3F, s14;
	s11 =	ssub.s32 s11, s15  }
0x14: {  	[tilespmem:s13+$0x810 ss:$0x81] =	vst.msk $0xffff, v2;
	s14 =	smul.u32 $0x9C40, s14;
	s15 =	sshrl.u32 s11, $0x3;
	s11 =	sand.u32 $0x7, s11  }
0x15: {  	[tilespmem:s13+$0x1020 ss:$0x81] =	vst.msk $0xffff, v0;
	s15 =	sadd.s32 s2, s15;
	s11 =	sshll.u32 s11, $0x12  }
0x16: {  	[tilespmem:s13+$0x0 ss:$0x81] =	vst.msk $0xffff, v1;
	s31 =	sadd.s32 s14, s15;
	s11 =	sor.u32 $0x400, s11  }
0x17: {  	[hbm4b:s31+s11] =	stream.strided.scatter [tilespmem:s12], [sflag:$0x2], $0x2000, s8, s11, $0x20;
	[tilespmem:$0x8080] =	vst v63  }
.LBB1_5:
0x18: {  	s13 =	sadd.s32 $0x1000, s9  }
0x19: {  	p2 =	sgt.s32 s13, $0x4E1FF  }
0x1a: {  	s13 =	smov.u32 @p2 s3;
	p2 =	sne.s32 s10, s7  }
.Ltmp1:
0x1b: {  	p1 =	slt.u32 s10, $0x2;
	(pc) =	sbr.rel @!p2 .LBB1_6-.Ltmp1, $4  }
0x1c: {  	s12 =	simm.s32 @!p1 $0x2  }
0x1d: {  	s14 =	sadd.s32 $0x1, s10;
	_ =	swait.ge @!p1 [sflag:s12], $0x2000  }
0x1e: {  	s11 =	smov.u32 s9;
	p0 =	por !p0, !p0;
	[sflag:s12] =	ssyncset.done @!p1 $0x0  }
0x1f: {  	s10 =	smov.u32 s14;
	s9 =	smov.u32 s13;
	[sflag:s12] =	ssyncadd.s32 @!p1 $0xFFFFE000  }
.LBB1_1:
0x20: {  	p1 =	sge.u32 s10, s6  }
0x21: {  	s12 =	sand.u32 @!p1 $0x1FFFFFF, s9  }
0x22: {  	s13 =	smulhi.u32 @!p1 $0x1A36E2F, s12;
	_ =	sdelay $0x1  }
0x23: {  	s13 =	sshrl.u32 @!p1 s13, $0xB  }
0x24: {  	s13 =	smul.u32 @!p1 $0x4E200, s13;
	_ =	sdelay $0x1  }
0x25: {  	s31 =	sadd.s32 $0xFFFFFFFF, s10;
	s14 =	sxor.u32 @!p1 $0xFFFFFFFF, s10;
	s12 =	ssub.s32 @!p1 s12, s13  }
0x26: {  	s15 =	simm.s32 @!p1 $0x80;
	s14 =	sshll.u32 @!p1 s14, $0xD;
	s12 =	sshll.u32 @!p1 s12, $0x4  }
0x27: {  	s13 =	sand.u32 @!p1 $0x2000, s14;
	s14 =	simm.s32 @!p1 $0x40;
	s12 =	sadd.s32 @!p1 s4, s12  }
0x28: {  	[tilespmem:s13], [sflag:$0x1] =	stream.strided.gather @!p1 [hbm4b:s12+s14], $0x2000, s15, s14, $0x38;
	[tilespmem:$0x8080] =	vst v63  }
0x29: {  	p1 =	sge.u32 s31, s6  }
.Ltmp2:
0x2a: {  	_ = 	snop;
	(pc) =	sbr.rel @p1 .LBB1_5-.Ltmp2, $1  }
0x2b: {  	_ =	sdelay $0x3  }
0x2c: {  	s12 =	simm.s32 $0x1  }
0x2d: {  	_ =	swait.ge [sflag:s5], $0x2000;
	s12 =	simm.s32 @!p0 $0x0  }
0x2e: {  	[sflag:s5] =	ssyncset.done $0x0;
	s13 =	sshll.u32 s12, $0xD  }
0x2f: {  	[sflag:s5] =	ssyncadd.s32 $0xFFFFE000;
	s16 =	sor.u32 $0x20, s13  }
0x30: {  	s12 =	smul.u32 $0x8100, s12;
	v3 =	vld [tilespmem:s16+$0x10]  }
0x31: {  	s30 =	sand.u32 $0x1, s10;
	v2 =	vld [tilespmem:s16+$0xFFFFFFF0]  }
0x32: {  	s13 =	smul.u32 $0x8100, s30;
	s12 =	sshrl.u32 s12, $0x2;
	v0 =	vld [tilespmem:s16+$0x0]  }
0x33: {  	v1 =	vld [tilespmem:s16+$0xFFFFFFE0];
	s14 =	sor.u32 $0x4000, s12  }
0x34: {  	s31 =	sshrl.u32 s13, $0x2;
	s13 =	sadd.s32 $0x0, s14  }
0x35: {  	s15 =	simm.s32 $0x4;
	s16 =	sadd.s32 $0x40, s16;
	s12 =	sor.u32 $0x4000, s31;
	[tilespmem:s13+$0x1830 ss:$0x81] =	vst.msk $0xffff, v3  }
.LBB1_3:
0x36: {  	v3 =	vld [tilespmem:s16+$0x10];
	p1 =	sne.s32 s15, $0x1FC;
	[tilespmem:s13+$0x810 ss:$0x81] =	vst.msk $0xffff, v2;
	s17 =	smov.u32 s15;
	s15 =	sadd.s32 $0x4, s15  }
.Ltmp3:
0x37: {  	v2 =	vld [tilespmem:s16+$0xFFFFFFF0];
	[tilespmem:s13+$0x1020 ss:$0x81] =	vst.msk $0xffff, v0;
	(pc) =	sbr.rel @p1 .LBB1_3-.Ltmp3, $4  }
0x38: {  	v0 =	vld [tilespmem:s16+$0x0];
	[tilespmem:s13+$0x0 ss:$0x81] =	vst.msk $0xffff, v1  }
0x39: {  	s13 =	sshra.s32 s17, $0x2;
	v1 =	vld [tilespmem:s16+$0xFFFFFFE0]  }
0x3a: {  	s13 =	sadd.s32 s13, s14  }
0x3b: {  	s16 =	sadd.s32 $0x40, s16;
	[tilespmem:s13+$0x1830 ss:$0x81] =	vst.msk $0xffff, v3  }
.Ltmp4:
0x3c: {  	_ = 	snop;
	(pc) =	sbr.rel .LBB1_4-.Ltmp4, $1  }
0x3d: {  	_ =	sdelay $0x3  }
.LBB1_6:
0x3e: {  	_ =	sfence.sel $0x180000  }
0x3f: {  	s2 =	simm.s32 $0x1;
	[bflag:$0x0] =	sbarrier.arrive $0xFFFF  }
0x40: {  	s31 =	simm.s32 $0x2;
	[sflag:s2] =	ssyncpa.u1 $0x1  }
0x41: {  	[sflag:s31] =	ssyncpa.u1 $0x1  }
0x42: {  	p0 =	sne.s32 s0, $0x0;
	_ =	strace $0x9000004A  }
0x43: {  	s0 =	sadd.s32 @!p0 $0x100000, s1;
	[bflag:$0x2] =	sbarrier.arrive $0xFFFF  }
0x44: {  	[sflag:s0] =	ssyncadd.tile.s32 @!p0 $0x1;
	_ =	shalt  }
.Lfunc_end1:
_tile_overlayer_lowered:
.L_overlay_start_2:
0x45: {  	(tag) =	ssettag $0x2  }
0x46: {  	s0 =	rddreg [dreg:$0x0];
	s2 =	stileid.u32  }
0x47: {  	s1 =	rddreg [dreg:$0x1];
	p0 =	sne.s32 s2, $0x0  }
0x48: {  	s3 =	rddreg [dreg:$0x2];
	[bflag:$0x3] =	sbarrier.arrive $0xFFFF;
	s2 =	simm.s32 @!p0 $0x1C01  }
0x49: {  	[timem:s3], [sflag:s2] =	dma.local @!p0 [hbm:s0], s1  }
0x4a: {  	s0 =	simm.s32 @!p0 $0x1  }
0x4b: {  	_ =	swait.ge @!p0 [sflag:s0], s1  }
0x4c: {  	s1 =	ssub.s32 @!p0 $0x0, s1;
	[sflag:s0] =	ssyncset.done @!p0 $0x0  }
0x4d: {  	[sflag:s0] =	ssyncadd.s32 @!p0 s1  }
0x4e: {  	[bflag:$0x3] =	sbarrier.arrive $0xFFFF  }
0x4f: {  	_ =	shalt  }

</sc_bundles>
